<compile_context>
chip_gen: v7x
topology: tpu7x:2x2x1
jax: 0.10.2.dev20260603
libtpu: 0.0.44.dev20260713+nightly
codegen_flags: <defaults>
</compile_context>

<pallas_src>
import functools

import jax
import jax.numpy as jnp
from jax import lax
from jax.experimental import pallas as pl
from jax.experimental.pallas import tpu as pltpu
from jax.experimental.pallas import tpu_sc as plsc

N = 10000
E = 320000
IN_DIM, H1, H2 = 128, 64, 32

NC, NS, LANES = 2, 16, 16
NW = NC * NS
NPAD = 10240
EPW = E // NW

@functools.lru_cache(maxsize=None)
def _sc_mesh():
    return plsc.VectorSubcoreMesh(core_axis_name="c", subcore_axis_name="s",
                                  num_cores=NC, num_subcores=NS)


def _deg_body(ei_hbm, out_hbm, sidx_v, didx_v, hs_v, hd_v,
              isem, isem2):
    c = lax.axis_index("c")
    s = lax.axis_index("s")
    wid = s * NC + c
    zeros = jnp.zeros((LANES,), jnp.float32)
    ones = jnp.ones((LANES,), jnp.float32)
    sdesc = pltpu.async_copy(ei_hbm.at[0, pl.ds(wid * EPW, EPW)], sidx_v, isem)
    ddesc = pltpu.async_copy(ei_hbm.at[1, pl.ds(wid * EPW, EPW)], didx_v,
                             isem2)

    def zero_body(i):
        hs_v[pl.ds(i * LANES, LANES)] = zeros
        hd_v[pl.ds(i * LANES, LANES)] = zeros
    pl.loop(0, NPAD // LANES, unroll=8)(zero_body)

    sdesc.wait()

    def scat_s(i):
        idx = sidx_v[pl.ds(i * LANES, LANES)]
        plsc.addupdate_scatter(hs_v, [idx], ones)
    pl.loop(0, EPW // LANES, unroll=8)(scat_s)
    pltpu.sync_copy(hs_v, out_hbm.at[0, wid])

    ddesc.wait()

    def scat_d(i):
        idx = didx_v[pl.ds(i * LANES, LANES)]
        plsc.addupdate_scatter(hd_v, [idx], ones)
    pl.loop(0, EPW // LANES, unroll=8)(scat_d)
    pltpu.sync_copy(hd_v, out_hbm.at[1, wid])


@functools.lru_cache(maxsize=None)
def _sc_degrees_kernel():
    return pl.kernel(
        _deg_body,
        out_type=jax.ShapeDtypeStruct((2, NW, NPAD), jnp.float32),
        mesh=_sc_mesh(),
        compiler_params=pltpu.CompilerParams(needs_layout_passes=False,
                                             use_tc_tiling_on_sc=False),
        scratch_types=[
            pltpu.VMEM((EPW,), jnp.int32),
            pltpu.VMEM((EPW,), jnp.int32),
            pltpu.VMEM((NPAD,), jnp.float32),
            pltpu.VMEM((NPAD,), jnp.float32),
            pltpu.SemaphoreType.DMA,
            pltpu.SemaphoreType.DMA,
        ],
    )


def _sc_degrees(edge_index):
    return _sc_degrees_kernel()(edge_index)


ROWS_PER_SUB = NPAD // NS


ACH = 200
ANCH = EPW // ACH
DEPTH = 5
ZB_ROWS = 64


def _agg_body(msg_hbm, ei_hbm, out_hbm,
              sidx_v, didx_v, rows0, rows1, rows2, rows3, rows4, zb_v, acc_sh,
              gsem, ssem):
    c = lax.axis_index("c")
    s = lax.axis_index("s")
    wid = s * NC + c
    zeros = jnp.zeros((LANES,), jnp.float32)
    rows = (rows0, rows1, rows2, rows3, rows4)

    pltpu.sync_copy(ei_hbm.at[0, pl.ds(wid * EPW, EPW)], sidx_v)
    pltpu.sync_copy(ei_hbm.at[1, pl.ds(wid * EPW, EPW)], didx_v)

    def issue(k):
        return pltpu.async_copy(msg_hbm.at[sidx_v.at[pl.ds(k * ACH, ACH)]],
                                rows[k % DEPTH], gsem)

    gdescs = [None] * DEPTH
    sdescs = [None] * DEPTH
    for k in range(DEPTH - 1):
        gdescs[k] = issue(k)

    def zero_body(i):
        for j in range(H1 // LANES):
            zb_v[i, pl.ds(j * LANES, LANES)] = zeros
    pl.loop(0, ZB_ROWS)(zero_body)
    for q in range(ROWS_PER_SUB // ZB_ROWS):
        pltpu.sync_copy(zb_v, acc_sh.at[pl.ds(s * ROWS_PER_SUB + q * ZB_ROWS,
                                              ZB_ROWS)])
    plsc.subcore_barrier()

    for k in range(ANCH):
        b = k % DEPTH
        ka = k + DEPTH - 1
        if ka < ANCH:
            ba = ka % DEPTH
            if sdescs[ba] is not None:
                sdescs[ba].wait()
            gdescs[ba] = issue(ka)
        gdescs[b].wait()
        sdescs[b] = pltpu.async_copy(
            rows[b], acc_sh.at[didx_v.at[pl.ds(k * ACH, ACH)]], ssem,
            add=True)
    for k in range(max(0, ANCH - DEPTH), ANCH):
        sdescs[k % DEPTH].wait()
    plsc.subcore_barrier()
    pltpu.sync_copy(acc_sh.at[pl.ds(s * ROWS_PER_SUB, ROWS_PER_SUB)],
                    out_hbm.at[c, pl.ds(s * ROWS_PER_SUB, ROWS_PER_SUB)])


@functools.lru_cache(maxsize=None)
def _sc_agg_kernel():
    return pl.kernel(
        _agg_body,
        out_type=jax.ShapeDtypeStruct((NC, NPAD, H1), jnp.float32),
        mesh=_sc_mesh(),
        compiler_params=pltpu.CompilerParams(needs_layout_passes=False,
                                             use_tc_tiling_on_sc=False),
        scratch_types=[
            pltpu.VMEM((EPW,), jnp.int32),
            pltpu.VMEM((EPW,), jnp.int32),
            pltpu.VMEM((ACH, H1), jnp.float32),
            pltpu.VMEM((ACH, H1), jnp.float32),
            pltpu.VMEM((ACH, H1), jnp.float32),
            pltpu.VMEM((ACH, H1), jnp.float32),
            pltpu.VMEM((ACH, H1), jnp.float32),
            pltpu.VMEM((ZB_ROWS, H1), jnp.float32),
            pltpu.VMEM_SHARED((NPAD, H1), jnp.float32),
            pltpu.SemaphoreType.DMA,
            pltpu.SemaphoreType.DMA,
        ],
    )


def _sc_agg(msg, edge_index):
    return _sc_agg_kernel()(msg, edge_index)


def _tc_a_body(deg_ref, x_ref, w1_ref, h1pre_ref, rout_ref, rin_ref):
    deg = jnp.sum(deg_ref[...], axis=1)
    r = lax.rsqrt(jnp.maximum(deg, 1.0))
    r_out = jnp.reshape(r[0, :N], (N, 1))
    r_in = jnp.reshape(r[1, :N], (N, 1))
    rout_ref[...] = r_out
    rin_ref[...] = r_in
    h1pre_ref[...] = jnp.dot(x_ref[...] * r_out, w1_ref[...],
                             preferred_element_type=jnp.float32)


def _tc_a(deg_parts, features, W1):
    return pl.pallas_call(
        _tc_a_body,
        out_shape=(
            jax.ShapeDtypeStruct((N, H1), jnp.float32),
            jax.ShapeDtypeStruct((N, 1), jnp.float32),
            jax.ShapeDtypeStruct((N, 1), jnp.float32),
        ),
    )(deg_parts, features, W1)


def _tc_b_body(p_ref, rin_ref, rout_ref, b1_ref, w23_ref, m_ref):
    agg1 = p_ref[0, :N, :] + p_ref[1, :N, :]
    h = jnp.maximum(agg1 * rin_ref[...] + b1_ref[...], 0.0)
    m_ref[...] = jnp.dot(h * rout_ref[...], w23_ref[...],
                         preferred_element_type=jnp.float32)


def _tc_b(agg1_parts, r_in, r_out, b1, W23):
    return pl.pallas_call(
        _tc_b_body,
        out_shape=jax.ShapeDtypeStruct((N, H1), jnp.float32),
    )(agg1_parts, r_in, r_out, b1, W23)


def _tc_c_body(p_ref, rin_ref, b2_ref, b3_ref, noise_ref, z_ref):
    agg2 = (p_ref[0, :N, :] + p_ref[1, :N, :]) * rin_ref[...]
    mean = agg2[:, :H2] + b2_ref[...]
    log_std = agg2[:, H2:] + b3_ref[...]
    z_ref[...] = mean + noise_ref[...] * jnp.exp(log_std)


def _tc_c(agg2_parts, r_in, b2, b3, noise):
    return pl.pallas_call(
        _tc_c_body,
        out_shape=jax.ShapeDtypeStruct((N, H2), jnp.float32),
    )(agg2_parts, r_in, b2, b3, noise)


BM = 2048
BN = 2048


def _decoder_body(zr_ref, zc_ref, o_ref):
    acc = lax.dot_general(zr_ref[...], zc_ref[...], (((1,), (1,)), ((), ())),
                          preferred_element_type=jnp.float32)
    o_ref[...] = 0.5 * (jnp.tanh(acc * 0.5) + 1.0)


def _decoder(z):
    grid = (pl.cdiv(N, BM), pl.cdiv(N, BN))
    return pl.pallas_call(
        _decoder_body,
        grid=grid,
        in_specs=[
            pl.BlockSpec((BM, H2), lambda i, j: (i, 0)),
            pl.BlockSpec((BN, H2), lambda i, j: (j, 0)),
        ],
        out_specs=pl.BlockSpec((BM, BN), lambda i, j: (i, j)),
        out_shape=jax.ShapeDtypeStruct((N, N), jnp.float32),
    )(z, z)


def kernel(features, edge_index, W1, b1, W2, b2, W3, b3):
    W23 = jnp.concatenate([W2, W3], axis=1)
    b1r = jnp.reshape(b1, (1, H1))
    b2r = jnp.reshape(b2, (1, H2))
    b3r = jnp.reshape(b3, (1, H2))
    noise = jax.random.normal(jax.random.key(42), (N, H2), dtype=jnp.float32)

    deg_parts = _sc_degrees(edge_index)
    h1pre, r_out, r_in = _tc_a(deg_parts, features, W1)
    agg1_parts = _sc_agg(h1pre, edge_index)
    m = _tc_b(agg1_parts, r_in, r_out, b1r, W23)
    agg2_parts = _sc_agg(m, edge_index)
    z = _tc_c(agg2_parts, r_in, b2r, b3r, noise)
    return _decoder(z)

# --- scband reference (transcript-rebuilt; emitter-appended) ---
"""Pipeline reference for scband-vgaemodel-8186207666837 (READ-ONLY COPY).

The authoritative reference and input builder live on the scoring server;
editing this copy changes nothing except your own understanding.
"""

import jax, jax.numpy as jnp
import numpy as np

N = 10000
E = 320000
IN_DIM, H1, H2 = 128, 64, 32


def _glorot(key, shape):
    fan_in, fan_out = shape[0], shape[1]
    limit = float(np.sqrt(6.0 / (fan_in + fan_out)))
    return jax.random.uniform(key, shape, dtype=jnp.float32, minval=-limit, maxval=limit)


def setup_inputs(seed: int = 0):
    key = jax.random.key(seed)
    ks = jax.random.split(key, 8)
    features = jax.random.normal(ks[0], (N, IN_DIM), dtype=jnp.float32)
    edge_index = jax.random.randint(ks[1], (2, E), 0, N, dtype=jnp.int32)
    W1 = _glorot(ks[2], (IN_DIM, H1)); b1 = jnp.zeros((H1,), dtype=jnp.float32)
    W2 = _glorot(ks[3], (H1, H2));     b2 = jnp.zeros((H2,), dtype=jnp.float32)
    W3 = _glorot(ks[4], (H1, H2));     b3 = jnp.zeros((H2,), dtype=jnp.float32)
    return {"features": features, "edge_index": edge_index,
            "W1": W1, "b1": b1, "W2": W2, "b2": b2, "W3": W3, "b3": b3}


def _graph_conv(x, src, dst, W, b):
    # DGL GraphConv with norm='both': D_in^{-1/2} A D_out^{-1/2} X W + b
    out_deg = jnp.clip(jnp.bincount(src, length=N), 1, None).astype(jnp.float32)
    in_deg = jnp.clip(jnp.bincount(dst, length=N), 1, None).astype(jnp.float32)
    h = x * (out_deg ** -0.5)[:, None]
    h = h @ W  # weight applied before aggregation (in_dim >= out_dim), math-equivalent
    msgs = jnp.take(h, src, axis=0)
    agg = jnp.zeros((N, W.shape[1]), dtype=jnp.float32).at[dst].add(msgs)
    agg = agg * (in_deg ** -0.5)[:, None]
    return agg + b


def reference(features, edge_index, W1, b1, W2, b2, W3, b3):
    src = edge_index[0]
    dst = edge_index[1]
    h = jax.nn.relu(_graph_conv(features, src, dst, W1, b1))
    mean = _graph_conv(h, src, dst, W2, b2)
    log_std = _graph_conv(h, src, dst, W3, b3)
    # torch.randn gaussian noise -> fixed-key deterministic noise in JAX
    noise = jax.random.normal(jax.random.key(42), (N, H2), dtype=jnp.float32)
    z = mean + noise * jnp.exp(log_std)
    adj_rec = jax.nn.sigmoid(z @ z.T)
    return adj_rec

if __name__ == "__main__":
    import jax
    _d = setup_inputs()
    print(jax.jit(kernel)(*tuple(_d.values())))

</pallas_src>

<mosaic_0001>
#map = affine_map<(d0, d1) -> (0, 0)>
#map1 = affine_map<(d0, d1) -> (0, 0, 0)>
module attributes {stable_mosaic.version = 14 : i64} {
  func.func @_agg_body(%arg0: i32, %arg1: i32, %arg2: memref<10000x64xf32, #tpu.memory_space<hbm>>, %arg3: memref<2x320000xi32, #tpu.memory_space<hbm>>, %arg4: memref<2x10240x64xf32, #tpu.memory_space<hbm>>, %arg5: memref<10000xi32, #tpu.memory_space<vmem>>, %arg6: memref<10000xi32, #tpu.memory_space<vmem>>, %arg7: memref<200x64xf32, #tpu.memory_space<vmem>>, %arg8: memref<200x64xf32, #tpu.memory_space<vmem>>, %arg9: memref<200x64xf32, #tpu.memory_space<vmem>>, %arg10: memref<200x64xf32, #tpu.memory_space<vmem>>, %arg11: memref<200x64xf32, #tpu.memory_space<vmem>>, %arg12: memref<64x64xf32, #tpu.memory_space<vmem>>, %arg13: memref<10240x64xf32, #tpu.memory_space<vmem_shared>>, %arg14: memref<!tpu.dma_semaphore, #tpu.memory_space<semaphore_mem>>, %arg15: memref<!tpu.dma_semaphore, #tpu.memory_space<semaphore_mem>>) attributes {dimension_semantics = [#tpu.dimension_semantics<core_parallel>, #tpu.dimension_semantics<subcore_parallel>], iteration_bounds = array<i64: 2, 16>, scalar_prefetch = 0 : i64, scratch_operands = 11 : i64, tpu.core_type = #tpu.core_type<sc_vector_subcore>, window_params = [{transform_indices = #map}, {transform_indices = #map}, {transform_indices = #map1}]} {
    %mul3A = arith.constant 2 : i32
    %mul3A_0 = arith.muli %arg1, %mul3A : i32
    %add3A = arith.addi %mul3A_0, %arg0 : i32
    %broadcast_in_dim3A = arith.constant 0.000000e+00 : f32
    %broadcast_in_dim3A_1 = vector.broadcast %broadcast_in_dim3A : f32 to vector<16xf32>
    %mul3A_2 = arith.constant 10000 : i32
    %mul3A_3 = arith.muli %add3A, %mul3A_2 : i32
    %run_scoped3A = arith.constant 0 : i32
    "tpu.region"() ({
      %run_scoped3A_1054 = tpu.sem_alloc : memref<!tpu.dma_semaphore, #tpu.memory_space<semaphore_mem>>
      %dma_start3A_1055 = tpu.memref_slice %arg3[%run_scoped3A, %mul3A_3] : memref<2x320000xi32, #tpu.memory_space<hbm>> -> memref<1x10000xi32, #tpu.memory_space<hbm>>
      %dma_start3A_1056 = tpu.memref_squeeze %dma_start3A_1055 : memref<1x10000xi32, #tpu.memory_space<hbm>> -> memref<10000xi32, #tpu.memory_space<hbm>>
      %dma_start3A_1057 = tpu.memref_slice %arg3[%run_scoped3A, %mul3A_3] : memref<2x320000xi32, #tpu.memory_space<hbm>> -> memref<1x10000xi32, #tpu.memory_space<hbm>>
      %dma_start3A_1058 = tpu.memref_squeeze %dma_start3A_1057 : memref<1x10000xi32, #tpu.memory_space<hbm>> -> memref<10000xi32, #tpu.memory_space<hbm>>
      tpu.enqueue_dma source(%dma_start3A_1058 : memref<10000xi32, #tpu.memory_space<hbm>>) target(%arg5 : memref<10000xi32, #tpu.memory_space<vmem>>) target_semaphore(%run_scoped3A_1054 : memref<!tpu.dma_semaphore, #tpu.memory_space<semaphore_mem>>)
      %dma_wait3A_1059 = tpu.memref_slice %arg3[%run_scoped3A, %mul3A_3] : memref<2x320000xi32, #tpu.memory_space<hbm>> -> memref<1x10000xi32, #tpu.memory_space<hbm>>
      %dma_wait3A_1060 = tpu.memref_squeeze %dma_wait3A_1059 : memref<1x10000xi32, #tpu.memory_space<hbm>> -> memref<10000xi32, #tpu.memory_space<hbm>>
      %dma_wait3A_1061 = tpu.memref_slice %arg3[%run_scoped3A, %mul3A_3] : memref<2x320000xi32, #tpu.memory_space<hbm>> -> memref<1x10000xi32, #tpu.memory_space<hbm>>
      %dma_wait3A_1062 = tpu.memref_squeeze %dma_wait3A_1061 : memref<1x10000xi32, #tpu.memory_space<hbm>> -> memref<10000xi32, #tpu.memory_space<hbm>>
      tpu.wait_dma2 semaphore(%run_scoped3A_1054 : memref<!tpu.dma_semaphore, #tpu.memory_space<semaphore_mem>>) src(%dma_wait3A_1062 : memref<10000xi32, #tpu.memory_space<hbm>>) dst(%arg5 : memref<10000xi32, #tpu.memory_space<vmem>>)
      tpu.yield
    }) : () -> ()
    %mul3A_4 = arith.constant 10000 : i32
    %mul3A_5 = arith.muli %add3A, %mul3A_4 : i32
    %run_scoped3A_6 = arith.constant 1 : i32
    "tpu.region"() ({
      %run_scoped3A_1054 = tpu.sem_alloc : memref<!tpu.dma_semaphore, #tpu.memory_space<semaphore_mem>>
      %dma_start3A_1055 = tpu.memref_slice %arg3[%run_scoped3A_6, %mul3A_5] : memref<2x320000xi32, #tpu.memory_space<hbm>> -> memref<1x10000xi32, #tpu.memory_space<hbm>>
      %dma_start3A_1056 = tpu.memref_squeeze %dma_start3A_1055 : memref<1x10000xi32, #tpu.memory_space<hbm>> -> memref<10000xi32, #tpu.memory_space<hbm>>
      %dma_start3A_1057 = tpu.memref_slice %arg3[%run_scoped3A_6, %mul3A_5] : memref<2x320000xi32, #tpu.memory_space<hbm>> -> memref<1x10000xi32, #tpu.memory_space<hbm>>
      %dma_start3A_1058 = tpu.memref_squeeze %dma_start3A_1057 : memref<1x10000xi32, #tpu.memory_space<hbm>> -> memref<10000xi32, #tpu.memory_space<hbm>>
      tpu.enqueue_dma source(%dma_start3A_1058 : memref<10000xi32, #tpu.memory_space<hbm>>) target(%arg6 : memref<10000xi32, #tpu.memory_space<vmem>>) target_semaphore(%run_scoped3A_1054 : memref<!tpu.dma_semaphore, #tpu.memory_space<semaphore_mem>>)
      %dma_wait3A_1059 = tpu.memref_slice %arg3[%run_scoped3A_6, %mul3A_5] : memref<2x320000xi32, #tpu.memory_space<hbm>> -> memref<1x10000xi32, #tpu.memory_space<hbm>>
      %dma_wait3A_1060 = tpu.memref_squeeze %dma_wait3A_1059 : memref<1x10000xi32, #tpu.memory_space<hbm>> -> memref<10000xi32, #tpu.memory_space<hbm>>
      %dma_wait3A_1061 = tpu.memref_slice %arg3[%run_scoped3A_6, %mul3A_5] : memref<2x320000xi32, #tpu.memory_space<hbm>> -> memref<1x10000xi32, #tpu.memory_space<hbm>>
      %dma_wait3A_1062 = tpu.memref_squeeze %dma_wait3A_1061 : memref<1x10000xi32, #tpu.memory_space<hbm>> -> memref<10000xi32, #tpu.memory_space<hbm>>
      tpu.wait_dma2 semaphore(%run_scoped3A_1054 : memref<!tpu.dma_semaphore, #tpu.memory_space<semaphore_mem>>) src(%dma_wait3A_1062 : memref<10000xi32, #tpu.memory_space<hbm>>) dst(%arg6 : memref<10000xi32, #tpu.memory_space<vmem>>)
      tpu.yield
    }) : () -> ()
    %dma_start3A = arith.constant 0 : i32
    %dma_start3A_7 = tpu.memref_slice %arg5[%dma_start3A] : memref<10000xi32, #tpu.memory_space<vmem>> -> memref<200xi32, #tpu.memory_space<vmem>>
    %dma_start3A_8 = arith.constant 0 : i32
    %dma_start3A_9 = arith.constant 0 : i32
    %dma_start3A_10 = tpu.memref_slice %arg2[%dma_start3A_8, %dma_start3A_9] : memref<10000x64xf32, #tpu.memory_space<hbm>> -> memref<10000x64xf32, #tpu.memory_space<hbm>>
    tpu.enqueue_indirect_dma source(%dma_start3A_10 : memref<10000x64xf32, #tpu.memory_space<hbm>>) target(%arg7 : memref<200x64xf32, #tpu.memory_space<vmem>>) offsets(%dma_start3A_7 : memref<200xi32, #tpu.memory_space<vmem>>) semaphore(%arg14 : memref<!tpu.dma_semaphore, #tpu.memory_space<semaphore_mem>>)
    %dma_start3A_11 = arith.constant 200 : i32
    %dma_start3A_12 = tpu.memref_slice %arg5[%dma_start3A_11] : memref<10000xi32, #tpu.memory_space<vmem>> -> memref<200xi32, #tpu.memory_space<vmem>>
    %dma_start3A_13 = arith.constant 0 : i32
    %dma_start3A_14 = arith.constant 0 : i32
    %dma_start3A_15 = tpu.memref_slice %arg2[%dma_start3A_13, %dma_start3A_14] : memref<10000x64xf32, #tpu.memory_space<hbm>> -> memref<10000x64xf32, #tpu.memory_space<hbm>>
    tpu.enqueue_indirect_dma source(%dma_start3A_15 : memref<10000x64xf32, #tpu.memory_space<hbm>>) target(%arg8 : memref<200x64xf32, #tpu.memory_space<vmem>>) offsets(%dma_start3A_12 : memref<200xi32, #tpu.memory_space<vmem>>) semaphore(%arg14 : memref<!tpu.dma_semaphore, #tpu.memory_space<semaphore_mem>>)
    %dma_start3A_16 = arith.constant 400 : i32
    %dma_start3A_17 = tpu.memref_slice %arg5[%dma_start3A_16] : memref<10000xi32, #tpu.memory_space<vmem>> -> memref<200xi32, #tpu.memory_space<vmem>>
    %dma_start3A_18 = arith.constant 0 : i32
    %dma_start3A_19 = arith.constant 0 : i32
    %dma_start3A_20 = tpu.memref_slice %arg2[%dma_start3A_18, %dma_start3A_19] : memref<10000x64xf32, #tpu.memory_space<hbm>> -> memref<10000x64xf32, #tpu.memory_space<hbm>>
    tpu.enqueue_indirect_dma source(%dma_start3A_20 : memref<10000x64xf32, #tpu.memory_space<hbm>>) target(%arg9 : memref<200x64xf32, #tpu.memory_space<vmem>>) offsets(%dma_start3A_17 : memref<200xi32, #tpu.memory_space<vmem>>) semaphore(%arg14 : memref<!tpu.dma_semaphore, #tpu.memory_space<semaphore_mem>>)
    %dma_start3A_21 = arith.constant 600 : i32
    %dma_start3A_22 = tpu.memref_slice %arg5[%dma_start3A_21] : memref<10000xi32, #tpu.memory_space<vmem>> -> memref<200xi32, #tpu.memory_space<vmem>>
    %dma_start3A_23 = arith.constant 0 : i32
    %dma_start3A_24 = arith.constant 0 : i32
    %dma_start3A_25 = tpu.memref_slice %arg2[%dma_start3A_23, %dma_start3A_24] : memref<10000x64xf32, #tpu.memory_space<hbm>> -> memref<10000x64xf32, #tpu.memory_space<hbm>>
    tpu.enqueue_indirect_dma source(%dma_start3A_25 : memref<10000x64xf32, #tpu.memory_space<hbm>>) target(%arg10 : memref<200x64xf32, #tpu.memory_space<vmem>>) offsets(%dma_start3A_22 : memref<200xi32, #tpu.memory_space<vmem>>) semaphore(%arg14 : memref<!tpu.dma_semaphore, #tpu.memory_space<semaphore_mem>>)
    %scan3A = arith.constant 0 : i32
    %scan3A_26 = arith.constant 64 : i32
    %scan3A_27 = arith.addi %scan3A, %scan3A_26 : i32
    %scan3A_28 = arith.constant 1 : i32
    scf.for %scan3A_1054 = %scan3A to %scan3A_27 step %scan3A_28  : i32 {
      %mul3A_1055 = arith.constant 1 : i32
      %mul3A_1056 = arith.muli %scan3A_1054, %mul3A_1055 : i32
      %add3A_1057 = arith.constant 0 : i32
      %add3A_1058 = arith.addi %add3A_1057, %mul3A_1056 : i32
      %swap3A = arith.index_cast %add3A_1058 : i32 to index
      %swap3A_1059 = arith.constant 0 : index
      %swap3A_1060 = tpu.vector_load %arg12[%swap3A, %swap3A_1059] {strides = array<i32>} : memref<64x64xf32, #tpu.memory_space<vmem>>, vector<16xf32>,
      tpu.vector_store %arg12[%swap3A, %swap3A_1059], %broadcast_in_dim3A_1 {strides = array<i32>} : memref<64x64xf32, #tpu.memory_space<vmem>>, vector<16xf32>,
      %swap3A_1061 = arith.index_cast %add3A_1058 : i32 to index
      %swap3A_1062 = arith.constant 16 : index
      %swap3A_1063 = tpu.vector_load %arg12[%swap3A_1061, %swap3A_1062] {strides = array<i32>} : memref<64x64xf32, #tpu.memory_space<vmem>>, vector<16xf32>,
      tpu.vector_store %arg12[%swap3A_1061, %swap3A_1062], %broadcast_in_dim3A_1 {strides = array<i32>} : memref<64x64xf32, #tpu.memory_space<vmem>>, vector<16xf32>,
      %swap3A_1064 = arith.index_cast %add3A_1058 : i32 to index
      %swap3A_1065 = arith.constant 32 : index
      %swap3A_1066 = tpu.vector_load %arg12[%swap3A_1064, %swap3A_1065] {strides = array<i32>} : memref<64x64xf32, #tpu.memory_space<vmem>>, vector<16xf32>,
      tpu.vector_store %arg12[%swap3A_1064, %swap3A_1065], %broadcast_in_dim3A_1 {strides = array<i32>} : memref<64x64xf32, #tpu.memory_space<vmem>>, vector<16xf32>,
      %swap3A_1067 = arith.index_cast %add3A_1058 : i32 to index
      %swap3A_1068 = arith.constant 48 : index
      %swap3A_1069 = tpu.vector_load %arg12[%swap3A_1067, %swap3A_1068] {strides = array<i32>} : memref<64x64xf32, #tpu.memory_space<vmem>>, vector<16xf32>,
      tpu.vector_store %arg12[%swap3A_1067, %swap3A_1068], %broadcast_in_dim3A_1 {strides = array<i32>} : memref<64x64xf32, #tpu.memory_space<vmem>>, vector<16xf32>,
    }
    %scan3A_29 = arith.constant 64 : i32
    %mul3A_30 = arith.constant 640 : i32
    %mul3A_31 = arith.muli %arg1, %mul3A_30 : i32
    %add3A_32 = arith.constant 0 : i32
    %add3A_33 = arith.addi %mul3A_31, %add3A_32 : i32
    "tpu.region"() ({
      %run_scoped3A_1054 = tpu.sem_alloc : memref<!tpu.dma_semaphore, #tpu.memory_space<semaphore_mem>>
      %dma_start3A_1055 = arith.constant 0 : i32
      %dma_start3A_1056 = tpu.memref_slice %arg13[%add3A_33, %dma_start3A_1055] : memref<10240x64xf32, #tpu.memory_space<vmem_shared>> -> memref<64x64xf32, #tpu.memory_space<vmem_shared>>
      %dma_start3A_1057 = arith.constant 0 : i32
      %dma_start3A_1058 = tpu.memref_slice %arg13[%add3A_33, %dma_start3A_1057] : memref<10240x64xf32, #tpu.memory_space<vmem_shared>> -> memref<64x64xf32, #tpu.memory_space<vmem_shared>>
      tpu.enqueue_dma source(%arg12 : memref<64x64xf32, #tpu.memory_space<vmem>>) target(%dma_start3A_1058 : memref<64x64xf32, #tpu.memory_space<vmem_shared>>) target_semaphore(%run_scoped3A_1054 : memref<!tpu.dma_semaphore, #tpu.memory_space<semaphore_mem>>)
      %dma_wait3A_1059 = arith.constant 0 : i32
      %dma_wait3A_1060 = tpu.memref_slice %arg13[%add3A_33, %dma_wait3A_1059] : memref<10240x64xf32, #tpu.memory_space<vmem_shared>> -> memref<64x64xf32, #tpu.memory_space<vmem_shared>>
      %dma_wait3A_1061 = arith.constant 0 : i32
      %dma_wait3A_1062 = tpu.memref_slice %arg13[%add3A_33, %dma_wait3A_1061] : memref<10240x64xf32, #tpu.memory_space<vmem_shared>> -> memref<64x64xf32, #tpu.memory_space<vmem_shared>>
      tpu.wait_dma2 semaphore(%run_scoped3A_1054 : memref<!tpu.dma_semaphore, #tpu.memory_space<semaphore_mem>>) src(%arg12 : memref<64x64xf32, #tpu.memory_space<vmem>>) dst(%dma_wait3A_1062 : memref<64x64xf32, #tpu.memory_space<vmem_shared>>)
      tpu.yield
    }) : () -> ()
    %mul3A_34 = arith.constant 640 : i32
    %mul3A_35 = arith.muli %arg1, %mul3A_34 : i32
    %add3A_36 = arith.constant 64 : i32
    %add3A_37 = arith.addi %mul3A_35, %add3A_36 : i32
    "tpu.region"() ({
      %run_scoped3A_1054 = tpu.sem_alloc : memref<!tpu.dma_semaphore, #tpu.memory_space<semaphore_mem>>
      %dma_start3A_1055 = arith.constant 0 : i32
      %dma_start3A_1056 = tpu.memref_slice %arg13[%add3A_37, %dma_start3A_1055] : memref<10240x64xf32, #tpu.memory_space<vmem_shared>> -> memref<64x64xf32, #tpu.memory_space<vmem_shared>>
      %dma_start3A_1057 = arith.constant 0 : i32
      %dma_start3A_1058 = tpu.memref_slice %arg13[%add3A_37, %dma_start3A_1057] : memref<10240x64xf32, #tpu.memory_space<vmem_shared>> -> memref<64x64xf32, #tpu.memory_space<vmem_shared>>
      tpu.enqueue_dma source(%arg12 : memref<64x64xf32, #tpu.memory_space<vmem>>) target(%dma_start3A_1058 : memref<64x64xf32, #tpu.memory_space<vmem_shared>>) target_semaphore(%run_scoped3A_1054 : memref<!tpu.dma_semaphore, #tpu.memory_space<semaphore_mem>>)
      %dma_wait3A_1059 = arith.constant 0 : i32
      %dma_wait3A_1060 = tpu.memref_slice %arg13[%add3A_37, %dma_wait3A_1059] : memref<10240x64xf32, #tpu.memory_space<vmem_shared>> -> memref<64x64xf32, #tpu.memory_space<vmem_shared>>
      %dma_wait3A_1061 = arith.constant 0 : i32
      %dma_wait3A_1062 = tpu.memref_slice %arg13[%add3A_37, %dma_wait3A_1061] : memref<10240x64xf32, #tpu.memory_space<vmem_shared>> -> memref<64x64xf32, #tpu.memory_space<vmem_shared>>
      tpu.wait_dma2 semaphore(%run_scoped3A_1054 : memref<!tpu.dma_semaphore, #tpu.memory_space<semaphore_mem>>) src(%arg12 : memref<64x64xf32, #tpu.memory_space<vmem>>) dst(%dma_wait3A_1062 : memref<64x64xf32, #tpu.memory_space<vmem_shared>>)
      tpu.yield
    }) : () -> ()
    %mul3A_38 = arith.constant 640 : i32
    %mul3A_39 = arith.muli %arg1, %mul3A_38 : i32
    %add3A_40 = arith.constant 128 : i32
    %add3A_41 = arith.addi %mul3A_39, %add3A_40 : i32
    "tpu.region"() ({
      %run_scoped3A_1054 = tpu.sem_alloc : memref<!tpu.dma_semaphore, #tpu.memory_space<semaphore_mem>>
      %dma_start3A_1055 = arith.constant 0 : i32
      %dma_start3A_1056 = tpu.memref_slice %arg13[%add3A_41, %dma_start3A_1055] : memref<10240x64xf32, #tpu.memory_space<vmem_shared>> -> memref<64x64xf32, #tpu.memory_space<vmem_shared>>
      %dma_start3A_1057 = arith.constant 0 : i32
      %dma_start3A_1058 = tpu.memref_slice %arg13[%add3A_41, %dma_start3A_1057] : memref<10240x64xf32, #tpu.memory_space<vmem_shared>> -> memref<64x64xf32, #tpu.memory_space<vmem_shared>>
      tpu.enqueue_dma source(%arg12 : memref<64x64xf32, #tpu.memory_space<vmem>>) target(%dma_start3A_1058 : memref<64x64xf32, #tpu.memory_space<vmem_shared>>) target_semaphore(%run_scoped3A_1054 : memref<!tpu.dma_semaphore, #tpu.memory_space<semaphore_mem>>)
      %dma_wait3A_1059 = arith.constant 0 : i32
      %dma_wait3A_1060 = tpu.memref_slice %arg13[%add3A_41, %dma_wait3A_1059] : memref<10240x64xf32, #tpu.memory_space<vmem_shared>> -> memref<64x64xf32, #tpu.memory_space<vmem_shared>>
      %dma_wait3A_1061 = arith.constant 0 : i32
      %dma_wait3A_1062 = tpu.memref_slice %arg13[%add3A_41, %dma_wait3A_1061] : memref<10240x64xf32, #tpu.memory_space<vmem_shared>> -> memref<64x64xf32, #tpu.memory_space<vmem_shared>>
      tpu.wait_dma2 semaphore(%run_scoped3A_1054 : memref<!tpu.dma_semaphore, #tpu.memory_space<semaphore_mem>>) src(%arg12 : memref<64x64xf32, #tpu.memory_space<vmem>>) dst(%dma_wait3A_1062 : memref<64x64xf32, #tpu.memory_space<vmem_shared>>)
      tpu.yield
    }) : () -> ()
    %mul3A_42 = arith.constant 640 : i32
    %mul3A_43 = arith.muli %arg1, %mul3A_42 : i32
    %add3A_44 = arith.constant 192 : i32
    %add3A_45 = arith.addi %mul3A_43, %add3A_44 : i32
    "tpu.region"() ({
      %run_scoped3A_1054 = tpu.sem_alloc : memref<!tpu.dma_semaphore, #tpu.memory_space<semaphore_mem>>
      %dma_start3A_1055 = arith.constant 0 : i32
      %dma_start3A_1056 = tpu.memref_slice %arg13[%add3A_45, %dma_start3A_1055] : memref<10240x64xf32, #tpu.memory_space<vmem_shared>> -> memref<64x64xf32, #tpu.memory_space<vmem_shared>>
      %dma_start3A_1057 = arith.constant 0 : i32
      %dma_start3A_1058 = tpu.memref_slice %arg13[%add3A_45, %dma_start3A_1057] : memref<10240x64xf32, #tpu.memory_space<vmem_shared>> -> memref<64x64xf32, #tpu.memory_space<vmem_shared>>
      tpu.enqueue_dma source(%arg12 : memref<64x64xf32, #tpu.memory_space<vmem>>) target(%dma_start3A_1058 : memref<64x64xf32, #tpu.memory_space<vmem_shared>>) target_semaphore(%run_scoped3A_1054 : memref<!tpu.dma_semaphore, #tpu.memory_space<semaphore_mem>>)
      %dma_wait3A_1059 = arith.constant 0 : i32
      %dma_wait3A_1060 = tpu.memref_slice %arg13[%add3A_45, %dma_wait3A_1059] : memref<10240x64xf32, #tpu.memory_space<vmem_shared>> -> memref<64x64xf32, #tpu.memory_space<vmem_shared>>
      %dma_wait3A_1061 = arith.constant 0 : i32
      %dma_wait3A_1062 = tpu.memref_slice %arg13[%add3A_45, %dma_wait3A_1061] : memref<10240x64xf32, #tpu.memory_space<vmem_shared>> -> memref<64x64xf32, #tpu.memory_space<vmem_shared>>
      tpu.wait_dma2 semaphore(%run_scoped3A_1054 : memref<!tpu.dma_semaphore, #tpu.memory_space<semaphore_mem>>) src(%arg12 : memref<64x64xf32, #tpu.memory_space<vmem>>) dst(%dma_wait3A_1062 : memref<64x64xf32, #tpu.memory_space<vmem_shared>>)
      tpu.yield
    }) : () -> ()
    %mul3A_46 = arith.constant 640 : i32
    %mul3A_47 = arith.muli %arg1, %mul3A_46 : i32
    %add3A_48 = arith.constant 256 : i32
    %add3A_49 = arith.addi %mul3A_47, %add3A_48 : i32
    "tpu.region"() ({
      %run_scoped3A_1054 = tpu.sem_alloc : memref<!tpu.dma_semaphore, #tpu.memory_space<semaphore_mem>>
      %dma_start3A_1055 = arith.constant 0 : i32
      %dma_start3A_1056 = tpu.memref_slice %arg13[%add3A_49, %dma_start3A_1055] : memref<10240x64xf32, #tpu.memory_space<vmem_shared>> -> memref<64x64xf32, #tpu.memory_space<vmem_shared>>
      %dma_start3A_1057 = arith.constant 0 : i32
      %dma_start3A_1058 = tpu.memref_slice %arg13[%add3A_49, %dma_start3A_1057] : memref<10240x64xf32, #tpu.memory_space<vmem_shared>> -> memref<64x64xf32, #tpu.memory_space<vmem_shared>>
      tpu.enqueue_dma source(%arg12 : memref<64x64xf32, #tpu.memory_space<vmem>>) target(%dma_start3A_1058 : memref<64x64xf32, #tpu.memory_space<vmem_shared>>) target_semaphore(%run_scoped3A_1054 : memref<!tpu.dma_semaphore, #tpu.memory_space<semaphore_mem>>)
      %dma_wait3A_1059 = arith.constant 0 : i32
      %dma_wait3A_1060 = tpu.memref_slice %arg13[%add3A_49, %dma_wait3A_1059] : memref<10240x64xf32, #tpu.memory_space<vmem_shared>> -> memref<64x64xf32, #tpu.memory_space<vmem_shared>>
      %dma_wait3A_1061 = arith.constant 0 : i32
      %dma_wait3A_1062 = tpu.memref_slice %arg13[%add3A_49, %dma_wait3A_1061] : memref<10240x64xf32, #tpu.memory_space<vmem_shared>> -> memref<64x64xf32, #tpu.memory_space<vmem_shared>>
      tpu.wait_dma2 semaphore(%run_scoped3A_1054 : memref<!tpu.dma_semaphore, #tpu.memory_space<semaphore_mem>>) src(%arg12 : memref<64x64xf32, #tpu.memory_space<vmem>>) dst(%dma_wait3A_1062 : memref<64x64xf32, #tpu.memory_space<vmem_shared>>)
      tpu.yield
    }) : () -> ()
    %mul3A_50 = arith.constant 640 : i32
    %mul3A_51 = arith.muli %arg1, %mul3A_50 : i32
    %add3A_52 = arith.constant 320 : i32
    %add3A_53 = arith.addi %mul3A_51, %add3A_52 : i32
    "tpu.region"() ({
      %run_scoped3A_1054 = tpu.sem_alloc : memref<!tpu.dma_semaphore, #tpu.memory_space<semaphore_mem>>
      %dma_start3A_1055 = arith.constant 0 : i32
      %dma_start3A_1056 = tpu.memref_slice %arg13[%add3A_53, %dma_start3A_1055] : memref<10240x64xf32, #tpu.memory_space<vmem_shared>> -> memref<64x64xf32, #tpu.memory_space<vmem_shared>>
      %dma_start3A_1057 = arith.constant 0 : i32
      %dma_start3A_1058 = tpu.memref_slice %arg13[%add3A_53, %dma_start3A_1057] : memref<10240x64xf32, #tpu.memory_space<vmem_shared>> -> memref<64x64xf32, #tpu.memory_space<vmem_shared>>
      tpu.enqueue_dma source(%arg12 : memref<64x64xf32, #tpu.memory_space<vmem>>) target(%dma_start3A_1058 : memref<64x64xf32, #tpu.memory_space<vmem_shared>>) target_semaphore(%run_scoped3A_1054 : memref<!tpu.dma_semaphore, #tpu.memory_space<semaphore_mem>>)
      %dma_wait3A_1059 = arith.constant 0 : i32
      %dma_wait3A_1060 = tpu.memref_slice %arg13[%add3A_53, %dma_wait3A_1059] : memref<10240x64xf32, #tpu.memory_space<vmem_shared>> -> memref<64x64xf32, #tpu.memory_space<vmem_shared>>
      %dma_wait3A_1061 = arith.constant 0 : i32
      %dma_wait3A_1062 = tpu.memref_slice %arg13[%add3A_53, %dma_wait3A_1061] : memref<10240x64xf32, #tpu.memory_space<vmem_shared>> -> memref<64x64xf32, #tpu.memory_space<vmem_shared>>
      tpu.wait_dma2 semaphore(%run_scoped3A_1054 : memref<!tpu.dma_semaphore, #tpu.memory_space<semaphore_mem>>) src(%arg12 : memref<64x64xf32, #tpu.memory_space<vmem>>) dst(%dma_wait3A_1062 : memref<64x64xf32, #tpu.memory_space<vmem_shared>>)
      tpu.yield
    }) : () -> ()
    %mul3A_54 = arith.constant 640 : i32
    %mul3A_55 = arith.muli %arg1, %mul3A_54 : i32
    %add3A_56 = arith.constant 384 : i32
    %add3A_57 = arith.addi %mul3A_55, %add3A_56 : i32
    "tpu.region"() ({
      %run_scoped3A_1054 = tpu.sem_alloc : memref<!tpu.dma_semaphore, #tpu.memory_space<semaphore_mem>>
      %dma_start3A_1055 = arith.constant 0 : i32
      %dma_start3A_1056 = tpu.memref_slice %arg13[%add3A_57, %dma_start3A_1055] : memref<10240x64xf32, #tpu.memory_space<vmem_shared>> -> memref<64x64xf32, #tpu.memory_space<vmem_shared>>
      %dma_start3A_1057 = arith.constant 0 : i32
      %dma_start3A_1058 = tpu.memref_slice %arg13[%add3A_57, %dma_start3A_1057] : memref<10240x64xf32, #tpu.memory_space<vmem_shared>> -> memref<64x64xf32, #tpu.memory_space<vmem_shared>>
      tpu.enqueue_dma source(%arg12 : memref<64x64xf32, #tpu.memory_space<vmem>>) target(%dma_start3A_1058 : memref<64x64xf32, #tpu.memory_space<vmem_shared>>) target_semaphore(%run_scoped3A_1054 : memref<!tpu.dma_semaphore, #tpu.memory_space<semaphore_mem>>)
      %dma_wait3A_1059 = arith.constant 0 : i32
      %dma_wait3A_1060 = tpu.memref_slice %arg13[%add3A_57, %dma_wait3A_1059] : memref<10240x64xf32, #tpu.memory_space<vmem_shared>> -> memref<64x64xf32, #tpu.memory_space<vmem_shared>>
      %dma_wait3A_1061 = arith.constant 0 : i32
      %dma_wait3A_1062 = tpu.memref_slice %arg13[%add3A_57, %dma_wait3A_1061] : memref<10240x64xf32, #tpu.memory_space<vmem_shared>> -> memref<64x64xf32, #tpu.memory_space<vmem_shared>>
      tpu.wait_dma2 semaphore(%run_scoped3A_1054 : memref<!tpu.dma_semaphore, #tpu.memory_space<semaphore_mem>>) src(%arg12 : memref<64x64xf32, #tpu.memory_space<vmem>>) dst(%dma_wait3A_1062 : memref<64x64xf32, #tpu.memory_space<vmem_shared>>)
      tpu.yield
    }) : () -> ()
    %mul3A_58 = arith.constant 640 : i32
    %mul3A_59 = arith.muli %arg1, %mul3A_58 : i32
    %add3A_60 = arith.constant 448 : i32
    %add3A_61 = arith.addi %mul3A_59, %add3A_60 : i32
    "tpu.region"() ({
      %run_scoped3A_1054 = tpu.sem_alloc : memref<!tpu.dma_semaphore, #tpu.memory_space<semaphore_mem>>
      %dma_start3A_1055 = arith.constant 0 : i32
      %dma_start3A_1056 = tpu.memref_slice %arg13[%add3A_61, %dma_start3A_1055] : memref<10240x64xf32, #tpu.memory_space<vmem_shared>> -> memref<64x64xf32, #tpu.memory_space<vmem_shared>>
      %dma_start3A_1057 = arith.constant 0 : i32
      %dma_start3A_1058 = tpu.memref_slice %arg13[%add3A_61, %dma_start3A_1057] : memref<10240x64xf32, #tpu.memory_space<vmem_shared>> -> memref<64x64xf32, #tpu.memory_space<vmem_shared>>
      tpu.enqueue_dma source(%arg12 : memref<64x64xf32, #tpu.memory_space<vmem>>) target(%dma_start3A_1058 : memref<64x64xf32, #tpu.memory_space<vmem_shared>>) target_semaphore(%run_scoped3A_1054 : memref<!tpu.dma_semaphore, #tpu.memory_space<semaphore_mem>>)
      %dma_wait3A_1059 = arith.constant 0 : i32
      %dma_wait3A_1060 = tpu.memref_slice %arg13[%add3A_61, %dma_wait3A_1059] : memref<10240x64xf32, #tpu.memory_space<vmem_shared>> -> memref<64x64xf32, #tpu.memory_space<vmem_shared>>
      %dma_wait3A_1061 = arith.constant 0 : i32
      %dma_wait3A_1062 = tpu.memref_slice %arg13[%add3A_61, %dma_wait3A_1061] : memref<10240x64xf32, #tpu.memory_space<vmem_shared>> -> memref<64x64xf32, #tpu.memory_space<vmem_shared>>
      tpu.wait_dma2 semaphore(%run_scoped3A_1054 : memref<!tpu.dma_semaphore, #tpu.memory_space<semaphore_mem>>) src(%arg12 : memref<64x64xf32, #tpu.memory_space<vmem>>) dst(%dma_wait3A_1062 : memref<64x64xf32, #tpu.memory_space<vmem_shared>>)
      tpu.yield
    }) : () -> ()
    %mul3A_62 = arith.constant 640 : i32
    %mul3A_63 = arith.muli %arg1, %mul3A_62 : i32
    %add3A_64 = arith.constant 512 : i32
    %add3A_65 = arith.addi %mul3A_63, %add3A_64 : i32
    "tpu.region"() ({
      %run_scoped3A_1054 = tpu.sem_alloc : memref<!tpu.dma_semaphore, #tpu.memory_space<semaphore_mem>>
      %dma_start3A_1055 = arith.constant 0 : i32
      %dma_start3A_1056 = tpu.memref_slice %arg13[%add3A_65, %dma_start3A_1055] : memref<10240x64xf32, #tpu.memory_space<vmem_shared>> -> memref<64x64xf32, #tpu.memory_space<vmem_shared>>
      %dma_start3A_1057 = arith.constant 0 : i32
      %dma_start3A_1058 = tpu.memref_slice %arg13[%add3A_65, %dma_start3A_1057] : memref<10240x64xf32, #tpu.memory_space<vmem_shared>> -> memref<64x64xf32, #tpu.memory_space<vmem_shared>>
      tpu.enqueue_dma source(%arg12 : memref<64x64xf32, #tpu.memory_space<vmem>>) target(%dma_start3A_1058 : memref<64x64xf32, #tpu.memory_space<vmem_shared>>) target_semaphore(%run_scoped3A_1054 : memref<!tpu.dma_semaphore, #tpu.memory_space<semaphore_mem>>)
      %dma_wait3A_1059 = arith.constant 0 : i32
      %dma_wait3A_1060 = tpu.memref_slice %arg13[%add3A_65, %dma_wait3A_1059] : memref<10240x64xf32, #tpu.memory_space<vmem_shared>> -> memref<64x64xf32, #tpu.memory_space<vmem_shared>>
      %dma_wait3A_1061 = arith.constant 0 : i32
      %dma_wait3A_1062 = tpu.memref_slice %arg13[%add3A_65, %dma_wait3A_1061] : memref<10240x64xf32, #tpu.memory_space<vmem_shared>> -> memref<64x64xf32, #tpu.memory_space<vmem_shared>>
      tpu.wait_dma2 semaphore(%run_scoped3A_1054 : memref<!tpu.dma_semaphore, #tpu.memory_space<semaphore_mem>>) src(%arg12 : memref<64x64xf32, #tpu.memory_space<vmem>>) dst(%dma_wait3A_1062 : memref<64x64xf32, #tpu.memory_space<vmem_shared>>)
      tpu.yield
    }) : () -> ()
    %mul3A_66 = arith.constant 640 : i32
    %mul3A_67 = arith.muli %arg1, %mul3A_66 : i32
    %add3A_68 = arith.constant 576 : i32
    %add3A_69 = arith.addi %mul3A_67, %add3A_68 : i32
    "tpu.region"() ({
      %run_scoped3A_1054 = tpu.sem_alloc : memref<!tpu.dma_semaphore, #tpu.memory_space<semaphore_mem>>
      %dma_start3A_1055 = arith.constant 0 : i32
      %dma_start3A_1056 = tpu.memref_slice %arg13[%add3A_69, %dma_start3A_1055] : memref<10240x64xf32, #tpu.memory_space<vmem_shared>> -> memref<64x64xf32, #tpu.memory_space<vmem_shared>>
      %dma_start3A_1057 = arith.constant 0 : i32
      %dma_start3A_1058 = tpu.memref_slice %arg13[%add3A_69, %dma_start3A_1057] : memref<10240x64xf32, #tpu.memory_space<vmem_shared>> -> memref<64x64xf32, #tpu.memory_space<vmem_shared>>
      tpu.enqueue_dma source(%arg12 : memref<64x64xf32, #tpu.memory_space<vmem>>) target(%dma_start3A_1058 : memref<64x64xf32, #tpu.memory_space<vmem_shared>>) target_semaphore(%run_scoped3A_1054 : memref<!tpu.dma_semaphore, #tpu.memory_space<semaphore_mem>>)
      %dma_wait3A_1059 = arith.constant 0 : i32
      %dma_wait3A_1060 = tpu.memref_slice %arg13[%add3A_69, %dma_wait3A_1059] : memref<10240x64xf32, #tpu.memory_space<vmem_shared>> -> memref<64x64xf32, #tpu.memory_space<vmem_shared>>
      %dma_wait3A_1061 = arith.constant 0 : i32
      %dma_wait3A_1062 = tpu.memref_slice %arg13[%add3A_69, %dma_wait3A_1061] : memref<10240x64xf32, #tpu.memory_space<vmem_shared>> -> memref<64x64xf32, #tpu.memory_space<vmem_shared>>
      tpu.wait_dma2 semaphore(%run_scoped3A_1054 : memref<!tpu.dma_semaphore, #tpu.memory_space<semaphore_mem>>) src(%arg12 : memref<64x64xf32, #tpu.memory_space<vmem>>) dst(%dma_wait3A_1062 : memref<64x64xf32, #tpu.memory_space<vmem_shared>>)
      tpu.yield
    }) : () -> ()
    %barrier3A = arith.constant 0 : index
    tpu.barrier barrier_id(%barrier3A)
    %dma_start3A_70 = arith.constant 800 : i32
    %dma_start3A_71 = tpu.memref_slice %arg5[%dma_start3A_70] : memref<10000xi32, #tpu.memory_space<vmem>> -> memref<200xi32, #tpu.memory_space<vmem>>
    %dma_start3A_72 = arith.constant 0 : i32
    %dma_start3A_73 = arith.constant 0 : i32
    %dma_start3A_74 = tpu.memref_slice %arg2[%dma_start3A_72, %dma_start3A_73] : memref<10000x64xf32, #tpu.memory_space<hbm>> -> memref<10000x64xf32, #tpu.memory_space<hbm>>
    tpu.enqueue_indirect_dma source(%dma_start3A_74 : memref<10000x64xf32, #tpu.memory_space<hbm>>) target(%arg11 : memref<200x64xf32, #tpu.memory_space<vmem>>) offsets(%dma_start3A_71 : memref<200xi32, #tpu.memory_space<vmem>>) semaphore(%arg14 : memref<!tpu.dma_semaphore, #tpu.memory_space<semaphore_mem>>)
    %dma_wait3A = arith.constant 0 : i32
    %dma_wait3A_75 = tpu.memref_slice %arg5[%dma_wait3A] : memref<10000xi32, #tpu.memory_space<vmem>> -> memref<200xi32, #tpu.memory_space<vmem>>
    %dma_wait3A_76 = arith.constant 0 : i32
    %dma_wait3A_77 = arith.constant 0 : i32
    %dma_wait3A_78 = tpu.memref_slice %arg2[%dma_wait3A_76, %dma_wait3A_77] : memref<10000x64xf32, #tpu.memory_space<hbm>> -> memref<10000x64xf32, #tpu.memory_space<hbm>>
    tpu.wait_indirect_dma semaphore(%arg14 : memref<!tpu.dma_semaphore, #tpu.memory_space<semaphore_mem>>) src(%dma_wait3A_78 : memref<10000x64xf32, #tpu.memory_space<hbm>>) dst(%arg7 : memref<200x64xf32, #tpu.memory_space<vmem>>)
    %dma_start3A_79 = arith.constant 0 : i32
    %dma_start3A_80 = tpu.memref_slice %arg6[%dma_start3A_79] : memref<10000xi32, #tpu.memory_space<vmem>> -> memref<200xi32, #tpu.memory_space<vmem>>
    %dma_start3A_81 = arith.constant 0 : i32
    %dma_start3A_82 = arith.constant 0 : i32
    %dma_start3A_83 = tpu.memref_slice %arg13[%dma_start3A_81, %dma_start3A_82] : memref<10240x64xf32, #tpu.memory_space<vmem_shared>> -> memref<10240x64xf32, #tpu.memory_space<vmem_shared>>
    tpu.enqueue_indirect_dma source(%arg7 : memref<200x64xf32, #tpu.memory_space<vmem>>) target(%dma_start3A_83 : memref<10240x64xf32, #tpu.memory_space<vmem_shared>>) offsets(%dma_start3A_80 : memref<200xi32, #tpu.memory_space<vmem>>) semaphore(%arg15 : memref<!tpu.dma_semaphore, #tpu.memory_space<semaphore_mem>>) {add = true}
    %dma_wait3A_84 = arith.constant 0 : i32
    %dma_wait3A_85 = tpu.memref_slice %arg6[%dma_wait3A_84] : memref<10000xi32, #tpu.memory_space<vmem>> -> memref<200xi32, #tpu.memory_space<vmem>>
    %dma_wait3A_86 = arith.constant 0 : i32
    %dma_wait3A_87 = arith.constant 0 : i32
    %dma_wait3A_88 = tpu.memref_slice %arg13[%dma_wait3A_86, %dma_wait3A_87] : memref<10240x64xf32, #tpu.memory_space<vmem_shared>> -> memref<10240x64xf32, #tpu.memory_space<vmem_shared>>
    tpu.wait_indirect_dma semaphore(%arg15 : memref<!tpu.dma_semaphore, #tpu.memory_space<semaphore_mem>>) src(%arg7 : memref<200x64xf32, #tpu.memory_space<vmem>>) dst(%dma_wait3A_88 : memref<10240x64xf32, #tpu.memory_space<vmem_shared>>)
    %dma_start3A_89 = arith.constant 1000 : i32
    %dma_start3A_90 = tpu.memref_slice %arg5[%dma_start3A_89] : memref<10000xi32, #tpu.memory_space<vmem>> -> memref<200xi32, #tpu.memory_space<vmem>>
    %dma_start3A_91 = arith.constant 0 : i32
    %dma_start3A_92 = arith.constant 0 : i32
    %dma_start3A_93 = tpu.memref_slice %arg2[%dma_start3A_91, %dma_start3A_92] : memref<10000x64xf32, #tpu.memory_space<hbm>> -> memref<10000x64xf32, #tpu.memory_space<hbm>>
    tpu.enqueue_indirect_dma source(%dma_start3A_93 : memref<10000x64xf32, #tpu.memory_space<hbm>>) target(%arg7 : memref<200x64xf32, #tpu.memory_space<vmem>>) offsets(%dma_start3A_90 : memref<200xi32, #tpu.memory_space<vmem>>) semaphore(%arg14 : memref<!tpu.dma_semaphore, #tpu.memory_space<semaphore_mem>>)
    %dma_wait3A_94 = arith.constant 200 : i32
    %dma_wait3A_95 = tpu.memref_slice %arg5[%dma_wait3A_94] : memref<10000xi32, #tpu.memory_space<vmem>> -> memref<200xi32, #tpu.memory_space<vmem>>
    %dma_wait3A_96 = arith.constant 0 : i32
    %dma_wait3A_97 = arith.constant 0 : i32
    %dma_wait3A_98 = tpu.memref_slice %arg2[%dma_wait3A_96, %dma_wait3A_97] : memref<10000x64xf32, #tpu.memory_space<hbm>> -> memref<10000x64xf32, #tpu.memory_space<hbm>>
    tpu.wait_indirect_dma semaphore(%arg14 : memref<!tpu.dma_semaphore, #tpu.memory_space<semaphore_mem>>) src(%dma_wait3A_98 : memref<10000x64xf32, #tpu.memory_space<hbm>>) dst(%arg8 : memref<200x64xf32, #tpu.memory_space<vmem>>)
    %dma_start3A_99 = arith.constant 200 : i32
    %dma_start3A_100 = tpu.memref_slice %arg6[%dma_start3A_99] : memref<10000xi32, #tpu.memory_space<vmem>> -> memref<200xi32, #tpu.memory_space<vmem>>
    %dma_start3A_101 = arith.constant 0 : i32
    %dma_start3A_102 = arith.constant 0 : i32
    %dma_start3A_103 = tpu.memref_slice %arg13[%dma_start3A_101, %dma_start3A_102] : memref<10240x64xf32, #tpu.memory_space<vmem_shared>> -> memref<10240x64xf32, #tpu.memory_space<vmem_shared>>
    tpu.enqueue_indirect_dma source(%arg8 : memref<200x64xf32, #tpu.memory_space<vmem>>) target(%dma_start3A_103 : memref<10240x64xf32, #tpu.memory_space<vmem_shared>>) offsets(%dma_start3A_100 : memref<200xi32, #tpu.memory_space<vmem>>) semaphore(%arg15 : memref<!tpu.dma_semaphore, #tpu.memory_space<semaphore_mem>>) {add = true}
    %dma_wait3A_104 = arith.constant 200 : i32
    %dma_wait3A_105 = tpu.memref_slice %arg6[%dma_wait3A_104] : memref<10000xi32, #tpu.memory_space<vmem>> -> memref<200xi32, #tpu.memory_space<vmem>>
    %dma_wait3A_106 = arith.constant 0 : i32
    %dma_wait3A_107 = arith.constant 0 : i32
    %dma_wait3A_108 = tpu.memref_slice %arg13[%dma_wait3A_106, %dma_wait3A_107] : memref<10240x64xf32, #tpu.memory_space<vmem_shared>> -> memref<10240x64xf32, #tpu.memory_space<vmem_shared>>
    tpu.wait_indirect_dma semaphore(%arg15 : memref<!tpu.dma_semaphore, #tpu.memory_space<semaphore_mem>>) src(%arg8 : memref<200x64xf32, #tpu.memory_space<vmem>>) dst(%dma_wait3A_108 : memref<10240x64xf32, #tpu.memory_space<vmem_shared>>)
    %dma_start3A_109 = arith.constant 1200 : i32
    %dma_start3A_110 = tpu.memref_slice %arg5[%dma_start3A_109] : memref<10000xi32, #tpu.memory_space<vmem>> -> memref<200xi32, #tpu.memory_space<vmem>>
    %dma_start3A_111 = arith.constant 0 : i32
    %dma_start3A_112 = arith.constant 0 : i32
    %dma_start3A_113 = tpu.memref_slice %arg2[%dma_start3A_111, %dma_start3A_112] : memref<10000x64xf32, #tpu.memory_space<hbm>> -> memref<10000x64xf32, #tpu.memory_space<hbm>>
    tpu.enqueue_indirect_dma source(%dma_start3A_113 : memref<10000x64xf32, #tpu.memory_space<hbm>>) target(%arg8 : memref<200x64xf32, #tpu.memory_space<vmem>>) offsets(%dma_start3A_110 : memref<200xi32, #tpu.memory_space<vmem>>) semaphore(%arg14 : memref<!tpu.dma_semaphore, #tpu.memory_space<semaphore_mem>>)
    %dma_wait3A_114 = arith.constant 400 : i32
    %dma_wait3A_115 = tpu.memref_slice %arg5[%dma_wait3A_114] : memref<10000xi32, #tpu.memory_space<vmem>> -> memref<200xi32, #tpu.memory_space<vmem>>
    %dma_wait3A_116 = arith.constant 0 : i32
    %dma_wait3A_117 = arith.constant 0 : i32
    %dma_wait3A_118 = tpu.memref_slice %arg2[%dma_wait3A_116, %dma_wait3A_117] : memref<10000x64xf32, #tpu.memory_space<hbm>> -> memref<10000x64xf32, #tpu.memory_space<hbm>>
    tpu.wait_indirect_dma semaphore(%arg14 : memref<!tpu.dma_semaphore, #tpu.memory_space<semaphore_mem>>) src(%dma_wait3A_118 : memref<10000x64xf32, #tpu.memory_space<hbm>>) dst(%arg9 : memref<200x64xf32, #tpu.memory_space<vmem>>)
    %dma_start3A_119 = arith.constant 400 : i32
    %dma_start3A_120 = tpu.memref_slice %arg6[%dma_start3A_119] : memref<10000xi32, #tpu.memory_space<vmem>> -> memref<200xi32, #tpu.memory_space<vmem>>
    %dma_start3A_121 = arith.constant 0 : i32
    %dma_start3A_122 = arith.constant 0 : i32
    %dma_start3A_123 = tpu.memref_slice %arg13[%dma_start3A_121, %dma_start3A_122] : memref<10240x64xf32, #tpu.memory_space<vmem_shared>> -> memref<10240x64xf32, #tpu.memory_space<vmem_shared>>
    tpu.enqueue_indirect_dma source(%arg9 : memref<200x64xf32, #tpu.memory_space<vmem>>) target(%dma_start3A_123 : memref<10240x64xf32, #tpu.memory_space<vmem_shared>>) offsets(%dma_start3A_120 : memref<200xi32, #tpu.memory_space<vmem>>) semaphore(%arg15 : memref<!tpu.dma_semaphore, #tpu.memory_space<semaphore_mem>>) {add = true}
    %dma_wait3A_124 = arith.constant 400 : i32
    %dma_wait3A_125 = tpu.memref_slice %arg6[%dma_wait3A_124] : memref<10000xi32, #tpu.memory_space<vmem>> -> memref<200xi32, #tpu.memory_space<vmem>>
    %dma_wait3A_126 = arith.constant 0 : i32
    %dma_wait3A_127 = arith.constant 0 : i32
    %dma_wait3A_128 = tpu.memref_slice %arg13[%dma_wait3A_126, %dma_wait3A_127] : memref<10240x64xf32, #tpu.memory_space<vmem_shared>> -> memref<10240x64xf32, #tpu.memory_space<vmem_shared>>
    tpu.wait_indirect_dma semaphore(%arg15 : memref<!tpu.dma_semaphore, #tpu.memory_space<semaphore_mem>>) src(%arg9 : memref<200x64xf32, #tpu.memory_space<vmem>>) dst(%dma_wait3A_128 : memref<10240x64xf32, #tpu.memory_space<vmem_shared>>)
    %dma_start3A_129 = arith.constant 1400 : i32
    %dma_start3A_130 = tpu.memref_slice %arg5[%dma_start3A_129] : memref<10000xi32, #tpu.memory_space<vmem>> -> memref<200xi32, #tpu.memory_space<vmem>>
    %dma_start3A_131 = arith.constant 0 : i32
    %dma_start3A_132 = arith.constant 0 : i32
    %dma_start3A_133 = tpu.memref_slice %arg2[%dma_start3A_131, %dma_start3A_132] : memref<10000x64xf32, #tpu.memory_space<hbm>> -> memref<10000x64xf32, #tpu.memory_space<hbm>>
    tpu.enqueue_indirect_dma source(%dma_start3A_133 : memref<10000x64xf32, #tpu.memory_space<hbm>>) target(%arg9 : memref<200x64xf32, #tpu.memory_space<vmem>>) offsets(%dma_start3A_130 : memref<200xi32, #tpu.memory_space<vmem>>) semaphore(%arg14 : memref<!tpu.dma_semaphore, #tpu.memory_space<semaphore_mem>>)
    %dma_wait3A_134 = arith.constant 600 : i32
    %dma_wait3A_135 = tpu.memref_slice %arg5[%dma_wait3A_134] : memref<10000xi32, #tpu.memory_space<vmem>> -> memref<200xi32, #tpu.memory_space<vmem>>
    %dma_wait3A_136 = arith.constant 0 : i32
    %dma_wait3A_137 = arith.constant 0 : i32
    %dma_wait3A_138 = tpu.memref_slice %arg2[%dma_wait3A_136, %dma_wait3A_137] : memref<10000x64xf32, #tpu.memory_space<hbm>> -> memref<10000x64xf32, #tpu.memory_space<hbm>>
    tpu.wait_indirect_dma semaphore(%arg14 : memref<!tpu.dma_semaphore, #tpu.memory_space<semaphore_mem>>) src(%dma_wait3A_138 : memref<10000x64xf32, #tpu.memory_space<hbm>>) dst(%arg10 : memref<200x64xf32, #tpu.memory_space<vmem>>)
    %dma_start3A_139 = arith.constant 600 : i32
    %dma_start3A_140 = tpu.memref_slice %arg6[%dma_start3A_139] : memref<10000xi32, #tpu.memory_space<vmem>> -> memref<200xi32, #tpu.memory_space<vmem>>
    %dma_start3A_141 = arith.constant 0 : i32
    %dma_start3A_142 = arith.constant 0 : i32
    %dma_start3A_143 = tpu.memref_slice %arg13[%dma_start3A_141, %dma_start3A_142] : memref<10240x64xf32, #tpu.memory_space<vmem_shared>> -> memref<10240x64xf32, #tpu.memory_space<vmem_shared>>
    tpu.enqueue_indirect_dma source(%arg10 : memref<200x64xf32, #tpu.memory_space<vmem>>) target(%dma_start3A_143 : memref<10240x64xf32, #tpu.memory_space<vmem_shared>>) offsets(%dma_start3A_140 : memref<200xi32, #tpu.memory_space<vmem>>) semaphore(%arg15 : memref<!tpu.dma_semaphore, #tpu.memory_space<semaphore_mem>>) {add = true}
    %dma_wait3A_144 = arith.constant 600 : i32
    %dma_wait3A_145 = tpu.memref_slice %arg6[%dma_wait3A_144] : memref<10000xi32, #tpu.memory_space<vmem>> -> memref<200xi32, #tpu.memory_space<vmem>>
    %dma_wait3A_146 = arith.constant 0 : i32
    %dma_wait3A_147 = arith.constant 0 : i32
    %dma_wait3A_148 = tpu.memref_slice %arg13[%dma_wait3A_146, %dma_wait3A_147] : memref<10240x64xf32, #tpu.memory_space<vmem_shared>> -> memref<10240x64xf32, #tpu.memory_space<vmem_shared>>
    tpu.wait_indirect_dma semaphore(%arg15 : memref<!tpu.dma_semaphore, #tpu.memory_space<semaphore_mem>>) src(%arg10 : memref<200x64xf32, #tpu.memory_space<vmem>>) dst(%dma_wait3A_148 : memref<10240x64xf32, #tpu.memory_space<vmem_shared>>)
    %dma_start3A_149 = arith.constant 1600 : i32
    %dma_start3A_150 = tpu.memref_slice %arg5[%dma_start3A_149] : memref<10000xi32, #tpu.memory_space<vmem>> -> memref<200xi32, #tpu.memory_space<vmem>>
    %dma_start3A_151 = arith.constant 0 : i32
    %dma_start3A_152 = arith.constant 0 : i32
    %dma_start3A_153 = tpu.memref_slice %arg2[%dma_start3A_151, %dma_start3A_152] : memref<10000x64xf32, #tpu.memory_space<hbm>> -> memref<10000x64xf32, #tpu.memory_space<hbm>>
    tpu.enqueue_indirect_dma source(%dma_start3A_153 : memref<10000x64xf32, #tpu.memory_space<hbm>>) target(%arg10 : memref<200x64xf32, #tpu.memory_space<vmem>>) offsets(%dma_start3A_150 : memref<200xi32, #tpu.memory_space<vmem>>) semaphore(%arg14 : memref<!tpu.dma_semaphore, #tpu.memory_space<semaphore_mem>>)
    %dma_wait3A_154 = arith.constant 800 : i32
    %dma_wait3A_155 = tpu.memref_slice %arg5[%dma_wait3A_154] : memref<10000xi32, #tpu.memory_space<vmem>> -> memref<200xi32, #tpu.memory_space<vmem>>
    %dma_wait3A_156 = arith.constant 0 : i32
    %dma_wait3A_157 = arith.constant 0 : i32
    %dma_wait3A_158 = tpu.memref_slice %arg2[%dma_wait3A_156, %dma_wait3A_157] : memref<10000x64xf32, #tpu.memory_space<hbm>> -> memref<10000x64xf32, #tpu.memory_space<hbm>>
    tpu.wait_indirect_dma semaphore(%arg14 : memref<!tpu.dma_semaphore, #tpu.memory_space<semaphore_mem>>) src(%dma_wait3A_158 : memref<10000x64xf32, #tpu.memory_space<hbm>>) dst(%arg11 : memref<200x64xf32, #tpu.memory_space<vmem>>)
    %dma_start3A_159 = arith.constant 800 : i32
    %dma_start3A_160 = tpu.memref_slice %arg6[%dma_start3A_159] : memref<10000xi32, #tpu.memory_space<vmem>> -> memref<200xi32, #tpu.memory_space<vmem>>
    %dma_start3A_161 = arith.constant 0 : i32
    %dma_start3A_162 = arith.constant 0 : i32
    %dma_start3A_163 = tpu.memref_slice %arg13[%dma_start3A_161, %dma_start3A_162] : memref<10240x64xf32, #tpu.memory_space<vmem_shared>> -> memref<10240x64xf32, #tpu.memory_space<vmem_shared>>
    tpu.enqueue_indirect_dma source(%arg11 : memref<200x64xf32, #tpu.memory_space<vmem>>) target(%dma_start3A_163 : memref<10240x64xf32, #tpu.memory_space<vmem_shared>>) offsets(%dma_start3A_160 : memref<200xi32, #tpu.memory_space<vmem>>) semaphore(%arg15 : memref<!tpu.dma_semaphore, #tpu.memory_space<semaphore_mem>>) {add = true}
    %dma_wait3A_164 = arith.constant 800 : i32
    %dma_wait3A_165 = tpu.memref_slice %arg6[%dma_wait3A_164] : memref<10000xi32, #tpu.memory_space<vmem>> -> memref<200xi32, #tpu.memory_space<vmem>>
    %dma_wait3A_166 = arith.constant 0 : i32
    %dma_wait3A_167 = arith.constant 0 : i32
    %dma_wait3A_168 = tpu.memref_slice %arg13[%dma_wait3A_166, %dma_wait3A_167] : memref<10240x64xf32, #tpu.memory_space<vmem_shared>> -> memref<10240x64xf32, #tpu.memory_space<vmem_shared>>
    tpu.wait_indirect_dma semaphore(%arg15 : memref<!tpu.dma_semaphore, #tpu.memory_space<semaphore_mem>>) src(%arg11 : memref<200x64xf32, #tpu.memory_space<vmem>>) dst(%dma_wait3A_168 : memref<10240x64xf32, #tpu.memory_space<vmem_shared>>)
    %dma_start3A_169 = arith.constant 1800 : i32
    %dma_start3A_170 = tpu.memref_slice %arg5[%dma_start3A_169] : memref<10000xi32, #tpu.memory_space<vmem>> -> memref<200xi32, #tpu.memory_space<vmem>>
    %dma_start3A_171 = arith.constant 0 : i32
    %dma_start3A_172 = arith.constant 0 : i32
    %dma_start3A_173 = tpu.memref_slice %arg2[%dma_start3A_171, %dma_start3A_172] : memref<10000x64xf32, #tpu.memory_space<hbm>> -> memref<10000x64xf32, #tpu.memory_space<hbm>>
    tpu.enqueue_indirect_dma source(%dma_start3A_173 : memref<10000x64xf32, #tpu.memory_space<hbm>>) target(%arg11 : memref<200x64xf32, #tpu.memory_space<vmem>>) offsets(%dma_start3A_170 : memref<200xi32, #tpu.memory_space<vmem>>) semaphore(%arg14 : memref<!tpu.dma_semaphore, #tpu.memory_space<semaphore_mem>>)
    %dma_wait3A_174 = arith.constant 1000 : i32
    %dma_wait3A_175 = tpu.memref_slice %arg5[%dma_wait3A_174] : memref<10000xi32, #tpu.memory_space<vmem>> -> memref<200xi32, #tpu.memory_space<vmem>>
    %dma_wait3A_176 = arith.constant 0 : i32
    %dma_wait3A_177 = arith.constant 0 : i32
    %dma_wait3A_178 = tpu.memref_slice %arg2[%dma_wait3A_176, %dma_wait3A_177] : memref<10000x64xf32, #tpu.memory_space<hbm>> -> memref<10000x64xf32, #tpu.memory_space<hbm>>
    tpu.wait_indirect_dma semaphore(%arg14 : memref<!tpu.dma_semaphore, #tpu.memory_space<semaphore_mem>>) src(%dma_wait3A_178 : memref<10000x64xf32, #tpu.memory_space<hbm>>) dst(%arg7 : memref<200x64xf32, #tpu.memory_space<vmem>>)
    %dma_start3A_179 = arith.constant 1000 : i32
    %dma_start3A_180 = tpu.memref_slice %arg6[%dma_start3A_179] : memref<10000xi32, #tpu.memory_space<vmem>> -> memref<200xi32, #tpu.memory_space<vmem>>
    %dma_start3A_181 = arith.constant 0 : i32
    %dma_start3A_182 = arith.constant 0 : i32
    %dma_start3A_183 = tpu.memref_slice %arg13[%dma_start3A_181, %dma_start3A_182] : memref<10240x64xf32, #tpu.memory_space<vmem_shared>> -> memref<10240x64xf32, #tpu.memory_space<vmem_shared>>
    tpu.enqueue_indirect_dma source(%arg7 : memref<200x64xf32, #tpu.memory_space<vmem>>) target(%dma_start3A_183 : memref<10240x64xf32, #tpu.memory_space<vmem_shared>>) offsets(%dma_start3A_180 : memref<200xi32, #tpu.memory_space<vmem>>) semaphore(%arg15 : memref<!tpu.dma_semaphore, #tpu.memory_space<semaphore_mem>>) {add = true}
    %dma_wait3A_184 = arith.constant 1000 : i32
    %dma_wait3A_185 = tpu.memref_slice %arg6[%dma_wait3A_184] : memref<10000xi32, #tpu.memory_space<vmem>> -> memref<200xi32, #tpu.memory_space<vmem>>
    %dma_wait3A_186 = arith.constant 0 : i32
    %dma_wait3A_187 = arith.constant 0 : i32
    %dma_wait3A_188 = tpu.memref_slice %arg13[%dma_wait3A_186, %dma_wait3A_187] : memref<10240x64xf32, #tpu.memory_space<vmem_shared>> -> memref<10240x64xf32, #tpu.memory_space<vmem_shared>>
    tpu.wait_indirect_dma semaphore(%arg15 : memref<!tpu.dma_semaphore, #tpu.memory_space<semaphore_mem>>) src(%arg7 : memref<200x64xf32, #tpu.memory_space<vmem>>) dst(%dma_wait3A_188 : memref<10240x64xf32, #tpu.memory_space<vmem_shared>>)
    %dma_start3A_189 = arith.constant 2000 : i32
    %dma_start3A_190 = tpu.memref_slice %arg5[%dma_start3A_189] : memref<10000xi32, #tpu.memory_space<vmem>> -> memref<200xi32, #tpu.memory_space<vmem>>
    %dma_start3A_191 = arith.constant 0 : i32
    %dma_start3A_192 = arith.constant 0 : i32
    %dma_start3A_193 = tpu.memref_slice %arg2[%dma_start3A_191, %dma_start3A_192] : memref<10000x64xf32, #tpu.memory_space<hbm>> -> memref<10000x64xf32, #tpu.memory_space<hbm>>
    tpu.enqueue_indirect_dma source(%dma_start3A_193 : memref<10000x64xf32, #tpu.memory_space<hbm>>) target(%arg7 : memref<200x64xf32, #tpu.memory_space<vmem>>) offsets(%dma_start3A_190 : memref<200xi32, #tpu.memory_space<vmem>>) semaphore(%arg14 : memref<!tpu.dma_semaphore, #tpu.memory_space<semaphore_mem>>)
    %dma_wait3A_194 = arith.constant 1200 : i32
    %dma_wait3A_195 = tpu.memref_slice %arg5[%dma_wait3A_194] : memref<10000xi32, #tpu.memory_space<vmem>> -> memref<200xi32, #tpu.memory_space<vmem>>
    %dma_wait3A_196 = arith.constant 0 : i32
    %dma_wait3A_197 = arith.constant 0 : i32
    %dma_wait3A_198 = tpu.memref_slice %arg2[%dma_wait3A_196, %dma_wait3A_197] : memref<10000x64xf32, #tpu.memory_space<hbm>> -> memref<10000x64xf32, #tpu.memory_space<hbm>>
    tpu.wait_indirect_dma semaphore(%arg14 : memref<!tpu.dma_semaphore, #tpu.memory_space<semaphore_mem>>) src(%dma_wait3A_198 : memref<10000x64xf32, #tpu.memory_space<hbm>>) dst(%arg8 : memref<200x64xf32, #tpu.memory_space<vmem>>)
    %dma_start3A_199 = arith.constant 1200 : i32
    %dma_start3A_200 = tpu.memref_slice %arg6[%dma_start3A_199] : memref<10000xi32, #tpu.memory_space<vmem>> -> memref<200xi32, #tpu.memory_space<vmem>>
    %dma_start3A_201 = arith.constant 0 : i32
    %dma_start3A_202 = arith.constant 0 : i32
    %dma_start3A_203 = tpu.memref_slice %arg13[%dma_start3A_201, %dma_start3A_202] : memref<10240x64xf32, #tpu.memory_space<vmem_shared>> -> memref<10240x64xf32, #tpu.memory_space<vmem_shared>>
    tpu.enqueue_indirect_dma source(%arg8 : memref<200x64xf32, #tpu.memory_space<vmem>>) target(%dma_start3A_203 : memref<10240x64xf32, #tpu.memory_space<vmem_shared>>) offsets(%dma_start3A_200 : memref<200xi32, #tpu.memory_space<vmem>>) semaphore(%arg15 : memref<!tpu.dma_semaphore, #tpu.memory_space<semaphore_mem>>) {add = true}
    %dma_wait3A_204 = arith.constant 1200 : i32
    %dma_wait3A_205 = tpu.memref_slice %arg6[%dma_wait3A_204] : memref<10000xi32, #tpu.memory_space<vmem>> -> memref<200xi32, #tpu.memory_space<vmem>>
    %dma_wait3A_206 = arith.constant 0 : i32
    %dma_wait3A_207 = arith.constant 0 : i32
    %dma_wait3A_208 = tpu.memref_slice %arg13[%dma_wait3A_206, %dma_wait3A_207] : memref<10240x64xf32, #tpu.memory_space<vmem_shared>> -> memref<10240x64xf32, #tpu.memory_space<vmem_shared>>
    tpu.wait_indirect_dma semaphore(%arg15 : memref<!tpu.dma_semaphore, #tpu.memory_space<semaphore_mem>>) src(%arg8 : memref<200x64xf32, #tpu.memory_space<vmem>>) dst(%dma_wait3A_208 : memref<10240x64xf32, #tpu.memory_space<vmem_shared>>)
    %dma_start3A_209 = arith.constant 2200 : i32
    %dma_start3A_210 = tpu.memref_slice %arg5[%dma_start3A_209] : memref<10000xi32, #tpu.memory_space<vmem>> -> memref<200xi32, #tpu.memory_space<vmem>>
    %dma_start3A_211 = arith.constant 0 : i32
    %dma_start3A_212 = arith.constant 0 : i32
    %dma_start3A_213 = tpu.memref_slice %arg2[%dma_start3A_211, %dma_start3A_212] : memref<10000x64xf32, #tpu.memory_space<hbm>> -> memref<10000x64xf32, #tpu.memory_space<hbm>>
    tpu.enqueue_indirect_dma source(%dma_start3A_213 : memref<10000x64xf32, #tpu.memory_space<hbm>>) target(%arg8 : memref<200x64xf32, #tpu.memory_space<vmem>>) offsets(%dma_start3A_210 : memref<200xi32, #tpu.memory_space<vmem>>) semaphore(%arg14 : memref<!tpu.dma_semaphore, #tpu.memory_space<semaphore_mem>>)
    %dma_wait3A_214 = arith.constant 1400 : i32
    %dma_wait3A_215 = tpu.memref_slice %arg5[%dma_wait3A_214] : memref<10000xi32, #tpu.memory_space<vmem>> -> memref<200xi32, #tpu.memory_space<vmem>>
    %dma_wait3A_216 = arith.constant 0 : i32
    %dma_wait3A_217 = arith.constant 0 : i32
    %dma_wait3A_218 = tpu.memref_slice %arg2[%dma_wait3A_216, %dma_wait3A_217] : memref<10000x64xf32, #tpu.memory_space<hbm>> -> memref<10000x64xf32, #tpu.memory_space<hbm>>
    tpu.wait_indirect_dma semaphore(%arg14 : memref<!tpu.dma_semaphore, #tpu.memory_space<semaphore_mem>>) src(%dma_wait3A_218 : memref<10000x64xf32, #tpu.memory_space<hbm>>) dst(%arg9 : memref<200x64xf32, #tpu.memory_space<vmem>>)
    %dma_start3A_219 = arith.constant 1400 : i32
    %dma_start3A_220 = tpu.memref_slice %arg6[%dma_start3A_219] : memref<10000xi32, #tpu.memory_space<vmem>> -> memref<200xi32, #tpu.memory_space<vmem>>
    %dma_start3A_221 = arith.constant 0 : i32
    %dma_start3A_222 = arith.constant 0 : i32
    %dma_start3A_223 = tpu.memref_slice %arg13[%dma_start3A_221, %dma_start3A_222] : memref<10240x64xf32, #tpu.memory_space<vmem_shared>> -> memref<10240x64xf32, #tpu.memory_space<vmem_shared>>
    tpu.enqueue_indirect_dma source(%arg9 : memref<200x64xf32, #tpu.memory_space<vmem>>) target(%dma_start3A_223 : memref<10240x64xf32, #tpu.memory_space<vmem_shared>>) offsets(%dma_start3A_220 : memref<200xi32, #tpu.memory_space<vmem>>) semaphore(%arg15 : memref<!tpu.dma_semaphore, #tpu.memory_space<semaphore_mem>>) {add = true}
    %dma_wait3A_224 = arith.constant 1400 : i32
    %dma_wait3A_225 = tpu.memref_slice %arg6[%dma_wait3A_224] : memref<10000xi32, #tpu.memory_space<vmem>> -> memref<200xi32, #tpu.memory_space<vmem>>
    %dma_wait3A_226 = arith.constant 0 : i32
    %dma_wait3A_227 = arith.constant 0 : i32
    %dma_wait3A_228 = tpu.memref_slice %arg13[%dma_wait3A_226, %dma_wait3A_227] : memref<10240x64xf32, #tpu.memory_space<vmem_shared>> -> memref<10240x64xf32, #tpu.memory_space<vmem_shared>>
    tpu.wait_indirect_dma semaphore(%arg15 : memref<!tpu.dma_semaphore, #tpu.memory_space<semaphore_mem>>) src(%arg9 : memref<200x64xf32, #tpu.memory_space<vmem>>) dst(%dma_wait3A_228 : memref<10240x64xf32, #tpu.memory_space<vmem_shared>>)
    %dma_start3A_229 = arith.constant 2400 : i32
    %dma_start3A_230 = tpu.memref_slice %arg5[%dma_start3A_229] : memref<10000xi32, #tpu.memory_space<vmem>> -> memref<200xi32, #tpu.memory_space<vmem>>
    %dma_start3A_231 = arith.constant 0 : i32
    %dma_start3A_232 = arith.constant 0 : i32
    %dma_start3A_233 = tpu.memref_slice %arg2[%dma_start3A_231, %dma_start3A_232] : memref<10000x64xf32, #tpu.memory_space<hbm>> -> memref<10000x64xf32, #tpu.memory_space<hbm>>
    tpu.enqueue_indirect_dma source(%dma_start3A_233 : memref<10000x64xf32, #tpu.memory_space<hbm>>) target(%arg9 : memref<200x64xf32, #tpu.memory_space<vmem>>) offsets(%dma_start3A_230 : memref<200xi32, #tpu.memory_space<vmem>>) semaphore(%arg14 : memref<!tpu.dma_semaphore, #tpu.memory_space<semaphore_mem>>)
    %dma_wait3A_234 = arith.constant 1600 : i32
    %dma_wait3A_235 = tpu.memref_slice %arg5[%dma_wait3A_234] : memref<10000xi32, #tpu.memory_space<vmem>> -> memref<200xi32, #tpu.memory_space<vmem>>
    %dma_wait3A_236 = arith.constant 0 : i32
    %dma_wait3A_237 = arith.constant 0 : i32
    %dma_wait3A_238 = tpu.memref_slice %arg2[%dma_wait3A_236, %dma_wait3A_237] : memref<10000x64xf32, #tpu.memory_space<hbm>> -> memref<10000x64xf32, #tpu.memory_space<hbm>>
    tpu.wait_indirect_dma semaphore(%arg14 : memref<!tpu.dma_semaphore, #tpu.memory_space<semaphore_mem>>) src(%dma_wait3A_238 : memref<10000x64xf32, #tpu.memory_space<hbm>>) dst(%arg10 : memref<200x64xf32, #tpu.memory_space<vmem>>)
    %dma_start3A_239 = arith.constant 1600 : i32
    %dma_start3A_240 = tpu.memref_slice %arg6[%dma_start3A_239] : memref<10000xi32, #tpu.memory_space<vmem>> -> memref<200xi32, #tpu.memory_space<vmem>>
    %dma_start3A_241 = arith.constant 0 : i32
    %dma_start3A_242 = arith.constant 0 : i32
    %dma_start3A_243 = tpu.memref_slice %arg13[%dma_start3A_241, %dma_start3A_242] : memref<10240x64xf32, #tpu.memory_space<vmem_shared>> -> memref<10240x64xf32, #tpu.memory_space<vmem_shared>>
    tpu.enqueue_indirect_dma source(%arg10 : memref<200x64xf32, #tpu.memory_space<vmem>>) target(%dma_start3A_243 : memref<10240x64xf32, #tpu.memory_space<vmem_shared>>) offsets(%dma_start3A_240 : memref<200xi32, #tpu.memory_space<vmem>>) semaphore(%arg15 : memref<!tpu.dma_semaphore, #tpu.memory_space<semaphore_mem>>) {add = true}
    %dma_wait3A_244 = arith.constant 1600 : i32
    %dma_wait3A_245 = tpu.memref_slice %arg6[%dma_wait3A_244] : memref<10000xi32, #tpu.memory_space<vmem>> -> memref<200xi32, #tpu.memory_space<vmem>>
    %dma_wait3A_246 = arith.constant 0 : i32
    %dma_wait3A_247 = arith.constant 0 : i32
    %dma_wait3A_248 = tpu.memref_slice %arg13[%dma_wait3A_246, %dma_wait3A_247] : memref<10240x64xf32, #tpu.memory_space<vmem_shared>> -> memref<10240x64xf32, #tpu.memory_space<vmem_shared>>
    tpu.wait_indirect_dma semaphore(%arg15 : memref<!tpu.dma_semaphore, #tpu.memory_space<semaphore_mem>>) src(%arg10 : memref<200x64xf32, #tpu.memory_space<vmem>>) dst(%dma_wait3A_248 : memref<10240x64xf32, #tpu.memory_space<vmem_shared>>)
    %dma_start3A_249 = arith.constant 2600 : i32
    %dma_start3A_250 = tpu.memref_slice %arg5[%dma_start3A_249] : memref<10000xi32, #tpu.memory_space<vmem>> -> memref<200xi32, #tpu.memory_space<vmem>>
    %dma_start3A_251 = arith.constant 0 : i32
    %dma_start3A_252 = arith.constant 0 : i32
    %dma_start3A_253 = tpu.memref_slice %arg2[%dma_start3A_251, %dma_start3A_252] : memref<10000x64xf32, #tpu.memory_space<hbm>> -> memref<10000x64xf32, #tpu.memory_space<hbm>>
    tpu.enqueue_indirect_dma source(%dma_start3A_253 : memref<10000x64xf32, #tpu.memory_space<hbm>>) target(%arg10 : memref<200x64xf32, #tpu.memory_space<vmem>>) offsets(%dma_start3A_250 : memref<200xi32, #tpu.memory_space<vmem>>) semaphore(%arg14 : memref<!tpu.dma_semaphore, #tpu.memory_space<semaphore_mem>>)
    %dma_wait3A_254 = arith.constant 1800 : i32
    %dma_wait3A_255 = tpu.memref_slice %arg5[%dma_wait3A_254] : memref<10000xi32, #tpu.memory_space<vmem>> -> memref<200xi32, #tpu.memory_space<vmem>>
    %dma_wait3A_256 = arith.constant 0 : i32
    %dma_wait3A_257 = arith.constant 0 : i32
    %dma_wait3A_258 = tpu.memref_slice %arg2[%dma_wait3A_256, %dma_wait3A_257] : memref<10000x64xf32, #tpu.memory_space<hbm>> -> memref<10000x64xf32, #tpu.memory_space<hbm>>
    tpu.wait_indirect_dma semaphore(%arg14 : memref<!tpu.dma_semaphore, #tpu.memory_space<semaphore_mem>>) src(%dma_wait3A_258 : memref<10000x64xf32, #tpu.memory_space<hbm>>) dst(%arg11 : memref<200x64xf32, #tpu.memory_space<vmem>>)
    %dma_start3A_259 = arith.constant 1800 : i32
    %dma_start3A_260 = tpu.memref_slice %arg6[%dma_start3A_259] : memref<10000xi32, #tpu.memory_space<vmem>> -> memref<200xi32, #tpu.memory_space<vmem>>
    %dma_start3A_261 = arith.constant 0 : i32
    %dma_start3A_262 = arith.constant 0 : i32
    %dma_start3A_263 = tpu.memref_slice %arg13[%dma_start3A_261, %dma_start3A_262] : memref<10240x64xf32, #tpu.memory_space<vmem_shared>> -> memref<10240x64xf32, #tpu.memory_space<vmem_shared>>
    tpu.enqueue_indirect_dma source(%arg11 : memref<200x64xf32, #tpu.memory_space<vmem>>) target(%dma_start3A_263 : memref<10240x64xf32, #tpu.memory_space<vmem_shared>>) offsets(%dma_start3A_260 : memref<200xi32, #tpu.memory_space<vmem>>) semaphore(%arg15 : memref<!tpu.dma_semaphore, #tpu.memory_space<semaphore_mem>>) {add = true}
    %dma_wait3A_264 = arith.constant 1800 : i32
    %dma_wait3A_265 = tpu.memref_slice %arg6[%dma_wait3A_264] : memref<10000xi32, #tpu.memory_space<vmem>> -> memref<200xi32, #tpu.memory_space<vmem>>
    %dma_wait3A_266 = arith.constant 0 : i32
    %dma_wait3A_267 = arith.constant 0 : i32
    %dma_wait3A_268 = tpu.memref_slice %arg13[%dma_wait3A_266, %dma_wait3A_267] : memref<10240x64xf32, #tpu.memory_space<vmem_shared>> -> memref<10240x64xf32, #tpu.memory_space<vmem_shared>>
    tpu.wait_indirect_dma semaphore(%arg15 : memref<!tpu.dma_semaphore, #tpu.memory_space<semaphore_mem>>) src(%arg11 : memref<200x64xf32, #tpu.memory_space<vmem>>) dst(%dma_wait3A_268 : memref<10240x64xf32, #tpu.memory_space<vmem_shared>>)
    %dma_start3A_269 = arith.constant 2800 : i32
    %dma_start3A_270 = tpu.memref_slice %arg5[%dma_start3A_269] : memref<10000xi32, #tpu.memory_space<vmem>> -> memref<200xi32, #tpu.memory_space<vmem>>
    %dma_start3A_271 = arith.constant 0 : i32
    %dma_start3A_272 = arith.constant 0 : i32
    %dma_start3A_273 = tpu.memref_slice %arg2[%dma_start3A_271, %dma_start3A_272] : memref<10000x64xf32, #tpu.memory_space<hbm>> -> memref<10000x64xf32, #tpu.memory_space<hbm>>
    tpu.enqueue_indirect_dma source(%dma_start3A_273 : memref<10000x64xf32, #tpu.memory_space<hbm>>) target(%arg11 : memref<200x64xf32, #tpu.memory_space<vmem>>) offsets(%dma_start3A_270 : memref<200xi32, #tpu.memory_space<vmem>>) semaphore(%arg14 : memref<!tpu.dma_semaphore, #tpu.memory_space<semaphore_mem>>)
    %dma_wait3A_274 = arith.constant 2000 : i32
    %dma_wait3A_275 = tpu.memref_slice %arg5[%dma_wait3A_274] : memref<10000xi32, #tpu.memory_space<vmem>> -> memref<200xi32, #tpu.memory_space<vmem>>
    %dma_wait3A_276 = arith.constant 0 : i32
    %dma_wait3A_277 = arith.constant 0 : i32
    %dma_wait3A_278 = tpu.memref_slice %arg2[%dma_wait3A_276, %dma_wait3A_277] : memref<10000x64xf32, #tpu.memory_space<hbm>> -> memref<10000x64xf32, #tpu.memory_space<hbm>>
    tpu.wait_indirect_dma semaphore(%arg14 : memref<!tpu.dma_semaphore, #tpu.memory_space<semaphore_mem>>) src(%dma_wait3A_278 : memref<10000x64xf32, #tpu.memory_space<hbm>>) dst(%arg7 : memref<200x64xf32, #tpu.memory_space<vmem>>)
    %dma_start3A_279 = arith.constant 2000 : i32
    %dma_start3A_280 = tpu.memref_slice %arg6[%dma_start3A_279] : memref<10000xi32, #tpu.memory_space<vmem>> -> memref<200xi32, #tpu.memory_space<vmem>>
    %dma_start3A_281 = arith.constant 0 : i32
    %dma_start3A_282 = arith.constant 0 : i32
    %dma_start3A_283 = tpu.memref_slice %arg13[%dma_start3A_281, %dma_start3A_282] : memref<10240x64xf32, #tpu.memory_space<vmem_shared>> -> memref<10240x64xf32, #tpu.memory_space<vmem_shared>>
    tpu.enqueue_indirect_dma source(%arg7 : memref<200x64xf32, #tpu.memory_space<vmem>>) target(%dma_start3A_283 : memref<10240x64xf32, #tpu.memory_space<vmem_shared>>) offsets(%dma_start3A_280 : memref<200xi32, #tpu.memory_space<vmem>>) semaphore(%arg15 : memref<!tpu.dma_semaphore, #tpu.memory_space<semaphore_mem>>) {add = true}
    %dma_wait3A_284 = arith.constant 2000 : i32
    %dma_wait3A_285 = tpu.memref_slice %arg6[%dma_wait3A_284] : memref<10000xi32, #tpu.memory_space<vmem>> -> memref<200xi32, #tpu.memory_space<vmem>>
    %dma_wait3A_286 = arith.constant 0 : i32
    %dma_wait3A_287 = arith.constant 0 : i32
    %dma_wait3A_288 = tpu.memref_slice %arg13[%dma_wait3A_286, %dma_wait3A_287] : memref<10240x64xf32, #tpu.memory_space<vmem_shared>> -> memref<10240x64xf32, #tpu.memory_space<vmem_shared>>
    tpu.wait_indirect_dma semaphore(%arg15 : memref<!tpu.dma_semaphore, #tpu.memory_space<semaphore_mem>>) src(%arg7 : memref<200x64xf32, #tpu.memory_space<vmem>>) dst(%dma_wait3A_288 : memref<10240x64xf32, #tpu.memory_space<vmem_shared>>)
    %dma_start3A_289 = arith.constant 3000 : i32
    %dma_start3A_290 = tpu.memref_slice %arg5[%dma_start3A_289] : memref<10000xi32, #tpu.memory_space<vmem>> -> memref<200xi32, #tpu.memory_space<vmem>>
    %dma_start3A_291 = arith.constant 0 : i32
    %dma_start3A_292 = arith.constant 0 : i32
    %dma_start3A_293 = tpu.memref_slice %arg2[%dma_start3A_291, %dma_start3A_292] : memref<10000x64xf32, #tpu.memory_space<hbm>> -> memref<10000x64xf32, #tpu.memory_space<hbm>>
    tpu.enqueue_indirect_dma source(%dma_start3A_293 : memref<10000x64xf32, #tpu.memory_space<hbm>>) target(%arg7 : memref<200x64xf32, #tpu.memory_space<vmem>>) offsets(%dma_start3A_290 : memref<200xi32, #tpu.memory_space<vmem>>) semaphore(%arg14 : memref<!tpu.dma_semaphore, #tpu.memory_space<semaphore_mem>>)
    %dma_wait3A_294 = arith.constant 2200 : i32
    %dma_wait3A_295 = tpu.memref_slice %arg5[%dma_wait3A_294] : memref<10000xi32, #tpu.memory_space<vmem>> -> memref<200xi32, #tpu.memory_space<vmem>>
    %dma_wait3A_296 = arith.constant 0 : i32
    %dma_wait3A_297 = arith.constant 0 : i32
    %dma_wait3A_298 = tpu.memref_slice %arg2[%dma_wait3A_296, %dma_wait3A_297] : memref<10000x64xf32, #tpu.memory_space<hbm>> -> memref<10000x64xf32, #tpu.memory_space<hbm>>
    tpu.wait_indirect_dma semaphore(%arg14 : memref<!tpu.dma_semaphore, #tpu.memory_space<semaphore_mem>>) src(%dma_wait3A_298 : memref<10000x64xf32, #tpu.memory_space<hbm>>) dst(%arg8 : memref<200x64xf32, #tpu.memory_space<vmem>>)
    %dma_start3A_299 = arith.constant 2200 : i32
    %dma_start3A_300 = tpu.memref_slice %arg6[%dma_start3A_299] : memref<10000xi32, #tpu.memory_space<vmem>> -> memref<200xi32, #tpu.memory_space<vmem>>
    %dma_start3A_301 = arith.constant 0 : i32
    %dma_start3A_302 = arith.constant 0 : i32
    %dma_start3A_303 = tpu.memref_slice %arg13[%dma_start3A_301, %dma_start3A_302] : memref<10240x64xf32, #tpu.memory_space<vmem_shared>> -> memref<10240x64xf32, #tpu.memory_space<vmem_shared>>
    tpu.enqueue_indirect_dma source(%arg8 : memref<200x64xf32, #tpu.memory_space<vmem>>) target(%dma_start3A_303 : memref<10240x64xf32, #tpu.memory_space<vmem_shared>>) offsets(%dma_start3A_300 : memref<200xi32, #tpu.memory_space<vmem>>) semaphore(%arg15 : memref<!tpu.dma_semaphore, #tpu.memory_space<semaphore_mem>>) {add = true}
    %dma_wait3A_304 = arith.constant 2200 : i32
    %dma_wait3A_305 = tpu.memref_slice %arg6[%dma_wait3A_304] : memref<10000xi32, #tpu.memory_space<vmem>> -> memref<200xi32, #tpu.memory_space<vmem>>
    %dma_wait3A_306 = arith.constant 0 : i32
    %dma_wait3A_307 = arith.constant 0 : i32
    %dma_wait3A_308 = tpu.memref_slice %arg13[%dma_wait3A_306, %dma_wait3A_307] : memref<10240x64xf32, #tpu.memory_space<vmem_shared>> -> memref<10240x64xf32, #tpu.memory_space<vmem_shared>>
    tpu.wait_indirect_dma semaphore(%arg15 : memref<!tpu.dma_semaphore, #tpu.memory_space<semaphore_mem>>) src(%arg8 : memref<200x64xf32, #tpu.memory_space<vmem>>) dst(%dma_wait3A_308 : memref<10240x64xf32, #tpu.memory_space<vmem_shared>>)
    %dma_start3A_309 = arith.constant 3200 : i32
    %dma_start3A_310 = tpu.memref_slice %arg5[%dma_start3A_309] : memref<10000xi32, #tpu.memory_space<vmem>> -> memref<200xi32, #tpu.memory_space<vmem>>
    %dma_start3A_311 = arith.constant 0 : i32
    %dma_start3A_312 = arith.constant 0 : i32
    %dma_start3A_313 = tpu.memref_slice %arg2[%dma_start3A_311, %dma_start3A_312] : memref<10000x64xf32, #tpu.memory_space<hbm>> -> memref<10000x64xf32, #tpu.memory_space<hbm>>
    tpu.enqueue_indirect_dma source(%dma_start3A_313 : memref<10000x64xf32, #tpu.memory_space<hbm>>) target(%arg8 : memref<200x64xf32, #tpu.memory_space<vmem>>) offsets(%dma_start3A_310 : memref<200xi32, #tpu.memory_space<vmem>>) semaphore(%arg14 : memref<!tpu.dma_semaphore, #tpu.memory_space<semaphore_mem>>)
    %dma_wait3A_314 = arith.constant 2400 : i32
    %dma_wait3A_315 = tpu.memref_slice %arg5[%dma_wait3A_314] : memref<10000xi32, #tpu.memory_space<vmem>> -> memref<200xi32, #tpu.memory_space<vmem>>
    %dma_wait3A_316 = arith.constant 0 : i32
    %dma_wait3A_317 = arith.constant 0 : i32
    %dma_wait3A_318 = tpu.memref_slice %arg2[%dma_wait3A_316, %dma_wait3A_317] : memref<10000x64xf32, #tpu.memory_space<hbm>> -> memref<10000x64xf32, #tpu.memory_space<hbm>>
    tpu.wait_indirect_dma semaphore(%arg14 : memref<!tpu.dma_semaphore, #tpu.memory_space<semaphore_mem>>) src(%dma_wait3A_318 : memref<10000x64xf32, #tpu.memory_space<hbm>>) dst(%arg9 : memref<200x64xf32, #tpu.memory_space<vmem>>)
    %dma_start3A_319 = arith.constant 2400 : i32
    %dma_start3A_320 = tpu.memref_slice %arg6[%dma_start3A_319] : memref<10000xi32, #tpu.memory_space<vmem>> -> memref<200xi32, #tpu.memory_space<vmem>>
    %dma_start3A_321 = arith.constant 0 : i32
    %dma_start3A_322 = arith.constant 0 : i32
    %dma_start3A_323 = tpu.memref_slice %arg13[%dma_start3A_321, %dma_start3A_322] : memref<10240x64xf32, #tpu.memory_space<vmem_shared>> -> memref<10240x64xf32, #tpu.memory_space<vmem_shared>>
    tpu.enqueue_indirect_dma source(%arg9 : memref<200x64xf32, #tpu.memory_space<vmem>>) target(%dma_start3A_323 : memref<10240x64xf32, #tpu.memory_space<vmem_shared>>) offsets(%dma_start3A_320 : memref<200xi32, #tpu.memory_space<vmem>>) semaphore(%arg15 : memref<!tpu.dma_semaphore, #tpu.memory_space<semaphore_mem>>) {add = true}
    %dma_wait3A_324 = arith.constant 2400 : i32
    %dma_wait3A_325 = tpu.memref_slice %arg6[%dma_wait3A_324] : memref<10000xi32, #tpu.memory_space<vmem>> -> memref<200xi32, #tpu.memory_space<vmem>>
    %dma_wait3A_326 = arith.constant 0 : i32
    %dma_wait3A_327 = arith.constant 0 : i32
    %dma_wait3A_328 = tpu.memref_slice %arg13[%dma_wait3A_326, %dma_wait3A_327] : memref<10240x64xf32, #tpu.memory_space<vmem_shared>> -> memref<10240x64xf32, #tpu.memory_space<vmem_shared>>
    tpu.wait_indirect_dma semaphore(%arg15 : memref<!tpu.dma_semaphore, #tpu.memory_space<semaphore_mem>>) src(%arg9 : memref<200x64xf32, #tpu.memory_space<vmem>>) dst(%dma_wait3A_328 : memref<10240x64xf32, #tpu.memory_space<vmem_shared>>)
    %dma_start3A_329 = arith.constant 3400 : i32
    %dma_start3A_330 = tpu.memref_slice %arg5[%dma_start3A_329] : memref<10000xi32, #tpu.memory_space<vmem>> -> memref<200xi32, #tpu.memory_space<vmem>>
    %dma_start3A_331 = arith.constant 0 : i32
    %dma_start3A_332 = arith.constant 0 : i32
    %dma_start3A_333 = tpu.memref_slice %arg2[%dma_start3A_331, %dma_start3A_332] : memref<10000x64xf32, #tpu.memory_space<hbm>> -> memref<10000x64xf32, #tpu.memory_space<hbm>>
    tpu.enqueue_indirect_dma source(%dma_start3A_333 : memref<10000x64xf32, #tpu.memory_space<hbm>>) target(%arg9 : memref<200x64xf32, #tpu.memory_space<vmem>>) offsets(%dma_start3A_330 : memref<200xi32, #tpu.memory_space<vmem>>) semaphore(%arg14 : memref<!tpu.dma_semaphore, #tpu.memory_space<semaphore_mem>>)
    %dma_wait3A_334 = arith.constant 2600 : i32
    %dma_wait3A_335 = tpu.memref_slice %arg5[%dma_wait3A_334] : memref<10000xi32, #tpu.memory_space<vmem>> -> memref<200xi32, #tpu.memory_space<vmem>>
    %dma_wait3A_336 = arith.constant 0 : i32
    %dma_wait3A_337 = arith.constant 0 : i32
    %dma_wait3A_338 = tpu.memref_slice %arg2[%dma_wait3A_336, %dma_wait3A_337] : memref<10000x64xf32, #tpu.memory_space<hbm>> -> memref<10000x64xf32, #tpu.memory_space<hbm>>
    tpu.wait_indirect_dma semaphore(%arg14 : memref<!tpu.dma_semaphore, #tpu.memory_space<semaphore_mem>>) src(%dma_wait3A_338 : memref<10000x64xf32, #tpu.memory_space<hbm>>) dst(%arg10 : memref<200x64xf32, #tpu.memory_space<vmem>>)
    %dma_start3A_339 = arith.constant 2600 : i32
    %dma_start3A_340 = tpu.memref_slice %arg6[%dma_start3A_339] : memref<10000xi32, #tpu.memory_space<vmem>> -> memref<200xi32, #tpu.memory_space<vmem>>
    %dma_start3A_341 = arith.constant 0 : i32
    %dma_start3A_342 = arith.constant 0 : i32
    %dma_start3A_343 = tpu.memref_slice %arg13[%dma_start3A_341, %dma_start3A_342] : memref<10240x64xf32, #tpu.memory_space<vmem_shared>> -> memref<10240x64xf32, #tpu.memory_space<vmem_shared>>
    tpu.enqueue_indirect_dma source(%arg10 : memref<200x64xf32, #tpu.memory_space<vmem>>) target(%dma_start3A_343 : memref<10240x64xf32, #tpu.memory_space<vmem_shared>>) offsets(%dma_start3A_340 : memref<200xi32, #tpu.memory_space<vmem>>) semaphore(%arg15 : memref<!tpu.dma_semaphore, #tpu.memory_space<semaphore_mem>>) {add = true}
    %dma_wait3A_344 = arith.constant 2600 : i32
    %dma_wait3A_345 = tpu.memref_slice %arg6[%dma_wait3A_344] : memref<10000xi32, #tpu.memory_space<vmem>> -> memref<200xi32, #tpu.memory_space<vmem>>
    %dma_wait3A_346 = arith.constant 0 : i32
    %dma_wait3A_347 = arith.constant 0 : i32
    %dma_wait3A_348 = tpu.memref_slice %arg13[%dma_wait3A_346, %dma_wait3A_347] : memref<10240x64xf32, #tpu.memory_space<vmem_shared>> -> memref<10240x64xf32, #tpu.memory_space<vmem_shared>>
    tpu.wait_indirect_dma semaphore(%arg15 : memref<!tpu.dma_semaphore, #tpu.memory_space<semaphore_mem>>) src(%arg10 : memref<200x64xf32, #tpu.memory_space<vmem>>) dst(%dma_wait3A_348 : memref<10240x64xf32, #tpu.memory_space<vmem_shared>>)
    %dma_start3A_349 = arith.constant 3600 : i32
    %dma_start3A_350 = tpu.memref_slice %arg5[%dma_start3A_349] : memref<10000xi32, #tpu.memory_space<vmem>> -> memref<200xi32, #tpu.memory_space<vmem>>
    %dma_start3A_351 = arith.constant 0 : i32
    %dma_start3A_352 = arith.constant 0 : i32
    %dma_start3A_353 = tpu.memref_slice %arg2[%dma_start3A_351, %dma_start3A_352] : memref<10000x64xf32, #tpu.memory_space<hbm>> -> memref<10000x64xf32, #tpu.memory_space<hbm>>
    tpu.enqueue_indirect_dma source(%dma_start3A_353 : memref<10000x64xf32, #tpu.memory_space<hbm>>) target(%arg10 : memref<200x64xf32, #tpu.memory_space<vmem>>) offsets(%dma_start3A_350 : memref<200xi32, #tpu.memory_space<vmem>>) semaphore(%arg14 : memref<!tpu.dma_semaphore, #tpu.memory_space<semaphore_mem>>)
    %dma_wait3A_354 = arith.constant 2800 : i32
    %dma_wait3A_355 = tpu.memref_slice %arg5[%dma_wait3A_354] : memref<10000xi32, #tpu.memory_space<vmem>> -> memref<200xi32, #tpu.memory_space<vmem>>
    %dma_wait3A_356 = arith.constant 0 : i32
    %dma_wait3A_357 = arith.constant 0 : i32
    %dma_wait3A_358 = tpu.memref_slice %arg2[%dma_wait3A_356, %dma_wait3A_357] : memref<10000x64xf32, #tpu.memory_space<hbm>> -> memref<10000x64xf32, #tpu.memory_space<hbm>>
    tpu.wait_indirect_dma semaphore(%arg14 : memref<!tpu.dma_semaphore, #tpu.memory_space<semaphore_mem>>) src(%dma_wait3A_358 : memref<10000x64xf32, #tpu.memory_space<hbm>>) dst(%arg11 : memref<200x64xf32, #tpu.memory_space<vmem>>)
    %dma_start3A_359 = arith.constant 2800 : i32
    %dma_start3A_360 = tpu.memref_slice %arg6[%dma_start3A_359] : memref<10000xi32, #tpu.memory_space<vmem>> -> memref<200xi32, #tpu.memory_space<vmem>>
    %dma_start3A_361 = arith.constant 0 : i32
    %dma_start3A_362 = arith.constant 0 : i32
    %dma_start3A_363 = tpu.memref_slice %arg13[%dma_start3A_361, %dma_start3A_362] : memref<10240x64xf32, #tpu.memory_space<vmem_shared>> -> memref<10240x64xf32, #tpu.memory_space<vmem_shared>>
    tpu.enqueue_indirect_dma source(%arg11 : memref<200x64xf32, #tpu.memory_space<vmem>>) target(%dma_start3A_363 : memref<10240x64xf32, #tpu.memory_space<vmem_shared>>) offsets(%dma_start3A_360 : memref<200xi32, #tpu.memory_space<vmem>>) semaphore(%arg15 : memref<!tpu.dma_semaphore, #tpu.memory_space<semaphore_mem>>) {add = true}
    %dma_wait3A_364 = arith.constant 2800 : i32
    %dma_wait3A_365 = tpu.memref_slice %arg6[%dma_wait3A_364] : memref<10000xi32, #tpu.memory_space<vmem>> -> memref<200xi32, #tpu.memory_space<vmem>>
    %dma_wait3A_366 = arith.constant 0 : i32
    %dma_wait3A_367 = arith.constant 0 : i32
    %dma_wait3A_368 = tpu.memref_slice %arg13[%dma_wait3A_366, %dma_wait3A_367] : memref<10240x64xf32, #tpu.memory_space<vmem_shared>> -> memref<10240x64xf32, #tpu.memory_space<vmem_shared>>
    tpu.wait_indirect_dma semaphore(%arg15 : memref<!tpu.dma_semaphore, #tpu.memory_space<semaphore_mem>>) src(%arg11 : memref<200x64xf32, #tpu.memory_space<vmem>>) dst(%dma_wait3A_368 : memref<10240x64xf32, #tpu.memory_space<vmem_shared>>)
    %dma_start3A_369 = arith.constant 3800 : i32
    %dma_start3A_370 = tpu.memref_slice %arg5[%dma_start3A_369] : memref<10000xi32, #tpu.memory_space<vmem>> -> memref<200xi32, #tpu.memory_space<vmem>>
    %dma_start3A_371 = arith.constant 0 : i32
    %dma_start3A_372 = arith.constant 0 : i32
    %dma_start3A_373 = tpu.memref_slice %arg2[%dma_start3A_371, %dma_start3A_372] : memref<10000x64xf32, #tpu.memory_space<hbm>> -> memref<10000x64xf32, #tpu.memory_space<hbm>>
    tpu.enqueue_indirect_dma source(%dma_start3A_373 : memref<10000x64xf32, #tpu.memory_space<hbm>>) target(%arg11 : memref<200x64xf32, #tpu.memory_space<vmem>>) offsets(%dma_start3A_370 : memref<200xi32, #tpu.memory_space<vmem>>) semaphore(%arg14 : memref<!tpu.dma_semaphore, #tpu.memory_space<semaphore_mem>>)
    %dma_wait3A_374 = arith.constant 3000 : i32
    %dma_wait3A_375 = tpu.memref_slice %arg5[%dma_wait3A_374] : memref<10000xi32, #tpu.memory_space<vmem>> -> memref<200xi32, #tpu.memory_space<vmem>>
    %dma_wait3A_376 = arith.constant 0 : i32
    %dma_wait3A_377 = arith.constant 0 : i32
    %dma_wait3A_378 = tpu.memref_slice %arg2[%dma_wait3A_376, %dma_wait3A_377] : memref<10000x64xf32, #tpu.memory_space<hbm>> -> memref<10000x64xf32, #tpu.memory_space<hbm>>
    tpu.wait_indirect_dma semaphore(%arg14 : memref<!tpu.dma_semaphore, #tpu.memory_space<semaphore_mem>>) src(%dma_wait3A_378 : memref<10000x64xf32, #tpu.memory_space<hbm>>) dst(%arg7 : memref<200x64xf32, #tpu.memory_space<vmem>>)
    %dma_start3A_379 = arith.constant 3000 : i32
    %dma_start3A_380 = tpu.memref_slice %arg6[%dma_start3A_379] : memref<10000xi32, #tpu.memory_space<vmem>> -> memref<200xi32, #tpu.memory_space<vmem>>
    %dma_start3A_381 = arith.constant 0 : i32
    %dma_start3A_382 = arith.constant 0 : i32
    %dma_start3A_383 = tpu.memref_slice %arg13[%dma_start3A_381, %dma_start3A_382] : memref<10240x64xf32, #tpu.memory_space<vmem_shared>> -> memref<10240x64xf32, #tpu.memory_space<vmem_shared>>
    tpu.enqueue_indirect_dma source(%arg7 : memref<200x64xf32, #tpu.memory_space<vmem>>) target(%dma_start3A_383 : memref<10240x64xf32, #tpu.memory_space<vmem_shared>>) offsets(%dma_start3A_380 : memref<200xi32, #tpu.memory_space<vmem>>) semaphore(%arg15 : memref<!tpu.dma_semaphore, #tpu.memory_space<semaphore_mem>>) {add = true}
    %dma_wait3A_384 = arith.constant 3000 : i32
    %dma_wait3A_385 = tpu.memref_slice %arg6[%dma_wait3A_384] : memref<10000xi32, #tpu.memory_space<vmem>> -> memref<200xi32, #tpu.memory_space<vmem>>
    %dma_wait3A_386 = arith.constant 0 : i32
    %dma_wait3A_387 = arith.constant 0 : i32
    %dma_wait3A_388 = tpu.memref_slice %arg13[%dma_wait3A_386, %dma_wait3A_387] : memref<10240x64xf32, #tpu.memory_space<vmem_shared>> -> memref<10240x64xf32, #tpu.memory_space<vmem_shared>>
    tpu.wait_indirect_dma semaphore(%arg15 : memref<!tpu.dma_semaphore, #tpu.memory_space<semaphore_mem>>) src(%arg7 : memref<200x64xf32, #tpu.memory_space<vmem>>) dst(%dma_wait3A_388 : memref<10240x64xf32, #tpu.memory_space<vmem_shared>>)
    %dma_start3A_389 = arith.constant 4000 : i32
    %dma_start3A_390 = tpu.memref_slice %arg5[%dma_start3A_389] : memref<10000xi32, #tpu.memory_space<vmem>> -> memref<200xi32, #tpu.memory_space<vmem>>
    %dma_start3A_391 = arith.constant 0 : i32
    %dma_start3A_392 = arith.constant 0 : i32
    %dma_start3A_393 = tpu.memref_slice %arg2[%dma_start3A_391, %dma_start3A_392] : memref<10000x64xf32, #tpu.memory_space<hbm>> -> memref<10000x64xf32, #tpu.memory_space<hbm>>
    tpu.enqueue_indirect_dma source(%dma_start3A_393 : memref<10000x64xf32, #tpu.memory_space<hbm>>) target(%arg7 : memref<200x64xf32, #tpu.memory_space<vmem>>) offsets(%dma_start3A_390 : memref<200xi32, #tpu.memory_space<vmem>>) semaphore(%arg14 : memref<!tpu.dma_semaphore, #tpu.memory_space<semaphore_mem>>)
    %dma_wait3A_394 = arith.constant 3200 : i32
    %dma_wait3A_395 = tpu.memref_slice %arg5[%dma_wait3A_394] : memref<10000xi32, #tpu.memory_space<vmem>> -> memref<200xi32, #tpu.memory_space<vmem>>
    %dma_wait3A_396 = arith.constant 0 : i32
    %dma_wait3A_397 = arith.constant 0 : i32
    %dma_wait3A_398 = tpu.memref_slice %arg2[%dma_wait3A_396, %dma_wait3A_397] : memref<10000x64xf32, #tpu.memory_space<hbm>> -> memref<10000x64xf32, #tpu.memory_space<hbm>>
    tpu.wait_indirect_dma semaphore(%arg14 : memref<!tpu.dma_semaphore, #tpu.memory_space<semaphore_mem>>) src(%dma_wait3A_398 : memref<10000x64xf32, #tpu.memory_space<hbm>>) dst(%arg8 : memref<200x64xf32, #tpu.memory_space<vmem>>)
    %dma_start3A_399 = arith.constant 3200 : i32
    %dma_start3A_400 = tpu.memref_slice %arg6[%dma_start3A_399] : memref<10000xi32, #tpu.memory_space<vmem>> -> memref<200xi32, #tpu.memory_space<vmem>>
    %dma_start3A_401 = arith.constant 0 : i32
    %dma_start3A_402 = arith.constant 0 : i32
    %dma_start3A_403 = tpu.memref_slice %arg13[%dma_start3A_401, %dma_start3A_402] : memref<10240x64xf32, #tpu.memory_space<vmem_shared>> -> memref<10240x64xf32, #tpu.memory_space<vmem_shared>>
    tpu.enqueue_indirect_dma source(%arg8 : memref<200x64xf32, #tpu.memory_space<vmem>>) target(%dma_start3A_403 : memref<10240x64xf32, #tpu.memory_space<vmem_shared>>) offsets(%dma_start3A_400 : memref<200xi32, #tpu.memory_space<vmem>>) semaphore(%arg15 : memref<!tpu.dma_semaphore, #tpu.memory_space<semaphore_mem>>) {add = true}
    %dma_wait3A_404 = arith.constant 3200 : i32
    %dma_wait3A_405 = tpu.memref_slice %arg6[%dma_wait3A_404] : memref<10000xi32, #tpu.memory_space<vmem>> -> memref<200xi32, #tpu.memory_space<vmem>>
    %dma_wait3A_406 = arith.constant 0 : i32
    %dma_wait3A_407 = arith.constant 0 : i32
    %dma_wait3A_408 = tpu.memref_slice %arg13[%dma_wait3A_406, %dma_wait3A_407] : memref<10240x64xf32, #tpu.memory_space<vmem_shared>> -> memref<10240x64xf32, #tpu.memory_space<vmem_shared>>
    tpu.wait_indirect_dma semaphore(%arg15 : memref<!tpu.dma_semaphore, #tpu.memory_space<semaphore_mem>>) src(%arg8 : memref<200x64xf32, #tpu.memory_space<vmem>>) dst(%dma_wait3A_408 : memref<10240x64xf32, #tpu.memory_space<vmem_shared>>)
    %dma_start3A_409 = arith.constant 4200 : i32
    %dma_start3A_410 = tpu.memref_slice %arg5[%dma_start3A_409] : memref<10000xi32, #tpu.memory_space<vmem>> -> memref<200xi32, #tpu.memory_space<vmem>>
    %dma_start3A_411 = arith.constant 0 : i32
    %dma_start3A_412 = arith.constant 0 : i32
    %dma_start3A_413 = tpu.memref_slice %arg2[%dma_start3A_411, %dma_start3A_412] : memref<10000x64xf32, #tpu.memory_space<hbm>> -> memref<10000x64xf32, #tpu.memory_space<hbm>>
    tpu.enqueue_indirect_dma source(%dma_start3A_413 : memref<10000x64xf32, #tpu.memory_space<hbm>>) target(%arg8 : memref<200x64xf32, #tpu.memory_space<vmem>>) offsets(%dma_start3A_410 : memref<200xi32, #tpu.memory_space<vmem>>) semaphore(%arg14 : memref<!tpu.dma_semaphore, #tpu.memory_space<semaphore_mem>>)
    %dma_wait3A_414 = arith.constant 3400 : i32
    %dma_wait3A_415 = tpu.memref_slice %arg5[%dma_wait3A_414] : memref<10000xi32, #tpu.memory_space<vmem>> -> memref<200xi32, #tpu.memory_space<vmem>>
    %dma_wait3A_416 = arith.constant 0 : i32
    %dma_wait3A_417 = arith.constant 0 : i32
    %dma_wait3A_418 = tpu.memref_slice %arg2[%dma_wait3A_416, %dma_wait3A_417] : memref<10000x64xf32, #tpu.memory_space<hbm>> -> memref<10000x64xf32, #tpu.memory_space<hbm>>
    tpu.wait_indirect_dma semaphore(%arg14 : memref<!tpu.dma_semaphore, #tpu.memory_space<semaphore_mem>>) src(%dma_wait3A_418 : memref<10000x64xf32, #tpu.memory_space<hbm>>) dst(%arg9 : memref<200x64xf32, #tpu.memory_space<vmem>>)
    %dma_start3A_419 = arith.constant 3400 : i32
    %dma_start3A_420 = tpu.memref_slice %arg6[%dma_start3A_419] : memref<10000xi32, #tpu.memory_space<vmem>> -> memref<200xi32, #tpu.memory_space<vmem>>
    %dma_start3A_421 = arith.constant 0 : i32
    %dma_start3A_422 = arith.constant 0 : i32
    %dma_start3A_423 = tpu.memref_slice %arg13[%dma_start3A_421, %dma_start3A_422] : memref<10240x64xf32, #tpu.memory_space<vmem_shared>> -> memref<10240x64xf32, #tpu.memory_space<vmem_shared>>
    tpu.enqueue_indirect_dma source(%arg9 : memref<200x64xf32, #tpu.memory_space<vmem>>) target(%dma_start3A_423 : memref<10240x64xf32, #tpu.memory_space<vmem_shared>>) offsets(%dma_start3A_420 : memref<200xi32, #tpu.memory_space<vmem>>) semaphore(%arg15 : memref<!tpu.dma_semaphore, #tpu.memory_space<semaphore_mem>>) {add = true}
    %dma_wait3A_424 = arith.constant 3400 : i32
    %dma_wait3A_425 = tpu.memref_slice %arg6[%dma_wait3A_424] : memref<10000xi32, #tpu.memory_space<vmem>> -> memref<200xi32, #tpu.memory_space<vmem>>
    %dma_wait3A_426 = arith.constant 0 : i32
    %dma_wait3A_427 = arith.constant 0 : i32
    %dma_wait3A_428 = tpu.memref_slice %arg13[%dma_wait3A_426, %dma_wait3A_427] : memref<10240x64xf32, #tpu.memory_space<vmem_shared>> -> memref<10240x64xf32, #tpu.memory_space<vmem_shared>>
    tpu.wait_indirect_dma semaphore(%arg15 : memref<!tpu.dma_semaphore, #tpu.memory_space<semaphore_mem>>) src(%arg9 : memref<200x64xf32, #tpu.memory_space<vmem>>) dst(%dma_wait3A_428 : memref<10240x64xf32, #tpu.memory_space<vmem_shared>>)
    %dma_start3A_429 = arith.constant 4400 : i32
    %dma_start3A_430 = tpu.memref_slice %arg5[%dma_start3A_429] : memref<10000xi32, #tpu.memory_space<vmem>> -> memref<200xi32, #tpu.memory_space<vmem>>
    %dma_start3A_431 = arith.constant 0 : i32
    %dma_start3A_432 = arith.constant 0 : i32
    %dma_start3A_433 = tpu.memref_slice %arg2[%dma_start3A_431, %dma_start3A_432] : memref<10000x64xf32, #tpu.memory_space<hbm>> -> memref<10000x64xf32, #tpu.memory_space<hbm>>
    tpu.enqueue_indirect_dma source(%dma_start3A_433 : memref<10000x64xf32, #tpu.memory_space<hbm>>) target(%arg9 : memref<200x64xf32, #tpu.memory_space<vmem>>) offsets(%dma_start3A_430 : memref<200xi32, #tpu.memory_space<vmem>>) semaphore(%arg14 : memref<!tpu.dma_semaphore, #tpu.memory_space<semaphore_mem>>)
    %dma_wait3A_434 = arith.constant 3600 : i32
    %dma_wait3A_435 = tpu.memref_slice %arg5[%dma_wait3A_434] : memref<10000xi32, #tpu.memory_space<vmem>> -> memref<200xi32, #tpu.memory_space<vmem>>
    %dma_wait3A_436 = arith.constant 0 : i32
    %dma_wait3A_437 = arith.constant 0 : i32
    %dma_wait3A_438 = tpu.memref_slice %arg2[%dma_wait3A_436, %dma_wait3A_437] : memref<10000x64xf32, #tpu.memory_space<hbm>> -> memref<10000x64xf32, #tpu.memory_space<hbm>>
    tpu.wait_indirect_dma semaphore(%arg14 : memref<!tpu.dma_semaphore, #tpu.memory_space<semaphore_mem>>) src(%dma_wait3A_438 : memref<10000x64xf32, #tpu.memory_space<hbm>>) dst(%arg10 : memref<200x64xf32, #tpu.memory_space<vmem>>)
    %dma_start3A_439 = arith.constant 3600 : i32
    %dma_start3A_440 = tpu.memref_slice %arg6[%dma_start3A_439] : memref<10000xi32, #tpu.memory_space<vmem>> -> memref<200xi32, #tpu.memory_space<vmem>>
    %dma_start3A_441 = arith.constant 0 : i32
    %dma_start3A_442 = arith.constant 0 : i32
    %dma_start3A_443 = tpu.memref_slice %arg13[%dma_start3A_441, %dma_start3A_442] : memref<10240x64xf32, #tpu.memory_space<vmem_shared>> -> memref<10240x64xf32, #tpu.memory_space<vmem_shared>>
    tpu.enqueue_indirect_dma source(%arg10 : memref<200x64xf32, #tpu.memory_space<vmem>>) target(%dma_start3A_443 : memref<10240x64xf32, #tpu.memory_space<vmem_shared>>) offsets(%dma_start3A_440 : memref<200xi32, #tpu.memory_space<vmem>>) semaphore(%arg15 : memref<!tpu.dma_semaphore, #tpu.memory_space<semaphore_mem>>) {add = true}
    %dma_wait3A_444 = arith.constant 3600 : i32
    %dma_wait3A_445 = tpu.memref_slice %arg6[%dma_wait3A_444] : memref<10000xi32, #tpu.memory_space<vmem>> -> memref<200xi32, #tpu.memory_space<vmem>>
    %dma_wait3A_446 = arith.constant 0 : i32
    %dma_wait3A_447 = arith.constant 0 : i32
    %dma_wait3A_448 = tpu.memref_slice %arg13[%dma_wait3A_446, %dma_wait3A_447] : memref<10240x64xf32, #tpu.memory_space<vmem_shared>> -> memref<10240x64xf32, #tpu.memory_space<vmem_shared>>
    tpu.wait_indirect_dma semaphore(%arg15 : memref<!tpu.dma_semaphore, #tpu.memory_space<semaphore_mem>>) src(%arg10 : memref<200x64xf32, #tpu.memory_space<vmem>>) dst(%dma_wait3A_448 : memref<10240x64xf32, #tpu.memory_space<vmem_shared>>)
    %dma_start3A_449 = arith.constant 4600 : i32
    %dma_start3A_450 = tpu.memref_slice %arg5[%dma_start3A_449] : memref<10000xi32, #tpu.memory_space<vmem>> -> memref<200xi32, #tpu.memory_space<vmem>>
    %dma_start3A_451 = arith.constant 0 : i32
    %dma_start3A_452 = arith.constant 0 : i32
    %dma_start3A_453 = tpu.memref_slice %arg2[%dma_start3A_451, %dma_start3A_452] : memref<10000x64xf32, #tpu.memory_space<hbm>> -> memref<10000x64xf32, #tpu.memory_space<hbm>>
    tpu.enqueue_indirect_dma source(%dma_start3A_453 : memref<10000x64xf32, #tpu.memory_space<hbm>>) target(%arg10 : memref<200x64xf32, #tpu.memory_space<vmem>>) offsets(%dma_start3A_450 : memref<200xi32, #tpu.memory_space<vmem>>) semaphore(%arg14 : memref<!tpu.dma_semaphore, #tpu.memory_space<semaphore_mem>>)
    %dma_wait3A_454 = arith.constant 3800 : i32
    %dma_wait3A_455 = tpu.memref_slice %arg5[%dma_wait3A_454] : memref<10000xi32, #tpu.memory_space<vmem>> -> memref<200xi32, #tpu.memory_space<vmem>>
    %dma_wait3A_456 = arith.constant 0 : i32
    %dma_wait3A_457 = arith.constant 0 : i32
    %dma_wait3A_458 = tpu.memref_slice %arg2[%dma_wait3A_456, %dma_wait3A_457] : memref<10000x64xf32, #tpu.memory_space<hbm>> -> memref<10000x64xf32, #tpu.memory_space<hbm>>
    tpu.wait_indirect_dma semaphore(%arg14 : memref<!tpu.dma_semaphore, #tpu.memory_space<semaphore_mem>>) src(%dma_wait3A_458 : memref<10000x64xf32, #tpu.memory_space<hbm>>) dst(%arg11 : memref<200x64xf32, #tpu.memory_space<vmem>>)
    %dma_start3A_459 = arith.constant 3800 : i32
    %dma_start3A_460 = tpu.memref_slice %arg6[%dma_start3A_459] : memref<10000xi32, #tpu.memory_space<vmem>> -> memref<200xi32, #tpu.memory_space<vmem>>
    %dma_start3A_461 = arith.constant 0 : i32
    %dma_start3A_462 = arith.constant 0 : i32
    %dma_start3A_463 = tpu.memref_slice %arg13[%dma_start3A_461, %dma_start3A_462] : memref<10240x64xf32, #tpu.memory_space<vmem_shared>> -> memref<10240x64xf32, #tpu.memory_space<vmem_shared>>
    tpu.enqueue_indirect_dma source(%arg11 : memref<200x64xf32, #tpu.memory_space<vmem>>) target(%dma_start3A_463 : memref<10240x64xf32, #tpu.memory_space<vmem_shared>>) offsets(%dma_start3A_460 : memref<200xi32, #tpu.memory_space<vmem>>) semaphore(%arg15 : memref<!tpu.dma_semaphore, #tpu.memory_space<semaphore_mem>>) {add = true}
    %dma_wait3A_464 = arith.constant 3800 : i32
    %dma_wait3A_465 = tpu.memref_slice %arg6[%dma_wait3A_464] : memref<10000xi32, #tpu.memory_space<vmem>> -> memref<200xi32, #tpu.memory_space<vmem>>
    %dma_wait3A_466 = arith.constant 0 : i32
    %dma_wait3A_467 = arith.constant 0 : i32
    %dma_wait3A_468 = tpu.memref_slice %arg13[%dma_wait3A_466, %dma_wait3A_467] : memref<10240x64xf32, #tpu.memory_space<vmem_shared>> -> memref<10240x64xf32, #tpu.memory_space<vmem_shared>>
    tpu.wait_indirect_dma semaphore(%arg15 : memref<!tpu.dma_semaphore, #tpu.memory_space<semaphore_mem>>) src(%arg11 : memref<200x64xf32, #tpu.memory_space<vmem>>) dst(%dma_wait3A_468 : memref<10240x64xf32, #tpu.memory_space<vmem_shared>>)
    %dma_start3A_469 = arith.constant 4800 : i32
    %dma_start3A_470 = tpu.memref_slice %arg5[%dma_start3A_469] : memref<10000xi32, #tpu.memory_space<vmem>> -> memref<200xi32, #tpu.memory_space<vmem>>
    %dma_start3A_471 = arith.constant 0 : i32
    %dma_start3A_472 = arith.constant 0 : i32
    %dma_start3A_473 = tpu.memref_slice %arg2[%dma_start3A_471, %dma_start3A_472] : memref<10000x64xf32, #tpu.memory_space<hbm>> -> memref<10000x64xf32, #tpu.memory_space<hbm>>
    tpu.enqueue_indirect_dma source(%dma_start3A_473 : memref<10000x64xf32, #tpu.memory_space<hbm>>) target(%arg11 : memref<200x64xf32, #tpu.memory_space<vmem>>) offsets(%dma_start3A_470 : memref<200xi32, #tpu.memory_space<vmem>>) semaphore(%arg14 : memref<!tpu.dma_semaphore, #tpu.memory_space<semaphore_mem>>)
    %dma_wait3A_474 = arith.constant 4000 : i32
    %dma_wait3A_475 = tpu.memref_slice %arg5[%dma_wait3A_474] : memref<10000xi32, #tpu.memory_space<vmem>> -> memref<200xi32, #tpu.memory_space<vmem>>
    %dma_wait3A_476 = arith.constant 0 : i32
    %dma_wait3A_477 = arith.constant 0 : i32
    %dma_wait3A_478 = tpu.memref_slice %arg2[%dma_wait3A_476, %dma_wait3A_477] : memref<10000x64xf32, #tpu.memory_space<hbm>> -> memref<10000x64xf32, #tpu.memory_space<hbm>>
    tpu.wait_indirect_dma semaphore(%arg14 : memref<!tpu.dma_semaphore, #tpu.memory_space<semaphore_mem>>) src(%dma_wait3A_478 : memref<10000x64xf32, #tpu.memory_space<hbm>>) dst(%arg7 : memref<200x64xf32, #tpu.memory_space<vmem>>)
    %dma_start3A_479 = arith.constant 4000 : i32
    %dma_start3A_480 = tpu.memref_slice %arg6[%dma_start3A_479] : memref<10000xi32, #tpu.memory_space<vmem>> -> memref<200xi32, #tpu.memory_space<vmem>>
    %dma_start3A_481 = arith.constant 0 : i32
    %dma_start3A_482 = arith.constant 0 : i32
    %dma_start3A_483 = tpu.memref_slice %arg13[%dma_start3A_481, %dma_start3A_482] : memref<10240x64xf32, #tpu.memory_space<vmem_shared>> -> memref<10240x64xf32, #tpu.memory_space<vmem_shared>>
    tpu.enqueue_indirect_dma source(%arg7 : memref<200x64xf32, #tpu.memory_space<vmem>>) target(%dma_start3A_483 : memref<10240x64xf32, #tpu.memory_space<vmem_shared>>) offsets(%dma_start3A_480 : memref<200xi32, #tpu.memory_space<vmem>>) semaphore(%arg15 : memref<!tpu.dma_semaphore, #tpu.memory_space<semaphore_mem>>) {add = true}
    %dma_wait3A_484 = arith.constant 4000 : i32
    %dma_wait3A_485 = tpu.memref_slice %arg6[%dma_wait3A_484] : memref<10000xi32, #tpu.memory_space<vmem>> -> memref<200xi32, #tpu.memory_space<vmem>>
    %dma_wait3A_486 = arith.constant 0 : i32
    %dma_wait3A_487 = arith.constant 0 : i32
    %dma_wait3A_488 = tpu.memref_slice %arg13[%dma_wait3A_486, %dma_wait3A_487] : memref<10240x64xf32, #tpu.memory_space<vmem_shared>> -> memref<10240x64xf32, #tpu.memory_space<vmem_shared>>
    tpu.wait_indirect_dma semaphore(%arg15 : memref<!tpu.dma_semaphore, #tpu.memory_space<semaphore_mem>>) src(%arg7 : memref<200x64xf32, #tpu.memory_space<vmem>>) dst(%dma_wait3A_488 : memref<10240x64xf32, #tpu.memory_space<vmem_shared>>)
    %dma_start3A_489 = arith.constant 5000 : i32
    %dma_start3A_490 = tpu.memref_slice %arg5[%dma_start3A_489] : memref<10000xi32, #tpu.memory_space<vmem>> -> memref<200xi32, #tpu.memory_space<vmem>>
    %dma_start3A_491 = arith.constant 0 : i32
    %dma_start3A_492 = arith.constant 0 : i32
    %dma_start3A_493 = tpu.memref_slice %arg2[%dma_start3A_491, %dma_start3A_492] : memref<10000x64xf32, #tpu.memory_space<hbm>> -> memref<10000x64xf32, #tpu.memory_space<hbm>>
    tpu.enqueue_indirect_dma source(%dma_start3A_493 : memref<10000x64xf32, #tpu.memory_space<hbm>>) target(%arg7 : memref<200x64xf32, #tpu.memory_space<vmem>>) offsets(%dma_start3A_490 : memref<200xi32, #tpu.memory_space<vmem>>) semaphore(%arg14 : memref<!tpu.dma_semaphore, #tpu.memory_space<semaphore_mem>>)
    %dma_wait3A_494 = arith.constant 4200 : i32
    %dma_wait3A_495 = tpu.memref_slice %arg5[%dma_wait3A_494] : memref<10000xi32, #tpu.memory_space<vmem>> -> memref<200xi32, #tpu.memory_space<vmem>>
    %dma_wait3A_496 = arith.constant 0 : i32
    %dma_wait3A_497 = arith.constant 0 : i32
    %dma_wait3A_498 = tpu.memref_slice %arg2[%dma_wait3A_496, %dma_wait3A_497] : memref<10000x64xf32, #tpu.memory_space<hbm>> -> memref<10000x64xf32, #tpu.memory_space<hbm>>
    tpu.wait_indirect_dma semaphore(%arg14 : memref<!tpu.dma_semaphore, #tpu.memory_space<semaphore_mem>>) src(%dma_wait3A_498 : memref<10000x64xf32, #tpu.memory_space<hbm>>) dst(%arg8 : memref<200x64xf32, #tpu.memory_space<vmem>>)
    %dma_start3A_499 = arith.constant 4200 : i32
    %dma_start3A_500 = tpu.memref_slice %arg6[%dma_start3A_499] : memref<10000xi32, #tpu.memory_space<vmem>> -> memref<200xi32, #tpu.memory_space<vmem>>
    %dma_start3A_501 = arith.constant 0 : i32
    %dma_start3A_502 = arith.constant 0 : i32
    %dma_start3A_503 = tpu.memref_slice %arg13[%dma_start3A_501, %dma_start3A_502] : memref<10240x64xf32, #tpu.memory_space<vmem_shared>> -> memref<10240x64xf32, #tpu.memory_space<vmem_shared>>
    tpu.enqueue_indirect_dma source(%arg8 : memref<200x64xf32, #tpu.memory_space<vmem>>) target(%dma_start3A_503 : memref<10240x64xf32, #tpu.memory_space<vmem_shared>>) offsets(%dma_start3A_500 : memref<200xi32, #tpu.memory_space<vmem>>) semaphore(%arg15 : memref<!tpu.dma_semaphore, #tpu.memory_space<semaphore_mem>>) {add = true}
    %dma_wait3A_504 = arith.constant 4200 : i32
    %dma_wait3A_505 = tpu.memref_slice %arg6[%dma_wait3A_504] : memref<10000xi32, #tpu.memory_space<vmem>> -> memref<200xi32, #tpu.memory_space<vmem>>
    %dma_wait3A_506 = arith.constant 0 : i32
    %dma_wait3A_507 = arith.constant 0 : i32
    %dma_wait3A_508 = tpu.memref_slice %arg13[%dma_wait3A_506, %dma_wait3A_507] : memref<10240x64xf32, #tpu.memory_space<vmem_shared>> -> memref<10240x64xf32, #tpu.memory_space<vmem_shared>>
    tpu.wait_indirect_dma semaphore(%arg15 : memref<!tpu.dma_semaphore, #tpu.memory_space<semaphore_mem>>) src(%arg8 : memref<200x64xf32, #tpu.memory_space<vmem>>) dst(%dma_wait3A_508 : memref<10240x64xf32, #tpu.memory_space<vmem_shared>>)
    %dma_start3A_509 = arith.constant 5200 : i32
    %dma_start3A_510 = tpu.memref_slice %arg5[%dma_start3A_509] : memref<10000xi32, #tpu.memory_space<vmem>> -> memref<200xi32, #tpu.memory_space<vmem>>
    %dma_start3A_511 = arith.constant 0 : i32
    %dma_start3A_512 = arith.constant 0 : i32
    %dma_start3A_513 = tpu.memref_slice %arg2[%dma_start3A_511, %dma_start3A_512] : memref<10000x64xf32, #tpu.memory_space<hbm>> -> memref<10000x64xf32, #tpu.memory_space<hbm>>
    tpu.enqueue_indirect_dma source(%dma_start3A_513 : memref<10000x64xf32, #tpu.memory_space<hbm>>) target(%arg8 : memref<200x64xf32, #tpu.memory_space<vmem>>) offsets(%dma_start3A_510 : memref<200xi32, #tpu.memory_space<vmem>>) semaphore(%arg14 : memref<!tpu.dma_semaphore, #tpu.memory_space<semaphore_mem>>)
    %dma_wait3A_514 = arith.constant 4400 : i32
    %dma_wait3A_515 = tpu.memref_slice %arg5[%dma_wait3A_514] : memref<10000xi32, #tpu.memory_space<vmem>> -> memref<200xi32, #tpu.memory_space<vmem>>
    %dma_wait3A_516 = arith.constant 0 : i32
    %dma_wait3A_517 = arith.constant 0 : i32
    %dma_wait3A_518 = tpu.memref_slice %arg2[%dma_wait3A_516, %dma_wait3A_517] : memref<10000x64xf32, #tpu.memory_space<hbm>> -> memref<10000x64xf32, #tpu.memory_space<hbm>>
    tpu.wait_indirect_dma semaphore(%arg14 : memref<!tpu.dma_semaphore, #tpu.memory_space<semaphore_mem>>) src(%dma_wait3A_518 : memref<10000x64xf32, #tpu.memory_space<hbm>>) dst(%arg9 : memref<200x64xf32, #tpu.memory_space<vmem>>)
    %dma_start3A_519 = arith.constant 4400 : i32
    %dma_start3A_520 = tpu.memref_slice %arg6[%dma_start3A_519] : memref<10000xi32, #tpu.memory_space<vmem>> -> memref<200xi32, #tpu.memory_space<vmem>>
    %dma_start3A_521 = arith.constant 0 : i32
    %dma_start3A_522 = arith.constant 0 : i32
    %dma_start3A_523 = tpu.memref_slice %arg13[%dma_start3A_521, %dma_start3A_522] : memref<10240x64xf32, #tpu.memory_space<vmem_shared>> -> memref<10240x64xf32, #tpu.memory_space<vmem_shared>>
    tpu.enqueue_indirect_dma source(%arg9 : memref<200x64xf32, #tpu.memory_space<vmem>>) target(%dma_start3A_523 : memref<10240x64xf32, #tpu.memory_space<vmem_shared>>) offsets(%dma_start3A_520 : memref<200xi32, #tpu.memory_space<vmem>>) semaphore(%arg15 : memref<!tpu.dma_semaphore, #tpu.memory_space<semaphore_mem>>) {add = true}
    %dma_wait3A_524 = arith.constant 4400 : i32
    %dma_wait3A_525 = tpu.memref_slice %arg6[%dma_wait3A_524] : memref<10000xi32, #tpu.memory_space<vmem>> -> memref<200xi32, #tpu.memory_space<vmem>>
    %dma_wait3A_526 = arith.constant 0 : i32
    %dma_wait3A_527 = arith.constant 0 : i32
    %dma_wait3A_528 = tpu.memref_slice %arg13[%dma_wait3A_526, %dma_wait3A_527] : memref<10240x64xf32, #tpu.memory_space<vmem_shared>> -> memref<10240x64xf32, #tpu.memory_space<vmem_shared>>
    tpu.wait_indirect_dma semaphore(%arg15 : memref<!tpu.dma_semaphore, #tpu.memory_space<semaphore_mem>>) src(%arg9 : memref<200x64xf32, #tpu.memory_space<vmem>>) dst(%dma_wait3A_528 : memref<10240x64xf32, #tpu.memory_space<vmem_shared>>)
    %dma_start3A_529 = arith.constant 5400 : i32
    %dma_start3A_530 = tpu.memref_slice %arg5[%dma_start3A_529] : memref<10000xi32, #tpu.memory_space<vmem>> -> memref<200xi32, #tpu.memory_space<vmem>>
    %dma_start3A_531 = arith.constant 0 : i32
    %dma_start3A_532 = arith.constant 0 : i32
    %dma_start3A_533 = tpu.memref_slice %arg2[%dma_start3A_531, %dma_start3A_532] : memref<10000x64xf32, #tpu.memory_space<hbm>> -> memref<10000x64xf32, #tpu.memory_space<hbm>>
    tpu.enqueue_indirect_dma source(%dma_start3A_533 : memref<10000x64xf32, #tpu.memory_space<hbm>>) target(%arg9 : memref<200x64xf32, #tpu.memory_space<vmem>>) offsets(%dma_start3A_530 : memref<200xi32, #tpu.memory_space<vmem>>) semaphore(%arg14 : memref<!tpu.dma_semaphore, #tpu.memory_space<semaphore_mem>>)
    %dma_wait3A_534 = arith.constant 4600 : i32
    %dma_wait3A_535 = tpu.memref_slice %arg5[%dma_wait3A_534] : memref<10000xi32, #tpu.memory_space<vmem>> -> memref<200xi32, #tpu.memory_space<vmem>>
    %dma_wait3A_536 = arith.constant 0 : i32
    %dma_wait3A_537 = arith.constant 0 : i32
    %dma_wait3A_538 = tpu.memref_slice %arg2[%dma_wait3A_536, %dma_wait3A_537] : memref<10000x64xf32, #tpu.memory_space<hbm>> -> memref<10000x64xf32, #tpu.memory_space<hbm>>
    tpu.wait_indirect_dma semaphore(%arg14 : memref<!tpu.dma_semaphore, #tpu.memory_space<semaphore_mem>>) src(%dma_wait3A_538 : memref<10000x64xf32, #tpu.memory_space<hbm>>) dst(%arg10 : memref<200x64xf32, #tpu.memory_space<vmem>>)
    %dma_start3A_539 = arith.constant 4600 : i32
    %dma_start3A_540 = tpu.memref_slice %arg6[%dma_start3A_539] : memref<10000xi32, #tpu.memory_space<vmem>> -> memref<200xi32, #tpu.memory_space<vmem>>
    %dma_start3A_541 = arith.constant 0 : i32
    %dma_start3A_542 = arith.constant 0 : i32
    %dma_start3A_543 = tpu.memref_slice %arg13[%dma_start3A_541, %dma_start3A_542] : memref<10240x64xf32, #tpu.memory_space<vmem_shared>> -> memref<10240x64xf32, #tpu.memory_space<vmem_shared>>
    tpu.enqueue_indirect_dma source(%arg10 : memref<200x64xf32, #tpu.memory_space<vmem>>) target(%dma_start3A_543 : memref<10240x64xf32, #tpu.memory_space<vmem_shared>>) offsets(%dma_start3A_540 : memref<200xi32, #tpu.memory_space<vmem>>) semaphore(%arg15 : memref<!tpu.dma_semaphore, #tpu.memory_space<semaphore_mem>>) {add = true}
    %dma_wait3A_544 = arith.constant 4600 : i32
    %dma_wait3A_545 = tpu.memref_slice %arg6[%dma_wait3A_544] : memref<10000xi32, #tpu.memory_space<vmem>> -> memref<200xi32, #tpu.memory_space<vmem>>
    %dma_wait3A_546 = arith.constant 0 : i32
    %dma_wait3A_547 = arith.constant 0 : i32
    %dma_wait3A_548 = tpu.memref_slice %arg13[%dma_wait3A_546, %dma_wait3A_547] : memref<10240x64xf32, #tpu.memory_space<vmem_shared>> -> memref<10240x64xf32, #tpu.memory_space<vmem_shared>>
    tpu.wait_indirect_dma semaphore(%arg15 : memref<!tpu.dma_semaphore, #tpu.memory_space<semaphore_mem>>) src(%arg10 : memref<200x64xf32, #tpu.memory_space<vmem>>) dst(%dma_wait3A_548 : memref<10240x64xf32, #tpu.memory_space<vmem_shared>>)
    %dma_start3A_549 = arith.constant 5600 : i32
    %dma_start3A_550 = tpu.memref_slice %arg5[%dma_start3A_549] : memref<10000xi32, #tpu.memory_space<vmem>> -> memref<200xi32, #tpu.memory_space<vmem>>
    %dma_start3A_551 = arith.constant 0 : i32
    %dma_start3A_552 = arith.constant 0 : i32
    %dma_start3A_553 = tpu.memref_slice %arg2[%dma_start3A_551, %dma_start3A_552] : memref<10000x64xf32, #tpu.memory_space<hbm>> -> memref<10000x64xf32, #tpu.memory_space<hbm>>
    tpu.enqueue_indirect_dma source(%dma_start3A_553 : memref<10000x64xf32, #tpu.memory_space<hbm>>) target(%arg10 : memref<200x64xf32, #tpu.memory_space<vmem>>) offsets(%dma_start3A_550 : memref<200xi32, #tpu.memory_space<vmem>>) semaphore(%arg14 : memref<!tpu.dma_semaphore, #tpu.memory_space<semaphore_mem>>)
    %dma_wait3A_554 = arith.constant 4800 : i32
    %dma_wait3A_555 = tpu.memref_slice %arg5[%dma_wait3A_554] : memref<10000xi32, #tpu.memory_space<vmem>> -> memref<200xi32, #tpu.memory_space<vmem>>
    %dma_wait3A_556 = arith.constant 0 : i32
    %dma_wait3A_557 = arith.constant 0 : i32
    %dma_wait3A_558 = tpu.memref_slice %arg2[%dma_wait3A_556, %dma_wait3A_557] : memref<10000x64xf32, #tpu.memory_space<hbm>> -> memref<10000x64xf32, #tpu.memory_space<hbm>>
    tpu.wait_indirect_dma semaphore(%arg14 : memref<!tpu.dma_semaphore, #tpu.memory_space<semaphore_mem>>) src(%dma_wait3A_558 : memref<10000x64xf32, #tpu.memory_space<hbm>>) dst(%arg11 : memref<200x64xf32, #tpu.memory_space<vmem>>)
    %dma_start3A_559 = arith.constant 4800 : i32
    %dma_start3A_560 = tpu.memref_slice %arg6[%dma_start3A_559] : memref<10000xi32, #tpu.memory_space<vmem>> -> memref<200xi32, #tpu.memory_space<vmem>>
    %dma_start3A_561 = arith.constant 0 : i32
    %dma_start3A_562 = arith.constant 0 : i32
    %dma_start3A_563 = tpu.memref_slice %arg13[%dma_start3A_561, %dma_start3A_562] : memref<10240x64xf32, #tpu.memory_space<vmem_shared>> -> memref<10240x64xf32, #tpu.memory_space<vmem_shared>>
    tpu.enqueue_indirect_dma source(%arg11 : memref<200x64xf32, #tpu.memory_space<vmem>>) target(%dma_start3A_563 : memref<10240x64xf32, #tpu.memory_space<vmem_shared>>) offsets(%dma_start3A_560 : memref<200xi32, #tpu.memory_space<vmem>>) semaphore(%arg15 : memref<!tpu.dma_semaphore, #tpu.memory_space<semaphore_mem>>) {add = true}
    %dma_wait3A_564 = arith.constant 4800 : i32
    %dma_wait3A_565 = tpu.memref_slice %arg6[%dma_wait3A_564] : memref<10000xi32, #tpu.memory_space<vmem>> -> memref<200xi32, #tpu.memory_space<vmem>>
    %dma_wait3A_566 = arith.constant 0 : i32
    %dma_wait3A_567 = arith.constant 0 : i32
    %dma_wait3A_568 = tpu.memref_slice %arg13[%dma_wait3A_566, %dma_wait3A_567] : memref<10240x64xf32, #tpu.memory_space<vmem_shared>> -> memref<10240x64xf32, #tpu.memory_space<vmem_shared>>
    tpu.wait_indirect_dma semaphore(%arg15 : memref<!tpu.dma_semaphore, #tpu.memory_space<semaphore_mem>>) src(%arg11 : memref<200x64xf32, #tpu.memory_space<vmem>>) dst(%dma_wait3A_568 : memref<10240x64xf32, #tpu.memory_space<vmem_shared>>)
    %dma_start3A_569 = arith.constant 5800 : i32
    %dma_start3A_570 = tpu.memref_slice %arg5[%dma_start3A_569] : memref<10000xi32, #tpu.memory_space<vmem>> -> memref<200xi32, #tpu.memory_space<vmem>>
    %dma_start3A_571 = arith.constant 0 : i32
    %dma_start3A_572 = arith.constant 0 : i32
    %dma_start3A_573 = tpu.memref_slice %arg2[%dma_start3A_571, %dma_start3A_572] : memref<10000x64xf32, #tpu.memory_space<hbm>> -> memref<10000x64xf32, #tpu.memory_space<hbm>>
    tpu.enqueue_indirect_dma source(%dma_start3A_573 : memref<10000x64xf32, #tpu.memory_space<hbm>>) target(%arg11 : memref<200x64xf32, #tpu.memory_space<vmem>>) offsets(%dma_start3A_570 : memref<200xi32, #tpu.memory_space<vmem>>) semaphore(%arg14 : memref<!tpu.dma_semaphore, #tpu.memory_space<semaphore_mem>>)
    %dma_wait3A_574 = arith.constant 5000 : i32
    %dma_wait3A_575 = tpu.memref_slice %arg5[%dma_wait3A_574] : memref<10000xi32, #tpu.memory_space<vmem>> -> memref<200xi32, #tpu.memory_space<vmem>>
    %dma_wait3A_576 = arith.constant 0 : i32
    %dma_wait3A_577 = arith.constant 0 : i32
    %dma_wait3A_578 = tpu.memref_slice %arg2[%dma_wait3A_576, %dma_wait3A_577] : memref<10000x64xf32, #tpu.memory_space<hbm>> -> memref<10000x64xf32, #tpu.memory_space<hbm>>
    tpu.wait_indirect_dma semaphore(%arg14 : memref<!tpu.dma_semaphore, #tpu.memory_space<semaphore_mem>>) src(%dma_wait3A_578 : memref<10000x64xf32, #tpu.memory_space<hbm>>) dst(%arg7 : memref<200x64xf32, #tpu.memory_space<vmem>>)
    %dma_start3A_579 = arith.constant 5000 : i32
    %dma_start3A_580 = tpu.memref_slice %arg6[%dma_start3A_579] : memref<10000xi32, #tpu.memory_space<vmem>> -> memref<200xi32, #tpu.memory_space<vmem>>
    %dma_start3A_581 = arith.constant 0 : i32
    %dma_start3A_582 = arith.constant 0 : i32
    %dma_start3A_583 = tpu.memref_slice %arg13[%dma_start3A_581, %dma_start3A_582] : memref<10240x64xf32, #tpu.memory_space<vmem_shared>> -> memref<10240x64xf32, #tpu.memory_space<vmem_shared>>
    tpu.enqueue_indirect_dma source(%arg7 : memref<200x64xf32, #tpu.memory_space<vmem>>) target(%dma_start3A_583 : memref<10240x64xf32, #tpu.memory_space<vmem_shared>>) offsets(%dma_start3A_580 : memref<200xi32, #tpu.memory_space<vmem>>) semaphore(%arg15 : memref<!tpu.dma_semaphore, #tpu.memory_space<semaphore_mem>>) {add = true}
    %dma_wait3A_584 = arith.constant 5000 : i32
    %dma_wait3A_585 = tpu.memref_slice %arg6[%dma_wait3A_584] : memref<10000xi32, #tpu.memory_space<vmem>> -> memref<200xi32, #tpu.memory_space<vmem>>
    %dma_wait3A_586 = arith.constant 0 : i32
    %dma_wait3A_587 = arith.constant 0 : i32
    %dma_wait3A_588 = tpu.memref_slice %arg13[%dma_wait3A_586, %dma_wait3A_587] : memref<10240x64xf32, #tpu.memory_space<vmem_shared>> -> memref<10240x64xf32, #tpu.memory_space<vmem_shared>>
    tpu.wait_indirect_dma semaphore(%arg15 : memref<!tpu.dma_semaphore, #tpu.memory_space<semaphore_mem>>) src(%arg7 : memref<200x64xf32, #tpu.memory_space<vmem>>) dst(%dma_wait3A_588 : memref<10240x64xf32, #tpu.memory_space<vmem_shared>>)
    %dma_start3A_589 = arith.constant 6000 : i32
    %dma_start3A_590 = tpu.memref_slice %arg5[%dma_start3A_589] : memref<10000xi32, #tpu.memory_space<vmem>> -> memref<200xi32, #tpu.memory_space<vmem>>
    %dma_start3A_591 = arith.constant 0 : i32
    %dma_start3A_592 = arith.constant 0 : i32
    %dma_start3A_593 = tpu.memref_slice %arg2[%dma_start3A_591, %dma_start3A_592] : memref<10000x64xf32, #tpu.memory_space<hbm>> -> memref<10000x64xf32, #tpu.memory_space<hbm>>
    tpu.enqueue_indirect_dma source(%dma_start3A_593 : memref<10000x64xf32, #tpu.memory_space<hbm>>) target(%arg7 : memref<200x64xf32, #tpu.memory_space<vmem>>) offsets(%dma_start3A_590 : memref<200xi32, #tpu.memory_space<vmem>>) semaphore(%arg14 : memref<!tpu.dma_semaphore, #tpu.memory_space<semaphore_mem>>)
    %dma_wait3A_594 = arith.constant 5200 : i32
    %dma_wait3A_595 = tpu.memref_slice %arg5[%dma_wait3A_594] : memref<10000xi32, #tpu.memory_space<vmem>> -> memref<200xi32, #tpu.memory_space<vmem>>
    %dma_wait3A_596 = arith.constant 0 : i32
    %dma_wait3A_597 = arith.constant 0 : i32
    %dma_wait3A_598 = tpu.memref_slice %arg2[%dma_wait3A_596, %dma_wait3A_597] : memref<10000x64xf32, #tpu.memory_space<hbm>> -> memref<10000x64xf32, #tpu.memory_space<hbm>>
    tpu.wait_indirect_dma semaphore(%arg14 : memref<!tpu.dma_semaphore, #tpu.memory_space<semaphore_mem>>) src(%dma_wait3A_598 : memref<10000x64xf32, #tpu.memory_space<hbm>>) dst(%arg8 : memref<200x64xf32, #tpu.memory_space<vmem>>)
    %dma_start3A_599 = arith.constant 5200 : i32
    %dma_start3A_600 = tpu.memref_slice %arg6[%dma_start3A_599] : memref<10000xi32, #tpu.memory_space<vmem>> -> memref<200xi32, #tpu.memory_space<vmem>>
    %dma_start3A_601 = arith.constant 0 : i32
    %dma_start3A_602 = arith.constant 0 : i32
    %dma_start3A_603 = tpu.memref_slice %arg13[%dma_start3A_601, %dma_start3A_602] : memref<10240x64xf32, #tpu.memory_space<vmem_shared>> -> memref<10240x64xf32, #tpu.memory_space<vmem_shared>>
    tpu.enqueue_indirect_dma source(%arg8 : memref<200x64xf32, #tpu.memory_space<vmem>>) target(%dma_start3A_603 : memref<10240x64xf32, #tpu.memory_space<vmem_shared>>) offsets(%dma_start3A_600 : memref<200xi32, #tpu.memory_space<vmem>>) semaphore(%arg15 : memref<!tpu.dma_semaphore, #tpu.memory_space<semaphore_mem>>) {add = true}
    %dma_wait3A_604 = arith.constant 5200 : i32
    %dma_wait3A_605 = tpu.memref_slice %arg6[%dma_wait3A_604] : memref<10000xi32, #tpu.memory_space<vmem>> -> memref<200xi32, #tpu.memory_space<vmem>>
    %dma_wait3A_606 = arith.constant 0 : i32
    %dma_wait3A_607 = arith.constant 0 : i32
    %dma_wait3A_608 = tpu.memref_slice %arg13[%dma_wait3A_606, %dma_wait3A_607] : memref<10240x64xf32, #tpu.memory_space<vmem_shared>> -> memref<10240x64xf32, #tpu.memory_space<vmem_shared>>
    tpu.wait_indirect_dma semaphore(%arg15 : memref<!tpu.dma_semaphore, #tpu.memory_space<semaphore_mem>>) src(%arg8 : memref<200x64xf32, #tpu.memory_space<vmem>>) dst(%dma_wait3A_608 : memref<10240x64xf32, #tpu.memory_space<vmem_shared>>)
    %dma_start3A_609 = arith.constant 6200 : i32
    %dma_start3A_610 = tpu.memref_slice %arg5[%dma_start3A_609] : memref<10000xi32, #tpu.memory_space<vmem>> -> memref<200xi32, #tpu.memory_space<vmem>>
    %dma_start3A_611 = arith.constant 0 : i32
    %dma_start3A_612 = arith.constant 0 : i32
    %dma_start3A_613 = tpu.memref_slice %arg2[%dma_start3A_611, %dma_start3A_612] : memref<10000x64xf32, #tpu.memory_space<hbm>> -> memref<10000x64xf32, #tpu.memory_space<hbm>>
    tpu.enqueue_indirect_dma source(%dma_start3A_613 : memref<10000x64xf32, #tpu.memory_space<hbm>>) target(%arg8 : memref<200x64xf32, #tpu.memory_space<vmem>>) offsets(%dma_start3A_610 : memref<200xi32, #tpu.memory_space<vmem>>) semaphore(%arg14 : memref<!tpu.dma_semaphore, #tpu.memory_space<semaphore_mem>>)
    %dma_wait3A_614 = arith.constant 5400 : i32
    %dma_wait3A_615 = tpu.memref_slice %arg5[%dma_wait3A_614] : memref<10000xi32, #tpu.memory_space<vmem>> -> memref<200xi32, #tpu.memory_space<vmem>>
    %dma_wait3A_616 = arith.constant 0 : i32
    %dma_wait3A_617 = arith.constant 0 : i32
    %dma_wait3A_618 = tpu.memref_slice %arg2[%dma_wait3A_616, %dma_wait3A_617] : memref<10000x64xf32, #tpu.memory_space<hbm>> -> memref<10000x64xf32, #tpu.memory_space<hbm>>
    tpu.wait_indirect_dma semaphore(%arg14 : memref<!tpu.dma_semaphore, #tpu.memory_space<semaphore_mem>>) src(%dma_wait3A_618 : memref<10000x64xf32, #tpu.memory_space<hbm>>) dst(%arg9 : memref<200x64xf32, #tpu.memory_space<vmem>>)
    %dma_start3A_619 = arith.constant 5400 : i32
    %dma_start3A_620 = tpu.memref_slice %arg6[%dma_start3A_619] : memref<10000xi32, #tpu.memory_space<vmem>> -> memref<200xi32, #tpu.memory_space<vmem>>
    %dma_start3A_621 = arith.constant 0 : i32
    %dma_start3A_622 = arith.constant 0 : i32
    %dma_start3A_623 = tpu.memref_slice %arg13[%dma_start3A_621, %dma_start3A_622] : memref<10240x64xf32, #tpu.memory_space<vmem_shared>> -> memref<10240x64xf32, #tpu.memory_space<vmem_shared>>
    tpu.enqueue_indirect_dma source(%arg9 : memref<200x64xf32, #tpu.memory_space<vmem>>) target(%dma_start3A_623 : memref<10240x64xf32, #tpu.memory_space<vmem_shared>>) offsets(%dma_start3A_620 : memref<200xi32, #tpu.memory_space<vmem>>) semaphore(%arg15 : memref<!tpu.dma_semaphore, #tpu.memory_space<semaphore_mem>>) {add = true}
    %dma_wait3A_624 = arith.constant 5400 : i32
    %dma_wait3A_625 = tpu.memref_slice %arg6[%dma_wait3A_624] : memref<10000xi32, #tpu.memory_space<vmem>> -> memref<200xi32, #tpu.memory_space<vmem>>
    %dma_wait3A_626 = arith.constant 0 : i32
    %dma_wait3A_627 = arith.constant 0 : i32
    %dma_wait3A_628 = tpu.memref_slice %arg13[%dma_wait3A_626, %dma_wait3A_627] : memref<10240x64xf32, #tpu.memory_space<vmem_shared>> -> memref<10240x64xf32, #tpu.memory_space<vmem_shared>>
    tpu.wait_indirect_dma semaphore(%arg15 : memref<!tpu.dma_semaphore, #tpu.memory_space<semaphore_mem>>) src(%arg9 : memref<200x64xf32, #tpu.memory_space<vmem>>) dst(%dma_wait3A_628 : memref<10240x64xf32, #tpu.memory_space<vmem_shared>>)
    %dma_start3A_629 = arith.constant 6400 : i32
    %dma_start3A_630 = tpu.memref_slice %arg5[%dma_start3A_629] : memref<10000xi32, #tpu.memory_space<vmem>> -> memref<200xi32, #tpu.memory_space<vmem>>
    %dma_start3A_631 = arith.constant 0 : i32
    %dma_start3A_632 = arith.constant 0 : i32
    %dma_start3A_633 = tpu.memref_slice %arg2[%dma_start3A_631, %dma_start3A_632] : memref<10000x64xf32, #tpu.memory_space<hbm>> -> memref<10000x64xf32, #tpu.memory_space<hbm>>
    tpu.enqueue_indirect_dma source(%dma_start3A_633 : memref<10000x64xf32, #tpu.memory_space<hbm>>) target(%arg9 : memref<200x64xf32, #tpu.memory_space<vmem>>) offsets(%dma_start3A_630 : memref<200xi32, #tpu.memory_space<vmem>>) semaphore(%arg14 : memref<!tpu.dma_semaphore, #tpu.memory_space<semaphore_mem>>)
    %dma_wait3A_634 = arith.constant 5600 : i32
    %dma_wait3A_635 = tpu.memref_slice %arg5[%dma_wait3A_634] : memref<10000xi32, #tpu.memory_space<vmem>> -> memref<200xi32, #tpu.memory_space<vmem>>
    %dma_wait3A_636 = arith.constant 0 : i32
    %dma_wait3A_637 = arith.constant 0 : i32
    %dma_wait3A_638 = tpu.memref_slice %arg2[%dma_wait3A_636, %dma_wait3A_637] : memref<10000x64xf32, #tpu.memory_space<hbm>> -> memref<10000x64xf32, #tpu.memory_space<hbm>>
    tpu.wait_indirect_dma semaphore(%arg14 : memref<!tpu.dma_semaphore, #tpu.memory_space<semaphore_mem>>) src(%dma_wait3A_638 : memref<10000x64xf32, #tpu.memory_space<hbm>>) dst(%arg10 : memref<200x64xf32, #tpu.memory_space<vmem>>)
    %dma_start3A_639 = arith.constant 5600 : i32
    %dma_start3A_640 = tpu.memref_slice %arg6[%dma_start3A_639] : memref<10000xi32, #tpu.memory_space<vmem>> -> memref<200xi32, #tpu.memory_space<vmem>>
    %dma_start3A_641 = arith.constant 0 : i32
    %dma_start3A_642 = arith.constant 0 : i32
    %dma_start3A_643 = tpu.memref_slice %arg13[%dma_start3A_641, %dma_start3A_642] : memref<10240x64xf32, #tpu.memory_space<vmem_shared>> -> memref<10240x64xf32, #tpu.memory_space<vmem_shared>>
    tpu.enqueue_indirect_dma source(%arg10 : memref<200x64xf32, #tpu.memory_space<vmem>>) target(%dma_start3A_643 : memref<10240x64xf32, #tpu.memory_space<vmem_shared>>) offsets(%dma_start3A_640 : memref<200xi32, #tpu.memory_space<vmem>>) semaphore(%arg15 : memref<!tpu.dma_semaphore, #tpu.memory_space<semaphore_mem>>) {add = true}
    %dma_wait3A_644 = arith.constant 5600 : i32
    %dma_wait3A_645 = tpu.memref_slice %arg6[%dma_wait3A_644] : memref<10000xi32, #tpu.memory_space<vmem>> -> memref<200xi32, #tpu.memory_space<vmem>>
    %dma_wait3A_646 = arith.constant 0 : i32
    %dma_wait3A_647 = arith.constant 0 : i32
    %dma_wait3A_648 = tpu.memref_slice %arg13[%dma_wait3A_646, %dma_wait3A_647] : memref<10240x64xf32, #tpu.memory_space<vmem_shared>> -> memref<10240x64xf32, #tpu.memory_space<vmem_shared>>
    tpu.wait_indirect_dma semaphore(%arg15 : memref<!tpu.dma_semaphore, #tpu.memory_space<semaphore_mem>>) src(%arg10 : memref<200x64xf32, #tpu.memory_space<vmem>>) dst(%dma_wait3A_648 : memref<10240x64xf32, #tpu.memory_space<vmem_shared>>)
    %dma_start3A_649 = arith.constant 6600 : i32
    %dma_start3A_650 = tpu.memref_slice %arg5[%dma_start3A_649] : memref<10000xi32, #tpu.memory_space<vmem>> -> memref<200xi32, #tpu.memory_space<vmem>>
    %dma_start3A_651 = arith.constant 0 : i32
    %dma_start3A_652 = arith.constant 0 : i32
    %dma_start3A_653 = tpu.memref_slice %arg2[%dma_start3A_651, %dma_start3A_652] : memref<10000x64xf32, #tpu.memory_space<hbm>> -> memref<10000x64xf32, #tpu.memory_space<hbm>>
    tpu.enqueue_indirect_dma source(%dma_start3A_653 : memref<10000x64xf32, #tpu.memory_space<hbm>>) target(%arg10 : memref<200x64xf32, #tpu.memory_space<vmem>>) offsets(%dma_start3A_650 : memref<200xi32, #tpu.memory_space<vmem>>) semaphore(%arg14 : memref<!tpu.dma_semaphore, #tpu.memory_space<semaphore_mem>>)
    %dma_wait3A_654 = arith.constant 5800 : i32
    %dma_wait3A_655 = tpu.memref_slice %arg5[%dma_wait3A_654] : memref<10000xi32, #tpu.memory_space<vmem>> -> memref<200xi32, #tpu.memory_space<vmem>>
    %dma_wait3A_656 = arith.constant 0 : i32
    %dma_wait3A_657 = arith.constant 0 : i32
    %dma_wait3A_658 = tpu.memref_slice %arg2[%dma_wait3A_656, %dma_wait3A_657] : memref<10000x64xf32, #tpu.memory_space<hbm>> -> memref<10000x64xf32, #tpu.memory_space<hbm>>
    tpu.wait_indirect_dma semaphore(%arg14 : memref<!tpu.dma_semaphore, #tpu.memory_space<semaphore_mem>>) src(%dma_wait3A_658 : memref<10000x64xf32, #tpu.memory_space<hbm>>) dst(%arg11 : memref<200x64xf32, #tpu.memory_space<vmem>>)
    %dma_start3A_659 = arith.constant 5800 : i32
    %dma_start3A_660 = tpu.memref_slice %arg6[%dma_start3A_659] : memref<10000xi32, #tpu.memory_space<vmem>> -> memref<200xi32, #tpu.memory_space<vmem>>
    %dma_start3A_661 = arith.constant 0 : i32
    %dma_start3A_662 = arith.constant 0 : i32
    %dma_start3A_663 = tpu.memref_slice %arg13[%dma_start3A_661, %dma_start3A_662] : memref<10240x64xf32, #tpu.memory_space<vmem_shared>> -> memref<10240x64xf32, #tpu.memory_space<vmem_shared>>
    tpu.enqueue_indirect_dma source(%arg11 : memref<200x64xf32, #tpu.memory_space<vmem>>) target(%dma_start3A_663 : memref<10240x64xf32, #tpu.memory_space<vmem_shared>>) offsets(%dma_start3A_660 : memref<200xi32, #tpu.memory_space<vmem>>) semaphore(%arg15 : memref<!tpu.dma_semaphore, #tpu.memory_space<semaphore_mem>>) {add = true}
    %dma_wait3A_664 = arith.constant 5800 : i32
    %dma_wait3A_665 = tpu.memref_slice %arg6[%dma_wait3A_664] : memref<10000xi32, #tpu.memory_space<vmem>> -> memref<200xi32, #tpu.memory_space<vmem>>
    %dma_wait3A_666 = arith.constant 0 : i32
    %dma_wait3A_667 = arith.constant 0 : i32
    %dma_wait3A_668 = tpu.memref_slice %arg13[%dma_wait3A_666, %dma_wait3A_667] : memref<10240x64xf32, #tpu.memory_space<vmem_shared>> -> memref<10240x64xf32, #tpu.memory_space<vmem_shared>>
    tpu.wait_indirect_dma semaphore(%arg15 : memref<!tpu.dma_semaphore, #tpu.memory_space<semaphore_mem>>) src(%arg11 : memref<200x64xf32, #tpu.memory_space<vmem>>) dst(%dma_wait3A_668 : memref<10240x64xf32, #tpu.memory_space<vmem_shared>>)
    %dma_start3A_669 = arith.constant 6800 : i32
    %dma_start3A_670 = tpu.memref_slice %arg5[%dma_start3A_669] : memref<10000xi32, #tpu.memory_space<vmem>> -> memref<200xi32, #tpu.memory_space<vmem>>
    %dma_start3A_671 = arith.constant 0 : i32
    %dma_start3A_672 = arith.constant 0 : i32
    %dma_start3A_673 = tpu.memref_slice %arg2[%dma_start3A_671, %dma_start3A_672] : memref<10000x64xf32, #tpu.memory_space<hbm>> -> memref<10000x64xf32, #tpu.memory_space<hbm>>
    tpu.enqueue_indirect_dma source(%dma_start3A_673 : memref<10000x64xf32, #tpu.memory_space<hbm>>) target(%arg11 : memref<200x64xf32, #tpu.memory_space<vmem>>) offsets(%dma_start3A_670 : memref<200xi32, #tpu.memory_space<vmem>>) semaphore(%arg14 : memref<!tpu.dma_semaphore, #tpu.memory_space<semaphore_mem>>)
    %dma_wait3A_674 = arith.constant 6000 : i32
    %dma_wait3A_675 = tpu.memref_slice %arg5[%dma_wait3A_674] : memref<10000xi32, #tpu.memory_space<vmem>> -> memref<200xi32, #tpu.memory_space<vmem>>
    %dma_wait3A_676 = arith.constant 0 : i32
    %dma_wait3A_677 = arith.constant 0 : i32
    %dma_wait3A_678 = tpu.memref_slice %arg2[%dma_wait3A_676, %dma_wait3A_677] : memref<10000x64xf32, #tpu.memory_space<hbm>> -> memref<10000x64xf32, #tpu.memory_space<hbm>>
    tpu.wait_indirect_dma semaphore(%arg14 : memref<!tpu.dma_semaphore, #tpu.memory_space<semaphore_mem>>) src(%dma_wait3A_678 : memref<10000x64xf32, #tpu.memory_space<hbm>>) dst(%arg7 : memref<200x64xf32, #tpu.memory_space<vmem>>)
    %dma_start3A_679 = arith.constant 6000 : i32
    %dma_start3A_680 = tpu.memref_slice %arg6[%dma_start3A_679] : memref<10000xi32, #tpu.memory_space<vmem>> -> memref<200xi32, #tpu.memory_space<vmem>>
    %dma_start3A_681 = arith.constant 0 : i32
    %dma_start3A_682 = arith.constant 0 : i32
    %dma_start3A_683 = tpu.memref_slice %arg13[%dma_start3A_681, %dma_start3A_682] : memref<10240x64xf32, #tpu.memory_space<vmem_shared>> -> memref<10240x64xf32, #tpu.memory_space<vmem_shared>>
    tpu.enqueue_indirect_dma source(%arg7 : memref<200x64xf32, #tpu.memory_space<vmem>>) target(%dma_start3A_683 : memref<10240x64xf32, #tpu.memory_space<vmem_shared>>) offsets(%dma_start3A_680 : memref<200xi32, #tpu.memory_space<vmem>>) semaphore(%arg15 : memref<!tpu.dma_semaphore, #tpu.memory_space<semaphore_mem>>) {add = true}
    %dma_wait3A_684 = arith.constant 6000 : i32
    %dma_wait3A_685 = tpu.memref_slice %arg6[%dma_wait3A_684] : memref<10000xi32, #tpu.memory_space<vmem>> -> memref<200xi32, #tpu.memory_space<vmem>>
    %dma_wait3A_686 = arith.constant 0 : i32
    %dma_wait3A_687 = arith.constant 0 : i32
    %dma_wait3A_688 = tpu.memref_slice %arg13[%dma_wait3A_686, %dma_wait3A_687] : memref<10240x64xf32, #tpu.memory_space<vmem_shared>> -> memref<10240x64xf32, #tpu.memory_space<vmem_shared>>
    tpu.wait_indirect_dma semaphore(%arg15 : memref<!tpu.dma_semaphore, #tpu.memory_space<semaphore_mem>>) src(%arg7 : memref<200x64xf32, #tpu.memory_space<vmem>>) dst(%dma_wait3A_688 : memref<10240x64xf32, #tpu.memory_space<vmem_shared>>)
    %dma_start3A_689 = arith.constant 7000 : i32
    %dma_start3A_690 = tpu.memref_slice %arg5[%dma_start3A_689] : memref<10000xi32, #tpu.memory_space<vmem>> -> memref<200xi32, #tpu.memory_space<vmem>>
    %dma_start3A_691 = arith.constant 0 : i32
    %dma_start3A_692 = arith.constant 0 : i32
    %dma_start3A_693 = tpu.memref_slice %arg2[%dma_start3A_691, %dma_start3A_692] : memref<10000x64xf32, #tpu.memory_space<hbm>> -> memref<10000x64xf32, #tpu.memory_space<hbm>>
    tpu.enqueue_indirect_dma source(%dma_start3A_693 : memref<10000x64xf32, #tpu.memory_space<hbm>>) target(%arg7 : memref<200x64xf32, #tpu.memory_space<vmem>>) offsets(%dma_start3A_690 : memref<200xi32, #tpu.memory_space<vmem>>) semaphore(%arg14 : memref<!tpu.dma_semaphore, #tpu.memory_space<semaphore_mem>>)
    %dma_wait3A_694 = arith.constant 6200 : i32
    %dma_wait3A_695 = tpu.memref_slice %arg5[%dma_wait3A_694] : memref<10000xi32, #tpu.memory_space<vmem>> -> memref<200xi32, #tpu.memory_space<vmem>>
    %dma_wait3A_696 = arith.constant 0 : i32
    %dma_wait3A_697 = arith.constant 0 : i32
    %dma_wait3A_698 = tpu.memref_slice %arg2[%dma_wait3A_696, %dma_wait3A_697] : memref<10000x64xf32, #tpu.memory_space<hbm>> -> memref<10000x64xf32, #tpu.memory_space<hbm>>
    tpu.wait_indirect_dma semaphore(%arg14 : memref<!tpu.dma_semaphore, #tpu.memory_space<semaphore_mem>>) src(%dma_wait3A_698 : memref<10000x64xf32, #tpu.memory_space<hbm>>) dst(%arg8 : memref<200x64xf32, #tpu.memory_space<vmem>>)
    %dma_start3A_699 = arith.constant 6200 : i32
    %dma_start3A_700 = tpu.memref_slice %arg6[%dma_start3A_699] : memref<10000xi32, #tpu.memory_space<vmem>> -> memref<200xi32, #tpu.memory_space<vmem>>
    %dma_start3A_701 = arith.constant 0 : i32
    %dma_start3A_702 = arith.constant 0 : i32
    %dma_start3A_703 = tpu.memref_slice %arg13[%dma_start3A_701, %dma_start3A_702] : memref<10240x64xf32, #tpu.memory_space<vmem_shared>> -> memref<10240x64xf32, #tpu.memory_space<vmem_shared>>
    tpu.enqueue_indirect_dma source(%arg8 : memref<200x64xf32, #tpu.memory_space<vmem>>) target(%dma_start3A_703 : memref<10240x64xf32, #tpu.memory_space<vmem_shared>>) offsets(%dma_start3A_700 : memref<200xi32, #tpu.memory_space<vmem>>) semaphore(%arg15 : memref<!tpu.dma_semaphore, #tpu.memory_space<semaphore_mem>>) {add = true}
    %dma_wait3A_704 = arith.constant 6200 : i32
    %dma_wait3A_705 = tpu.memref_slice %arg6[%dma_wait3A_704] : memref<10000xi32, #tpu.memory_space<vmem>> -> memref<200xi32, #tpu.memory_space<vmem>>
    %dma_wait3A_706 = arith.constant 0 : i32
    %dma_wait3A_707 = arith.constant 0 : i32
    %dma_wait3A_708 = tpu.memref_slice %arg13[%dma_wait3A_706, %dma_wait3A_707] : memref<10240x64xf32, #tpu.memory_space<vmem_shared>> -> memref<10240x64xf32, #tpu.memory_space<vmem_shared>>
    tpu.wait_indirect_dma semaphore(%arg15 : memref<!tpu.dma_semaphore, #tpu.memory_space<semaphore_mem>>) src(%arg8 : memref<200x64xf32, #tpu.memory_space<vmem>>) dst(%dma_wait3A_708 : memref<10240x64xf32, #tpu.memory_space<vmem_shared>>)
    %dma_start3A_709 = arith.constant 7200 : i32
    %dma_start3A_710 = tpu.memref_slice %arg5[%dma_start3A_709] : memref<10000xi32, #tpu.memory_space<vmem>> -> memref<200xi32, #tpu.memory_space<vmem>>
    %dma_start3A_711 = arith.constant 0 : i32
    %dma_start3A_712 = arith.constant 0 : i32
    %dma_start3A_713 = tpu.memref_slice %arg2[%dma_start3A_711, %dma_start3A_712] : memref<10000x64xf32, #tpu.memory_space<hbm>> -> memref<10000x64xf32, #tpu.memory_space<hbm>>
    tpu.enqueue_indirect_dma source(%dma_start3A_713 : memref<10000x64xf32, #tpu.memory_space<hbm>>) target(%arg8 : memref<200x64xf32, #tpu.memory_space<vmem>>) offsets(%dma_start3A_710 : memref<200xi32, #tpu.memory_space<vmem>>) semaphore(%arg14 : memref<!tpu.dma_semaphore, #tpu.memory_space<semaphore_mem>>)
    %dma_wait3A_714 = arith.constant 6400 : i32
    %dma_wait3A_715 = tpu.memref_slice %arg5[%dma_wait3A_714] : memref<10000xi32, #tpu.memory_space<vmem>> -> memref<200xi32, #tpu.memory_space<vmem>>
    %dma_wait3A_716 = arith.constant 0 : i32
    %dma_wait3A_717 = arith.constant 0 : i32
    %dma_wait3A_718 = tpu.memref_slice %arg2[%dma_wait3A_716, %dma_wait3A_717] : memref<10000x64xf32, #tpu.memory_space<hbm>> -> memref<10000x64xf32, #tpu.memory_space<hbm>>
    tpu.wait_indirect_dma semaphore(%arg14 : memref<!tpu.dma_semaphore, #tpu.memory_space<semaphore_mem>>) src(%dma_wait3A_718 : memref<10000x64xf32, #tpu.memory_space<hbm>>) dst(%arg9 : memref<200x64xf32, #tpu.memory_space<vmem>>)
    %dma_start3A_719 = arith.constant 6400 : i32
    %dma_start3A_720 = tpu.memref_slice %arg6[%dma_start3A_719] : memref<10000xi32, #tpu.memory_space<vmem>> -> memref<200xi32, #tpu.memory_space<vmem>>
    %dma_start3A_721 = arith.constant 0 : i32
    %dma_start3A_722 = arith.constant 0 : i32
    %dma_start3A_723 = tpu.memref_slice %arg13[%dma_start3A_721, %dma_start3A_722] : memref<10240x64xf32, #tpu.memory_space<vmem_shared>> -> memref<10240x64xf32, #tpu.memory_space<vmem_shared>>
    tpu.enqueue_indirect_dma source(%arg9 : memref<200x64xf32, #tpu.memory_space<vmem>>) target(%dma_start3A_723 : memref<10240x64xf32, #tpu.memory_space<vmem_shared>>) offsets(%dma_start3A_720 : memref<200xi32, #tpu.memory_space<vmem>>) semaphore(%arg15 : memref<!tpu.dma_semaphore, #tpu.memory_space<semaphore_mem>>) {add = true}
    %dma_wait3A_724 = arith.constant 6400 : i32
    %dma_wait3A_725 = tpu.memref_slice %arg6[%dma_wait3A_724] : memref<10000xi32, #tpu.memory_space<vmem>> -> memref<200xi32, #tpu.memory_space<vmem>>
    %dma_wait3A_726 = arith.constant 0 : i32
    %dma_wait3A_727 = arith.constant 0 : i32
    %dma_wait3A_728 = tpu.memref_slice %arg13[%dma_wait3A_726, %dma_wait3A_727] : memref<10240x64xf32, #tpu.memory_space<vmem_shared>> -> memref<10240x64xf32, #tpu.memory_space<vmem_shared>>
    tpu.wait_indirect_dma semaphore(%arg15 : memref<!tpu.dma_semaphore, #tpu.memory_space<semaphore_mem>>) src(%arg9 : memref<200x64xf32, #tpu.memory_space<vmem>>) dst(%dma_wait3A_728 : memref<10240x64xf32, #tpu.memory_space<vmem_shared>>)
    %dma_start3A_729 = arith.constant 7400 : i32
    %dma_start3A_730 = tpu.memref_slice %arg5[%dma_start3A_729] : memref<10000xi32, #tpu.memory_space<vmem>> -> memref<200xi32, #tpu.memory_space<vmem>>
    %dma_start3A_731 = arith.constant 0 : i32
    %dma_start3A_732 = arith.constant 0 : i32
    %dma_start3A_733 = tpu.memref_slice %arg2[%dma_start3A_731, %dma_start3A_732] : memref<10000x64xf32, #tpu.memory_space<hbm>> -> memref<10000x64xf32, #tpu.memory_space<hbm>>
    tpu.enqueue_indirect_dma source(%dma_start3A_733 : memref<10000x64xf32, #tpu.memory_space<hbm>>) target(%arg9 : memref<200x64xf32, #tpu.memory_space<vmem>>) offsets(%dma_start3A_730 : memref<200xi32, #tpu.memory_space<vmem>>) semaphore(%arg14 : memref<!tpu.dma_semaphore, #tpu.memory_space<semaphore_mem>>)
    %dma_wait3A_734 = arith.constant 6600 : i32
    %dma_wait3A_735 = tpu.memref_slice %arg5[%dma_wait3A_734] : memref<10000xi32, #tpu.memory_space<vmem>> -> memref<200xi32, #tpu.memory_space<vmem>>
    %dma_wait3A_736 = arith.constant 0 : i32
    %dma_wait3A_737 = arith.constant 0 : i32
    %dma_wait3A_738 = tpu.memref_slice %arg2[%dma_wait3A_736, %dma_wait3A_737] : memref<10000x64xf32, #tpu.memory_space<hbm>> -> memref<10000x64xf32, #tpu.memory_space<hbm>>
    tpu.wait_indirect_dma semaphore(%arg14 : memref<!tpu.dma_semaphore, #tpu.memory_space<semaphore_mem>>) src(%dma_wait3A_738 : memref<10000x64xf32, #tpu.memory_space<hbm>>) dst(%arg10 : memref<200x64xf32, #tpu.memory_space<vmem>>)
    %dma_start3A_739 = arith.constant 6600 : i32
    %dma_start3A_740 = tpu.memref_slice %arg6[%dma_start3A_739] : memref<10000xi32, #tpu.memory_space<vmem>> -> memref<200xi32, #tpu.memory_space<vmem>>
    %dma_start3A_741 = arith.constant 0 : i32
    %dma_start3A_742 = arith.constant 0 : i32
    %dma_start3A_743 = tpu.memref_slice %arg13[%dma_start3A_741, %dma_start3A_742] : memref<10240x64xf32, #tpu.memory_space<vmem_shared>> -> memref<10240x64xf32, #tpu.memory_space<vmem_shared>>
    tpu.enqueue_indirect_dma source(%arg10 : memref<200x64xf32, #tpu.memory_space<vmem>>) target(%dma_start3A_743 : memref<10240x64xf32, #tpu.memory_space<vmem_shared>>) offsets(%dma_start3A_740 : memref<200xi32, #tpu.memory_space<vmem>>) semaphore(%arg15 : memref<!tpu.dma_semaphore, #tpu.memory_space<semaphore_mem>>) {add = true}
    %dma_wait3A_744 = arith.constant 6600 : i32
    %dma_wait3A_745 = tpu.memref_slice %arg6[%dma_wait3A_744] : memref<10000xi32, #tpu.memory_space<vmem>> -> memref<200xi32, #tpu.memory_space<vmem>>
    %dma_wait3A_746 = arith.constant 0 : i32
    %dma_wait3A_747 = arith.constant 0 : i32
    %dma_wait3A_748 = tpu.memref_slice %arg13[%dma_wait3A_746, %dma_wait3A_747] : memref<10240x64xf32, #tpu.memory_space<vmem_shared>> -> memref<10240x64xf32, #tpu.memory_space<vmem_shared>>
    tpu.wait_indirect_dma semaphore(%arg15 : memref<!tpu.dma_semaphore, #tpu.memory_space<semaphore_mem>>) src(%arg10 : memref<200x64xf32, #tpu.memory_space<vmem>>) dst(%dma_wait3A_748 : memref<10240x64xf32, #tpu.memory_space<vmem_shared>>)
    %dma_start3A_749 = arith.constant 7600 : i32
    %dma_start3A_750 = tpu.memref_slice %arg5[%dma_start3A_749] : memref<10000xi32, #tpu.memory_space<vmem>> -> memref<200xi32, #tpu.memory_space<vmem>>
    %dma_start3A_751 = arith.constant 0 : i32
    %dma_start3A_752 = arith.constant 0 : i32
    %dma_start3A_753 = tpu.memref_slice %arg2[%dma_start3A_751, %dma_start3A_752] : memref<10000x64xf32, #tpu.memory_space<hbm>> -> memref<10000x64xf32, #tpu.memory_space<hbm>>
    tpu.enqueue_indirect_dma source(%dma_start3A_753 : memref<10000x64xf32, #tpu.memory_space<hbm>>) target(%arg10 : memref<200x64xf32, #tpu.memory_space<vmem>>) offsets(%dma_start3A_750 : memref<200xi32, #tpu.memory_space<vmem>>) semaphore(%arg14 : memref<!tpu.dma_semaphore, #tpu.memory_space<semaphore_mem>>)
    %dma_wait3A_754 = arith.constant 6800 : i32
    %dma_wait3A_755 = tpu.memref_slice %arg5[%dma_wait3A_754] : memref<10000xi32, #tpu.memory_space<vmem>> -> memref<200xi32, #tpu.memory_space<vmem>>
    %dma_wait3A_756 = arith.constant 0 : i32
    %dma_wait3A_757 = arith.constant 0 : i32
    %dma_wait3A_758 = tpu.memref_slice %arg2[%dma_wait3A_756, %dma_wait3A_757] : memref<10000x64xf32, #tpu.memory_space<hbm>> -> memref<10000x64xf32, #tpu.memory_space<hbm>>
    tpu.wait_indirect_dma semaphore(%arg14 : memref<!tpu.dma_semaphore, #tpu.memory_space<semaphore_mem>>) src(%dma_wait3A_758 : memref<10000x64xf32, #tpu.memory_space<hbm>>) dst(%arg11 : memref<200x64xf32, #tpu.memory_space<vmem>>)
    %dma_start3A_759 = arith.constant 6800 : i32
    %dma_start3A_760 = tpu.memref_slice %arg6[%dma_start3A_759] : memref<10000xi32, #tpu.memory_space<vmem>> -> memref<200xi32, #tpu.memory_space<vmem>>
    %dma_start3A_761 = arith.constant 0 : i32
    %dma_start3A_762 = arith.constant 0 : i32
    %dma_start3A_763 = tpu.memref_slice %arg13[%dma_start3A_761, %dma_start3A_762] : memref<10240x64xf32, #tpu.memory_space<vmem_shared>> -> memref<10240x64xf32, #tpu.memory_space<vmem_shared>>
    tpu.enqueue_indirect_dma source(%arg11 : memref<200x64xf32, #tpu.memory_space<vmem>>) target(%dma_start3A_763 : memref<10240x64xf32, #tpu.memory_space<vmem_shared>>) offsets(%dma_start3A_760 : memref<200xi32, #tpu.memory_space<vmem>>) semaphore(%arg15 : memref<!tpu.dma_semaphore, #tpu.memory_space<semaphore_mem>>) {add = true}
    %dma_wait3A_764 = arith.constant 6800 : i32
    %dma_wait3A_765 = tpu.memref_slice %arg6[%dma_wait3A_764] : memref<10000xi32, #tpu.memory_space<vmem>> -> memref<200xi32, #tpu.memory_space<vmem>>
    %dma_wait3A_766 = arith.constant 0 : i32
    %dma_wait3A_767 = arith.constant 0 : i32
    %dma_wait3A_768 = tpu.memref_slice %arg13[%dma_wait3A_766, %dma_wait3A_767] : memref<10240x64xf32, #tpu.memory_space<vmem_shared>> -> memref<10240x64xf32, #tpu.memory_space<vmem_shared>>
    tpu.wait_indirect_dma semaphore(%arg15 : memref<!tpu.dma_semaphore, #tpu.memory_space<semaphore_mem>>) src(%arg11 : memref<200x64xf32, #tpu.memory_space<vmem>>) dst(%dma_wait3A_768 : memref<10240x64xf32, #tpu.memory_space<vmem_shared>>)
    %dma_start3A_769 = arith.constant 7800 : i32
    %dma_start3A_770 = tpu.memref_slice %arg5[%dma_start3A_769] : memref<10000xi32, #tpu.memory_space<vmem>> -> memref<200xi32, #tpu.memory_space<vmem>>
    %dma_start3A_771 = arith.constant 0 : i32
    %dma_start3A_772 = arith.constant 0 : i32
    %dma_start3A_773 = tpu.memref_slice %arg2[%dma_start3A_771, %dma_start3A_772] : memref<10000x64xf32, #tpu.memory_space<hbm>> -> memref<10000x64xf32, #tpu.memory_space<hbm>>
    tpu.enqueue_indirect_dma source(%dma_start3A_773 : memref<10000x64xf32, #tpu.memory_space<hbm>>) target(%arg11 : memref<200x64xf32, #tpu.memory_space<vmem>>) offsets(%dma_start3A_770 : memref<200xi32, #tpu.memory_space<vmem>>) semaphore(%arg14 : memref<!tpu.dma_semaphore, #tpu.memory_space<semaphore_mem>>)
    %dma_wait3A_774 = arith.constant 7000 : i32
    %dma_wait3A_775 = tpu.memref_slice %arg5[%dma_wait3A_774] : memref<10000xi32, #tpu.memory_space<vmem>> -> memref<200xi32, #tpu.memory_space<vmem>>
    %dma_wait3A_776 = arith.constant 0 : i32
    %dma_wait3A_777 = arith.constant 0 : i32
    %dma_wait3A_778 = tpu.memref_slice %arg2[%dma_wait3A_776, %dma_wait3A_777] : memref<10000x64xf32, #tpu.memory_space<hbm>> -> memref<10000x64xf32, #tpu.memory_space<hbm>>
    tpu.wait_indirect_dma semaphore(%arg14 : memref<!tpu.dma_semaphore, #tpu.memory_space<semaphore_mem>>) src(%dma_wait3A_778 : memref<10000x64xf32, #tpu.memory_space<hbm>>) dst(%arg7 : memref<200x64xf32, #tpu.memory_space<vmem>>)
    %dma_start3A_779 = arith.constant 7000 : i32
    %dma_start3A_780 = tpu.memref_slice %arg6[%dma_start3A_779] : memref<10000xi32, #tpu.memory_space<vmem>> -> memref<200xi32, #tpu.memory_space<vmem>>
    %dma_start3A_781 = arith.constant 0 : i32
    %dma_start3A_782 = arith.constant 0 : i32
    %dma_start3A_783 = tpu.memref_slice %arg13[%dma_start3A_781, %dma_start3A_782] : memref<10240x64xf32, #tpu.memory_space<vmem_shared>> -> memref<10240x64xf32, #tpu.memory_space<vmem_shared>>
    tpu.enqueue_indirect_dma source(%arg7 : memref<200x64xf32, #tpu.memory_space<vmem>>) target(%dma_start3A_783 : memref<10240x64xf32, #tpu.memory_space<vmem_shared>>) offsets(%dma_start3A_780 : memref<200xi32, #tpu.memory_space<vmem>>) semaphore(%arg15 : memref<!tpu.dma_semaphore, #tpu.memory_space<semaphore_mem>>) {add = true}
    %dma_wait3A_784 = arith.constant 7000 : i32
    %dma_wait3A_785 = tpu.memref_slice %arg6[%dma_wait3A_784] : memref<10000xi32, #tpu.memory_space<vmem>> -> memref<200xi32, #tpu.memory_space<vmem>>
    %dma_wait3A_786 = arith.constant 0 : i32
    %dma_wait3A_787 = arith.constant 0 : i32
    %dma_wait3A_788 = tpu.memref_slice %arg13[%dma_wait3A_786, %dma_wait3A_787] : memref<10240x64xf32, #tpu.memory_space<vmem_shared>> -> memref<10240x64xf32, #tpu.memory_space<vmem_shared>>
    tpu.wait_indirect_dma semaphore(%arg15 : memref<!tpu.dma_semaphore, #tpu.memory_space<semaphore_mem>>) src(%arg7 : memref<200x64xf32, #tpu.memory_space<vmem>>) dst(%dma_wait3A_788 : memref<10240x64xf32, #tpu.memory_space<vmem_shared>>)
    %dma_start3A_789 = arith.constant 8000 : i32
    %dma_start3A_790 = tpu.memref_slice %arg5[%dma_start3A_789] : memref<10000xi32, #tpu.memory_space<vmem>> -> memref<200xi32, #tpu.memory_space<vmem>>
    %dma_start3A_791 = arith.constant 0 : i32
    %dma_start3A_792 = arith.constant 0 : i32
    %dma_start3A_793 = tpu.memref_slice %arg2[%dma_start3A_791, %dma_start3A_792] : memref<10000x64xf32, #tpu.memory_space<hbm>> -> memref<10000x64xf32, #tpu.memory_space<hbm>>
    tpu.enqueue_indirect_dma source(%dma_start3A_793 : memref<10000x64xf32, #tpu.memory_space<hbm>>) target(%arg7 : memref<200x64xf32, #tpu.memory_space<vmem>>) offsets(%dma_start3A_790 : memref<200xi32, #tpu.memory_space<vmem>>) semaphore(%arg14 : memref<!tpu.dma_semaphore, #tpu.memory_space<semaphore_mem>>)
    %dma_wait3A_794 = arith.constant 7200 : i32
    %dma_wait3A_795 = tpu.memref_slice %arg5[%dma_wait3A_794] : memref<10000xi32, #tpu.memory_space<vmem>> -> memref<200xi32, #tpu.memory_space<vmem>>
    %dma_wait3A_796 = arith.constant 0 : i32
    %dma_wait3A_797 = arith.constant 0 : i32
    %dma_wait3A_798 = tpu.memref_slice %arg2[%dma_wait3A_796, %dma_wait3A_797] : memref<10000x64xf32, #tpu.memory_space<hbm>> -> memref<10000x64xf32, #tpu.memory_space<hbm>>
    tpu.wait_indirect_dma semaphore(%arg14 : memref<!tpu.dma_semaphore, #tpu.memory_space<semaphore_mem>>) src(%dma_wait3A_798 : memref<10000x64xf32, #tpu.memory_space<hbm>>) dst(%arg8 : memref<200x64xf32, #tpu.memory_space<vmem>>)
    %dma_start3A_799 = arith.constant 7200 : i32
    %dma_start3A_800 = tpu.memref_slice %arg6[%dma_start3A_799] : memref<10000xi32, #tpu.memory_space<vmem>> -> memref<200xi32, #tpu.memory_space<vmem>>
    %dma_start3A_801 = arith.constant 0 : i32
    %dma_start3A_802 = arith.constant 0 : i32
    %dma_start3A_803 = tpu.memref_slice %arg13[%dma_start3A_801, %dma_start3A_802] : memref<10240x64xf32, #tpu.memory_space<vmem_shared>> -> memref<10240x64xf32, #tpu.memory_space<vmem_shared>>
    tpu.enqueue_indirect_dma source(%arg8 : memref<200x64xf32, #tpu.memory_space<vmem>>) target(%dma_start3A_803 : memref<10240x64xf32, #tpu.memory_space<vmem_shared>>) offsets(%dma_start3A_800 : memref<200xi32, #tpu.memory_space<vmem>>) semaphore(%arg15 : memref<!tpu.dma_semaphore, #tpu.memory_space<semaphore_mem>>) {add = true}
    %dma_wait3A_804 = arith.constant 7200 : i32
    %dma_wait3A_805 = tpu.memref_slice %arg6[%dma_wait3A_804] : memref<10000xi32, #tpu.memory_space<vmem>> -> memref<200xi32, #tpu.memory_space<vmem>>
    %dma_wait3A_806 = arith.constant 0 : i32
    %dma_wait3A_807 = arith.constant 0 : i32
    %dma_wait3A_808 = tpu.memref_slice %arg13[%dma_wait3A_806, %dma_wait3A_807] : memref<10240x64xf32, #tpu.memory_space<vmem_shared>> -> memref<10240x64xf32, #tpu.memory_space<vmem_shared>>
    tpu.wait_indirect_dma semaphore(%arg15 : memref<!tpu.dma_semaphore, #tpu.memory_space<semaphore_mem>>) src(%arg8 : memref<200x64xf32, #tpu.memory_space<vmem>>) dst(%dma_wait3A_808 : memref<10240x64xf32, #tpu.memory_space<vmem_shared>>)
    %dma_start3A_809 = arith.constant 8200 : i32
    %dma_start3A_810 = tpu.memref_slice %arg5[%dma_start3A_809] : memref<10000xi32, #tpu.memory_space<vmem>> -> memref<200xi32, #tpu.memory_space<vmem>>
    %dma_start3A_811 = arith.constant 0 : i32
    %dma_start3A_812 = arith.constant 0 : i32
    %dma_start3A_813 = tpu.memref_slice %arg2[%dma_start3A_811, %dma_start3A_812] : memref<10000x64xf32, #tpu.memory_space<hbm>> -> memref<10000x64xf32, #tpu.memory_space<hbm>>
    tpu.enqueue_indirect_dma source(%dma_start3A_813 : memref<10000x64xf32, #tpu.memory_space<hbm>>) target(%arg8 : memref<200x64xf32, #tpu.memory_space<vmem>>) offsets(%dma_start3A_810 : memref<200xi32, #tpu.memory_space<vmem>>) semaphore(%arg14 : memref<!tpu.dma_semaphore, #tpu.memory_space<semaphore_mem>>)
    %dma_wait3A_814 = arith.constant 7400 : i32
    %dma_wait3A_815 = tpu.memref_slice %arg5[%dma_wait3A_814] : memref<10000xi32, #tpu.memory_space<vmem>> -> memref<200xi32, #tpu.memory_space<vmem>>
    %dma_wait3A_816 = arith.constant 0 : i32
    %dma_wait3A_817 = arith.constant 0 : i32
    %dma_wait3A_818 = tpu.memref_slice %arg2[%dma_wait3A_816, %dma_wait3A_817] : memref<10000x64xf32, #tpu.memory_space<hbm>> -> memref<10000x64xf32, #tpu.memory_space<hbm>>
    tpu.wait_indirect_dma semaphore(%arg14 : memref<!tpu.dma_semaphore, #tpu.memory_space<semaphore_mem>>) src(%dma_wait3A_818 : memref<10000x64xf32, #tpu.memory_space<hbm>>) dst(%arg9 : memref<200x64xf32, #tpu.memory_space<vmem>>)
    %dma_start3A_819 = arith.constant 7400 : i32
    %dma_start3A_820 = tpu.memref_slice %arg6[%dma_start3A_819] : memref<10000xi32, #tpu.memory_space<vmem>> -> memref<200xi32, #tpu.memory_space<vmem>>
    %dma_start3A_821 = arith.constant 0 : i32
    %dma_start3A_822 = arith.constant 0 : i32
    %dma_start3A_823 = tpu.memref_slice %arg13[%dma_start3A_821, %dma_start3A_822] : memref<10240x64xf32, #tpu.memory_space<vmem_shared>> -> memref<10240x64xf32, #tpu.memory_space<vmem_shared>>
    tpu.enqueue_indirect_dma source(%arg9 : memref<200x64xf32, #tpu.memory_space<vmem>>) target(%dma_start3A_823 : memref<10240x64xf32, #tpu.memory_space<vmem_shared>>) offsets(%dma_start3A_820 : memref<200xi32, #tpu.memory_space<vmem>>) semaphore(%arg15 : memref<!tpu.dma_semaphore, #tpu.memory_space<semaphore_mem>>) {add = true}
    %dma_wait3A_824 = arith.constant 7400 : i32
    %dma_wait3A_825 = tpu.memref_slice %arg6[%dma_wait3A_824] : memref<10000xi32, #tpu.memory_space<vmem>> -> memref<200xi32, #tpu.memory_space<vmem>>
    %dma_wait3A_826 = arith.constant 0 : i32
    %dma_wait3A_827 = arith.constant 0 : i32
    %dma_wait3A_828 = tpu.memref_slice %arg13[%dma_wait3A_826, %dma_wait3A_827] : memref<10240x64xf32, #tpu.memory_space<vmem_shared>> -> memref<10240x64xf32, #tpu.memory_space<vmem_shared>>
    tpu.wait_indirect_dma semaphore(%arg15 : memref<!tpu.dma_semaphore, #tpu.memory_space<semaphore_mem>>) src(%arg9 : memref<200x64xf32, #tpu.memory_space<vmem>>) dst(%dma_wait3A_828 : memref<10240x64xf32, #tpu.memory_space<vmem_shared>>)
    %dma_start3A_829 = arith.constant 8400 : i32
    %dma_start3A_830 = tpu.memref_slice %arg5[%dma_start3A_829] : memref<10000xi32, #tpu.memory_space<vmem>> -> memref<200xi32, #tpu.memory_space<vmem>>
    %dma_start3A_831 = arith.constant 0 : i32
    %dma_start3A_832 = arith.constant 0 : i32
    %dma_start3A_833 = tpu.memref_slice %arg2[%dma_start3A_831, %dma_start3A_832] : memref<10000x64xf32, #tpu.memory_space<hbm>> -> memref<10000x64xf32, #tpu.memory_space<hbm>>
    tpu.enqueue_indirect_dma source(%dma_start3A_833 : memref<10000x64xf32, #tpu.memory_space<hbm>>) target(%arg9 : memref<200x64xf32, #tpu.memory_space<vmem>>) offsets(%dma_start3A_830 : memref<200xi32, #tpu.memory_space<vmem>>) semaphore(%arg14 : memref<!tpu.dma_semaphore, #tpu.memory_space<semaphore_mem>>)
    %dma_wait3A_834 = arith.constant 7600 : i32
    %dma_wait3A_835 = tpu.memref_slice %arg5[%dma_wait3A_834] : memref<10000xi32, #tpu.memory_space<vmem>> -> memref<200xi32, #tpu.memory_space<vmem>>
    %dma_wait3A_836 = arith.constant 0 : i32
    %dma_wait3A_837 = arith.constant 0 : i32
    %dma_wait3A_838 = tpu.memref_slice %arg2[%dma_wait3A_836, %dma_wait3A_837] : memref<10000x64xf32, #tpu.memory_space<hbm>> -> memref<10000x64xf32, #tpu.memory_space<hbm>>
    tpu.wait_indirect_dma semaphore(%arg14 : memref<!tpu.dma_semaphore, #tpu.memory_space<semaphore_mem>>) src(%dma_wait3A_838 : memref<10000x64xf32, #tpu.memory_space<hbm>>) dst(%arg10 : memref<200x64xf32, #tpu.memory_space<vmem>>)
    %dma_start3A_839 = arith.constant 7600 : i32
    %dma_start3A_840 = tpu.memref_slice %arg6[%dma_start3A_839] : memref<10000xi32, #tpu.memory_space<vmem>> -> memref<200xi32, #tpu.memory_space<vmem>>
    %dma_start3A_841 = arith.constant 0 : i32
    %dma_start3A_842 = arith.constant 0 : i32
    %dma_start3A_843 = tpu.memref_slice %arg13[%dma_start3A_841, %dma_start3A_842] : memref<10240x64xf32, #tpu.memory_space<vmem_shared>> -> memref<10240x64xf32, #tpu.memory_space<vmem_shared>>
    tpu.enqueue_indirect_dma source(%arg10 : memref<200x64xf32, #tpu.memory_space<vmem>>) target(%dma_start3A_843 : memref<10240x64xf32, #tpu.memory_space<vmem_shared>>) offsets(%dma_start3A_840 : memref<200xi32, #tpu.memory_space<vmem>>) semaphore(%arg15 : memref<!tpu.dma_semaphore, #tpu.memory_space<semaphore_mem>>) {add = true}
    %dma_wait3A_844 = arith.constant 7600 : i32
    %dma_wait3A_845 = tpu.memref_slice %arg6[%dma_wait3A_844] : memref<10000xi32, #tpu.memory_space<vmem>> -> memref<200xi32, #tpu.memory_space<vmem>>
    %dma_wait3A_846 = arith.constant 0 : i32
    %dma_wait3A_847 = arith.constant 0 : i32
    %dma_wait3A_848 = tpu.memref_slice %arg13[%dma_wait3A_846, %dma_wait3A_847] : memref<10240x64xf32, #tpu.memory_space<vmem_shared>> -> memref<10240x64xf32, #tpu.memory_space<vmem_shared>>
    tpu.wait_indirect_dma semaphore(%arg15 : memref<!tpu.dma_semaphore, #tpu.memory_space<semaphore_mem>>) src(%arg10 : memref<200x64xf32, #tpu.memory_space<vmem>>) dst(%dma_wait3A_848 : memref<10240x64xf32, #tpu.memory_space<vmem_shared>>)
    %dma_start3A_849 = arith.constant 8600 : i32
    %dma_start3A_850 = tpu.memref_slice %arg5[%dma_start3A_849] : memref<10000xi32, #tpu.memory_space<vmem>> -> memref<200xi32, #tpu.memory_space<vmem>>
    %dma_start3A_851 = arith.constant 0 : i32
    %dma_start3A_852 = arith.constant 0 : i32
    %dma_start3A_853 = tpu.memref_slice %arg2[%dma_start3A_851, %dma_start3A_852] : memref<10000x64xf32, #tpu.memory_space<hbm>> -> memref<10000x64xf32, #tpu.memory_space<hbm>>
    tpu.enqueue_indirect_dma source(%dma_start3A_853 : memref<10000x64xf32, #tpu.memory_space<hbm>>) target(%arg10 : memref<200x64xf32, #tpu.memory_space<vmem>>) offsets(%dma_start3A_850 : memref<200xi32, #tpu.memory_space<vmem>>) semaphore(%arg14 : memref<!tpu.dma_semaphore, #tpu.memory_space<semaphore_mem>>)
    %dma_wait3A_854 = arith.constant 7800 : i32
    %dma_wait3A_855 = tpu.memref_slice %arg5[%dma_wait3A_854] : memref<10000xi32, #tpu.memory_space<vmem>> -> memref<200xi32, #tpu.memory_space<vmem>>
    %dma_wait3A_856 = arith.constant 0 : i32
    %dma_wait3A_857 = arith.constant 0 : i32
    %dma_wait3A_858 = tpu.memref_slice %arg2[%dma_wait3A_856, %dma_wait3A_857] : memref<10000x64xf32, #tpu.memory_space<hbm>> -> memref<10000x64xf32, #tpu.memory_space<hbm>>
    tpu.wait_indirect_dma semaphore(%arg14 : memref<!tpu.dma_semaphore, #tpu.memory_space<semaphore_mem>>) src(%dma_wait3A_858 : memref<10000x64xf32, #tpu.memory_space<hbm>>) dst(%arg11 : memref<200x64xf32, #tpu.memory_space<vmem>>)
    %dma_start3A_859 = arith.constant 7800 : i32
    %dma_start3A_860 = tpu.memref_slice %arg6[%dma_start3A_859] : memref<10000xi32, #tpu.memory_space<vmem>> -> memref<200xi32, #tpu.memory_space<vmem>>
    %dma_start3A_861 = arith.constant 0 : i32
    %dma_start3A_862 = arith.constant 0 : i32
    %dma_start3A_863 = tpu.memref_slice %arg13[%dma_start3A_861, %dma_start3A_862] : memref<10240x64xf32, #tpu.memory_space<vmem_shared>> -> memref<10240x64xf32, #tpu.memory_space<vmem_shared>>
    tpu.enqueue_indirect_dma source(%arg11 : memref<200x64xf32, #tpu.memory_space<vmem>>) target(%dma_start3A_863 : memref<10240x64xf32, #tpu.memory_space<vmem_shared>>) offsets(%dma_start3A_860 : memref<200xi32, #tpu.memory_space<vmem>>) semaphore(%arg15 : memref<!tpu.dma_semaphore, #tpu.memory_space<semaphore_mem>>) {add = true}
    %dma_wait3A_864 = arith.constant 7800 : i32
    %dma_wait3A_865 = tpu.memref_slice %arg6[%dma_wait3A_864] : memref<10000xi32, #tpu.memory_space<vmem>> -> memref<200xi32, #tpu.memory_space<vmem>>
    %dma_wait3A_866 = arith.constant 0 : i32
    %dma_wait3A_867 = arith.constant 0 : i32
    %dma_wait3A_868 = tpu.memref_slice %arg13[%dma_wait3A_866, %dma_wait3A_867] : memref<10240x64xf32, #tpu.memory_space<vmem_shared>> -> memref<10240x64xf32, #tpu.memory_space<vmem_shared>>
    tpu.wait_indirect_dma semaphore(%arg15 : memref<!tpu.dma_semaphore, #tpu.memory_space<semaphore_mem>>) src(%arg11 : memref<200x64xf32, #tpu.memory_space<vmem>>) dst(%dma_wait3A_868 : memref<10240x64xf32, #tpu.memory_space<vmem_shared>>)
    %dma_start3A_869 = arith.constant 8800 : i32
    %dma_start3A_870 = tpu.memref_slice %arg5[%dma_start3A_869] : memref<10000xi32, #tpu.memory_space<vmem>> -> memref<200xi32, #tpu.memory_space<vmem>>
    %dma_start3A_871 = arith.constant 0 : i32
    %dma_start3A_872 = arith.constant 0 : i32
    %dma_start3A_873 = tpu.memref_slice %arg2[%dma_start3A_871, %dma_start3A_872] : memref<10000x64xf32, #tpu.memory_space<hbm>> -> memref<10000x64xf32, #tpu.memory_space<hbm>>
    tpu.enqueue_indirect_dma source(%dma_start3A_873 : memref<10000x64xf32, #tpu.memory_space<hbm>>) target(%arg11 : memref<200x64xf32, #tpu.memory_space<vmem>>) offsets(%dma_start3A_870 : memref<200xi32, #tpu.memory_space<vmem>>) semaphore(%arg14 : memref<!tpu.dma_semaphore, #tpu.memory_space<semaphore_mem>>)
    %dma_wait3A_874 = arith.constant 8000 : i32
    %dma_wait3A_875 = tpu.memref_slice %arg5[%dma_wait3A_874] : memref<10000xi32, #tpu.memory_space<vmem>> -> memref<200xi32, #tpu.memory_space<vmem>>
    %dma_wait3A_876 = arith.constant 0 : i32
    %dma_wait3A_877 = arith.constant 0 : i32
    %dma_wait3A_878 = tpu.memref_slice %arg2[%dma_wait3A_876, %dma_wait3A_877] : memref<10000x64xf32, #tpu.memory_space<hbm>> -> memref<10000x64xf32, #tpu.memory_space<hbm>>
    tpu.wait_indirect_dma semaphore(%arg14 : memref<!tpu.dma_semaphore, #tpu.memory_space<semaphore_mem>>) src(%dma_wait3A_878 : memref<10000x64xf32, #tpu.memory_space<hbm>>) dst(%arg7 : memref<200x64xf32, #tpu.memory_space<vmem>>)
    %dma_start3A_879 = arith.constant 8000 : i32
    %dma_start3A_880 = tpu.memref_slice %arg6[%dma_start3A_879] : memref<10000xi32, #tpu.memory_space<vmem>> -> memref<200xi32, #tpu.memory_space<vmem>>
    %dma_start3A_881 = arith.constant 0 : i32
    %dma_start3A_882 = arith.constant 0 : i32
    %dma_start3A_883 = tpu.memref_slice %arg13[%dma_start3A_881, %dma_start3A_882] : memref<10240x64xf32, #tpu.memory_space<vmem_shared>> -> memref<10240x64xf32, #tpu.memory_space<vmem_shared>>
    tpu.enqueue_indirect_dma source(%arg7 : memref<200x64xf32, #tpu.memory_space<vmem>>) target(%dma_start3A_883 : memref<10240x64xf32, #tpu.memory_space<vmem_shared>>) offsets(%dma_start3A_880 : memref<200xi32, #tpu.memory_space<vmem>>) semaphore(%arg15 : memref<!tpu.dma_semaphore, #tpu.memory_space<semaphore_mem>>) {add = true}
    %dma_wait3A_884 = arith.constant 8000 : i32
    %dma_wait3A_885 = tpu.memref_slice %arg6[%dma_wait3A_884] : memref<10000xi32, #tpu.memory_space<vmem>> -> memref<200xi32, #tpu.memory_space<vmem>>
    %dma_wait3A_886 = arith.constant 0 : i32
    %dma_wait3A_887 = arith.constant 0 : i32
    %dma_wait3A_888 = tpu.memref_slice %arg13[%dma_wait3A_886, %dma_wait3A_887] : memref<10240x64xf32, #tpu.memory_space<vmem_shared>> -> memref<10240x64xf32, #tpu.memory_space<vmem_shared>>
    tpu.wait_indirect_dma semaphore(%arg15 : memref<!tpu.dma_semaphore, #tpu.memory_space<semaphore_mem>>) src(%arg7 : memref<200x64xf32, #tpu.memory_space<vmem>>) dst(%dma_wait3A_888 : memref<10240x64xf32, #tpu.memory_space<vmem_shared>>)
    %dma_start3A_889 = arith.constant 9000 : i32
    %dma_start3A_890 = tpu.memref_slice %arg5[%dma_start3A_889] : memref<10000xi32, #tpu.memory_space<vmem>> -> memref<200xi32, #tpu.memory_space<vmem>>
    %dma_start3A_891 = arith.constant 0 : i32
    %dma_start3A_892 = arith.constant 0 : i32
    %dma_start3A_893 = tpu.memref_slice %arg2[%dma_start3A_891, %dma_start3A_892] : memref<10000x64xf32, #tpu.memory_space<hbm>> -> memref<10000x64xf32, #tpu.memory_space<hbm>>
    tpu.enqueue_indirect_dma source(%dma_start3A_893 : memref<10000x64xf32, #tpu.memory_space<hbm>>) target(%arg7 : memref<200x64xf32, #tpu.memory_space<vmem>>) offsets(%dma_start3A_890 : memref<200xi32, #tpu.memory_space<vmem>>) semaphore(%arg14 : memref<!tpu.dma_semaphore, #tpu.memory_space<semaphore_mem>>)
    %dma_wait3A_894 = arith.constant 8200 : i32
    %dma_wait3A_895 = tpu.memref_slice %arg5[%dma_wait3A_894] : memref<10000xi32, #tpu.memory_space<vmem>> -> memref<200xi32, #tpu.memory_space<vmem>>
    %dma_wait3A_896 = arith.constant 0 : i32
    %dma_wait3A_897 = arith.constant 0 : i32
    %dma_wait3A_898 = tpu.memref_slice %arg2[%dma_wait3A_896, %dma_wait3A_897] : memref<10000x64xf32, #tpu.memory_space<hbm>> -> memref<10000x64xf32, #tpu.memory_space<hbm>>
    tpu.wait_indirect_dma semaphore(%arg14 : memref<!tpu.dma_semaphore, #tpu.memory_space<semaphore_mem>>) src(%dma_wait3A_898 : memref<10000x64xf32, #tpu.memory_space<hbm>>) dst(%arg8 : memref<200x64xf32, #tpu.memory_space<vmem>>)
    %dma_start3A_899 = arith.constant 8200 : i32
    %dma_start3A_900 = tpu.memref_slice %arg6[%dma_start3A_899] : memref<10000xi32, #tpu.memory_space<vmem>> -> memref<200xi32, #tpu.memory_space<vmem>>
    %dma_start3A_901 = arith.constant 0 : i32
    %dma_start3A_902 = arith.constant 0 : i32
    %dma_start3A_903 = tpu.memref_slice %arg13[%dma_start3A_901, %dma_start3A_902] : memref<10240x64xf32, #tpu.memory_space<vmem_shared>> -> memref<10240x64xf32, #tpu.memory_space<vmem_shared>>
    tpu.enqueue_indirect_dma source(%arg8 : memref<200x64xf32, #tpu.memory_space<vmem>>) target(%dma_start3A_903 : memref<10240x64xf32, #tpu.memory_space<vmem_shared>>) offsets(%dma_start3A_900 : memref<200xi32, #tpu.memory_space<vmem>>) semaphore(%arg15 : memref<!tpu.dma_semaphore, #tpu.memory_space<semaphore_mem>>) {add = true}
    %dma_wait3A_904 = arith.constant 8200 : i32
    %dma_wait3A_905 = tpu.memref_slice %arg6[%dma_wait3A_904] : memref<10000xi32, #tpu.memory_space<vmem>> -> memref<200xi32, #tpu.memory_space<vmem>>
    %dma_wait3A_906 = arith.constant 0 : i32
    %dma_wait3A_907 = arith.constant 0 : i32
    %dma_wait3A_908 = tpu.memref_slice %arg13[%dma_wait3A_906, %dma_wait3A_907] : memref<10240x64xf32, #tpu.memory_space<vmem_shared>> -> memref<10240x64xf32, #tpu.memory_space<vmem_shared>>
    tpu.wait_indirect_dma semaphore(%arg15 : memref<!tpu.dma_semaphore, #tpu.memory_space<semaphore_mem>>) src(%arg8 : memref<200x64xf32, #tpu.memory_space<vmem>>) dst(%dma_wait3A_908 : memref<10240x64xf32, #tpu.memory_space<vmem_shared>>)
    %dma_start3A_909 = arith.constant 9200 : i32
    %dma_start3A_910 = tpu.memref_slice %arg5[%dma_start3A_909] : memref<10000xi32, #tpu.memory_space<vmem>> -> memref<200xi32, #tpu.memory_space<vmem>>
    %dma_start3A_911 = arith.constant 0 : i32
    %dma_start3A_912 = arith.constant 0 : i32
    %dma_start3A_913 = tpu.memref_slice %arg2[%dma_start3A_911, %dma_start3A_912] : memref<10000x64xf32, #tpu.memory_space<hbm>> -> memref<10000x64xf32, #tpu.memory_space<hbm>>
    tpu.enqueue_indirect_dma source(%dma_start3A_913 : memref<10000x64xf32, #tpu.memory_space<hbm>>) target(%arg8 : memref<200x64xf32, #tpu.memory_space<vmem>>) offsets(%dma_start3A_910 : memref<200xi32, #tpu.memory_space<vmem>>) semaphore(%arg14 : memref<!tpu.dma_semaphore, #tpu.memory_space<semaphore_mem>>)
    %dma_wait3A_914 = arith.constant 8400 : i32
    %dma_wait3A_915 = tpu.memref_slice %arg5[%dma_wait3A_914] : memref<10000xi32, #tpu.memory_space<vmem>> -> memref<200xi32, #tpu.memory_space<vmem>>
    %dma_wait3A_916 = arith.constant 0 : i32
    %dma_wait3A_917 = arith.constant 0 : i32
    %dma_wait3A_918 = tpu.memref_slice %arg2[%dma_wait3A_916, %dma_wait3A_917] : memref<10000x64xf32, #tpu.memory_space<hbm>> -> memref<10000x64xf32, #tpu.memory_space<hbm>>
    tpu.wait_indirect_dma semaphore(%arg14 : memref<!tpu.dma_semaphore, #tpu.memory_space<semaphore_mem>>) src(%dma_wait3A_918 : memref<10000x64xf32, #tpu.memory_space<hbm>>) dst(%arg9 : memref<200x64xf32, #tpu.memory_space<vmem>>)
    %dma_start3A_919 = arith.constant 8400 : i32
    %dma_start3A_920 = tpu.memref_slice %arg6[%dma_start3A_919] : memref<10000xi32, #tpu.memory_space<vmem>> -> memref<200xi32, #tpu.memory_space<vmem>>
    %dma_start3A_921 = arith.constant 0 : i32
    %dma_start3A_922 = arith.constant 0 : i32
    %dma_start3A_923 = tpu.memref_slice %arg13[%dma_start3A_921, %dma_start3A_922] : memref<10240x64xf32, #tpu.memory_space<vmem_shared>> -> memref<10240x64xf32, #tpu.memory_space<vmem_shared>>
    tpu.enqueue_indirect_dma source(%arg9 : memref<200x64xf32, #tpu.memory_space<vmem>>) target(%dma_start3A_923 : memref<10240x64xf32, #tpu.memory_space<vmem_shared>>) offsets(%dma_start3A_920 : memref<200xi32, #tpu.memory_space<vmem>>) semaphore(%arg15 : memref<!tpu.dma_semaphore, #tpu.memory_space<semaphore_mem>>) {add = true}
    %dma_wait3A_924 = arith.constant 8400 : i32
    %dma_wait3A_925 = tpu.memref_slice %arg6[%dma_wait3A_924] : memref<10000xi32, #tpu.memory_space<vmem>> -> memref<200xi32, #tpu.memory_space<vmem>>
    %dma_wait3A_926 = arith.constant 0 : i32
    %dma_wait3A_927 = arith.constant 0 : i32
    %dma_wait3A_928 = tpu.memref_slice %arg13[%dma_wait3A_926, %dma_wait3A_927] : memref<10240x64xf32, #tpu.memory_space<vmem_shared>> -> memref<10240x64xf32, #tpu.memory_space<vmem_shared>>
    tpu.wait_indirect_dma semaphore(%arg15 : memref<!tpu.dma_semaphore, #tpu.memory_space<semaphore_mem>>) src(%arg9 : memref<200x64xf32, #tpu.memory_space<vmem>>) dst(%dma_wait3A_928 : memref<10240x64xf32, #tpu.memory_space<vmem_shared>>)
    %dma_start3A_929 = arith.constant 9400 : i32
    %dma_start3A_930 = tpu.memref_slice %arg5[%dma_start3A_929] : memref<10000xi32, #tpu.memory_space<vmem>> -> memref<200xi32, #tpu.memory_space<vmem>>
    %dma_start3A_931 = arith.constant 0 : i32
    %dma_start3A_932 = arith.constant 0 : i32
    %dma_start3A_933 = tpu.memref_slice %arg2[%dma_start3A_931, %dma_start3A_932] : memref<10000x64xf32, #tpu.memory_space<hbm>> -> memref<10000x64xf32, #tpu.memory_space<hbm>>
    tpu.enqueue_indirect_dma source(%dma_start3A_933 : memref<10000x64xf32, #tpu.memory_space<hbm>>) target(%arg9 : memref<200x64xf32, #tpu.memory_space<vmem>>) offsets(%dma_start3A_930 : memref<200xi32, #tpu.memory_space<vmem>>) semaphore(%arg14 : memref<!tpu.dma_semaphore, #tpu.memory_space<semaphore_mem>>)
    %dma_wait3A_934 = arith.constant 8600 : i32
    %dma_wait3A_935 = tpu.memref_slice %arg5[%dma_wait3A_934] : memref<10000xi32, #tpu.memory_space<vmem>> -> memref<200xi32, #tpu.memory_space<vmem>>
    %dma_wait3A_936 = arith.constant 0 : i32
    %dma_wait3A_937 = arith.constant 0 : i32
    %dma_wait3A_938 = tpu.memref_slice %arg2[%dma_wait3A_936, %dma_wait3A_937] : memref<10000x64xf32, #tpu.memory_space<hbm>> -> memref<10000x64xf32, #tpu.memory_space<hbm>>
    tpu.wait_indirect_dma semaphore(%arg14 : memref<!tpu.dma_semaphore, #tpu.memory_space<semaphore_mem>>) src(%dma_wait3A_938 : memref<10000x64xf32, #tpu.memory_space<hbm>>) dst(%arg10 : memref<200x64xf32, #tpu.memory_space<vmem>>)
    %dma_start3A_939 = arith.constant 8600 : i32
    %dma_start3A_940 = tpu.memref_slice %arg6[%dma_start3A_939] : memref<10000xi32, #tpu.memory_space<vmem>> -> memref<200xi32, #tpu.memory_space<vmem>>
    %dma_start3A_941 = arith.constant 0 : i32
    %dma_start3A_942 = arith.constant 0 : i32
    %dma_start3A_943 = tpu.memref_slice %arg13[%dma_start3A_941, %dma_start3A_942] : memref<10240x64xf32, #tpu.memory_space<vmem_shared>> -> memref<10240x64xf32, #tpu.memory_space<vmem_shared>>
    tpu.enqueue_indirect_dma source(%arg10 : memref<200x64xf32, #tpu.memory_space<vmem>>) target(%dma_start3A_943 : memref<10240x64xf32, #tpu.memory_space<vmem_shared>>) offsets(%dma_start3A_940 : memref<200xi32, #tpu.memory_space<vmem>>) semaphore(%arg15 : memref<!tpu.dma_semaphore, #tpu.memory_space<semaphore_mem>>) {add = true}
    %dma_wait3A_944 = arith.constant 8600 : i32
    %dma_wait3A_945 = tpu.memref_slice %arg6[%dma_wait3A_944] : memref<10000xi32, #tpu.memory_space<vmem>> -> memref<200xi32, #tpu.memory_space<vmem>>
    %dma_wait3A_946 = arith.constant 0 : i32
    %dma_wait3A_947 = arith.constant 0 : i32
    %dma_wait3A_948 = tpu.memref_slice %arg13[%dma_wait3A_946, %dma_wait3A_947] : memref<10240x64xf32, #tpu.memory_space<vmem_shared>> -> memref<10240x64xf32, #tpu.memory_space<vmem_shared>>
    tpu.wait_indirect_dma semaphore(%arg15 : memref<!tpu.dma_semaphore, #tpu.memory_space<semaphore_mem>>) src(%arg10 : memref<200x64xf32, #tpu.memory_space<vmem>>) dst(%dma_wait3A_948 : memref<10240x64xf32, #tpu.memory_space<vmem_shared>>)
    %dma_start3A_949 = arith.constant 9600 : i32
    %dma_start3A_950 = tpu.memref_slice %arg5[%dma_start3A_949] : memref<10000xi32, #tpu.memory_space<vmem>> -> memref<200xi32, #tpu.memory_space<vmem>>
    %dma_start3A_951 = arith.constant 0 : i32
    %dma_start3A_952 = arith.constant 0 : i32
    %dma_start3A_953 = tpu.memref_slice %arg2[%dma_start3A_951, %dma_start3A_952] : memref<10000x64xf32, #tpu.memory_space<hbm>> -> memref<10000x64xf32, #tpu.memory_space<hbm>>
    tpu.enqueue_indirect_dma source(%dma_start3A_953 : memref<10000x64xf32, #tpu.memory_space<hbm>>) target(%arg10 : memref<200x64xf32, #tpu.memory_space<vmem>>) offsets(%dma_start3A_950 : memref<200xi32, #tpu.memory_space<vmem>>) semaphore(%arg14 : memref<!tpu.dma_semaphore, #tpu.memory_space<semaphore_mem>>)
    %dma_wait3A_954 = arith.constant 8800 : i32
    %dma_wait3A_955 = tpu.memref_slice %arg5[%dma_wait3A_954] : memref<10000xi32, #tpu.memory_space<vmem>> -> memref<200xi32, #tpu.memory_space<vmem>>
    %dma_wait3A_956 = arith.constant 0 : i32
    %dma_wait3A_957 = arith.constant 0 : i32
    %dma_wait3A_958 = tpu.memref_slice %arg2[%dma_wait3A_956, %dma_wait3A_957] : memref<10000x64xf32, #tpu.memory_space<hbm>> -> memref<10000x64xf32, #tpu.memory_space<hbm>>
    tpu.wait_indirect_dma semaphore(%arg14 : memref<!tpu.dma_semaphore, #tpu.memory_space<semaphore_mem>>) src(%dma_wait3A_958 : memref<10000x64xf32, #tpu.memory_space<hbm>>) dst(%arg11 : memref<200x64xf32, #tpu.memory_space<vmem>>)
    %dma_start3A_959 = arith.constant 8800 : i32
    %dma_start3A_960 = tpu.memref_slice %arg6[%dma_start3A_959] : memref<10000xi32, #tpu.memory_space<vmem>> -> memref<200xi32, #tpu.memory_space<vmem>>
    %dma_start3A_961 = arith.constant 0 : i32
    %dma_start3A_962 = arith.constant 0 : i32
    %dma_start3A_963 = tpu.memref_slice %arg13[%dma_start3A_961, %dma_start3A_962] : memref<10240x64xf32, #tpu.memory_space<vmem_shared>> -> memref<10240x64xf32, #tpu.memory_space<vmem_shared>>
    tpu.enqueue_indirect_dma source(%arg11 : memref<200x64xf32, #tpu.memory_space<vmem>>) target(%dma_start3A_963 : memref<10240x64xf32, #tpu.memory_space<vmem_shared>>) offsets(%dma_start3A_960 : memref<200xi32, #tpu.memory_space<vmem>>) semaphore(%arg15 : memref<!tpu.dma_semaphore, #tpu.memory_space<semaphore_mem>>) {add = true}
    %dma_wait3A_964 = arith.constant 8800 : i32
    %dma_wait3A_965 = tpu.memref_slice %arg6[%dma_wait3A_964] : memref<10000xi32, #tpu.memory_space<vmem>> -> memref<200xi32, #tpu.memory_space<vmem>>
    %dma_wait3A_966 = arith.constant 0 : i32
    %dma_wait3A_967 = arith.constant 0 : i32
    %dma_wait3A_968 = tpu.memref_slice %arg13[%dma_wait3A_966, %dma_wait3A_967] : memref<10240x64xf32, #tpu.memory_space<vmem_shared>> -> memref<10240x64xf32, #tpu.memory_space<vmem_shared>>
    tpu.wait_indirect_dma semaphore(%arg15 : memref<!tpu.dma_semaphore, #tpu.memory_space<semaphore_mem>>) src(%arg11 : memref<200x64xf32, #tpu.memory_space<vmem>>) dst(%dma_wait3A_968 : memref<10240x64xf32, #tpu.memory_space<vmem_shared>>)
    %dma_start3A_969 = arith.constant 9800 : i32
    %dma_start3A_970 = tpu.memref_slice %arg5[%dma_start3A_969] : memref<10000xi32, #tpu.memory_space<vmem>> -> memref<200xi32, #tpu.memory_space<vmem>>
    %dma_start3A_971 = arith.constant 0 : i32
    %dma_start3A_972 = arith.constant 0 : i32
    %dma_start3A_973 = tpu.memref_slice %arg2[%dma_start3A_971, %dma_start3A_972] : memref<10000x64xf32, #tpu.memory_space<hbm>> -> memref<10000x64xf32, #tpu.memory_space<hbm>>
    tpu.enqueue_indirect_dma source(%dma_start3A_973 : memref<10000x64xf32, #tpu.memory_space<hbm>>) target(%arg11 : memref<200x64xf32, #tpu.memory_space<vmem>>) offsets(%dma_start3A_970 : memref<200xi32, #tpu.memory_space<vmem>>) semaphore(%arg14 : memref<!tpu.dma_semaphore, #tpu.memory_space<semaphore_mem>>)
    %dma_wait3A_974 = arith.constant 9000 : i32
    %dma_wait3A_975 = tpu.memref_slice %arg5[%dma_wait3A_974] : memref<10000xi32, #tpu.memory_space<vmem>> -> memref<200xi32, #tpu.memory_space<vmem>>
    %dma_wait3A_976 = arith.constant 0 : i32
    %dma_wait3A_977 = arith.constant 0 : i32
    %dma_wait3A_978 = tpu.memref_slice %arg2[%dma_wait3A_976, %dma_wait3A_977] : memref<10000x64xf32, #tpu.memory_space<hbm>> -> memref<10000x64xf32, #tpu.memory_space<hbm>>
    tpu.wait_indirect_dma semaphore(%arg14 : memref<!tpu.dma_semaphore, #tpu.memory_space<semaphore_mem>>) src(%dma_wait3A_978 : memref<10000x64xf32, #tpu.memory_space<hbm>>) dst(%arg7 : memref<200x64xf32, #tpu.memory_space<vmem>>)
    %dma_start3A_979 = arith.constant 9000 : i32
    %dma_start3A_980 = tpu.memref_slice %arg6[%dma_start3A_979] : memref<10000xi32, #tpu.memory_space<vmem>> -> memref<200xi32, #tpu.memory_space<vmem>>
    %dma_start3A_981 = arith.constant 0 : i32
    %dma_start3A_982 = arith.constant 0 : i32
    %dma_start3A_983 = tpu.memref_slice %arg13[%dma_start3A_981, %dma_start3A_982] : memref<10240x64xf32, #tpu.memory_space<vmem_shared>> -> memref<10240x64xf32, #tpu.memory_space<vmem_shared>>
    tpu.enqueue_indirect_dma source(%arg7 : memref<200x64xf32, #tpu.memory_space<vmem>>) target(%dma_start3A_983 : memref<10240x64xf32, #tpu.memory_space<vmem_shared>>) offsets(%dma_start3A_980 : memref<200xi32, #tpu.memory_space<vmem>>) semaphore(%arg15 : memref<!tpu.dma_semaphore, #tpu.memory_space<semaphore_mem>>) {add = true}
    %dma_wait3A_984 = arith.constant 9200 : i32
    %dma_wait3A_985 = tpu.memref_slice %arg5[%dma_wait3A_984] : memref<10000xi32, #tpu.memory_space<vmem>> -> memref<200xi32, #tpu.memory_space<vmem>>
    %dma_wait3A_986 = arith.constant 0 : i32
    %dma_wait3A_987 = arith.constant 0 : i32
    %dma_wait3A_988 = tpu.memref_slice %arg2[%dma_wait3A_986, %dma_wait3A_987] : memref<10000x64xf32, #tpu.memory_space<hbm>> -> memref<10000x64xf32, #tpu.memory_space<hbm>>
    tpu.wait_indirect_dma semaphore(%arg14 : memref<!tpu.dma_semaphore, #tpu.memory_space<semaphore_mem>>) src(%dma_wait3A_988 : memref<10000x64xf32, #tpu.memory_space<hbm>>) dst(%arg8 : memref<200x64xf32, #tpu.memory_space<vmem>>)
    %dma_start3A_989 = arith.constant 9200 : i32
    %dma_start3A_990 = tpu.memref_slice %arg6[%dma_start3A_989] : memref<10000xi32, #tpu.memory_space<vmem>> -> memref<200xi32, #tpu.memory_space<vmem>>
    %dma_start3A_991 = arith.constant 0 : i32
    %dma_start3A_992 = arith.constant 0 : i32
    %dma_start3A_993 = tpu.memref_slice %arg13[%dma_start3A_991, %dma_start3A_992] : memref<10240x64xf32, #tpu.memory_space<vmem_shared>> -> memref<10240x64xf32, #tpu.memory_space<vmem_shared>>
    tpu.enqueue_indirect_dma source(%arg8 : memref<200x64xf32, #tpu.memory_space<vmem>>) target(%dma_start3A_993 : memref<10240x64xf32, #tpu.memory_space<vmem_shared>>) offsets(%dma_start3A_990 : memref<200xi32, #tpu.memory_space<vmem>>) semaphore(%arg15 : memref<!tpu.dma_semaphore, #tpu.memory_space<semaphore_mem>>) {add = true}
    %dma_wait3A_994 = arith.constant 9400 : i32
    %dma_wait3A_995 = tpu.memref_slice %arg5[%dma_wait3A_994] : memref<10000xi32, #tpu.memory_space<vmem>> -> memref<200xi32, #tpu.memory_space<vmem>>
    %dma_wait3A_996 = arith.constant 0 : i32
    %dma_wait3A_997 = arith.constant 0 : i32
    %dma_wait3A_998 = tpu.memref_slice %arg2[%dma_wait3A_996, %dma_wait3A_997] : memref<10000x64xf32, #tpu.memory_space<hbm>> -> memref<10000x64xf32, #tpu.memory_space<hbm>>
    tpu.wait_indirect_dma semaphore(%arg14 : memref<!tpu.dma_semaphore, #tpu.memory_space<semaphore_mem>>) src(%dma_wait3A_998 : memref<10000x64xf32, #tpu.memory_space<hbm>>) dst(%arg9 : memref<200x64xf32, #tpu.memory_space<vmem>>)
    %dma_start3A_999 = arith.constant 9400 : i32
    %dma_start3A_1000 = tpu.memref_slice %arg6[%dma_start3A_999] : memref<10000xi32, #tpu.memory_space<vmem>> -> memref<200xi32, #tpu.memory_space<vmem>>
    %dma_start3A_1001 = arith.constant 0 : i32
    %dma_start3A_1002 = arith.constant 0 : i32
    %dma_start3A_1003 = tpu.memref_slice %arg13[%dma_start3A_1001, %dma_start3A_1002] : memref<10240x64xf32, #tpu.memory_space<vmem_shared>> -> memref<10240x64xf32, #tpu.memory_space<vmem_shared>>
    tpu.enqueue_indirect_dma source(%arg9 : memref<200x64xf32, #tpu.memory_space<vmem>>) target(%dma_start3A_1003 : memref<10240x64xf32, #tpu.memory_space<vmem_shared>>) offsets(%dma_start3A_1000 : memref<200xi32, #tpu.memory_space<vmem>>) semaphore(%arg15 : memref<!tpu.dma_semaphore, #tpu.memory_space<semaphore_mem>>) {add = true}
    %dma_wait3A_1004 = arith.constant 9600 : i32
    %dma_wait3A_1005 = tpu.memref_slice %arg5[%dma_wait3A_1004] : memref<10000xi32, #tpu.memory_space<vmem>> -> memref<200xi32, #tpu.memory_space<vmem>>
    %dma_wait3A_1006 = arith.constant 0 : i32
    %dma_wait3A_1007 = arith.constant 0 : i32
    %dma_wait3A_1008 = tpu.memref_slice %arg2[%dma_wait3A_1006, %dma_wait3A_1007] : memref<10000x64xf32, #tpu.memory_space<hbm>> -> memref<10000x64xf32, #tpu.memory_space<hbm>>
    tpu.wait_indirect_dma semaphore(%arg14 : memref<!tpu.dma_semaphore, #tpu.memory_space<semaphore_mem>>) src(%dma_wait3A_1008 : memref<10000x64xf32, #tpu.memory_space<hbm>>) dst(%arg10 : memref<200x64xf32, #tpu.memory_space<vmem>>)
    %dma_start3A_1009 = arith.constant 9600 : i32
    %dma_start3A_1010 = tpu.memref_slice %arg6[%dma_start3A_1009] : memref<10000xi32, #tpu.memory_space<vmem>> -> memref<200xi32, #tpu.memory_space<vmem>>
    %dma_start3A_1011 = arith.constant 0 : i32
    %dma_start3A_1012 = arith.constant 0 : i32
    %dma_start3A_1013 = tpu.memref_slice %arg13[%dma_start3A_1011, %dma_start3A_1012] : memref<10240x64xf32, #tpu.memory_space<vmem_shared>> -> memref<10240x64xf32, #tpu.memory_space<vmem_shared>>
    tpu.enqueue_indirect_dma source(%arg10 : memref<200x64xf32, #tpu.memory_space<vmem>>) target(%dma_start3A_1013 : memref<10240x64xf32, #tpu.memory_space<vmem_shared>>) offsets(%dma_start3A_1010 : memref<200xi32, #tpu.memory_space<vmem>>) semaphore(%arg15 : memref<!tpu.dma_semaphore, #tpu.memory_space<semaphore_mem>>) {add = true}
    %dma_wait3A_1014 = arith.constant 9800 : i32
    %dma_wait3A_1015 = tpu.memref_slice %arg5[%dma_wait3A_1014] : memref<10000xi32, #tpu.memory_space<vmem>> -> memref<200xi32, #tpu.memory_space<vmem>>
    %dma_wait3A_1016 = arith.constant 0 : i32
    %dma_wait3A_1017 = arith.constant 0 : i32
    %dma_wait3A_1018 = tpu.memref_slice %arg2[%dma_wait3A_1016, %dma_wait3A_1017] : memref<10000x64xf32, #tpu.memory_space<hbm>> -> memref<10000x64xf32, #tpu.memory_space<hbm>>
    tpu.wait_indirect_dma semaphore(%arg14 : memref<!tpu.dma_semaphore, #tpu.memory_space<semaphore_mem>>) src(%dma_wait3A_1018 : memref<10000x64xf32, #tpu.memory_space<hbm>>) dst(%arg11 : memref<200x64xf32, #tpu.memory_space<vmem>>)
    %dma_start3A_1019 = arith.constant 9800 : i32
    %dma_start3A_1020 = tpu.memref_slice %arg6[%dma_start3A_1019] : memref<10000xi32, #tpu.memory_space<vmem>> -> memref<200xi32, #tpu.memory_space<vmem>>
    %dma_start3A_1021 = arith.constant 0 : i32
    %dma_start3A_1022 = arith.constant 0 : i32
    %dma_start3A_1023 = tpu.memref_slice %arg13[%dma_start3A_1021, %dma_start3A_1022] : memref<10240x64xf32, #tpu.memory_space<vmem_shared>> -> memref<10240x64xf32, #tpu.memory_space<vmem_shared>>
    tpu.enqueue_indirect_dma source(%arg11 : memref<200x64xf32, #tpu.memory_space<vmem>>) target(%dma_start3A_1023 : memref<10240x64xf32, #tpu.memory_space<vmem_shared>>) offsets(%dma_start3A_1020 : memref<200xi32, #tpu.memory_space<vmem>>) semaphore(%arg15 : memref<!tpu.dma_semaphore, #tpu.memory_space<semaphore_mem>>) {add = true}
    %dma_wait3A_1024 = arith.constant 9000 : i32
    %dma_wait3A_1025 = tpu.memref_slice %arg6[%dma_wait3A_1024] : memref<10000xi32, #tpu.memory_space<vmem>> -> memref<200xi32, #tpu.memory_space<vmem>>
    %dma_wait3A_1026 = arith.constant 0 : i32
    %dma_wait3A_1027 = arith.constant 0 : i32
    %dma_wait3A_1028 = tpu.memref_slice %arg13[%dma_wait3A_1026, %dma_wait3A_1027] : memref<10240x64xf32, #tpu.memory_space<vmem_shared>> -> memref<10240x64xf32, #tpu.memory_space<vmem_shared>>
    tpu.wait_indirect_dma semaphore(%arg15 : memref<!tpu.dma_semaphore, #tpu.memory_space<semaphore_mem>>) src(%arg7 : memref<200x64xf32, #tpu.memory_space<vmem>>) dst(%dma_wait3A_1028 : memref<10240x64xf32, #tpu.memory_space<vmem_shared>>)
    %dma_wait3A_1029 = arith.constant 9200 : i32
    %dma_wait3A_1030 = tpu.memref_slice %arg6[%dma_wait3A_1029] : memref<10000xi32, #tpu.memory_space<vmem>> -> memref<200xi32, #tpu.memory_space<vmem>>
    %dma_wait3A_1031 = arith.constant 0 : i32
    %dma_wait3A_1032 = arith.constant 0 : i32
    %dma_wait3A_1033 = tpu.memref_slice %arg13[%dma_wait3A_1031, %dma_wait3A_1032] : memref<10240x64xf32, #tpu.memory_space<vmem_shared>> -> memref<10240x64xf32, #tpu.memory_space<vmem_shared>>
    tpu.wait_indirect_dma semaphore(%arg15 : memref<!tpu.dma_semaphore, #tpu.memory_space<semaphore_mem>>) src(%arg8 : memref<200x64xf32, #tpu.memory_space<vmem>>) dst(%dma_wait3A_1033 : memref<10240x64xf32, #tpu.memory_space<vmem_shared>>)
    %dma_wait3A_1034 = arith.constant 9400 : i32
    %dma_wait3A_1035 = tpu.memref_slice %arg6[%dma_wait3A_1034] : memref<10000xi32, #tpu.memory_space<vmem>> -> memref<200xi32, #tpu.memory_space<vmem>>
    %dma_wait3A_1036 = arith.constant 0 : i32
    %dma_wait3A_1037 = arith.constant 0 : i32
    %dma_wait3A_1038 = tpu.memref_slice %arg13[%dma_wait3A_1036, %dma_wait3A_1037] : memref<10240x64xf32, #tpu.memory_space<vmem_shared>> -> memref<10240x64xf32, #tpu.memory_space<vmem_shared>>
    tpu.wait_indirect_dma semaphore(%arg15 : memref<!tpu.dma_semaphore, #tpu.memory_space<semaphore_mem>>) src(%arg9 : memref<200x64xf32, #tpu.memory_space<vmem>>) dst(%dma_wait3A_1038 : memref<10240x64xf32, #tpu.memory_space<vmem_shared>>)
    %dma_wait3A_1039 = arith.constant 9600 : i32
    %dma_wait3A_1040 = tpu.memref_slice %arg6[%dma_wait3A_1039] : memref<10000xi32, #tpu.memory_space<vmem>> -> memref<200xi32, #tpu.memory_space<vmem>>
    %dma_wait3A_1041 = arith.constant 0 : i32
    %dma_wait3A_1042 = arith.constant 0 : i32
    %dma_wait3A_1043 = tpu.memref_slice %arg13[%dma_wait3A_1041, %dma_wait3A_1042] : memref<10240x64xf32, #tpu.memory_space<vmem_shared>> -> memref<10240x64xf32, #tpu.memory_space<vmem_shared>>
    tpu.wait_indirect_dma semaphore(%arg15 : memref<!tpu.dma_semaphore, #tpu.memory_space<semaphore_mem>>) src(%arg10 : memref<200x64xf32, #tpu.memory_space<vmem>>) dst(%dma_wait3A_1043 : memref<10240x64xf32, #tpu.memory_space<vmem_shared>>)
    %dma_wait3A_1044 = arith.constant 9800 : i32
    %dma_wait3A_1045 = tpu.memref_slice %arg6[%dma_wait3A_1044] : memref<10000xi32, #tpu.memory_space<vmem>> -> memref<200xi32, #tpu.memory_space<vmem>>
    %dma_wait3A_1046 = arith.constant 0 : i32
    %dma_wait3A_1047 = arith.constant 0 : i32
    %dma_wait3A_1048 = tpu.memref_slice %arg13[%dma_wait3A_1046, %dma_wait3A_1047] : memref<10240x64xf32, #tpu.memory_space<vmem_shared>> -> memref<10240x64xf32, #tpu.memory_space<vmem_shared>>
    tpu.wait_indirect_dma semaphore(%arg15 : memref<!tpu.dma_semaphore, #tpu.memory_space<semaphore_mem>>) src(%arg11 : memref<200x64xf32, #tpu.memory_space<vmem>>) dst(%dma_wait3A_1048 : memref<10240x64xf32, #tpu.memory_space<vmem_shared>>)
    %barrier3A_1049 = arith.constant 0 : index
    tpu.barrier barrier_id(%barrier3A_1049)
    %mul3A_1050 = arith.constant 640 : i32
    %mul3A_1051 = arith.muli %arg1, %mul3A_1050 : i32
    %mul3A_1052 = arith.constant 640 : i32
    %mul3A_1053 = arith.muli %arg1, %mul3A_1052 : i32
    "tpu.region"() ({
      %run_scoped3A_1054 = tpu.sem_alloc : memref<!tpu.dma_semaphore, #tpu.memory_space<semaphore_mem>>
      %dma_start3A_1055 = arith.constant 0 : i32
      %dma_start3A_1056 = tpu.memref_slice %arg4[%arg0, %mul3A_1053, %dma_start3A_1055] : memref<2x10240x64xf32, #tpu.memory_space<hbm>> -> memref<1x640x64xf32, #tpu.memory_space<hbm>>
      %dma_start3A_1057 = tpu.memref_squeeze %dma_start3A_1056 : memref<1x640x64xf32, #tpu.memory_space<hbm>> -> memref<640x64xf32, #tpu.memory_space<hbm>>
      %dma_start3A_1058 = arith.constant 0 : i32
      %dma_start3A_1059 = tpu.memref_slice %arg13[%mul3A_1051, %dma_start3A_1058] : memref<10240x64xf32, #tpu.memory_space<vmem_shared>> -> memref<640x64xf32, #tpu.memory_space<vmem_shared>>
      tpu.enqueue_dma source(%dma_start3A_1059 : memref<640x64xf32, #tpu.memory_space<vmem_shared>>) target(%dma_start3A_1057 : memref<640x64xf32, #tpu.memory_space<hbm>>) target_semaphore(%run_scoped3A_1054 : memref<!tpu.dma_semaphore, #tpu.memory_space<semaphore_mem>>)
      %dma_wait3A_1060 = arith.constant 0 : i32
      %dma_wait3A_1061 = tpu.memref_slice %arg4[%arg0, %mul3A_1053, %dma_wait3A_1060] : memref<2x10240x64xf32, #tpu.memory_space<hbm>> -> memref<1x640x64xf32, #tpu.memory_space<hbm>>
      %dma_wait3A_1062 = tpu.memref_squeeze %dma_wait3A_1061 : memref<1x640x64xf32, #tpu.memory_space<hbm>> -> memref<640x64xf32, #tpu.memory_space<hbm>>
      %dma_wait3A_1063 = arith.constant 0 : i32
      %dma_wait3A_1064 = tpu.memref_slice %arg13[%mul3A_1051, %dma_wait3A_1063] : memref<10240x64xf32, #tpu.memory_space<vmem_shared>> -> memref<640x64xf32, #tpu.memory_space<vmem_shared>>
      tpu.wait_dma2 semaphore(%run_scoped3A_1054 : memref<!tpu.dma_semaphore, #tpu.memory_space<semaphore_mem>>) src(%dma_wait3A_1064 : memref<640x64xf32, #tpu.memory_space<vmem_shared>>) dst(%dma_wait3A_1062 : memref<640x64xf32, #tpu.memory_space<hbm>>)
      tpu.yield
    }) : () -> ()
    return
  }
}

#map = affine_map<(d0, d1) -> (0, 0)>
#map1 = affine_map<(d0, d1) -> (0, 0, 0)>
module attributes {stable_mosaic.version = 14 : i64} {
  func.func @_deg_body(%arg0: i32, %arg1: i32, %arg2: memref<2x320000xi32, #tpu.memory_space<hbm>>, %arg3: memref<2x32x10240xf32, #tpu.memory_space<hbm>>, %arg4: memref<10000xi32, #tpu.memory_space<vmem>>, %arg5: memref<10000xi32, #tpu.memory_space<vmem>>, %arg6: memref<10240xf32, #tpu.memory_space<vmem>>, %arg7: memref<10240xf32, #tpu.memory_space<vmem>>, %arg8: memref<!tpu.dma_semaphore, #tpu.memory_space<semaphore_mem>>, %arg9: memref<!tpu.dma_semaphore, #tpu.memory_space<semaphore_mem>>) attributes {dimension_semantics = [#tpu.dimension_semantics<core_parallel>, #tpu.dimension_semantics<subcore_parallel>], iteration_bounds = array<i64: 2, 16>, scalar_prefetch = 0 : i64, scratch_operands = 6 : i64, tpu.core_type = #tpu.core_type<sc_vector_subcore>, window_params = [{transform_indices = #map}, {transform_indices = #map1}]} {
    %mul3A = arith.constant 2 : i32
    %mul3A_0 = arith.muli %arg1, %mul3A : i32
    %add3A = arith.addi %mul3A_0, %arg0 : i32
    %broadcast_in_dim3A = arith.constant 0.000000e+00 : f32
    %broadcast_in_dim3A_1 = vector.broadcast %broadcast_in_dim3A : f32 to vector<16xf32>
    %broadcast_in_dim3A_2 = arith.constant 1.000000e+00 : f32
    %broadcast_in_dim3A_3 = vector.broadcast %broadcast_in_dim3A_2 : f32 to vector<16xf32>
    %mul3A_4 = arith.constant 10000 : i32
    %mul3A_5 = arith.muli %add3A, %mul3A_4 : i32
    %dma_start3A = arith.constant 0 : i32
    %dma_start3A_6 = tpu.memref_slice %arg2[%dma_start3A, %mul3A_5] : memref<2x320000xi32, #tpu.memory_space<hbm>> -> memref<1x10000xi32, #tpu.memory_space<hbm>>
    %dma_start3A_7 = tpu.memref_squeeze %dma_start3A_6 : memref<1x10000xi32, #tpu.memory_space<hbm>> -> memref<10000xi32, #tpu.memory_space<hbm>>
    %dma_start3A_8 = tpu.memref_slice %arg2[%dma_start3A, %mul3A_5] : memref<2x320000xi32, #tpu.memory_space<hbm>> -> memref<1x10000xi32, #tpu.memory_space<hbm>>
    %dma_start3A_9 = tpu.memref_squeeze %dma_start3A_8 : memref<1x10000xi32, #tpu.memory_space<hbm>> -> memref<10000xi32, #tpu.memory_space<hbm>>
    tpu.enqueue_dma source(%dma_start3A_9 : memref<10000xi32, #tpu.memory_space<hbm>>) target(%arg4 : memref<10000xi32, #tpu.memory_space<vmem>>) target_semaphore(%arg8 : memref<!tpu.dma_semaphore, #tpu.memory_space<semaphore_mem>>)
    %mul3A_10 = arith.constant 10000 : i32
    %mul3A_11 = arith.muli %add3A, %mul3A_10 : i32
    %dma_start3A_12 = arith.constant 1 : i32
    %dma_start3A_13 = tpu.memref_slice %arg2[%dma_start3A_12, %mul3A_11] : memref<2x320000xi32, #tpu.memory_space<hbm>> -> memref<1x10000xi32, #tpu.memory_space<hbm>>
    %dma_start3A_14 = tpu.memref_squeeze %dma_start3A_13 : memref<1x10000xi32, #tpu.memory_space<hbm>> -> memref<10000xi32, #tpu.memory_space<hbm>>
    %dma_start3A_15 = tpu.memref_slice %arg2[%dma_start3A_12, %mul3A_11] : memref<2x320000xi32, #tpu.memory_space<hbm>> -> memref<1x10000xi32, #tpu.memory_space<hbm>>
    %dma_start3A_16 = tpu.memref_squeeze %dma_start3A_15 : memref<1x10000xi32, #tpu.memory_space<hbm>> -> memref<10000xi32, #tpu.memory_space<hbm>>
    tpu.enqueue_dma source(%dma_start3A_16 : memref<10000xi32, #tpu.memory_space<hbm>>) target(%arg5 : memref<10000xi32, #tpu.memory_space<vmem>>) target_semaphore(%arg9 : memref<!tpu.dma_semaphore, #tpu.memory_space<semaphore_mem>>)
    %scan3A = arith.constant 0 : i32
    %scan3A_17 = arith.constant 640 : i32
    %scan3A_18 = arith.addi %scan3A, %scan3A_17 : i32
    %scan3A_19 = arith.constant 8 : i32
    scf.for %scan3A_60 = %scan3A to %scan3A_18 step %scan3A_19  : i32 {
      %mul3A_61 = arith.constant 1 : i32
      %mul3A_62 = arith.muli %scan3A_60, %mul3A_61 : i32
      %add3A_63 = arith.constant 0 : i32
      %add3A_64 = arith.addi %add3A_63, %mul3A_62 : i32
      %mul3A_65 = arith.constant 16 : i32
      %mul3A_66 = arith.muli %add3A_64, %mul3A_65 : i32
      %swap3A = arith.index_cast %mul3A_66 : i32 to index
      %swap3A_67 = tpu.vector_load %arg6[%swap3A] {strides = array<i32>} : memref<10240xf32, #tpu.memory_space<vmem>>, vector<16xf32>,
      tpu.vector_store %arg6[%swap3A], %broadcast_in_dim3A_1 {strides = array<i32>} : memref<10240xf32, #tpu.memory_space<vmem>>, vector<16xf32>,
      %mul3A_68 = arith.constant 16 : i32
      %mul3A_69 = arith.muli %add3A_64, %mul3A_68 : i32
      %swap3A_70 = arith.index_cast %mul3A_69 : i32 to index
      %swap3A_71 = tpu.vector_load %arg7[%swap3A_70] {strides = array<i32>} : memref<10240xf32, #tpu.memory_space<vmem>>, vector<16xf32>,
      tpu.vector_store %arg7[%swap3A_70], %broadcast_in_dim3A_1 {strides = array<i32>} : memref<10240xf32, #tpu.memory_space<vmem>>, vector<16xf32>,
      %scan3A_72 = arith.constant 1 : i32
      %scan3A_73 = arith.addi %scan3A_60, %scan3A_72 : i32
      %mul3A_74 = arith.constant 1 : i32
      %mul3A_75 = arith.muli %scan3A_73, %mul3A_74 : i32
      %add3A_76 = arith.constant 0 : i32
      %add3A_77 = arith.addi %add3A_76, %mul3A_75 : i32
      %mul3A_78 = arith.constant 16 : i32
      %mul3A_79 = arith.muli %add3A_77, %mul3A_78 : i32
      %swap3A_80 = arith.index_cast %mul3A_79 : i32 to index
      %swap3A_81 = tpu.vector_load %arg6[%swap3A_80] {strides = array<i32>} : memref<10240xf32, #tpu.memory_space<vmem>>, vector<16xf32>,
      tpu.vector_store %arg6[%swap3A_80], %broadcast_in_dim3A_1 {strides = array<i32>} : memref<10240xf32, #tpu.memory_space<vmem>>, vector<16xf32>,
      %mul3A_82 = arith.constant 16 : i32
      %mul3A_83 = arith.muli %add3A_77, %mul3A_82 : i32
      %swap3A_84 = arith.index_cast %mul3A_83 : i32 to index
      %swap3A_85 = tpu.vector_load %arg7[%swap3A_84] {strides = array<i32>} : memref<10240xf32, #tpu.memory_space<vmem>>, vector<16xf32>,
      tpu.vector_store %arg7[%swap3A_84], %broadcast_in_dim3A_1 {strides = array<i32>} : memref<10240xf32, #tpu.memory_space<vmem>>, vector<16xf32>,
      %scan3A_86 = arith.constant 2 : i32
      %scan3A_87 = arith.addi %scan3A_60, %scan3A_86 : i32
      %mul3A_88 = arith.constant 1 : i32
      %mul3A_89 = arith.muli %scan3A_87, %mul3A_88 : i32
      %add3A_90 = arith.constant 0 : i32
      %add3A_91 = arith.addi %add3A_90, %mul3A_89 : i32
      %mul3A_92 = arith.constant 16 : i32
      %mul3A_93 = arith.muli %add3A_91, %mul3A_92 : i32
      %swap3A_94 = arith.index_cast %mul3A_93 : i32 to index
      %swap3A_95 = tpu.vector_load %arg6[%swap3A_94] {strides = array<i32>} : memref<10240xf32, #tpu.memory_space<vmem>>, vector<16xf32>,
      tpu.vector_store %arg6[%swap3A_94], %broadcast_in_dim3A_1 {strides = array<i32>} : memref<10240xf32, #tpu.memory_space<vmem>>, vector<16xf32>,
      %mul3A_96 = arith.constant 16 : i32
      %mul3A_97 = arith.muli %add3A_91, %mul3A_96 : i32
      %swap3A_98 = arith.index_cast %mul3A_97 : i32 to index
      %swap3A_99 = tpu.vector_load %arg7[%swap3A_98] {strides = array<i32>} : memref<10240xf32, #tpu.memory_space<vmem>>, vector<16xf32>,
      tpu.vector_store %arg7[%swap3A_98], %broadcast_in_dim3A_1 {strides = array<i32>} : memref<10240xf32, #tpu.memory_space<vmem>>, vector<16xf32>,
      %scan3A_100 = arith.constant 3 : i32
      %scan3A_101 = arith.addi %scan3A_60, %scan3A_100 : i32
      %mul3A_102 = arith.constant 1 : i32
      %mul3A_103 = arith.muli %scan3A_101, %mul3A_102 : i32
      %add3A_104 = arith.constant 0 : i32
      %add3A_105 = arith.addi %add3A_104, %mul3A_103 : i32
      %mul3A_106 = arith.constant 16 : i32
      %mul3A_107 = arith.muli %add3A_105, %mul3A_106 : i32
      %swap3A_108 = arith.index_cast %mul3A_107 : i32 to index
      %swap3A_109 = tpu.vector_load %arg6[%swap3A_108] {strides = array<i32>} : memref<10240xf32, #tpu.memory_space<vmem>>, vector<16xf32>,
      tpu.vector_store %arg6[%swap3A_108], %broadcast_in_dim3A_1 {strides = array<i32>} : memref<10240xf32, #tpu.memory_space<vmem>>, vector<16xf32>,
      %mul3A_110 = arith.constant 16 : i32
      %mul3A_111 = arith.muli %add3A_105, %mul3A_110 : i32
      %swap3A_112 = arith.index_cast %mul3A_111 : i32 to index
      %swap3A_113 = tpu.vector_load %arg7[%swap3A_112] {strides = array<i32>} : memref<10240xf32, #tpu.memory_space<vmem>>, vector<16xf32>,
      tpu.vector_store %arg7[%swap3A_112], %broadcast_in_dim3A_1 {strides = array<i32>} : memref<10240xf32, #tpu.memory_space<vmem>>, vector<16xf32>,
      %scan3A_114 = arith.constant 4 : i32
      %scan3A_115 = arith.addi %scan3A_60, %scan3A_114 : i32
      %mul3A_116 = arith.constant 1 : i32
      %mul3A_117 = arith.muli %scan3A_115, %mul3A_116 : i32
      %add3A_118 = arith.constant 0 : i32
      %add3A_119 = arith.addi %add3A_118, %mul3A_117 : i32
      %mul3A_120 = arith.constant 16 : i32
      %mul3A_121 = arith.muli %add3A_119, %mul3A_120 : i32
      %swap3A_122 = arith.index_cast %mul3A_121 : i32 to index
      %swap3A_123 = tpu.vector_load %arg6[%swap3A_122] {strides = array<i32>} : memref<10240xf32, #tpu.memory_space<vmem>>, vector<16xf32>,
      tpu.vector_store %arg6[%swap3A_122], %broadcast_in_dim3A_1 {strides = array<i32>} : memref<10240xf32, #tpu.memory_space<vmem>>, vector<16xf32>,
      %mul3A_124 = arith.constant 16 : i32
      %mul3A_125 = arith.muli %add3A_119, %mul3A_124 : i32
      %swap3A_126 = arith.index_cast %mul3A_125 : i32 to index
      %swap3A_127 = tpu.vector_load %arg7[%swap3A_126] {strides = array<i32>} : memref<10240xf32, #tpu.memory_space<vmem>>, vector<16xf32>,
      tpu.vector_store %arg7[%swap3A_126], %broadcast_in_dim3A_1 {strides = array<i32>} : memref<10240xf32, #tpu.memory_space<vmem>>, vector<16xf32>,
      %scan3A_128 = arith.constant 5 : i32
      %scan3A_129 = arith.addi %scan3A_60, %scan3A_128 : i32
      %mul3A_130 = arith.constant 1 : i32
      %mul3A_131 = arith.muli %scan3A_129, %mul3A_130 : i32
      %add3A_132 = arith.constant 0 : i32
      %add3A_133 = arith.addi %add3A_132, %mul3A_131 : i32
      %mul3A_134 = arith.constant 16 : i32
      %mul3A_135 = arith.muli %add3A_133, %mul3A_134 : i32
      %swap3A_136 = arith.index_cast %mul3A_135 : i32 to index
      %swap3A_137 = tpu.vector_load %arg6[%swap3A_136] {strides = array<i32>} : memref<10240xf32, #tpu.memory_space<vmem>>, vector<16xf32>,
      tpu.vector_store %arg6[%swap3A_136], %broadcast_in_dim3A_1 {strides = array<i32>} : memref<10240xf32, #tpu.memory_space<vmem>>, vector<16xf32>,
      %mul3A_138 = arith.constant 16 : i32
      %mul3A_139 = arith.muli %add3A_133, %mul3A_138 : i32
      %swap3A_140 = arith.index_cast %mul3A_139 : i32 to index
      %swap3A_141 = tpu.vector_load %arg7[%swap3A_140] {strides = array<i32>} : memref<10240xf32, #tpu.memory_space<vmem>>, vector<16xf32>,
      tpu.vector_store %arg7[%swap3A_140], %broadcast_in_dim3A_1 {strides = array<i32>} : memref<10240xf32, #tpu.memory_space<vmem>>, vector<16xf32>,
      %scan3A_142 = arith.constant 6 : i32
      %scan3A_143 = arith.addi %scan3A_60, %scan3A_142 : i32
      %mul3A_144 = arith.constant 1 : i32
      %mul3A_145 = arith.muli %scan3A_143, %mul3A_144 : i32
      %add3A_146 = arith.constant 0 : i32
      %add3A_147 = arith.addi %add3A_146, %mul3A_145 : i32
      %mul3A_148 = arith.constant 16 : i32
      %mul3A_149 = arith.muli %add3A_147, %mul3A_148 : i32
      %swap3A_150 = arith.index_cast %mul3A_149 : i32 to index
      %swap3A_151 = tpu.vector_load %arg6[%swap3A_150] {strides = array<i32>} : memref<10240xf32, #tpu.memory_space<vmem>>, vector<16xf32>,
      tpu.vector_store %arg6[%swap3A_150], %broadcast_in_dim3A_1 {strides = array<i32>} : memref<10240xf32, #tpu.memory_space<vmem>>, vector<16xf32>,
      %mul3A_152 = arith.constant 16 : i32
      %mul3A_153 = arith.muli %add3A_147, %mul3A_152 : i32
      %swap3A_154 = arith.index_cast %mul3A_153 : i32 to index
      %swap3A_155 = tpu.vector_load %arg7[%swap3A_154] {strides = array<i32>} : memref<10240xf32, #tpu.memory_space<vmem>>, vector<16xf32>,
      tpu.vector_store %arg7[%swap3A_154], %broadcast_in_dim3A_1 {strides = array<i32>} : memref<10240xf32, #tpu.memory_space<vmem>>, vector<16xf32>,
      %scan3A_156 = arith.constant 7 : i32
      %scan3A_157 = arith.addi %scan3A_60, %scan3A_156 : i32
      %mul3A_158 = arith.constant 1 : i32
      %mul3A_159 = arith.muli %scan3A_157, %mul3A_158 : i32
      %add3A_160 = arith.constant 0 : i32
      %add3A_161 = arith.addi %add3A_160, %mul3A_159 : i32
      %mul3A_162 = arith.constant 16 : i32
      %mul3A_163 = arith.muli %add3A_161, %mul3A_162 : i32
      %swap3A_164 = arith.index_cast %mul3A_163 : i32 to index
      %swap3A_165 = tpu.vector_load %arg6[%swap3A_164] {strides = array<i32>} : memref<10240xf32, #tpu.memory_space<vmem>>, vector<16xf32>,
      tpu.vector_store %arg6[%swap3A_164], %broadcast_in_dim3A_1 {strides = array<i32>} : memref<10240xf32, #tpu.memory_space<vmem>>, vector<16xf32>,
      %mul3A_166 = arith.constant 16 : i32
      %mul3A_167 = arith.muli %add3A_161, %mul3A_166 : i32
      %swap3A_168 = arith.index_cast %mul3A_167 : i32 to index
      %swap3A_169 = tpu.vector_load %arg7[%swap3A_168] {strides = array<i32>} : memref<10240xf32, #tpu.memory_space<vmem>>, vector<16xf32>,
      tpu.vector_store %arg7[%swap3A_168], %broadcast_in_dim3A_1 {strides = array<i32>} : memref<10240xf32, #tpu.memory_space<vmem>>, vector<16xf32>,
    }
    %scan3A_20 = arith.constant 640 : i32
    %dma_wait3A = arith.constant 0 : i32
    %dma_wait3A_21 = tpu.memref_slice %arg2[%dma_wait3A, %mul3A_5] : memref<2x320000xi32, #tpu.memory_space<hbm>> -> memref<1x10000xi32, #tpu.memory_space<hbm>>
    %dma_wait3A_22 = tpu.memref_squeeze %dma_wait3A_21 : memref<1x10000xi32, #tpu.memory_space<hbm>> -> memref<10000xi32, #tpu.memory_space<hbm>>
    %dma_wait3A_23 = tpu.memref_slice %arg2[%dma_wait3A, %mul3A_5] : memref<2x320000xi32, #tpu.memory_space<hbm>> -> memref<1x10000xi32, #tpu.memory_space<hbm>>
    %dma_wait3A_24 = tpu.memref_squeeze %dma_wait3A_23 : memref<1x10000xi32, #tpu.memory_space<hbm>> -> memref<10000xi32, #tpu.memory_space<hbm>>
    tpu.wait_dma2 semaphore(%arg8 : memref<!tpu.dma_semaphore, #tpu.memory_space<semaphore_mem>>) src(%dma_wait3A_24 : memref<10000xi32, #tpu.memory_space<hbm>>) dst(%arg4 : memref<10000xi32, #tpu.memory_space<vmem>>)
    %scan3A_25 = arith.constant 0 : i32
    %scan3A_26 = arith.constant 624 : i32
    %scan3A_27 = arith.addi %scan3A_25, %scan3A_26 : i32
    %scan3A_28 = arith.constant 8 : i32
    scf.for %scan3A_60 = %scan3A_25 to %scan3A_27 step %scan3A_28  : i32 {
      %mul3A_61 = arith.constant 1 : i32
      %mul3A_62 = arith.muli %scan3A_60, %mul3A_61 : i32
      %add3A_63 = arith.constant 0 : i32
      %add3A_64 = arith.addi %add3A_63, %mul3A_62 : i32
      %mul3A_65 = arith.constant 16 : i32
      %mul3A_66 = arith.muli %add3A_64, %mul3A_65 : i32
      %get3A_67 = arith.index_cast %mul3A_66 : i32 to index
      %get3A_68 = tpu.vector_load %arg4[%get3A_67] {strides = array<i32>} : memref<10000xi32, #tpu.memory_space<vmem>>, vector<16xi32>,
      tpu.vector_store_idx %arg6[%get3A_68], %broadcast_in_dim3A_3 {add = true} : memref<10240xf32, #tpu.memory_space<vmem>>[vector<16xi32>], vector<16xf32>,
      %scan3A_69 = arith.constant 1 : i32
      %scan3A_70 = arith.addi %scan3A_60, %scan3A_69 : i32
      %mul3A_71 = arith.constant 1 : i32
      %mul3A_72 = arith.muli %scan3A_70, %mul3A_71 : i32
      %add3A_73 = arith.constant 0 : i32
      %add3A_74 = arith.addi %add3A_73, %mul3A_72 : i32
      %mul3A_75 = arith.constant 16 : i32
      %mul3A_76 = arith.muli %add3A_74, %mul3A_75 : i32
      %get3A_77 = arith.index_cast %mul3A_76 : i32 to index
      %get3A_78 = tpu.vector_load %arg4[%get3A_77] {strides = array<i32>} : memref<10000xi32, #tpu.memory_space<vmem>>, vector<16xi32>,
      tpu.vector_store_idx %arg6[%get3A_78], %broadcast_in_dim3A_3 {add = true} : memref<10240xf32, #tpu.memory_space<vmem>>[vector<16xi32>], vector<16xf32>,
      %scan3A_79 = arith.constant 2 : i32
      %scan3A_80 = arith.addi %scan3A_60, %scan3A_79 : i32
      %mul3A_81 = arith.constant 1 : i32
      %mul3A_82 = arith.muli %scan3A_80, %mul3A_81 : i32
      %add3A_83 = arith.constant 0 : i32
      %add3A_84 = arith.addi %add3A_83, %mul3A_82 : i32
      %mul3A_85 = arith.constant 16 : i32
      %mul3A_86 = arith.muli %add3A_84, %mul3A_85 : i32
      %get3A_87 = arith.index_cast %mul3A_86 : i32 to index
      %get3A_88 = tpu.vector_load %arg4[%get3A_87] {strides = array<i32>} : memref<10000xi32, #tpu.memory_space<vmem>>, vector<16xi32>,
      tpu.vector_store_idx %arg6[%get3A_88], %broadcast_in_dim3A_3 {add = true} : memref<10240xf32, #tpu.memory_space<vmem>>[vector<16xi32>], vector<16xf32>,
      %scan3A_89 = arith.constant 3 : i32
      %scan3A_90 = arith.addi %scan3A_60, %scan3A_89 : i32
      %mul3A_91 = arith.constant 1 : i32
      %mul3A_92 = arith.muli %scan3A_90, %mul3A_91 : i32
      %add3A_93 = arith.constant 0 : i32
      %add3A_94 = arith.addi %add3A_93, %mul3A_92 : i32
      %mul3A_95 = arith.constant 16 : i32
      %mul3A_96 = arith.muli %add3A_94, %mul3A_95 : i32
      %get3A_97 = arith.index_cast %mul3A_96 : i32 to index
      %get3A_98 = tpu.vector_load %arg4[%get3A_97] {strides = array<i32>} : memref<10000xi32, #tpu.memory_space<vmem>>, vector<16xi32>,
      tpu.vector_store_idx %arg6[%get3A_98], %broadcast_in_dim3A_3 {add = true} : memref<10240xf32, #tpu.memory_space<vmem>>[vector<16xi32>], vector<16xf32>,
      %scan3A_99 = arith.constant 4 : i32
      %scan3A_100 = arith.addi %scan3A_60, %scan3A_99 : i32
      %mul3A_101 = arith.constant 1 : i32
      %mul3A_102 = arith.muli %scan3A_100, %mul3A_101 : i32
      %add3A_103 = arith.constant 0 : i32
      %add3A_104 = arith.addi %add3A_103, %mul3A_102 : i32
      %mul3A_105 = arith.constant 16 : i32
      %mul3A_106 = arith.muli %add3A_104, %mul3A_105 : i32
      %get3A_107 = arith.index_cast %mul3A_106 : i32 to index
      %get3A_108 = tpu.vector_load %arg4[%get3A_107] {strides = array<i32>} : memref<10000xi32, #tpu.memory_space<vmem>>, vector<16xi32>,
      tpu.vector_store_idx %arg6[%get3A_108], %broadcast_in_dim3A_3 {add = true} : memref<10240xf32, #tpu.memory_space<vmem>>[vector<16xi32>], vector<16xf32>,
      %scan3A_109 = arith.constant 5 : i32
      %scan3A_110 = arith.addi %scan3A_60, %scan3A_109 : i32
      %mul3A_111 = arith.constant 1 : i32
      %mul3A_112 = arith.muli %scan3A_110, %mul3A_111 : i32
      %add3A_113 = arith.constant 0 : i32
      %add3A_114 = arith.addi %add3A_113, %mul3A_112 : i32
      %mul3A_115 = arith.constant 16 : i32
      %mul3A_116 = arith.muli %add3A_114, %mul3A_115 : i32
      %get3A_117 = arith.index_cast %mul3A_116 : i32 to index
      %get3A_118 = tpu.vector_load %arg4[%get3A_117] {strides = array<i32>} : memref<10000xi32, #tpu.memory_space<vmem>>, vector<16xi32>,
      tpu.vector_store_idx %arg6[%get3A_118], %broadcast_in_dim3A_3 {add = true} : memref<10240xf32, #tpu.memory_space<vmem>>[vector<16xi32>], vector<16xf32>,
      %scan3A_119 = arith.constant 6 : i32
      %scan3A_120 = arith.addi %scan3A_60, %scan3A_119 : i32
      %mul3A_121 = arith.constant 1 : i32
      %mul3A_122 = arith.muli %scan3A_120, %mul3A_121 : i32
      %add3A_123 = arith.constant 0 : i32
      %add3A_124 = arith.addi %add3A_123, %mul3A_122 : i32
      %mul3A_125 = arith.constant 16 : i32
      %mul3A_126 = arith.muli %add3A_124, %mul3A_125 : i32
      %get3A_127 = arith.index_cast %mul3A_126 : i32 to index
      %get3A_128 = tpu.vector_load %arg4[%get3A_127] {strides = array<i32>} : memref<10000xi32, #tpu.memory_space<vmem>>, vector<16xi32>,
      tpu.vector_store_idx %arg6[%get3A_128], %broadcast_in_dim3A_3 {add = true} : memref<10240xf32, #tpu.memory_space<vmem>>[vector<16xi32>], vector<16xf32>,
      %scan3A_129 = arith.constant 7 : i32
      %scan3A_130 = arith.addi %scan3A_60, %scan3A_129 : i32
      %mul3A_131 = arith.constant 1 : i32
      %mul3A_132 = arith.muli %scan3A_130, %mul3A_131 : i32
      %add3A_133 = arith.constant 0 : i32
      %add3A_134 = arith.addi %add3A_133, %mul3A_132 : i32
      %mul3A_135 = arith.constant 16 : i32
      %mul3A_136 = arith.muli %add3A_134, %mul3A_135 : i32
      %get3A_137 = arith.index_cast %mul3A_136 : i32 to index
      %get3A_138 = tpu.vector_load %arg4[%get3A_137] {strides = array<i32>} : memref<10000xi32, #tpu.memory_space<vmem>>, vector<16xi32>,
      tpu.vector_store_idx %arg6[%get3A_138], %broadcast_in_dim3A_3 {add = true} : memref<10240xf32, #tpu.memory_space<vmem>>[vector<16xi32>], vector<16xf32>,
    }
    %scan3A_29 = arith.constant 624 : i32
    %scan3A_30 = arith.addi %scan3A_25, %scan3A_29 : i32
    %mul3A_31 = arith.constant 1 : i32
    %mul3A_32 = arith.muli %scan3A_30, %mul3A_31 : i32
    %add3A_33 = arith.constant 0 : i32
    %add3A_34 = arith.addi %add3A_33, %mul3A_32 : i32
    %mul3A_35 = arith.constant 16 : i32
    %mul3A_36 = arith.muli %add3A_34, %mul3A_35 : i32
    %get3A = arith.index_cast %mul3A_36 : i32 to index
    %get3A_37 = tpu.vector_load %arg4[%get3A] {strides = array<i32>} : memref<10000xi32, #tpu.memory_space<vmem>>, vector<16xi32>,
    tpu.vector_store_idx %arg6[%get3A_37], %broadcast_in_dim3A_3 {add = true} : memref<10240xf32, #tpu.memory_space<vmem>>[vector<16xi32>], vector<16xf32>,
    %scan3A_38 = arith.constant 625 : i32
    %run_scoped3A = arith.constant 0 : i32
    "tpu.region"() ({
      %run_scoped3A_60 = tpu.sem_alloc : memref<!tpu.dma_semaphore, #tpu.memory_space<semaphore_mem>>
      %dma_start3A_61 = arith.constant 0 : i32
      %dma_start3A_62 = tpu.memref_slice %arg3[%run_scoped3A, %add3A, %dma_start3A_61] : memref<2x32x10240xf32, #tpu.memory_space<hbm>> -> memref<1x1x10240xf32, #tpu.memory_space<hbm>>
      %dma_start3A_63 = tpu.memref_squeeze %dma_start3A_62 : memref<1x1x10240xf32, #tpu.memory_space<hbm>> -> memref<10240xf32, #tpu.memory_space<hbm>>
      %dma_start3A_64 = arith.constant 0 : i32
      %dma_start3A_65 = tpu.memref_slice %arg3[%run_scoped3A, %add3A, %dma_start3A_64] : memref<2x32x10240xf32, #tpu.memory_space<hbm>> -> memref<1x1x10240xf32, #tpu.memory_space<hbm>>
      %dma_start3A_66 = tpu.memref_squeeze %dma_start3A_65 : memref<1x1x10240xf32, #tpu.memory_space<hbm>> -> memref<10240xf32, #tpu.memory_space<hbm>>
      tpu.enqueue_dma source(%arg6 : memref<10240xf32, #tpu.memory_space<vmem>>) target(%dma_start3A_66 : memref<10240xf32, #tpu.memory_space<hbm>>) target_semaphore(%run_scoped3A_60 : memref<!tpu.dma_semaphore, #tpu.memory_space<semaphore_mem>>)
      %dma_wait3A_67 = arith.constant 0 : i32
      %dma_wait3A_68 = tpu.memref_slice %arg3[%run_scoped3A, %add3A, %dma_wait3A_67] : memref<2x32x10240xf32, #tpu.memory_space<hbm>> -> memref<1x1x10240xf32, #tpu.memory_space<hbm>>
      %dma_wait3A_69 = tpu.memref_squeeze %dma_wait3A_68 : memref<1x1x10240xf32, #tpu.memory_space<hbm>> -> memref<10240xf32, #tpu.memory_space<hbm>>
      %dma_wait3A_70 = arith.constant 0 : i32
      %dma_wait3A_71 = tpu.memref_slice %arg3[%run_scoped3A, %add3A, %dma_wait3A_70] : memref<2x32x10240xf32, #tpu.memory_space<hbm>> -> memref<1x1x10240xf32, #tpu.memory_space<hbm>>
      %dma_wait3A_72 = tpu.memref_squeeze %dma_wait3A_71 : memref<1x1x10240xf32, #tpu.memory_space<hbm>> -> memref<10240xf32, #tpu.memory_space<hbm>>
      tpu.wait_dma2 semaphore(%run_scoped3A_60 : memref<!tpu.dma_semaphore, #tpu.memory_space<semaphore_mem>>) src(%arg6 : memref<10240xf32, #tpu.memory_space<vmem>>) dst(%dma_wait3A_72 : memref<10240xf32, #tpu.memory_space<hbm>>)
      tpu.yield
    }) : () -> ()
    %dma_wait3A_39 = arith.constant 1 : i32
    %dma_wait3A_40 = tpu.memref_slice %arg2[%dma_wait3A_39, %mul3A_11] : memref<2x320000xi32, #tpu.memory_space<hbm>> -> memref<1x10000xi32, #tpu.memory_space<hbm>>
    %dma_wait3A_41 = tpu.memref_squeeze %dma_wait3A_40 : memref<1x10000xi32, #tpu.memory_space<hbm>> -> memref<10000xi32, #tpu.memory_space<hbm>>
    %dma_wait3A_42 = tpu.memref_slice %arg2[%dma_wait3A_39, %mul3A_11] : memref<2x320000xi32, #tpu.memory_space<hbm>> -> memref<1x10000xi32, #tpu.memory_space<hbm>>
    %dma_wait3A_43 = tpu.memref_squeeze %dma_wait3A_42 : memref<1x10000xi32, #tpu.memory_space<hbm>> -> memref<10000xi32, #tpu.memory_space<hbm>>
    tpu.wait_dma2 semaphore(%arg9 : memref<!tpu.dma_semaphore, #tpu.memory_space<semaphore_mem>>) src(%dma_wait3A_43 : memref<10000xi32, #tpu.memory_space<hbm>>) dst(%arg5 : memref<10000xi32, #tpu.memory_space<vmem>>)
    %scan3A_44 = arith.constant 0 : i32
    %scan3A_45 = arith.constant 624 : i32
    %scan3A_46 = arith.addi %scan3A_44, %scan3A_45 : i32
    %scan3A_47 = arith.constant 8 : i32
    scf.for %scan3A_60 = %scan3A_44 to %scan3A_46 step %scan3A_47  : i32 {
      %mul3A_61 = arith.constant 1 : i32
      %mul3A_62 = arith.muli %scan3A_60, %mul3A_61 : i32
      %add3A_63 = arith.constant 0 : i32
      %add3A_64 = arith.addi %add3A_63, %mul3A_62 : i32
      %mul3A_65 = arith.constant 16 : i32
      %mul3A_66 = arith.muli %add3A_64, %mul3A_65 : i32
      %get3A_67 = arith.index_cast %mul3A_66 : i32 to index
      %get3A_68 = tpu.vector_load %arg5[%get3A_67] {strides = array<i32>} : memref<10000xi32, #tpu.memory_space<vmem>>, vector<16xi32>,
      tpu.vector_store_idx %arg7[%get3A_68], %broadcast_in_dim3A_3 {add = true} : memref<10240xf32, #tpu.memory_space<vmem>>[vector<16xi32>], vector<16xf32>,
      %scan3A_69 = arith.constant 1 : i32
      %scan3A_70 = arith.addi %scan3A_60, %scan3A_69 : i32
      %mul3A_71 = arith.constant 1 : i32
      %mul3A_72 = arith.muli %scan3A_70, %mul3A_71 : i32
      %add3A_73 = arith.constant 0 : i32
      %add3A_74 = arith.addi %add3A_73, %mul3A_72 : i32
      %mul3A_75 = arith.constant 16 : i32
      %mul3A_76 = arith.muli %add3A_74, %mul3A_75 : i32
      %get3A_77 = arith.index_cast %mul3A_76 : i32 to index
      %get3A_78 = tpu.vector_load %arg5[%get3A_77] {strides = array<i32>} : memref<10000xi32, #tpu.memory_space<vmem>>, vector<16xi32>,
      tpu.vector_store_idx %arg7[%get3A_78], %broadcast_in_dim3A_3 {add = true} : memref<10240xf32, #tpu.memory_space<vmem>>[vector<16xi32>], vector<16xf32>,
      %scan3A_79 = arith.constant 2 : i32
      %scan3A_80 = arith.addi %scan3A_60, %scan3A_79 : i32
      %mul3A_81 = arith.constant 1 : i32
      %mul3A_82 = arith.muli %scan3A_80, %mul3A_81 : i32
      %add3A_83 = arith.constant 0 : i32
      %add3A_84 = arith.addi %add3A_83, %mul3A_82 : i32
      %mul3A_85 = arith.constant 16 : i32
      %mul3A_86 = arith.muli %add3A_84, %mul3A_85 : i32
      %get3A_87 = arith.index_cast %mul3A_86 : i32 to index
      %get3A_88 = tpu.vector_load %arg5[%get3A_87] {strides = array<i32>} : memref<10000xi32, #tpu.memory_space<vmem>>, vector<16xi32>,
      tpu.vector_store_idx %arg7[%get3A_88], %broadcast_in_dim3A_3 {add = true} : memref<10240xf32, #tpu.memory_space<vmem>>[vector<16xi32>], vector<16xf32>,
      %scan3A_89 = arith.constant 3 : i32
      %scan3A_90 = arith.addi %scan3A_60, %scan3A_89 : i32
      %mul3A_91 = arith.constant 1 : i32
      %mul3A_92 = arith.muli %scan3A_90, %mul3A_91 : i32
      %add3A_93 = arith.constant 0 : i32
      %add3A_94 = arith.addi %add3A_93, %mul3A_92 : i32
      %mul3A_95 = arith.constant 16 : i32
      %mul3A_96 = arith.muli %add3A_94, %mul3A_95 : i32
      %get3A_97 = arith.index_cast %mul3A_96 : i32 to index
      %get3A_98 = tpu.vector_load %arg5[%get3A_97] {strides = array<i32>} : memref<10000xi32, #tpu.memory_space<vmem>>, vector<16xi32>,
      tpu.vector_store_idx %arg7[%get3A_98], %broadcast_in_dim3A_3 {add = true} : memref<10240xf32, #tpu.memory_space<vmem>>[vector<16xi32>], vector<16xf32>,
      %scan3A_99 = arith.constant 4 : i32
      %scan3A_100 = arith.addi %scan3A_60, %scan3A_99 : i32
      %mul3A_101 = arith.constant 1 : i32
      %mul3A_102 = arith.muli %scan3A_100, %mul3A_101 : i32
      %add3A_103 = arith.constant 0 : i32
      %add3A_104 = arith.addi %add3A_103, %mul3A_102 : i32
      %mul3A_105 = arith.constant 16 : i32
      %mul3A_106 = arith.muli %add3A_104, %mul3A_105 : i32
      %get3A_107 = arith.index_cast %mul3A_106 : i32 to index
      %get3A_108 = tpu.vector_load %arg5[%get3A_107] {strides = array<i32>} : memref<10000xi32, #tpu.memory_space<vmem>>, vector<16xi32>,
      tpu.vector_store_idx %arg7[%get3A_108], %broadcast_in_dim3A_3 {add = true} : memref<10240xf32, #tpu.memory_space<vmem>>[vector<16xi32>], vector<16xf32>,
      %scan3A_109 = arith.constant 5 : i32
      %scan3A_110 = arith.addi %scan3A_60, %scan3A_109 : i32
      %mul3A_111 = arith.constant 1 : i32
      %mul3A_112 = arith.muli %scan3A_110, %mul3A_111 : i32
      %add3A_113 = arith.constant 0 : i32
      %add3A_114 = arith.addi %add3A_113, %mul3A_112 : i32
      %mul3A_115 = arith.constant 16 : i32
      %mul3A_116 = arith.muli %add3A_114, %mul3A_115 : i32
      %get3A_117 = arith.index_cast %mul3A_116 : i32 to index
      %get3A_118 = tpu.vector_load %arg5[%get3A_117] {strides = array<i32>} : memref<10000xi32, #tpu.memory_space<vmem>>, vector<16xi32>,
      tpu.vector_store_idx %arg7[%get3A_118], %broadcast_in_dim3A_3 {add = true} : memref<10240xf32, #tpu.memory_space<vmem>>[vector<16xi32>], vector<16xf32>,
      %scan3A_119 = arith.constant 6 : i32
      %scan3A_120 = arith.addi %scan3A_60, %scan3A_119 : i32
      %mul3A_121 = arith.constant 1 : i32
      %mul3A_122 = arith.muli %scan3A_120, %mul3A_121 : i32
      %add3A_123 = arith.constant 0 : i32
      %add3A_124 = arith.addi %add3A_123, %mul3A_122 : i32
      %mul3A_125 = arith.constant 16 : i32
      %mul3A_126 = arith.muli %add3A_124, %mul3A_125 : i32
      %get3A_127 = arith.index_cast %mul3A_126 : i32 to index
      %get3A_128 = tpu.vector_load %arg5[%get3A_127] {strides = array<i32>} : memref<10000xi32, #tpu.memory_space<vmem>>, vector<16xi32>,
      tpu.vector_store_idx %arg7[%get3A_128], %broadcast_in_dim3A_3 {add = true} : memref<10240xf32, #tpu.memory_space<vmem>>[vector<16xi32>], vector<16xf32>,
      %scan3A_129 = arith.constant 7 : i32
      %scan3A_130 = arith.addi %scan3A_60, %scan3A_129 : i32
      %mul3A_131 = arith.constant 1 : i32
      %mul3A_132 = arith.muli %scan3A_130, %mul3A_131 : i32
      %add3A_133 = arith.constant 0 : i32
      %add3A_134 = arith.addi %add3A_133, %mul3A_132 : i32
      %mul3A_135 = arith.constant 16 : i32
      %mul3A_136 = arith.muli %add3A_134, %mul3A_135 : i32
      %get3A_137 = arith.index_cast %mul3A_136 : i32 to index
      %get3A_138 = tpu.vector_load %arg5[%get3A_137] {strides = array<i32>} : memref<10000xi32, #tpu.memory_space<vmem>>, vector<16xi32>,
      tpu.vector_store_idx %arg7[%get3A_138], %broadcast_in_dim3A_3 {add = true} : memref<10240xf32, #tpu.memory_space<vmem>>[vector<16xi32>], vector<16xf32>,
    }
    %scan3A_48 = arith.constant 624 : i32
    %scan3A_49 = arith.addi %scan3A_44, %scan3A_48 : i32
    %mul3A_50 = arith.constant 1 : i32
    %mul3A_51 = arith.muli %scan3A_49, %mul3A_50 : i32
    %add3A_52 = arith.constant 0 : i32
    %add3A_53 = arith.addi %add3A_52, %mul3A_51 : i32
    %mul3A_54 = arith.constant 16 : i32
    %mul3A_55 = arith.muli %add3A_53, %mul3A_54 : i32
    %get3A_56 = arith.index_cast %mul3A_55 : i32 to index
    %get3A_57 = tpu.vector_load %arg5[%get3A_56] {strides = array<i32>} : memref<10000xi32, #tpu.memory_space<vmem>>, vector<16xi32>,
    tpu.vector_store_idx %arg7[%get3A_57], %broadcast_in_dim3A_3 {add = true} : memref<10240xf32, #tpu.memory_space<vmem>>[vector<16xi32>], vector<16xf32>,
    %scan3A_58 = arith.constant 625 : i32
    %run_scoped3A_59 = arith.constant 1 : i32
    "tpu.region"() ({
      %run_scoped3A_60 = tpu.sem_alloc : memref<!tpu.dma_semaphore, #tpu.memory_space<semaphore_mem>>
      %dma_start3A_61 = arith.constant 0 : i32
      %dma_start3A_62 = tpu.memref_slice %arg3[%run_scoped3A_59, %add3A, %dma_start3A_61] : memref<2x32x10240xf32, #tpu.memory_space<hbm>> -> memref<1x1x10240xf32, #tpu.memory_space<hbm>>
      %dma_start3A_63 = tpu.memref_squeeze %dma_start3A_62 : memref<1x1x10240xf32, #tpu.memory_space<hbm>> -> memref<10240xf32, #tpu.memory_space<hbm>>
      %dma_start3A_64 = arith.constant 0 : i32
      %dma_start3A_65 = tpu.memref_slice %arg3[%run_scoped3A_59, %add3A, %dma_start3A_64] : memref<2x32x10240xf32, #tpu.memory_space<hbm>> -> memref<1x1x10240xf32, #tpu.memory_space<hbm>>
      %dma_start3A_66 = tpu.memref_squeeze %dma_start3A_65 : memref<1x1x10240xf32, #tpu.memory_space<hbm>> -> memref<10240xf32, #tpu.memory_space<hbm>>
      tpu.enqueue_dma source(%arg7 : memref<10240xf32, #tpu.memory_space<vmem>>) target(%dma_start3A_66 : memref<10240xf32, #tpu.memory_space<hbm>>) target_semaphore(%run_scoped3A_60 : memref<!tpu.dma_semaphore, #tpu.memory_space<semaphore_mem>>)
      %dma_wait3A_67 = arith.constant 0 : i32
      %dma_wait3A_68 = tpu.memref_slice %arg3[%run_scoped3A_59, %add3A, %dma_wait3A_67] : memref<2x32x10240xf32, #tpu.memory_space<hbm>> -> memref<1x1x10240xf32, #tpu.memory_space<hbm>>
      %dma_wait3A_69 = tpu.memref_squeeze %dma_wait3A_68 : memref<1x1x10240xf32, #tpu.memory_space<hbm>> -> memref<10240xf32, #tpu.memory_space<hbm>>
      %dma_wait3A_70 = arith.constant 0 : i32
      %dma_wait3A_71 = tpu.memref_slice %arg3[%run_scoped3A_59, %add3A, %dma_wait3A_70] : memref<2x32x10240xf32, #tpu.memory_space<hbm>> -> memref<1x1x10240xf32, #tpu.memory_space<hbm>>
      %dma_wait3A_72 = tpu.memref_squeeze %dma_wait3A_71 : memref<1x1x10240xf32, #tpu.memory_space<hbm>> -> memref<10240xf32, #tpu.memory_space<hbm>>
      tpu.wait_dma2 semaphore(%run_scoped3A_60 : memref<!tpu.dma_semaphore, #tpu.memory_space<semaphore_mem>>) src(%arg7 : memref<10240xf32, #tpu.memory_space<vmem>>) dst(%dma_wait3A_72 : memref<10240xf32, #tpu.memory_space<hbm>>)
      tpu.yield
    }) : () -> ()
    return
  }
}

#map = affine_map<(d0, d1) -> (0, 0)>
#map1 = affine_map<(d0, d1) -> (0, 0, 0)>
module attributes {stable_mosaic.version = 14 : i64} {
  func.func @_agg_body(%arg0: i32, %arg1: i32, %arg2: memref<10000x64xf32, #tpu.memory_space<hbm>>, %arg3: memref<2x320000xi32, #tpu.memory_space<hbm>>, %arg4: memref<2x10240x64xf32, #tpu.memory_space<hbm>>, %arg5: memref<10000xi32, #tpu.memory_space<vmem>>, %arg6: memref<10000xi32, #tpu.memory_space<vmem>>, %arg7: memref<200x64xf32, #tpu.memory_space<vmem>>, %arg8: memref<200x64xf32, #tpu.memory_space<vmem>>, %arg9: memref<200x64xf32, #tpu.memory_space<vmem>>, %arg10: memref<200x64xf32, #tpu.memory_space<vmem>>, %arg11: memref<200x64xf32, #tpu.memory_space<vmem>>, %arg12: memref<64x64xf32, #tpu.memory_space<vmem>>, %arg13: memref<10240x64xf32, #tpu.memory_space<vmem_shared>>, %arg14: memref<!tpu.dma_semaphore, #tpu.memory_space<semaphore_mem>>, %arg15: memref<!tpu.dma_semaphore, #tpu.memory_space<semaphore_mem>>) attributes {dimension_semantics = [#tpu.dimension_semantics<core_parallel>, #tpu.dimension_semantics<subcore_parallel>], iteration_bounds = array<i64: 2, 16>, scalar_prefetch = 0 : i64, scratch_operands = 11 : i64, tpu.core_type = #tpu.core_type<sc_vector_subcore>, window_params = [{transform_indices = #map}, {transform_indices = #map}, {transform_indices = #map1}]} {
    %mul3A = arith.constant 2 : i32
    %mul3A_0 = arith.muli %arg1, %mul3A : i32
    %add3A = arith.addi %mul3A_0, %arg0 : i32
    %broadcast_in_dim3A = arith.constant 0.000000e+00 : f32
    %broadcast_in_dim3A_1 = vector.broadcast %broadcast_in_dim3A : f32 to vector<16xf32>
    %mul3A_2 = arith.constant 10000 : i32
    %mul3A_3 = arith.muli %add3A, %mul3A_2 : i32
    %run_scoped3A = arith.constant 0 : i32
    "tpu.region"() ({
      %run_scoped3A_1054 = tpu.sem_alloc : memref<!tpu.dma_semaphore, #tpu.memory_space<semaphore_mem>>
      %dma_start3A_1055 = tpu.memref_slice %arg3[%run_scoped3A, %mul3A_3] : memref<2x320000xi32, #tpu.memory_space<hbm>> -> memref<1x10000xi32, #tpu.memory_space<hbm>>
      %dma_start3A_1056 = tpu.memref_squeeze %dma_start3A_1055 : memref<1x10000xi32, #tpu.memory_space<hbm>> -> memref<10000xi32, #tpu.memory_space<hbm>>
      %dma_start3A_1057 = tpu.memref_slice %arg3[%run_scoped3A, %mul3A_3] : memref<2x320000xi32, #tpu.memory_space<hbm>> -> memref<1x10000xi32, #tpu.memory_space<hbm>>
      %dma_start3A_1058 = tpu.memref_squeeze %dma_start3A_1057 : memref<1x10000xi32, #tpu.memory_space<hbm>> -> memref<10000xi32, #tpu.memory_space<hbm>>
      tpu.enqueue_dma source(%dma_start3A_1058 : memref<10000xi32, #tpu.memory_space<hbm>>) target(%arg5 : memref<10000xi32, #tpu.memory_space<vmem>>) target_semaphore(%run_scoped3A_1054 : memref<!tpu.dma_semaphore, #tpu.memory_space<semaphore_mem>>)
      %dma_wait3A_1059 = tpu.memref_slice %arg3[%run_scoped3A, %mul3A_3] : memref<2x320000xi32, #tpu.memory_space<hbm>> -> memref<1x10000xi32, #tpu.memory_space<hbm>>
      %dma_wait3A_1060 = tpu.memref_squeeze %dma_wait3A_1059 : memref<1x10000xi32, #tpu.memory_space<hbm>> -> memref<10000xi32, #tpu.memory_space<hbm>>
      %dma_wait3A_1061 = tpu.memref_slice %arg3[%run_scoped3A, %mul3A_3] : memref<2x320000xi32, #tpu.memory_space<hbm>> -> memref<1x10000xi32, #tpu.memory_space<hbm>>
      %dma_wait3A_1062 = tpu.memref_squeeze %dma_wait3A_1061 : memref<1x10000xi32, #tpu.memory_space<hbm>> -> memref<10000xi32, #tpu.memory_space<hbm>>
      tpu.wait_dma2 semaphore(%run_scoped3A_1054 : memref<!tpu.dma_semaphore, #tpu.memory_space<semaphore_mem>>) src(%dma_wait3A_1062 : memref<10000xi32, #tpu.memory_space<hbm>>) dst(%arg5 : memref<10000xi32, #tpu.memory_space<vmem>>)
      tpu.yield
    }) : () -> ()
    %mul3A_4 = arith.constant 10000 : i32
    %mul3A_5 = arith.muli %add3A, %mul3A_4 : i32
    %run_scoped3A_6 = arith.constant 1 : i32
    "tpu.region"() ({
      %run_scoped3A_1054 = tpu.sem_alloc : memref<!tpu.dma_semaphore, #tpu.memory_space<semaphore_mem>>
      %dma_start3A_1055 = tpu.memref_slice %arg3[%run_scoped3A_6, %mul3A_5] : memref<2x320000xi32, #tpu.memory_space<hbm>> -> memref<1x10000xi32, #tpu.memory_space<hbm>>
      %dma_start3A_1056 = tpu.memref_squeeze %dma_start3A_1055 : memref<1x10000xi32, #tpu.memory_space<hbm>> -> memref<10000xi32, #tpu.memory_space<hbm>>
      %dma_start3A_1057 = tpu.memref_slice %arg3[%run_scoped3A_6, %mul3A_5] : memref<2x320000xi32, #tpu.memory_space<hbm>> -> memref<1x10000xi32, #tpu.memory_space<hbm>>
      %dma_start3A_1058 = tpu.memref_squeeze %dma_start3A_1057 : memref<1x10000xi32, #tpu.memory_space<hbm>> -> memref<10000xi32, #tpu.memory_space<hbm>>
      tpu.enqueue_dma source(%dma_start3A_1058 : memref<10000xi32, #tpu.memory_space<hbm>>) target(%arg6 : memref<10000xi32, #tpu.memory_space<vmem>>) target_semaphore(%run_scoped3A_1054 : memref<!tpu.dma_semaphore, #tpu.memory_space<semaphore_mem>>)
      %dma_wait3A_1059 = tpu.memref_slice %arg3[%run_scoped3A_6, %mul3A_5] : memref<2x320000xi32, #tpu.memory_space<hbm>> -> memref<1x10000xi32, #tpu.memory_space<hbm>>
      %dma_wait3A_1060 = tpu.memref_squeeze %dma_wait3A_1059 : memref<1x10000xi32, #tpu.memory_space<hbm>> -> memref<10000xi32, #tpu.memory_space<hbm>>
      %dma_wait3A_1061 = tpu.memref_slice %arg3[%run_scoped3A_6, %mul3A_5] : memref<2x320000xi32, #tpu.memory_space<hbm>> -> memref<1x10000xi32, #tpu.memory_space<hbm>>
      %dma_wait3A_1062 = tpu.memref_squeeze %dma_wait3A_1061 : memref<1x10000xi32, #tpu.memory_space<hbm>> -> memref<10000xi32, #tpu.memory_space<hbm>>
      tpu.wait_dma2 semaphore(%run_scoped3A_1054 : memref<!tpu.dma_semaphore, #tpu.memory_space<semaphore_mem>>) src(%dma_wait3A_1062 : memref<10000xi32, #tpu.memory_space<hbm>>) dst(%arg6 : memref<10000xi32, #tpu.memory_space<vmem>>)
      tpu.yield
    }) : () -> ()
    %dma_start3A = arith.constant 0 : i32
    %dma_start3A_7 = tpu.memref_slice %arg5[%dma_start3A] : memref<10000xi32, #tpu.memory_space<vmem>> -> memref<200xi32, #tpu.memory_space<vmem>>
    %dma_start3A_8 = arith.constant 0 : i32
    %dma_start3A_9 = arith.constant 0 : i32
    %dma_start3A_10 = tpu.memref_slice %arg2[%dma_start3A_8, %dma_start3A_9] : memref<10000x64xf32, #tpu.memory_space<hbm>> -> memref<10000x64xf32, #tpu.memory_space<hbm>>
    tpu.enqueue_indirect_dma source(%dma_start3A_10 : memref<10000x64xf32, #tpu.memory_space<hbm>>) target(%arg7 : memref<200x64xf32, #tpu.memory_space<vmem>>) offsets(%dma_start3A_7 : memref<200xi32, #tpu.memory_space<vmem>>) semaphore(%arg14 : memref<!tpu.dma_semaphore, #tpu.memory_space<semaphore_mem>>)
    %dma_start3A_11 = arith.constant 200 : i32
    %dma_start3A_12 = tpu.memref_slice %arg5[%dma_start3A_11] : memref<10000xi32, #tpu.memory_space<vmem>> -> memref<200xi32, #tpu.memory_space<vmem>>
    %dma_start3A_13 = arith.constant 0 : i32
    %dma_start3A_14 = arith.constant 0 : i32
    %dma_start3A_15 = tpu.memref_slice %arg2[%dma_start3A_13, %dma_start3A_14] : memref<10000x64xf32, #tpu.memory_space<hbm>> -> memref<10000x64xf32, #tpu.memory_space<hbm>>
    tpu.enqueue_indirect_dma source(%dma_start3A_15 : memref<10000x64xf32, #tpu.memory_space<hbm>>) target(%arg8 : memref<200x64xf32, #tpu.memory_space<vmem>>) offsets(%dma_start3A_12 : memref<200xi32, #tpu.memory_space<vmem>>) semaphore(%arg14 : memref<!tpu.dma_semaphore, #tpu.memory_space<semaphore_mem>>)
    %dma_start3A_16 = arith.constant 400 : i32
    %dma_start3A_17 = tpu.memref_slice %arg5[%dma_start3A_16] : memref<10000xi32, #tpu.memory_space<vmem>> -> memref<200xi32, #tpu.memory_space<vmem>>
    %dma_start3A_18 = arith.constant 0 : i32
    %dma_start3A_19 = arith.constant 0 : i32
    %dma_start3A_20 = tpu.memref_slice %arg2[%dma_start3A_18, %dma_start3A_19] : memref<10000x64xf32, #tpu.memory_space<hbm>> -> memref<10000x64xf32, #tpu.memory_space<hbm>>
    tpu.enqueue_indirect_dma source(%dma_start3A_20 : memref<10000x64xf32, #tpu.memory_space<hbm>>) target(%arg9 : memref<200x64xf32, #tpu.memory_space<vmem>>) offsets(%dma_start3A_17 : memref<200xi32, #tpu.memory_space<vmem>>) semaphore(%arg14 : memref<!tpu.dma_semaphore, #tpu.memory_space<semaphore_mem>>)
    %dma_start3A_21 = arith.constant 600 : i32
    %dma_start3A_22 = tpu.memref_slice %arg5[%dma_start3A_21] : memref<10000xi32, #tpu.memory_space<vmem>> -> memref<200xi32, #tpu.memory_space<vmem>>
    %dma_start3A_23 = arith.constant 0 : i32
    %dma_start3A_24 = arith.constant 0 : i32
    %dma_start3A_25 = tpu.memref_slice %arg2[%dma_start3A_23, %dma_start3A_24] : memref<10000x64xf32, #tpu.memory_space<hbm>> -> memref<10000x64xf32, #tpu.memory_space<hbm>>
    tpu.enqueue_indirect_dma source(%dma_start3A_25 : memref<10000x64xf32, #tpu.memory_space<hbm>>) target(%arg10 : memref<200x64xf32, #tpu.memory_space<vmem>>) offsets(%dma_start3A_22 : memref<200xi32, #tpu.memory_space<vmem>>) semaphore(%arg14 : memref<!tpu.dma_semaphore, #tpu.memory_space<semaphore_mem>>)
    %scan3A = arith.constant 0 : i32
    %scan3A_26 = arith.constant 64 : i32
    %scan3A_27 = arith.addi %scan3A, %scan3A_26 : i32
    %scan3A_28 = arith.constant 1 : i32
    scf.for %scan3A_1054 = %scan3A to %scan3A_27 step %scan3A_28  : i32 {
      %mul3A_1055 = arith.constant 1 : i32
      %mul3A_1056 = arith.muli %scan3A_1054, %mul3A_1055 : i32
      %add3A_1057 = arith.constant 0 : i32
      %add3A_1058 = arith.addi %add3A_1057, %mul3A_1056 : i32
      %swap3A = arith.index_cast %add3A_1058 : i32 to index
      %swap3A_1059 = arith.constant 0 : index
      %swap3A_1060 = tpu.vector_load %arg12[%swap3A, %swap3A_1059] {strides = array<i32>} : memref<64x64xf32, #tpu.memory_space<vmem>>, vector<16xf32>,
      tpu.vector_store %arg12[%swap3A, %swap3A_1059], %broadcast_in_dim3A_1 {strides = array<i32>} : memref<64x64xf32, #tpu.memory_space<vmem>>, vector<16xf32>,
      %swap3A_1061 = arith.index_cast %add3A_1058 : i32 to index
      %swap3A_1062 = arith.constant 16 : index
      %swap3A_1063 = tpu.vector_load %arg12[%swap3A_1061, %swap3A_1062] {strides = array<i32>} : memref<64x64xf32, #tpu.memory_space<vmem>>, vector<16xf32>,
      tpu.vector_store %arg12[%swap3A_1061, %swap3A_1062], %broadcast_in_dim3A_1 {strides = array<i32>} : memref<64x64xf32, #tpu.memory_space<vmem>>, vector<16xf32>,
      %swap3A_1064 = arith.index_cast %add3A_1058 : i32 to index
      %swap3A_1065 = arith.constant 32 : index
      %swap3A_1066 = tpu.vector_load %arg12[%swap3A_1064, %swap3A_1065] {strides = array<i32>} : memref<64x64xf32, #tpu.memory_space<vmem>>, vector<16xf32>,
      tpu.vector_store %arg12[%swap3A_1064, %swap3A_1065], %broadcast_in_dim3A_1 {strides = array<i32>} : memref<64x64xf32, #tpu.memory_space<vmem>>, vector<16xf32>,
      %swap3A_1067 = arith.index_cast %add3A_1058 : i32 to index
      %swap3A_1068 = arith.constant 48 : index
      %swap3A_1069 = tpu.vector_load %arg12[%swap3A_1067, %swap3A_1068] {strides = array<i32>} : memref<64x64xf32, #tpu.memory_space<vmem>>, vector<16xf32>,
      tpu.vector_store %arg12[%swap3A_1067, %swap3A_1068], %broadcast_in_dim3A_1 {strides = array<i32>} : memref<64x64xf32, #tpu.memory_space<vmem>>, vector<16xf32>,
    }
    %scan3A_29 = arith.constant 64 : i32
    %mul3A_30 = arith.constant 640 : i32
    %mul3A_31 = arith.muli %arg1, %mul3A_30 : i32
    %add3A_32 = arith.constant 0 : i32
    %add3A_33 = arith.addi %mul3A_31, %add3A_32 : i32
    "tpu.region"() ({
      %run_scoped3A_1054 = tpu.sem_alloc : memref<!tpu.dma_semaphore, #tpu.memory_space<semaphore_mem>>
      %dma_start3A_1055 = arith.constant 0 : i32
      %dma_start3A_1056 = tpu.memref_slice %arg13[%add3A_33, %dma_start3A_1055] : memref<10240x64xf32, #tpu.memory_space<vmem_shared>> -> memref<64x64xf32, #tpu.memory_space<vmem_shared>>
      %dma_start3A_1057 = arith.constant 0 : i32
      %dma_start3A_1058 = tpu.memref_slice %arg13[%add3A_33, %dma_start3A_1057] : memref<10240x64xf32, #tpu.memory_space<vmem_shared>> -> memref<64x64xf32, #tpu.memory_space<vmem_shared>>
      tpu.enqueue_dma source(%arg12 : memref<64x64xf32, #tpu.memory_space<vmem>>) target(%dma_start3A_1058 : memref<64x64xf32, #tpu.memory_space<vmem_shared>>) target_semaphore(%run_scoped3A_1054 : memref<!tpu.dma_semaphore, #tpu.memory_space<semaphore_mem>>)
      %dma_wait3A_1059 = arith.constant 0 : i32
      %dma_wait3A_1060 = tpu.memref_slice %arg13[%add3A_33, %dma_wait3A_1059] : memref<10240x64xf32, #tpu.memory_space<vmem_shared>> -> memref<64x64xf32, #tpu.memory_space<vmem_shared>>
      %dma_wait3A_1061 = arith.constant 0 : i32
      %dma_wait3A_1062 = tpu.memref_slice %arg13[%add3A_33, %dma_wait3A_1061] : memref<10240x64xf32, #tpu.memory_space<vmem_shared>> -> memref<64x64xf32, #tpu.memory_space<vmem_shared>>
      tpu.wait_dma2 semaphore(%run_scoped3A_1054 : memref<!tpu.dma_semaphore, #tpu.memory_space<semaphore_mem>>) src(%arg12 : memref<64x64xf32, #tpu.memory_space<vmem>>) dst(%dma_wait3A_1062 : memref<64x64xf32, #tpu.memory_space<vmem_shared>>)
      tpu.yield
    }) : () -> ()
    %mul3A_34 = arith.constant 640 : i32
    %mul3A_35 = arith.muli %arg1, %mul3A_34 : i32
    %add3A_36 = arith.constant 64 : i32
    %add3A_37 = arith.addi %mul3A_35, %add3A_36 : i32
    "tpu.region"() ({
      %run_scoped3A_1054 = tpu.sem_alloc : memref<!tpu.dma_semaphore, #tpu.memory_space<semaphore_mem>>
      %dma_start3A_1055 = arith.constant 0 : i32
      %dma_start3A_1056 = tpu.memref_slice %arg13[%add3A_37, %dma_start3A_1055] : memref<10240x64xf32, #tpu.memory_space<vmem_shared>> -> memref<64x64xf32, #tpu.memory_space<vmem_shared>>
      %dma_start3A_1057 = arith.constant 0 : i32
      %dma_start3A_1058 = tpu.memref_slice %arg13[%add3A_37, %dma_start3A_1057] : memref<10240x64xf32, #tpu.memory_space<vmem_shared>> -> memref<64x64xf32, #tpu.memory_space<vmem_shared>>
      tpu.enqueue_dma source(%arg12 : memref<64x64xf32, #tpu.memory_space<vmem>>) target(%dma_start3A_1058 : memref<64x64xf32, #tpu.memory_space<vmem_shared>>) target_semaphore(%run_scoped3A_1054 : memref<!tpu.dma_semaphore, #tpu.memory_space<semaphore_mem>>)
      %dma_wait3A_1059 = arith.constant 0 : i32
      %dma_wait3A_1060 = tpu.memref_slice %arg13[%add3A_37, %dma_wait3A_1059] : memref<10240x64xf32, #tpu.memory_space<vmem_shared>> -> memref<64x64xf32, #tpu.memory_space<vmem_shared>>
      %dma_wait3A_1061 = arith.constant 0 : i32
      %dma_wait3A_1062 = tpu.memref_slice %arg13[%add3A_37, %dma_wait3A_1061] : memref<10240x64xf32, #tpu.memory_space<vmem_shared>> -> memref<64x64xf32, #tpu.memory_space<vmem_shared>>
      tpu.wait_dma2 semaphore(%run_scoped3A_1054 : memref<!tpu.dma_semaphore, #tpu.memory_space<semaphore_mem>>) src(%arg12 : memref<64x64xf32, #tpu.memory_space<vmem>>) dst(%dma_wait3A_1062 : memref<64x64xf32, #tpu.memory_space<vmem_shared>>)
      tpu.yield
    }) : () -> ()
    %mul3A_38 = arith.constant 640 : i32
    %mul3A_39 = arith.muli %arg1, %mul3A_38 : i32
    %add3A_40 = arith.constant 128 : i32
    %add3A_41 = arith.addi %mul3A_39, %add3A_40 : i32
    "tpu.region"() ({
      %run_scoped3A_1054 = tpu.sem_alloc : memref<!tpu.dma_semaphore, #tpu.memory_space<semaphore_mem>>
      %dma_start3A_1055 = arith.constant 0 : i32
      %dma_start3A_1056 = tpu.memref_slice %arg13[%add3A_41, %dma_start3A_1055] : memref<10240x64xf32, #tpu.memory_space<vmem_shared>> -> memref<64x64xf32, #tpu.memory_space<vmem_shared>>
      %dma_start3A_1057 = arith.constant 0 : i32
      %dma_start3A_1058 = tpu.memref_slice %arg13[%add3A_41, %dma_start3A_1057] : memref<10240x64xf32, #tpu.memory_space<vmem_shared>> -> memref<64x64xf32, #tpu.memory_space<vmem_shared>>
      tpu.enqueue_dma source(%arg12 : memref<64x64xf32, #tpu.memory_space<vmem>>) target(%dma_start3A_1058 : memref<64x64xf32, #tpu.memory_space<vmem_shared>>) target_semaphore(%run_scoped3A_1054 : memref<!tpu.dma_semaphore, #tpu.memory_space<semaphore_mem>>)
      %dma_wait3A_1059 = arith.constant 0 : i32
      %dma_wait3A_1060 = tpu.memref_slice %arg13[%add3A_41, %dma_wait3A_1059] : memref<10240x64xf32, #tpu.memory_space<vmem_shared>> -> memref<64x64xf32, #tpu.memory_space<vmem_shared>>
      %dma_wait3A_1061 = arith.constant 0 : i32
      %dma_wait3A_1062 = tpu.memref_slice %arg13[%add3A_41, %dma_wait3A_1061] : memref<10240x64xf32, #tpu.memory_space<vmem_shared>> -> memref<64x64xf32, #tpu.memory_space<vmem_shared>>
      tpu.wait_dma2 semaphore(%run_scoped3A_1054 : memref<!tpu.dma_semaphore, #tpu.memory_space<semaphore_mem>>) src(%arg12 : memref<64x64xf32, #tpu.memory_space<vmem>>) dst(%dma_wait3A_1062 : memref<64x64xf32, #tpu.memory_space<vmem_shared>>)
      tpu.yield
    }) : () -> ()
    %mul3A_42 = arith.constant 640 : i32
    %mul3A_43 = arith.muli %arg1, %mul3A_42 : i32
    %add3A_44 = arith.constant 192 : i32
    %add3A_45 = arith.addi %mul3A_43, %add3A_44 : i32
    "tpu.region"() ({
      %run_scoped3A_1054 = tpu.sem_alloc : memref<!tpu.dma_semaphore, #tpu.memory_space<semaphore_mem>>
      %dma_start3A_1055 = arith.constant 0 : i32
      %dma_start3A_1056 = tpu.memref_slice %arg13[%add3A_45, %dma_start3A_1055] : memref<10240x64xf32, #tpu.memory_space<vmem_shared>> -> memref<64x64xf32, #tpu.memory_space<vmem_shared>>
      %dma_start3A_1057 = arith.constant 0 : i32
      %dma_start3A_1058 = tpu.memref_slice %arg13[%add3A_45, %dma_start3A_1057] : memref<10240x64xf32, #tpu.memory_space<vmem_shared>> -> memref<64x64xf32, #tpu.memory_space<vmem_shared>>
      tpu.enqueue_dma source(%arg12 : memref<64x64xf32, #tpu.memory_space<vmem>>) target(%dma_start3A_1058 : memref<64x64xf32, #tpu.memory_space<vmem_shared>>) target_semaphore(%run_scoped3A_1054 : memref<!tpu.dma_semaphore, #tpu.memory_space<semaphore_mem>>)
      %dma_wait3A_1059 = arith.constant 0 : i32
      %dma_wait3A_1060 = tpu.memref_slice %arg13[%add3A_45, %dma_wait3A_1059] : memref<10240x64xf32, #tpu.memory_space<vmem_shared>> -> memref<64x64xf32, #tpu.memory_space<vmem_shared>>
      %dma_wait3A_1061 = arith.constant 0 : i32
      %dma_wait3A_1062 = tpu.memref_slice %arg13[%add3A_45, %dma_wait3A_1061] : memref<10240x64xf32, #tpu.memory_space<vmem_shared>> -> memref<64x64xf32, #tpu.memory_space<vmem_shared>>
      tpu.wait_dma2 semaphore(%run_scoped3A_1054 : memref<!tpu.dma_semaphore, #tpu.memory_space<semaphore_mem>>) src(%arg12 : memref<64x64xf32, #tpu.memory_space<vmem>>) dst(%dma_wait3A_1062 : memref<64x64xf32, #tpu.memory_space<vmem_shared>>)
      tpu.yield
    }) : () -> ()
    %mul3A_46 = arith.constant 640 : i32
    %mul3A_47 = arith.muli %arg1, %mul3A_46 : i32
    %add3A_48 = arith.constant 256 : i32
    %add3A_49 = arith.addi %mul3A_47, %add3A_48 : i32
    "tpu.region"() ({
      %run_scoped3A_1054 = tpu.sem_alloc : memref<!tpu.dma_semaphore, #tpu.memory_space<semaphore_mem>>
      %dma_start3A_1055 = arith.constant 0 : i32
      %dma_start3A_1056 = tpu.memref_slice %arg13[%add3A_49, %dma_start3A_1055] : memref<10240x64xf32, #tpu.memory_space<vmem_shared>> -> memref<64x64xf32, #tpu.memory_space<vmem_shared>>
      %dma_start3A_1057 = arith.constant 0 : i32
      %dma_start3A_1058 = tpu.memref_slice %arg13[%add3A_49, %dma_start3A_1057] : memref<10240x64xf32, #tpu.memory_space<vmem_shared>> -> memref<64x64xf32, #tpu.memory_space<vmem_shared>>
      tpu.enqueue_dma source(%arg12 : memref<64x64xf32, #tpu.memory_space<vmem>>) target(%dma_start3A_1058 : memref<64x64xf32, #tpu.memory_space<vmem_shared>>) target_semaphore(%run_scoped3A_1054 : memref<!tpu.dma_semaphore, #tpu.memory_space<semaphore_mem>>)
      %dma_wait3A_1059 = arith.constant 0 : i32
      %dma_wait3A_1060 = tpu.memref_slice %arg13[%add3A_49, %dma_wait3A_1059] : memref<10240x64xf32, #tpu.memory_space<vmem_shared>> -> memref<64x64xf32, #tpu.memory_space<vmem_shared>>
      %dma_wait3A_1061 = arith.constant 0 : i32
      %dma_wait3A_1062 = tpu.memref_slice %arg13[%add3A_49, %dma_wait3A_1061] : memref<10240x64xf32, #tpu.memory_space<vmem_shared>> -> memref<64x64xf32, #tpu.memory_space<vmem_shared>>
      tpu.wait_dma2 semaphore(%run_scoped3A_1054 : memref<!tpu.dma_semaphore, #tpu.memory_space<semaphore_mem>>) src(%arg12 : memref<64x64xf32, #tpu.memory_space<vmem>>) dst(%dma_wait3A_1062 : memref<64x64xf32, #tpu.memory_space<vmem_shared>>)
      tpu.yield
    }) : () -> ()
    %mul3A_50 = arith.constant 640 : i32
    %mul3A_51 = arith.muli %arg1, %mul3A_50 : i32
    %add3A_52 = arith.constant 320 : i32
    %add3A_53 = arith.addi %mul3A_51, %add3A_52 : i32
    "tpu.region"() ({
      %run_scoped3A_1054 = tpu.sem_alloc : memref<!tpu.dma_semaphore, #tpu.memory_space<semaphore_mem>>
      %dma_start3A_1055 = arith.constant 0 : i32
      %dma_start3A_1056 = tpu.memref_slice %arg13[%add3A_53, %dma_start3A_1055] : memref<10240x64xf32, #tpu.memory_space<vmem_shared>> -> memref<64x64xf32, #tpu.memory_space<vmem_shared>>
      %dma_start3A_1057 = arith.constant 0 : i32
      %dma_start3A_1058 = tpu.memref_slice %arg13[%add3A_53, %dma_start3A_1057] : memref<10240x64xf32, #tpu.memory_space<vmem_shared>> -> memref<64x64xf32, #tpu.memory_space<vmem_shared>>
      tpu.enqueue_dma source(%arg12 : memref<64x64xf32, #tpu.memory_space<vmem>>) target(%dma_start3A_1058 : memref<64x64xf32, #tpu.memory_space<vmem_shared>>) target_semaphore(%run_scoped3A_1054 : memref<!tpu.dma_semaphore, #tpu.memory_space<semaphore_mem>>)
      %dma_wait3A_1059 = arith.constant 0 : i32
      %dma_wait3A_1060 = tpu.memref_slice %arg13[%add3A_53, %dma_wait3A_1059] : memref<10240x64xf32, #tpu.memory_space<vmem_shared>> -> memref<64x64xf32, #tpu.memory_space<vmem_shared>>
      %dma_wait3A_1061 = arith.constant 0 : i32
      %dma_wait3A_1062 = tpu.memref_slice %arg13[%add3A_53, %dma_wait3A_1061] : memref<10240x64xf32, #tpu.memory_space<vmem_shared>> -> memref<64x64xf32, #tpu.memory_space<vmem_shared>>
      tpu.wait_dma2 semaphore(%run_scoped3A_1054 : memref<!tpu.dma_semaphore, #tpu.memory_space<semaphore_mem>>) src(%arg12 : memref<64x64xf32, #tpu.memory_space<vmem>>) dst(%dma_wait3A_1062 : memref<64x64xf32, #tpu.memory_space<vmem_shared>>)
      tpu.yield
    }) : () -> ()
    %mul3A_54 = arith.constant 640 : i32
    %mul3A_55 = arith.muli %arg1, %mul3A_54 : i32
    %add3A_56 = arith.constant 384 : i32
    %add3A_57 = arith.addi %mul3A_55, %add3A_56 : i32
    "tpu.region"() ({
      %run_scoped3A_1054 = tpu.sem_alloc : memref<!tpu.dma_semaphore, #tpu.memory_space<semaphore_mem>>
      %dma_start3A_1055 = arith.constant 0 : i32
      %dma_start3A_1056 = tpu.memref_slice %arg13[%add3A_57, %dma_start3A_1055] : memref<10240x64xf32, #tpu.memory_space<vmem_shared>> -> memref<64x64xf32, #tpu.memory_space<vmem_shared>>
      %dma_start3A_1057 = arith.constant 0 : i32
      %dma_start3A_1058 = tpu.memref_slice %arg13[%add3A_57, %dma_start3A_1057] : memref<10240x64xf32, #tpu.memory_space<vmem_shared>> -> memref<64x64xf32, #tpu.memory_space<vmem_shared>>
      tpu.enqueue_dma source(%arg12 : memref<64x64xf32, #tpu.memory_space<vmem>>) target(%dma_start3A_1058 : memref<64x64xf32, #tpu.memory_space<vmem_shared>>) target_semaphore(%run_scoped3A_1054 : memref<!tpu.dma_semaphore, #tpu.memory_space<semaphore_mem>>)
      %dma_wait3A_1059 = arith.constant 0 : i32
      %dma_wait3A_1060 = tpu.memref_slice %arg13[%add3A_57, %dma_wait3A_1059] : memref<10240x64xf32, #tpu.memory_space<vmem_shared>> -> memref<64x64xf32, #tpu.memory_space<vmem_shared>>
      %dma_wait3A_1061 = arith.constant 0 : i32
      %dma_wait3A_1062 = tpu.memref_slice %arg13[%add3A_57, %dma_wait3A_1061] : memref<10240x64xf32, #tpu.memory_space<vmem_shared>> -> memref<64x64xf32, #tpu.memory_space<vmem_shared>>
      tpu.wait_dma2 semaphore(%run_scoped3A_1054 : memref<!tpu.dma_semaphore, #tpu.memory_space<semaphore_mem>>) src(%arg12 : memref<64x64xf32, #tpu.memory_space<vmem>>) dst(%dma_wait3A_1062 : memref<64x64xf32, #tpu.memory_space<vmem_shared>>)
      tpu.yield
    }) : () -> ()
    %mul3A_58 = arith.constant 640 : i32
    %mul3A_59 = arith.muli %arg1, %mul3A_58 : i32
    %add3A_60 = arith.constant 448 : i32
    %add3A_61 = arith.addi %mul3A_59, %add3A_60 : i32
    "tpu.region"() ({
      %run_scoped3A_1054 = tpu.sem_alloc : memref<!tpu.dma_semaphore, #tpu.memory_space<semaphore_mem>>
      %dma_start3A_1055 = arith.constant 0 : i32
      %dma_start3A_1056 = tpu.memref_slice %arg13[%add3A_61, %dma_start3A_1055] : memref<10240x64xf32, #tpu.memory_space<vmem_shared>> -> memref<64x64xf32, #tpu.memory_space<vmem_shared>>
      %dma_start3A_1057 = arith.constant 0 : i32
      %dma_start3A_1058 = tpu.memref_slice %arg13[%add3A_61, %dma_start3A_1057] : memref<10240x64xf32, #tpu.memory_space<vmem_shared>> -> memref<64x64xf32, #tpu.memory_space<vmem_shared>>
      tpu.enqueue_dma source(%arg12 : memref<64x64xf32, #tpu.memory_space<vmem>>) target(%dma_start3A_1058 : memref<64x64xf32, #tpu.memory_space<vmem_shared>>) target_semaphore(%run_scoped3A_1054 : memref<!tpu.dma_semaphore, #tpu.memory_space<semaphore_mem>>)
      %dma_wait3A_1059 = arith.constant 0 : i32
      %dma_wait3A_1060 = tpu.memref_slice %arg13[%add3A_61, %dma_wait3A_1059] : memref<10240x64xf32, #tpu.memory_space<vmem_shared>> -> memref<64x64xf32, #tpu.memory_space<vmem_shared>>
      %dma_wait3A_1061 = arith.constant 0 : i32
      %dma_wait3A_1062 = tpu.memref_slice %arg13[%add3A_61, %dma_wait3A_1061] : memref<10240x64xf32, #tpu.memory_space<vmem_shared>> -> memref<64x64xf32, #tpu.memory_space<vmem_shared>>
      tpu.wait_dma2 semaphore(%run_scoped3A_1054 : memref<!tpu.dma_semaphore, #tpu.memory_space<semaphore_mem>>) src(%arg12 : memref<64x64xf32, #tpu.memory_space<vmem>>) dst(%dma_wait3A_1062 : memref<64x64xf32, #tpu.memory_space<vmem_shared>>)
      tpu.yield
    }) : () -> ()
    %mul3A_62 = arith.constant 640 : i32
    %mul3A_63 = arith.muli %arg1, %mul3A_62 : i32
    %add3A_64 = arith.constant 512 : i32
    %add3A_65 = arith.addi %mul3A_63, %add3A_64 : i32
    "tpu.region"() ({
      %run_scoped3A_1054 = tpu.sem_alloc : memref<!tpu.dma_semaphore, #tpu.memory_space<semaphore_mem>>
      %dma_start3A_1055 = arith.constant 0 : i32
      %dma_start3A_1056 = tpu.memref_slice %arg13[%add3A_65, %dma_start3A_1055] : memref<10240x64xf32, #tpu.memory_space<vmem_shared>> -> memref<64x64xf32, #tpu.memory_space<vmem_shared>>
      %dma_start3A_1057 = arith.constant 0 : i32
      %dma_start3A_1058 = tpu.memref_slice %arg13[%add3A_65, %dma_start3A_1057] : memref<10240x64xf32, #tpu.memory_space<vmem_shared>> -> memref<64x64xf32, #tpu.memory_space<vmem_shared>>
      tpu.enqueue_dma source(%arg12 : memref<64x64xf32, #tpu.memory_space<vmem>>) target(%dma_start3A_1058 : memref<64x64xf32, #tpu.memory_space<vmem_shared>>) target_semaphore(%run_scoped3A_1054 : memref<!tpu.dma_semaphore, #tpu.memory_space<semaphore_mem>>)
      %dma_wait3A_1059 = arith.constant 0 : i32
      %dma_wait3A_1060 = tpu.memref_slice %arg13[%add3A_65, %dma_wait3A_1059] : memref<10240x64xf32, #tpu.memory_space<vmem_shared>> -> memref<64x64xf32, #tpu.memory_space<vmem_shared>>
      %dma_wait3A_1061 = arith.constant 0 : i32
      %dma_wait3A_1062 = tpu.memref_slice %arg13[%add3A_65, %dma_wait3A_1061] : memref<10240x64xf32, #tpu.memory_space<vmem_shared>> -> memref<64x64xf32, #tpu.memory_space<vmem_shared>>
      tpu.wait_dma2 semaphore(%run_scoped3A_1054 : memref<!tpu.dma_semaphore, #tpu.memory_space<semaphore_mem>>) src(%arg12 : memref<64x64xf32, #tpu.memory_space<vmem>>) dst(%dma_wait3A_1062 : memref<64x64xf32, #tpu.memory_space<vmem_shared>>)
      tpu.yield
    }) : () -> ()
    %mul3A_66 = arith.constant 640 : i32
    %mul3A_67 = arith.muli %arg1, %mul3A_66 : i32
    %add3A_68 = arith.constant 576 : i32
    %add3A_69 = arith.addi %mul3A_67, %add3A_68 : i32
    "tpu.region"() ({
      %run_scoped3A_1054 = tpu.sem_alloc : memref<!tpu.dma_semaphore, #tpu.memory_space<semaphore_mem>>
      %dma_start3A_1055 = arith.constant 0 : i32
      %dma_start3A_1056 = tpu.memref_slice %arg13[%add3A_69, %dma_start3A_1055] : memref<10240x64xf32, #tpu.memory_space<vmem_shared>> -> memref<64x64xf32, #tpu.memory_space<vmem_shared>>
      %dma_start3A_1057 = arith.constant 0 : i32
      %dma_start3A_1058 = tpu.memref_slice %arg13[%add3A_69, %dma_start3A_1057] : memref<10240x64xf32, #tpu.memory_space<vmem_shared>> -> memref<64x64xf32, #tpu.memory_space<vmem_shared>>
      tpu.enqueue_dma source(%arg12 : memref<64x64xf32, #tpu.memory_space<vmem>>) target(%dma_start3A_1058 : memref<64x64xf32, #tpu.memory_space<vmem_shared>>) target_semaphore(%run_scoped3A_1054 : memref<!tpu.dma_semaphore, #tpu.memory_space<semaphore_mem>>)
      %dma_wait3A_1059 = arith.constant 0 : i32
      %dma_wait3A_1060 = tpu.memref_slice %arg13[%add3A_69, %dma_wait3A_1059] : memref<10240x64xf32, #tpu.memory_space<vmem_shared>> -> memref<64x64xf32, #tpu.memory_space<vmem_shared>>
      %dma_wait3A_1061 = arith.constant 0 : i32
      %dma_wait3A_1062 = tpu.memref_slice %arg13[%add3A_69, %dma_wait3A_1061] : memref<10240x64xf32, #tpu.memory_space<vmem_shared>> -> memref<64x64xf32, #tpu.memory_space<vmem_shared>>
      tpu.wait_dma2 semaphore(%run_scoped3A_1054 : memref<!tpu.dma_semaphore, #tpu.memory_space<semaphore_mem>>) src(%arg12 : memref<64x64xf32, #tpu.memory_space<vmem>>) dst(%dma_wait3A_1062 : memref<64x64xf32, #tpu.memory_space<vmem_shared>>)
      tpu.yield
    }) : () -> ()
    %barrier3A = arith.constant 0 : index
    tpu.barrier barrier_id(%barrier3A)
    %dma_start3A_70 = arith.constant 800 : i32
    %dma_start3A_71 = tpu.memref_slice %arg5[%dma_start3A_70] : memref<10000xi32, #tpu.memory_space<vmem>> -> memref<200xi32, #tpu.memory_space<vmem>>
    %dma_start3A_72 = arith.constant 0 : i32
    %dma_start3A_73 = arith.constant 0 : i32
    %dma_start3A_74 = tpu.memref_slice %arg2[%dma_start3A_72, %dma_start3A_73] : memref<10000x64xf32, #tpu.memory_space<hbm>> -> memref<10000x64xf32, #tpu.memory_space<hbm>>
    tpu.enqueue_indirect_dma source(%dma_start3A_74 : memref<10000x64xf32, #tpu.memory_space<hbm>>) target(%arg11 : memref<200x64xf32, #tpu.memory_space<vmem>>) offsets(%dma_start3A_71 : memref<200xi32, #tpu.memory_space<vmem>>) semaphore(%arg14 : memref<!tpu.dma_semaphore, #tpu.memory_space<semaphore_mem>>)
    %dma_wait3A = arith.constant 0 : i32
    %dma_wait3A_75 = tpu.memref_slice %arg5[%dma_wait3A] : memref<10000xi32, #tpu.memory_space<vmem>> -> memref<200xi32, #tpu.memory_space<vmem>>
    %dma_wait3A_76 = arith.constant 0 : i32
    %dma_wait3A_77 = arith.constant 0 : i32
    %dma_wait3A_78 = tpu.memref_slice %arg2[%dma_wait3A_76, %dma_wait3A_77] : memref<10000x64xf32, #tpu.memory_space<hbm>> -> memref<10000x64xf32, #tpu.memory_space<hbm>>
    tpu.wait_indirect_dma semaphore(%arg14 : memref<!tpu.dma_semaphore, #tpu.memory_space<semaphore_mem>>) src(%dma_wait3A_78 : memref<10000x64xf32, #tpu.memory_space<hbm>>) dst(%arg7 : memref<200x64xf32, #tpu.memory_space<vmem>>)
    %dma_start3A_79 = arith.constant 0 : i32
    %dma_start3A_80 = tpu.memref_slice %arg6[%dma_start3A_79] : memref<10000xi32, #tpu.memory_space<vmem>> -> memref<200xi32, #tpu.memory_space<vmem>>
    %dma_start3A_81 = arith.constant 0 : i32
    %dma_start3A_82 = arith.constant 0 : i32
    %dma_start3A_83 = tpu.memref_slice %arg13[%dma_start3A_81, %dma_start3A_82] : memref<10240x64xf32, #tpu.memory_space<vmem_shared>> -> memref<10240x64xf32, #tpu.memory_space<vmem_shared>>
    tpu.enqueue_indirect_dma source(%arg7 : memref<200x64xf32, #tpu.memory_space<vmem>>) target(%dma_start3A_83 : memref<10240x64xf32, #tpu.memory_space<vmem_shared>>) offsets(%dma_start3A_80 : memref<200xi32, #tpu.memory_space<vmem>>) semaphore(%arg15 : memref<!tpu.dma_semaphore, #tpu.memory_space<semaphore_mem>>) {add = true}
    %dma_wait3A_84 = arith.constant 0 : i32
    %dma_wait3A_85 = tpu.memref_slice %arg6[%dma_wait3A_84] : memref<10000xi32, #tpu.memory_space<vmem>> -> memref<200xi32, #tpu.memory_space<vmem>>
    %dma_wait3A_86 = arith.constant 0 : i32
    %dma_wait3A_87 = arith.constant 0 : i32
    %dma_wait3A_88 = tpu.memref_slice %arg13[%dma_wait3A_86, %dma_wait3A_87] : memref<10240x64xf32, #tpu.memory_space<vmem_shared>> -> memref<10240x64xf32, #tpu.memory_space<vmem_shared>>
    tpu.wait_indirect_dma semaphore(%arg15 : memref<!tpu.dma_semaphore, #tpu.memory_space<semaphore_mem>>) src(%arg7 : memref<200x64xf32, #tpu.memory_space<vmem>>) dst(%dma_wait3A_88 : memref<10240x64xf32, #tpu.memory_space<vmem_shared>>)
    %dma_start3A_89 = arith.constant 1000 : i32
    %dma_start3A_90 = tpu.memref_slice %arg5[%dma_start3A_89] : memref<10000xi32, #tpu.memory_space<vmem>> -> memref<200xi32, #tpu.memory_space<vmem>>
    %dma_start3A_91 = arith.constant 0 : i32
    %dma_start3A_92 = arith.constant 0 : i32
    %dma_start3A_93 = tpu.memref_slice %arg2[%dma_start3A_91, %dma_start3A_92] : memref<10000x64xf32, #tpu.memory_space<hbm>> -> memref<10000x64xf32, #tpu.memory_space<hbm>>
    tpu.enqueue_indirect_dma source(%dma_start3A_93 : memref<10000x64xf32, #tpu.memory_space<hbm>>) target(%arg7 : memref<200x64xf32, #tpu.memory_space<vmem>>) offsets(%dma_start3A_90 : memref<200xi32, #tpu.memory_space<vmem>>) semaphore(%arg14 : memref<!tpu.dma_semaphore, #tpu.memory_space<semaphore_mem>>)
    %dma_wait3A_94 = arith.constant 200 : i32
    %dma_wait3A_95 = tpu.memref_slice %arg5[%dma_wait3A_94] : memref<10000xi32, #tpu.memory_space<vmem>> -> memref<200xi32, #tpu.memory_space<vmem>>
    %dma_wait3A_96 = arith.constant 0 : i32
    %dma_wait3A_97 = arith.constant 0 : i32
    %dma_wait3A_98 = tpu.memref_slice %arg2[%dma_wait3A_96, %dma_wait3A_97] : memref<10000x64xf32, #tpu.memory_space<hbm>> -> memref<10000x64xf32, #tpu.memory_space<hbm>>
    tpu.wait_indirect_dma semaphore(%arg14 : memref<!tpu.dma_semaphore, #tpu.memory_space<semaphore_mem>>) src(%dma_wait3A_98 : memref<10000x64xf32, #tpu.memory_space<hbm>>) dst(%arg8 : memref<200x64xf32, #tpu.memory_space<vmem>>)
    %dma_start3A_99 = arith.constant 200 : i32
    %dma_start3A_100 = tpu.memref_slice %arg6[%dma_start3A_99] : memref<10000xi32, #tpu.memory_space<vmem>> -> memref<200xi32, #tpu.memory_space<vmem>>
    %dma_start3A_101 = arith.constant 0 : i32
    %dma_start3A_102 = arith.constant 0 : i32
    %dma_start3A_103 = tpu.memref_slice %arg13[%dma_start3A_101, %dma_start3A_102] : memref<10240x64xf32, #tpu.memory_space<vmem_shared>> -> memref<10240x64xf32, #tpu.memory_space<vmem_shared>>
    tpu.enqueue_indirect_dma source(%arg8 : memref<200x64xf32, #tpu.memory_space<vmem>>) target(%dma_start3A_103 : memref<10240x64xf32, #tpu.memory_space<vmem_shared>>) offsets(%dma_start3A_100 : memref<200xi32, #tpu.memory_space<vmem>>) semaphore(%arg15 : memref<!tpu.dma_semaphore, #tpu.memory_space<semaphore_mem>>) {add = true}
    %dma_wait3A_104 = arith.constant 200 : i32
    %dma_wait3A_105 = tpu.memref_slice %arg6[%dma_wait3A_104] : memref<10000xi32, #tpu.memory_space<vmem>> -> memref<200xi32, #tpu.memory_space<vmem>>
    %dma_wait3A_106 = arith.constant 0 : i32
    %dma_wait3A_107 = arith.constant 0 : i32
    %dma_wait3A_108 = tpu.memref_slice %arg13[%dma_wait3A_106, %dma_wait3A_107] : memref<10240x64xf32, #tpu.memory_space<vmem_shared>> -> memref<10240x64xf32, #tpu.memory_space<vmem_shared>>
    tpu.wait_indirect_dma semaphore(%arg15 : memref<!tpu.dma_semaphore, #tpu.memory_space<semaphore_mem>>) src(%arg8 : memref<200x64xf32, #tpu.memory_space<vmem>>) dst(%dma_wait3A_108 : memref<10240x64xf32, #tpu.memory_space<vmem_shared>>)
    %dma_start3A_109 = arith.constant 1200 : i32
    %dma_start3A_110 = tpu.memref_slice %arg5[%dma_start3A_109] : memref<10000xi32, #tpu.memory_space<vmem>> -> memref<200xi32, #tpu.memory_space<vmem>>
    %dma_start3A_111 = arith.constant 0 : i32
    %dma_start3A_112 = arith.constant 0 : i32
    %dma_start3A_113 = tpu.memref_slice %arg2[%dma_start3A_111, %dma_start3A_112] : memref<10000x64xf32, #tpu.memory_space<hbm>> -> memref<10000x64xf32, #tpu.memory_space<hbm>>
    tpu.enqueue_indirect_dma source(%dma_start3A_113 : memref<10000x64xf32, #tpu.memory_space<hbm>>) target(%arg8 : memref<200x64xf32, #tpu.memory_space<vmem>>) offsets(%dma_start3A_110 : memref<200xi32, #tpu.memory_space<vmem>>) semaphore(%arg14 : memref<!tpu.dma_semaphore, #tpu.memory_space<semaphore_mem>>)
    %dma_wait3A_114 = arith.constant 400 : i32
    %dma_wait3A_115 = tpu.memref_slice %arg5[%dma_wait3A_114] : memref<10000xi32, #tpu.memory_space<vmem>> -> memref<200xi32, #tpu.memory_space<vmem>>
    %dma_wait3A_116 = arith.constant 0 : i32
    %dma_wait3A_117 = arith.constant 0 : i32
    %dma_wait3A_118 = tpu.memref_slice %arg2[%dma_wait3A_116, %dma_wait3A_117] : memref<10000x64xf32, #tpu.memory_space<hbm>> -> memref<10000x64xf32, #tpu.memory_space<hbm>>
    tpu.wait_indirect_dma semaphore(%arg14 : memref<!tpu.dma_semaphore, #tpu.memory_space<semaphore_mem>>) src(%dma_wait3A_118 : memref<10000x64xf32, #tpu.memory_space<hbm>>) dst(%arg9 : memref<200x64xf32, #tpu.memory_space<vmem>>)
    %dma_start3A_119 = arith.constant 400 : i32
    %dma_start3A_120 = tpu.memref_slice %arg6[%dma_start3A_119] : memref<10000xi32, #tpu.memory_space<vmem>> -> memref<200xi32, #tpu.memory_space<vmem>>
    %dma_start3A_121 = arith.constant 0 : i32
    %dma_start3A_122 = arith.constant 0 : i32
    %dma_start3A_123 = tpu.memref_slice %arg13[%dma_start3A_121, %dma_start3A_122] : memref<10240x64xf32, #tpu.memory_space<vmem_shared>> -> memref<10240x64xf32, #tpu.memory_space<vmem_shared>>
    tpu.enqueue_indirect_dma source(%arg9 : memref<200x64xf32, #tpu.memory_space<vmem>>) target(%dma_start3A_123 : memref<10240x64xf32, #tpu.memory_space<vmem_shared>>) offsets(%dma_start3A_120 : memref<200xi32, #tpu.memory_space<vmem>>) semaphore(%arg15 : memref<!tpu.dma_semaphore, #tpu.memory_space<semaphore_mem>>) {add = true}
    %dma_wait3A_124 = arith.constant 400 : i32
    %dma_wait3A_125 = tpu.memref_slice %arg6[%dma_wait3A_124] : memref<10000xi32, #tpu.memory_space<vmem>> -> memref<200xi32, #tpu.memory_space<vmem>>
    %dma_wait3A_126 = arith.constant 0 : i32
    %dma_wait3A_127 = arith.constant 0 : i32
    %dma_wait3A_128 = tpu.memref_slice %arg13[%dma_wait3A_126, %dma_wait3A_127] : memref<10240x64xf32, #tpu.memory_space<vmem_shared>> -> memref<10240x64xf32, #tpu.memory_space<vmem_shared>>
    tpu.wait_indirect_dma semaphore(%arg15 : memref<!tpu.dma_semaphore, #tpu.memory_space<semaphore_mem>>) src(%arg9 : memref<200x64xf32, #tpu.memory_space<vmem>>) dst(%dma_wait3A_128 : memref<10240x64xf32, #tpu.memory_space<vmem_shared>>)
    %dma_start3A_129 = arith.constant 1400 : i32
    %dma_start3A_130 = tpu.memref_slice %arg5[%dma_start3A_129] : memref<10000xi32, #tpu.memory_space<vmem>> -> memref<200xi32, #tpu.memory_space<vmem>>
    %dma_start3A_131 = arith.constant 0 : i32
    %dma_start3A_132 = arith.constant 0 : i32
    %dma_start3A_133 = tpu.memref_slice %arg2[%dma_start3A_131, %dma_start3A_132] : memref<10000x64xf32, #tpu.memory_space<hbm>> -> memref<10000x64xf32, #tpu.memory_space<hbm>>
    tpu.enqueue_indirect_dma source(%dma_start3A_133 : memref<10000x64xf32, #tpu.memory_space<hbm>>) target(%arg9 : memref<200x64xf32, #tpu.memory_space<vmem>>) offsets(%dma_start3A_130 : memref<200xi32, #tpu.memory_space<vmem>>) semaphore(%arg14 : memref<!tpu.dma_semaphore, #tpu.memory_space<semaphore_mem>>)
    %dma_wait3A_134 = arith.constant 600 : i32
    %dma_wait3A_135 = tpu.memref_slice %arg5[%dma_wait3A_134] : memref<10000xi32, #tpu.memory_space<vmem>> -> memref<200xi32, #tpu.memory_space<vmem>>
    %dma_wait3A_136 = arith.constant 0 : i32
    %dma_wait3A_137 = arith.constant 0 : i32
    %dma_wait3A_138 = tpu.memref_slice %arg2[%dma_wait3A_136, %dma_wait3A_137] : memref<10000x64xf32, #tpu.memory_space<hbm>> -> memref<10000x64xf32, #tpu.memory_space<hbm>>
    tpu.wait_indirect_dma semaphore(%arg14 : memref<!tpu.dma_semaphore, #tpu.memory_space<semaphore_mem>>) src(%dma_wait3A_138 : memref<10000x64xf32, #tpu.memory_space<hbm>>) dst(%arg10 : memref<200x64xf32, #tpu.memory_space<vmem>>)
    %dma_start3A_139 = arith.constant 600 : i32
    %dma_start3A_140 = tpu.memref_slice %arg6[%dma_start3A_139] : memref<10000xi32, #tpu.memory_space<vmem>> -> memref<200xi32, #tpu.memory_space<vmem>>
    %dma_start3A_141 = arith.constant 0 : i32
    %dma_start3A_142 = arith.constant 0 : i32
    %dma_start3A_143 = tpu.memref_slice %arg13[%dma_start3A_141, %dma_start3A_142] : memref<10240x64xf32, #tpu.memory_space<vmem_shared>> -> memref<10240x64xf32, #tpu.memory_space<vmem_shared>>
    tpu.enqueue_indirect_dma source(%arg10 : memref<200x64xf32, #tpu.memory_space<vmem>>) target(%dma_start3A_143 : memref<10240x64xf32, #tpu.memory_space<vmem_shared>>) offsets(%dma_start3A_140 : memref<200xi32, #tpu.memory_space<vmem>>) semaphore(%arg15 : memref<!tpu.dma_semaphore, #tpu.memory_space<semaphore_mem>>) {add = true}
    %dma_wait3A_144 = arith.constant 600 : i32
    %dma_wait3A_145 = tpu.memref_slice %arg6[%dma_wait3A_144] : memref<10000xi32, #tpu.memory_space<vmem>> -> memref<200xi32, #tpu.memory_space<vmem>>
    %dma_wait3A_146 = arith.constant 0 : i32
    %dma_wait3A_147 = arith.constant 0 : i32
    %dma_wait3A_148 = tpu.memref_slice %arg13[%dma_wait3A_146, %dma_wait3A_147] : memref<10240x64xf32, #tpu.memory_space<vmem_shared>> -> memref<10240x64xf32, #tpu.memory_space<vmem_shared>>
    tpu.wait_indirect_dma semaphore(%arg15 : memref<!tpu.dma_semaphore, #tpu.memory_space<semaphore_mem>>) src(%arg10 : memref<200x64xf32, #tpu.memory_space<vmem>>) dst(%dma_wait3A_148 : memref<10240x64xf32, #tpu.memory_space<vmem_shared>>)
    %dma_start3A_149 = arith.constant 1600 : i32
    %dma_start3A_150 = tpu.memref_slice %arg5[%dma_start3A_149] : memref<10000xi32, #tpu.memory_space<vmem>> -> memref<200xi32, #tpu.memory_space<vmem>>
    %dma_start3A_151 = arith.constant 0 : i32
    %dma_start3A_152 = arith.constant 0 : i32
    %dma_start3A_153 = tpu.memref_slice %arg2[%dma_start3A_151, %dma_start3A_152] : memref<10000x64xf32, #tpu.memory_space<hbm>> -> memref<10000x64xf32, #tpu.memory_space<hbm>>
    tpu.enqueue_indirect_dma source(%dma_start3A_153 : memref<10000x64xf32, #tpu.memory_space<hbm>>) target(%arg10 : memref<200x64xf32, #tpu.memory_space<vmem>>) offsets(%dma_start3A_150 : memref<200xi32, #tpu.memory_space<vmem>>) semaphore(%arg14 : memref<!tpu.dma_semaphore, #tpu.memory_space<semaphore_mem>>)
    %dma_wait3A_154 = arith.constant 800 : i32
    %dma_wait3A_155 = tpu.memref_slice %arg5[%dma_wait3A_154] : memref<10000xi32, #tpu.memory_space<vmem>> -> memref<200xi32, #tpu.memory_space<vmem>>
    %dma_wait3A_156 = arith.constant 0 : i32
    %dma_wait3A_157 = arith.constant 0 : i32
    %dma_wait3A_158 = tpu.memref_slice %arg2[%dma_wait3A_156, %dma_wait3A_157] : memref<10000x64xf32, #tpu.memory_space<hbm>> -> memref<10000x64xf32, #tpu.memory_space<hbm>>
    tpu.wait_indirect_dma semaphore(%arg14 : memref<!tpu.dma_semaphore, #tpu.memory_space<semaphore_mem>>) src(%dma_wait3A_158 : memref<10000x64xf32, #tpu.memory_space<hbm>>) dst(%arg11 : memref<200x64xf32, #tpu.memory_space<vmem>>)
    %dma_start3A_159 = arith.constant 800 : i32
    %dma_start3A_160 = tpu.memref_slice %arg6[%dma_start3A_159] : memref<10000xi32, #tpu.memory_space<vmem>> -> memref<200xi32, #tpu.memory_space<vmem>>
    %dma_start3A_161 = arith.constant 0 : i32
    %dma_start3A_162 = arith.constant 0 : i32
    %dma_start3A_163 = tpu.memref_slice %arg13[%dma_start3A_161, %dma_start3A_162] : memref<10240x64xf32, #tpu.memory_space<vmem_shared>> -> memref<10240x64xf32, #tpu.memory_space<vmem_shared>>
    tpu.enqueue_indirect_dma source(%arg11 : memref<200x64xf32, #tpu.memory_space<vmem>>) target(%dma_start3A_163 : memref<10240x64xf32, #tpu.memory_space<vmem_shared>>) offsets(%dma_start3A_160 : memref<200xi32, #tpu.memory_space<vmem>>) semaphore(%arg15 : memref<!tpu.dma_semaphore, #tpu.memory_space<semaphore_mem>>) {add = true}
    %dma_wait3A_164 = arith.constant 800 : i32
    %dma_wait3A_165 = tpu.memref_slice %arg6[%dma_wait3A_164] : memref<10000xi32, #tpu.memory_space<vmem>> -> memref<200xi32, #tpu.memory_space<vmem>>
    %dma_wait3A_166 = arith.constant 0 : i32
    %dma_wait3A_167 = arith.constant 0 : i32
    %dma_wait3A_168 = tpu.memref_slice %arg13[%dma_wait3A_166, %dma_wait3A_167] : memref<10240x64xf32, #tpu.memory_space<vmem_shared>> -> memref<10240x64xf32, #tpu.memory_space<vmem_shared>>
    tpu.wait_indirect_dma semaphore(%arg15 : memref<!tpu.dma_semaphore, #tpu.memory_space<semaphore_mem>>) src(%arg11 : memref<200x64xf32, #tpu.memory_space<vmem>>) dst(%dma_wait3A_168 : memref<10240x64xf32, #tpu.memory_space<vmem_shared>>)
    %dma_start3A_169 = arith.constant 1800 : i32
    %dma_start3A_170 = tpu.memref_slice %arg5[%dma_start3A_169] : memref<10000xi32, #tpu.memory_space<vmem>> -> memref<200xi32, #tpu.memory_space<vmem>>
    %dma_start3A_171 = arith.constant 0 : i32
    %dma_start3A_172 = arith.constant 0 : i32
    %dma_start3A_173 = tpu.memref_slice %arg2[%dma_start3A_171, %dma_start3A_172] : memref<10000x64xf32, #tpu.memory_space<hbm>> -> memref<10000x64xf32, #tpu.memory_space<hbm>>
    tpu.enqueue_indirect_dma source(%dma_start3A_173 : memref<10000x64xf32, #tpu.memory_space<hbm>>) target(%arg11 : memref<200x64xf32, #tpu.memory_space<vmem>>) offsets(%dma_start3A_170 : memref<200xi32, #tpu.memory_space<vmem>>) semaphore(%arg14 : memref<!tpu.dma_semaphore, #tpu.memory_space<semaphore_mem>>)
    %dma_wait3A_174 = arith.constant 1000 : i32
    %dma_wait3A_175 = tpu.memref_slice %arg5[%dma_wait3A_174] : memref<10000xi32, #tpu.memory_space<vmem>> -> memref<200xi32, #tpu.memory_space<vmem>>
    %dma_wait3A_176 = arith.constant 0 : i32
    %dma_wait3A_177 = arith.constant 0 : i32
    %dma_wait3A_178 = tpu.memref_slice %arg2[%dma_wait3A_176, %dma_wait3A_177] : memref<10000x64xf32, #tpu.memory_space<hbm>> -> memref<10000x64xf32, #tpu.memory_space<hbm>>
    tpu.wait_indirect_dma semaphore(%arg14 : memref<!tpu.dma_semaphore, #tpu.memory_space<semaphore_mem>>) src(%dma_wait3A_178 : memref<10000x64xf32, #tpu.memory_space<hbm>>) dst(%arg7 : memref<200x64xf32, #tpu.memory_space<vmem>>)
    %dma_start3A_179 = arith.constant 1000 : i32
    %dma_start3A_180 = tpu.memref_slice %arg6[%dma_start3A_179] : memref<10000xi32, #tpu.memory_space<vmem>> -> memref<200xi32, #tpu.memory_space<vmem>>
    %dma_start3A_181 = arith.constant 0 : i32
    %dma_start3A_182 = arith.constant 0 : i32
    %dma_start3A_183 = tpu.memref_slice %arg13[%dma_start3A_181, %dma_start3A_182] : memref<10240x64xf32, #tpu.memory_space<vmem_shared>> -> memref<10240x64xf32, #tpu.memory_space<vmem_shared>>
    tpu.enqueue_indirect_dma source(%arg7 : memref<200x64xf32, #tpu.memory_space<vmem>>) target(%dma_start3A_183 : memref<10240x64xf32, #tpu.memory_space<vmem_shared>>) offsets(%dma_start3A_180 : memref<200xi32, #tpu.memory_space<vmem>>) semaphore(%arg15 : memref<!tpu.dma_semaphore, #tpu.memory_space<semaphore_mem>>) {add = true}
    %dma_wait3A_184 = arith.constant 1000 : i32
    %dma_wait3A_185 = tpu.memref_slice %arg6[%dma_wait3A_184] : memref<10000xi32, #tpu.memory_space<vmem>> -> memref<200xi32, #tpu.memory_space<vmem>>
    %dma_wait3A_186 = arith.constant 0 : i32
    %dma_wait3A_187 = arith.constant 0 : i32
    %dma_wait3A_188 = tpu.memref_slice %arg13[%dma_wait3A_186, %dma_wait3A_187] : memref<10240x64xf32, #tpu.memory_space<vmem_shared>> -> memref<10240x64xf32, #tpu.memory_space<vmem_shared>>
    tpu.wait_indirect_dma semaphore(%arg15 : memref<!tpu.dma_semaphore, #tpu.memory_space<semaphore_mem>>) src(%arg7 : memref<200x64xf32, #tpu.memory_space<vmem>>) dst(%dma_wait3A_188 : memref<10240x64xf32, #tpu.memory_space<vmem_shared>>)
    %dma_start3A_189 = arith.constant 2000 : i32
    %dma_start3A_190 = tpu.memref_slice %arg5[%dma_start3A_189] : memref<10000xi32, #tpu.memory_space<vmem>> -> memref<200xi32, #tpu.memory_space<vmem>>
    %dma_start3A_191 = arith.constant 0 : i32
    %dma_start3A_192 = arith.constant 0 : i32
    %dma_start3A_193 = tpu.memref_slice %arg2[%dma_start3A_191, %dma_start3A_192] : memref<10000x64xf32, #tpu.memory_space<hbm>> -> memref<10000x64xf32, #tpu.memory_space<hbm>>
    tpu.enqueue_indirect_dma source(%dma_start3A_193 : memref<10000x64xf32, #tpu.memory_space<hbm>>) target(%arg7 : memref<200x64xf32, #tpu.memory_space<vmem>>) offsets(%dma_start3A_190 : memref<200xi32, #tpu.memory_space<vmem>>) semaphore(%arg14 : memref<!tpu.dma_semaphore, #tpu.memory_space<semaphore_mem>>)
    %dma_wait3A_194 = arith.constant 1200 : i32
    %dma_wait3A_195 = tpu.memref_slice %arg5[%dma_wait3A_194] : memref<10000xi32, #tpu.memory_space<vmem>> -> memref<200xi32, #tpu.memory_space<vmem>>
    %dma_wait3A_196 = arith.constant 0 : i32
    %dma_wait3A_197 = arith.constant 0 : i32
    %dma_wait3A_198 = tpu.memref_slice %arg2[%dma_wait3A_196, %dma_wait3A_197] : memref<10000x64xf32, #tpu.memory_space<hbm>> -> memref<10000x64xf32, #tpu.memory_space<hbm>>
    tpu.wait_indirect_dma semaphore(%arg14 : memref<!tpu.dma_semaphore, #tpu.memory_space<semaphore_mem>>) src(%dma_wait3A_198 : memref<10000x64xf32, #tpu.memory_space<hbm>>) dst(%arg8 : memref<200x64xf32, #tpu.memory_space<vmem>>)
    %dma_start3A_199 = arith.constant 1200 : i32
    %dma_start3A_200 = tpu.memref_slice %arg6[%dma_start3A_199] : memref<10000xi32, #tpu.memory_space<vmem>> -> memref<200xi32, #tpu.memory_space<vmem>>
    %dma_start3A_201 = arith.constant 0 : i32
    %dma_start3A_202 = arith.constant 0 : i32
    %dma_start3A_203 = tpu.memref_slice %arg13[%dma_start3A_201, %dma_start3A_202] : memref<10240x64xf32, #tpu.memory_space<vmem_shared>> -> memref<10240x64xf32, #tpu.memory_space<vmem_shared>>
    tpu.enqueue_indirect_dma source(%arg8 : memref<200x64xf32, #tpu.memory_space<vmem>>) target(%dma_start3A_203 : memref<10240x64xf32, #tpu.memory_space<vmem_shared>>) offsets(%dma_start3A_200 : memref<200xi32, #tpu.memory_space<vmem>>) semaphore(%arg15 : memref<!tpu.dma_semaphore, #tpu.memory_space<semaphore_mem>>) {add = true}
    %dma_wait3A_204 = arith.constant 1200 : i32
    %dma_wait3A_205 = tpu.memref_slice %arg6[%dma_wait3A_204] : memref<10000xi32, #tpu.memory_space<vmem>> -> memref<200xi32, #tpu.memory_space<vmem>>
    %dma_wait3A_206 = arith.constant 0 : i32
    %dma_wait3A_207 = arith.constant 0 : i32
    %dma_wait3A_208 = tpu.memref_slice %arg13[%dma_wait3A_206, %dma_wait3A_207] : memref<10240x64xf32, #tpu.memory_space<vmem_shared>> -> memref<10240x64xf32, #tpu.memory_space<vmem_shared>>
    tpu.wait_indirect_dma semaphore(%arg15 : memref<!tpu.dma_semaphore, #tpu.memory_space<semaphore_mem>>) src(%arg8 : memref<200x64xf32, #tpu.memory_space<vmem>>) dst(%dma_wait3A_208 : memref<10240x64xf32, #tpu.memory_space<vmem_shared>>)
    %dma_start3A_209 = arith.constant 2200 : i32
    %dma_start3A_210 = tpu.memref_slice %arg5[%dma_start3A_209] : memref<10000xi32, #tpu.memory_space<vmem>> -> memref<200xi32, #tpu.memory_space<vmem>>
    %dma_start3A_211 = arith.constant 0 : i32
    %dma_start3A_212 = arith.constant 0 : i32
    %dma_start3A_213 = tpu.memref_slice %arg2[%dma_start3A_211, %dma_start3A_212] : memref<10000x64xf32, #tpu.memory_space<hbm>> -> memref<10000x64xf32, #tpu.memory_space<hbm>>
    tpu.enqueue_indirect_dma source(%dma_start3A_213 : memref<10000x64xf32, #tpu.memory_space<hbm>>) target(%arg8 : memref<200x64xf32, #tpu.memory_space<vmem>>) offsets(%dma_start3A_210 : memref<200xi32, #tpu.memory_space<vmem>>) semaphore(%arg14 : memref<!tpu.dma_semaphore, #tpu.memory_space<semaphore_mem>>)
    %dma_wait3A_214 = arith.constant 1400 : i32
    %dma_wait3A_215 = tpu.memref_slice %arg5[%dma_wait3A_214] : memref<10000xi32, #tpu.memory_space<vmem>> -> memref<200xi32, #tpu.memory_space<vmem>>
    %dma_wait3A_216 = arith.constant 0 : i32
    %dma_wait3A_217 = arith.constant 0 : i32
    %dma_wait3A_218 = tpu.memref_slice %arg2[%dma_wait3A_216, %dma_wait3A_217] : memref<10000x64xf32, #tpu.memory_space<hbm>> -> memref<10000x64xf32, #tpu.memory_space<hbm>>
    tpu.wait_indirect_dma semaphore(%arg14 : memref<!tpu.dma_semaphore, #tpu.memory_space<semaphore_mem>>) src(%dma_wait3A_218 : memref<10000x64xf32, #tpu.memory_space<hbm>>) dst(%arg9 : memref<200x64xf32, #tpu.memory_space<vmem>>)
    %dma_start3A_219 = arith.constant 1400 : i32
    %dma_start3A_220 = tpu.memref_slice %arg6[%dma_start3A_219] : memref<10000xi32, #tpu.memory_space<vmem>> -> memref<200xi32, #tpu.memory_space<vmem>>
    %dma_start3A_221 = arith.constant 0 : i32
    %dma_start3A_222 = arith.constant 0 : i32
    %dma_start3A_223 = tpu.memref_slice %arg13[%dma_start3A_221, %dma_start3A_222] : memref<10240x64xf32, #tpu.memory_space<vmem_shared>> -> memref<10240x64xf32, #tpu.memory_space<vmem_shared>>
    tpu.enqueue_indirect_dma source(%arg9 : memref<200x64xf32, #tpu.memory_space<vmem>>) target(%dma_start3A_223 : memref<10240x64xf32, #tpu.memory_space<vmem_shared>>) offsets(%dma_start3A_220 : memref<200xi32, #tpu.memory_space<vmem>>) semaphore(%arg15 : memref<!tpu.dma_semaphore, #tpu.memory_space<semaphore_mem>>) {add = true}
    %dma_wait3A_224 = arith.constant 1400 : i32
    %dma_wait3A_225 = tpu.memref_slice %arg6[%dma_wait3A_224] : memref<10000xi32, #tpu.memory_space<vmem>> -> memref<200xi32, #tpu.memory_space<vmem>>
    %dma_wait3A_226 = arith.constant 0 : i32
    %dma_wait3A_227 = arith.constant 0 : i32
    %dma_wait3A_228 = tpu.memref_slice %arg13[%dma_wait3A_226, %dma_wait3A_227] : memref<10240x64xf32, #tpu.memory_space<vmem_shared>> -> memref<10240x64xf32, #tpu.memory_space<vmem_shared>>
    tpu.wait_indirect_dma semaphore(%arg15 : memref<!tpu.dma_semaphore, #tpu.memory_space<semaphore_mem>>) src(%arg9 : memref<200x64xf32, #tpu.memory_space<vmem>>) dst(%dma_wait3A_228 : memref<10240x64xf32, #tpu.memory_space<vmem_shared>>)
    %dma_start3A_229 = arith.constant 2400 : i32
    %dma_start3A_230 = tpu.memref_slice %arg5[%dma_start3A_229] : memref<10000xi32, #tpu.memory_space<vmem>> -> memref<200xi32, #tpu.memory_space<vmem>>
    %dma_start3A_231 = arith.constant 0 : i32
    %dma_start3A_232 = arith.constant 0 : i32
    %dma_start3A_233 = tpu.memref_slice %arg2[%dma_start3A_231, %dma_start3A_232] : memref<10000x64xf32, #tpu.memory_space<hbm>> -> memref<10000x64xf32, #tpu.memory_space<hbm>>
    tpu.enqueue_indirect_dma source(%dma_start3A_233 : memref<10000x64xf32, #tpu.memory_space<hbm>>) target(%arg9 : memref<200x64xf32, #tpu.memory_space<vmem>>) offsets(%dma_start3A_230 : memref<200xi32, #tpu.memory_space<vmem>>) semaphore(%arg14 : memref<!tpu.dma_semaphore, #tpu.memory_space<semaphore_mem>>)
    %dma_wait3A_234 = arith.constant 1600 : i32
    %dma_wait3A_235 = tpu.memref_slice %arg5[%dma_wait3A_234] : memref<10000xi32, #tpu.memory_space<vmem>> -> memref<200xi32, #tpu.memory_space<vmem>>
    %dma_wait3A_236 = arith.constant 0 : i32
    %dma_wait3A_237 = arith.constant 0 : i32
    %dma_wait3A_238 = tpu.memref_slice %arg2[%dma_wait3A_236, %dma_wait3A_237] : memref<10000x64xf32, #tpu.memory_space<hbm>> -> memref<10000x64xf32, #tpu.memory_space<hbm>>
    tpu.wait_indirect_dma semaphore(%arg14 : memref<!tpu.dma_semaphore, #tpu.memory_space<semaphore_mem>>) src(%dma_wait3A_238 : memref<10000x64xf32, #tpu.memory_space<hbm>>) dst(%arg10 : memref<200x64xf32, #tpu.memory_space<vmem>>)
    %dma_start3A_239 = arith.constant 1600 : i32
    %dma_start3A_240 = tpu.memref_slice %arg6[%dma_start3A_239] : memref<10000xi32, #tpu.memory_space<vmem>> -> memref<200xi32, #tpu.memory_space<vmem>>
    %dma_start3A_241 = arith.constant 0 : i32
    %dma_start3A_242 = arith.constant 0 : i32
    %dma_start3A_243 = tpu.memref_slice %arg13[%dma_start3A_241, %dma_start3A_242] : memref<10240x64xf32, #tpu.memory_space<vmem_shared>> -> memref<10240x64xf32, #tpu.memory_space<vmem_shared>>
    tpu.enqueue_indirect_dma source(%arg10 : memref<200x64xf32, #tpu.memory_space<vmem>>) target(%dma_start3A_243 : memref<10240x64xf32, #tpu.memory_space<vmem_shared>>) offsets(%dma_start3A_240 : memref<200xi32, #tpu.memory_space<vmem>>) semaphore(%arg15 : memref<!tpu.dma_semaphore, #tpu.memory_space<semaphore_mem>>) {add = true}
    %dma_wait3A_244 = arith.constant 1600 : i32
    %dma_wait3A_245 = tpu.memref_slice %arg6[%dma_wait3A_244] : memref<10000xi32, #tpu.memory_space<vmem>> -> memref<200xi32, #tpu.memory_space<vmem>>
    %dma_wait3A_246 = arith.constant 0 : i32
    %dma_wait3A_247 = arith.constant 0 : i32
    %dma_wait3A_248 = tpu.memref_slice %arg13[%dma_wait3A_246, %dma_wait3A_247] : memref<10240x64xf32, #tpu.memory_space<vmem_shared>> -> memref<10240x64xf32, #tpu.memory_space<vmem_shared>>
    tpu.wait_indirect_dma semaphore(%arg15 : memref<!tpu.dma_semaphore, #tpu.memory_space<semaphore_mem>>) src(%arg10 : memref<200x64xf32, #tpu.memory_space<vmem>>) dst(%dma_wait3A_248 : memref<10240x64xf32, #tpu.memory_space<vmem_shared>>)
    %dma_start3A_249 = arith.constant 2600 : i32
    %dma_start3A_250 = tpu.memref_slice %arg5[%dma_start3A_249] : memref<10000xi32, #tpu.memory_space<vmem>> -> memref<200xi32, #tpu.memory_space<vmem>>
    %dma_start3A_251 = arith.constant 0 : i32
    %dma_start3A_252 = arith.constant 0 : i32
    %dma_start3A_253 = tpu.memref_slice %arg2[%dma_start3A_251, %dma_start3A_252] : memref<10000x64xf32, #tpu.memory_space<hbm>> -> memref<10000x64xf32, #tpu.memory_space<hbm>>
    tpu.enqueue_indirect_dma source(%dma_start3A_253 : memref<10000x64xf32, #tpu.memory_space<hbm>>) target(%arg10 : memref<200x64xf32, #tpu.memory_space<vmem>>) offsets(%dma_start3A_250 : memref<200xi32, #tpu.memory_space<vmem>>) semaphore(%arg14 : memref<!tpu.dma_semaphore, #tpu.memory_space<semaphore_mem>>)
    %dma_wait3A_254 = arith.constant 1800 : i32
    %dma_wait3A_255 = tpu.memref_slice %arg5[%dma_wait3A_254] : memref<10000xi32, #tpu.memory_space<vmem>> -> memref<200xi32, #tpu.memory_space<vmem>>
    %dma_wait3A_256 = arith.constant 0 : i32
    %dma_wait3A_257 = arith.constant 0 : i32
    %dma_wait3A_258 = tpu.memref_slice %arg2[%dma_wait3A_256, %dma_wait3A_257] : memref<10000x64xf32, #tpu.memory_space<hbm>> -> memref<10000x64xf32, #tpu.memory_space<hbm>>
    tpu.wait_indirect_dma semaphore(%arg14 : memref<!tpu.dma_semaphore, #tpu.memory_space<semaphore_mem>>) src(%dma_wait3A_258 : memref<10000x64xf32, #tpu.memory_space<hbm>>) dst(%arg11 : memref<200x64xf32, #tpu.memory_space<vmem>>)
    %dma_start3A_259 = arith.constant 1800 : i32
    %dma_start3A_260 = tpu.memref_slice %arg6[%dma_start3A_259] : memref<10000xi32, #tpu.memory_space<vmem>> -> memref<200xi32, #tpu.memory_space<vmem>>
    %dma_start3A_261 = arith.constant 0 : i32
    %dma_start3A_262 = arith.constant 0 : i32
    %dma_start3A_263 = tpu.memref_slice %arg13[%dma_start3A_261, %dma_start3A_262] : memref<10240x64xf32, #tpu.memory_space<vmem_shared>> -> memref<10240x64xf32, #tpu.memory_space<vmem_shared>>
    tpu.enqueue_indirect_dma source(%arg11 : memref<200x64xf32, #tpu.memory_space<vmem>>) target(%dma_start3A_263 : memref<10240x64xf32, #tpu.memory_space<vmem_shared>>) offsets(%dma_start3A_260 : memref<200xi32, #tpu.memory_space<vmem>>) semaphore(%arg15 : memref<!tpu.dma_semaphore, #tpu.memory_space<semaphore_mem>>) {add = true}
    %dma_wait3A_264 = arith.constant 1800 : i32
    %dma_wait3A_265 = tpu.memref_slice %arg6[%dma_wait3A_264] : memref<10000xi32, #tpu.memory_space<vmem>> -> memref<200xi32, #tpu.memory_space<vmem>>
    %dma_wait3A_266 = arith.constant 0 : i32
    %dma_wait3A_267 = arith.constant 0 : i32
    %dma_wait3A_268 = tpu.memref_slice %arg13[%dma_wait3A_266, %dma_wait3A_267] : memref<10240x64xf32, #tpu.memory_space<vmem_shared>> -> memref<10240x64xf32, #tpu.memory_space<vmem_shared>>
    tpu.wait_indirect_dma semaphore(%arg15 : memref<!tpu.dma_semaphore, #tpu.memory_space<semaphore_mem>>) src(%arg11 : memref<200x64xf32, #tpu.memory_space<vmem>>) dst(%dma_wait3A_268 : memref<10240x64xf32, #tpu.memory_space<vmem_shared>>)
    %dma_start3A_269 = arith.constant 2800 : i32
    %dma_start3A_270 = tpu.memref_slice %arg5[%dma_start3A_269] : memref<10000xi32, #tpu.memory_space<vmem>> -> memref<200xi32, #tpu.memory_space<vmem>>
    %dma_start3A_271 = arith.constant 0 : i32
    %dma_start3A_272 = arith.constant 0 : i32
    %dma_start3A_273 = tpu.memref_slice %arg2[%dma_start3A_271, %dma_start3A_272] : memref<10000x64xf32, #tpu.memory_space<hbm>> -> memref<10000x64xf32, #tpu.memory_space<hbm>>
    tpu.enqueue_indirect_dma source(%dma_start3A_273 : memref<10000x64xf32, #tpu.memory_space<hbm>>) target(%arg11 : memref<200x64xf32, #tpu.memory_space<vmem>>) offsets(%dma_start3A_270 : memref<200xi32, #tpu.memory_space<vmem>>) semaphore(%arg14 : memref<!tpu.dma_semaphore, #tpu.memory_space<semaphore_mem>>)
    %dma_wait3A_274 = arith.constant 2000 : i32
    %dma_wait3A_275 = tpu.memref_slice %arg5[%dma_wait3A_274] : memref<10000xi32, #tpu.memory_space<vmem>> -> memref<200xi32, #tpu.memory_space<vmem>>
    %dma_wait3A_276 = arith.constant 0 : i32
    %dma_wait3A_277 = arith.constant 0 : i32
    %dma_wait3A_278 = tpu.memref_slice %arg2[%dma_wait3A_276, %dma_wait3A_277] : memref<10000x64xf32, #tpu.memory_space<hbm>> -> memref<10000x64xf32, #tpu.memory_space<hbm>>
    tpu.wait_indirect_dma semaphore(%arg14 : memref<!tpu.dma_semaphore, #tpu.memory_space<semaphore_mem>>) src(%dma_wait3A_278 : memref<10000x64xf32, #tpu.memory_space<hbm>>) dst(%arg7 : memref<200x64xf32, #tpu.memory_space<vmem>>)
    %dma_start3A_279 = arith.constant 2000 : i32
    %dma_start3A_280 = tpu.memref_slice %arg6[%dma_start3A_279] : memref<10000xi32, #tpu.memory_space<vmem>> -> memref<200xi32, #tpu.memory_space<vmem>>
    %dma_start3A_281 = arith.constant 0 : i32
    %dma_start3A_282 = arith.constant 0 : i32
    %dma_start3A_283 = tpu.memref_slice %arg13[%dma_start3A_281, %dma_start3A_282] : memref<10240x64xf32, #tpu.memory_space<vmem_shared>> -> memref<10240x64xf32, #tpu.memory_space<vmem_shared>>
    tpu.enqueue_indirect_dma source(%arg7 : memref<200x64xf32, #tpu.memory_space<vmem>>) target(%dma_start3A_283 : memref<10240x64xf32, #tpu.memory_space<vmem_shared>>) offsets(%dma_start3A_280 : memref<200xi32, #tpu.memory_space<vmem>>) semaphore(%arg15 : memref<!tpu.dma_semaphore, #tpu.memory_space<semaphore_mem>>) {add = true}
    %dma_wait3A_284 = arith.constant 2000 : i32
    %dma_wait3A_285 = tpu.memref_slice %arg6[%dma_wait3A_284] : memref<10000xi32, #tpu.memory_space<vmem>> -> memref<200xi32, #tpu.memory_space<vmem>>
    %dma_wait3A_286 = arith.constant 0 : i32
    %dma_wait3A_287 = arith.constant 0 : i32
    %dma_wait3A_288 = tpu.memref_slice %arg13[%dma_wait3A_286, %dma_wait3A_287] : memref<10240x64xf32, #tpu.memory_space<vmem_shared>> -> memref<10240x64xf32, #tpu.memory_space<vmem_shared>>
    tpu.wait_indirect_dma semaphore(%arg15 : memref<!tpu.dma_semaphore, #tpu.memory_space<semaphore_mem>>) src(%arg7 : memref<200x64xf32, #tpu.memory_space<vmem>>) dst(%dma_wait3A_288 : memref<10240x64xf32, #tpu.memory_space<vmem_shared>>)
    %dma_start3A_289 = arith.constant 3000 : i32
    %dma_start3A_290 = tpu.memref_slice %arg5[%dma_start3A_289] : memref<10000xi32, #tpu.memory_space<vmem>> -> memref<200xi32, #tpu.memory_space<vmem>>
    %dma_start3A_291 = arith.constant 0 : i32
    %dma_start3A_292 = arith.constant 0 : i32
    %dma_start3A_293 = tpu.memref_slice %arg2[%dma_start3A_291, %dma_start3A_292] : memref<10000x64xf32, #tpu.memory_space<hbm>> -> memref<10000x64xf32, #tpu.memory_space<hbm>>
    tpu.enqueue_indirect_dma source(%dma_start3A_293 : memref<10000x64xf32, #tpu.memory_space<hbm>>) target(%arg7 : memref<200x64xf32, #tpu.memory_space<vmem>>) offsets(%dma_start3A_290 : memref<200xi32, #tpu.memory_space<vmem>>) semaphore(%arg14 : memref<!tpu.dma_semaphore, #tpu.memory_space<semaphore_mem>>)
    %dma_wait3A_294 = arith.constant 2200 : i32
    %dma_wait3A_295 = tpu.memref_slice %arg5[%dma_wait3A_294] : memref<10000xi32, #tpu.memory_space<vmem>> -> memref<200xi32, #tpu.memory_space<vmem>>
    %dma_wait3A_296 = arith.constant 0 : i32
    %dma_wait3A_297 = arith.constant 0 : i32
    %dma_wait3A_298 = tpu.memref_slice %arg2[%dma_wait3A_296, %dma_wait3A_297] : memref<10000x64xf32, #tpu.memory_space<hbm>> -> memref<10000x64xf32, #tpu.memory_space<hbm>>
    tpu.wait_indirect_dma semaphore(%arg14 : memref<!tpu.dma_semaphore, #tpu.memory_space<semaphore_mem>>) src(%dma_wait3A_298 : memref<10000x64xf32, #tpu.memory_space<hbm>>) dst(%arg8 : memref<200x64xf32, #tpu.memory_space<vmem>>)
    %dma_start3A_299 = arith.constant 2200 : i32
    %dma_start3A_300 = tpu.memref_slice %arg6[%dma_start3A_299] : memref<10000xi32, #tpu.memory_space<vmem>> -> memref<200xi32, #tpu.memory_space<vmem>>
    %dma_start3A_301 = arith.constant 0 : i32
    %dma_start3A_302 = arith.constant 0 : i32
    %dma_start3A_303 = tpu.memref_slice %arg13[%dma_start3A_301, %dma_start3A_302] : memref<10240x64xf32, #tpu.memory_space<vmem_shared>> -> memref<10240x64xf32, #tpu.memory_space<vmem_shared>>
    tpu.enqueue_indirect_dma source(%arg8 : memref<200x64xf32, #tpu.memory_space<vmem>>) target(%dma_start3A_303 : memref<10240x64xf32, #tpu.memory_space<vmem_shared>>) offsets(%dma_start3A_300 : memref<200xi32, #tpu.memory_space<vmem>>) semaphore(%arg15 : memref<!tpu.dma_semaphore, #tpu.memory_space<semaphore_mem>>) {add = true}
    %dma_wait3A_304 = arith.constant 2200 : i32
    %dma_wait3A_305 = tpu.memref_slice %arg6[%dma_wait3A_304] : memref<10000xi32, #tpu.memory_space<vmem>> -> memref<200xi32, #tpu.memory_space<vmem>>
    %dma_wait3A_306 = arith.constant 0 : i32
    %dma_wait3A_307 = arith.constant 0 : i32
    %dma_wait3A_308 = tpu.memref_slice %arg13[%dma_wait3A_306, %dma_wait3A_307] : memref<10240x64xf32, #tpu.memory_space<vmem_shared>> -> memref<10240x64xf32, #tpu.memory_space<vmem_shared>>
    tpu.wait_indirect_dma semaphore(%arg15 : memref<!tpu.dma_semaphore, #tpu.memory_space<semaphore_mem>>) src(%arg8 : memref<200x64xf32, #tpu.memory_space<vmem>>) dst(%dma_wait3A_308 : memref<10240x64xf32, #tpu.memory_space<vmem_shared>>)
    %dma_start3A_309 = arith.constant 3200 : i32
    %dma_start3A_310 = tpu.memref_slice %arg5[%dma_start3A_309] : memref<10000xi32, #tpu.memory_space<vmem>> -> memref<200xi32, #tpu.memory_space<vmem>>
    %dma_start3A_311 = arith.constant 0 : i32
    %dma_start3A_312 = arith.constant 0 : i32
    %dma_start3A_313 = tpu.memref_slice %arg2[%dma_start3A_311, %dma_start3A_312] : memref<10000x64xf32, #tpu.memory_space<hbm>> -> memref<10000x64xf32, #tpu.memory_space<hbm>>
    tpu.enqueue_indirect_dma source(%dma_start3A_313 : memref<10000x64xf32, #tpu.memory_space<hbm>>) target(%arg8 : memref<200x64xf32, #tpu.memory_space<vmem>>) offsets(%dma_start3A_310 : memref<200xi32, #tpu.memory_space<vmem>>) semaphore(%arg14 : memref<!tpu.dma_semaphore, #tpu.memory_space<semaphore_mem>>)
    %dma_wait3A_314 = arith.constant 2400 : i32
    %dma_wait3A_315 = tpu.memref_slice %arg5[%dma_wait3A_314] : memref<10000xi32, #tpu.memory_space<vmem>> -> memref<200xi32, #tpu.memory_space<vmem>>
    %dma_wait3A_316 = arith.constant 0 : i32
    %dma_wait3A_317 = arith.constant 0 : i32
    %dma_wait3A_318 = tpu.memref_slice %arg2[%dma_wait3A_316, %dma_wait3A_317] : memref<10000x64xf32, #tpu.memory_space<hbm>> -> memref<10000x64xf32, #tpu.memory_space<hbm>>
    tpu.wait_indirect_dma semaphore(%arg14 : memref<!tpu.dma_semaphore, #tpu.memory_space<semaphore_mem>>) src(%dma_wait3A_318 : memref<10000x64xf32, #tpu.memory_space<hbm>>) dst(%arg9 : memref<200x64xf32, #tpu.memory_space<vmem>>)
    %dma_start3A_319 = arith.constant 2400 : i32
    %dma_start3A_320 = tpu.memref_slice %arg6[%dma_start3A_319] : memref<10000xi32, #tpu.memory_space<vmem>> -> memref<200xi32, #tpu.memory_space<vmem>>
    %dma_start3A_321 = arith.constant 0 : i32
    %dma_start3A_322 = arith.constant 0 : i32
    %dma_start3A_323 = tpu.memref_slice %arg13[%dma_start3A_321, %dma_start3A_322] : memref<10240x64xf32, #tpu.memory_space<vmem_shared>> -> memref<10240x64xf32, #tpu.memory_space<vmem_shared>>
    tpu.enqueue_indirect_dma source(%arg9 : memref<200x64xf32, #tpu.memory_space<vmem>>) target(%dma_start3A_323 : memref<10240x64xf32, #tpu.memory_space<vmem_shared>>) offsets(%dma_start3A_320 : memref<200xi32, #tpu.memory_space<vmem>>) semaphore(%arg15 : memref<!tpu.dma_semaphore, #tpu.memory_space<semaphore_mem>>) {add = true}
    %dma_wait3A_324 = arith.constant 2400 : i32
    %dma_wait3A_325 = tpu.memref_slice %arg6[%dma_wait3A_324] : memref<10000xi32, #tpu.memory_space<vmem>> -> memref<200xi32, #tpu.memory_space<vmem>>
    %dma_wait3A_326 = arith.constant 0 : i32
    %dma_wait3A_327 = arith.constant 0 : i32
    %dma_wait3A_328 = tpu.memref_slice %arg13[%dma_wait3A_326, %dma_wait3A_327] : memref<10240x64xf32, #tpu.memory_space<vmem_shared>> -> memref<10240x64xf32, #tpu.memory_space<vmem_shared>>
    tpu.wait_indirect_dma semaphore(%arg15 : memref<!tpu.dma_semaphore, #tpu.memory_space<semaphore_mem>>) src(%arg9 : memref<200x64xf32, #tpu.memory_space<vmem>>) dst(%dma_wait3A_328 : memref<10240x64xf32, #tpu.memory_space<vmem_shared>>)
    %dma_start3A_329 = arith.constant 3400 : i32
    %dma_start3A_330 = tpu.memref_slice %arg5[%dma_start3A_329] : memref<10000xi32, #tpu.memory_space<vmem>> -> memref<200xi32, #tpu.memory_space<vmem>>
    %dma_start3A_331 = arith.constant 0 : i32
    %dma_start3A_332 = arith.constant 0 : i32
    %dma_start3A_333 = tpu.memref_slice %arg2[%dma_start3A_331, %dma_start3A_332] : memref<10000x64xf32, #tpu.memory_space<hbm>> -> memref<10000x64xf32, #tpu.memory_space<hbm>>
    tpu.enqueue_indirect_dma source(%dma_start3A_333 : memref<10000x64xf32, #tpu.memory_space<hbm>>) target(%arg9 : memref<200x64xf32, #tpu.memory_space<vmem>>) offsets(%dma_start3A_330 : memref<200xi32, #tpu.memory_space<vmem>>) semaphore(%arg14 : memref<!tpu.dma_semaphore, #tpu.memory_space<semaphore_mem>>)
    %dma_wait3A_334 = arith.constant 2600 : i32
    %dma_wait3A_335 = tpu.memref_slice %arg5[%dma_wait3A_334] : memref<10000xi32, #tpu.memory_space<vmem>> -> memref<200xi32, #tpu.memory_space<vmem>>
    %dma_wait3A_336 = arith.constant 0 : i32
    %dma_wait3A_337 = arith.constant 0 : i32
    %dma_wait3A_338 = tpu.memref_slice %arg2[%dma_wait3A_336, %dma_wait3A_337] : memref<10000x64xf32, #tpu.memory_space<hbm>> -> memref<10000x64xf32, #tpu.memory_space<hbm>>
    tpu.wait_indirect_dma semaphore(%arg14 : memref<!tpu.dma_semaphore, #tpu.memory_space<semaphore_mem>>) src(%dma_wait3A_338 : memref<10000x64xf32, #tpu.memory_space<hbm>>) dst(%arg10 : memref<200x64xf32, #tpu.memory_space<vmem>>)
    %dma_start3A_339 = arith.constant 2600 : i32
    %dma_start3A_340 = tpu.memref_slice %arg6[%dma_start3A_339] : memref<10000xi32, #tpu.memory_space<vmem>> -> memref<200xi32, #tpu.memory_space<vmem>>
    %dma_start3A_341 = arith.constant 0 : i32
    %dma_start3A_342 = arith.constant 0 : i32
    %dma_start3A_343 = tpu.memref_slice %arg13[%dma_start3A_341, %dma_start3A_342] : memref<10240x64xf32, #tpu.memory_space<vmem_shared>> -> memref<10240x64xf32, #tpu.memory_space<vmem_shared>>
    tpu.enqueue_indirect_dma source(%arg10 : memref<200x64xf32, #tpu.memory_space<vmem>>) target(%dma_start3A_343 : memref<10240x64xf32, #tpu.memory_space<vmem_shared>>) offsets(%dma_start3A_340 : memref<200xi32, #tpu.memory_space<vmem>>) semaphore(%arg15 : memref<!tpu.dma_semaphore, #tpu.memory_space<semaphore_mem>>) {add = true}
    %dma_wait3A_344 = arith.constant 2600 : i32
    %dma_wait3A_345 = tpu.memref_slice %arg6[%dma_wait3A_344] : memref<10000xi32, #tpu.memory_space<vmem>> -> memref<200xi32, #tpu.memory_space<vmem>>
    %dma_wait3A_346 = arith.constant 0 : i32
    %dma_wait3A_347 = arith.constant 0 : i32
    %dma_wait3A_348 = tpu.memref_slice %arg13[%dma_wait3A_346, %dma_wait3A_347] : memref<10240x64xf32, #tpu.memory_space<vmem_shared>> -> memref<10240x64xf32, #tpu.memory_space<vmem_shared>>
    tpu.wait_indirect_dma semaphore(%arg15 : memref<!tpu.dma_semaphore, #tpu.memory_space<semaphore_mem>>) src(%arg10 : memref<200x64xf32, #tpu.memory_space<vmem>>) dst(%dma_wait3A_348 : memref<10240x64xf32, #tpu.memory_space<vmem_shared>>)
    %dma_start3A_349 = arith.constant 3600 : i32
    %dma_start3A_350 = tpu.memref_slice %arg5[%dma_start3A_349] : memref<10000xi32, #tpu.memory_space<vmem>> -> memref<200xi32, #tpu.memory_space<vmem>>
    %dma_start3A_351 = arith.constant 0 : i32
    %dma_start3A_352 = arith.constant 0 : i32
    %dma_start3A_353 = tpu.memref_slice %arg2[%dma_start3A_351, %dma_start3A_352] : memref<10000x64xf32, #tpu.memory_space<hbm>> -> memref<10000x64xf32, #tpu.memory_space<hbm>>
    tpu.enqueue_indirect_dma source(%dma_start3A_353 : memref<10000x64xf32, #tpu.memory_space<hbm>>) target(%arg10 : memref<200x64xf32, #tpu.memory_space<vmem>>) offsets(%dma_start3A_350 : memref<200xi32, #tpu.memory_space<vmem>>) semaphore(%arg14 : memref<!tpu.dma_semaphore, #tpu.memory_space<semaphore_mem>>)
    %dma_wait3A_354 = arith.constant 2800 : i32
    %dma_wait3A_355 = tpu.memref_slice %arg5[%dma_wait3A_354] : memref<10000xi32, #tpu.memory_space<vmem>> -> memref<200xi32, #tpu.memory_space<vmem>>
    %dma_wait3A_356 = arith.constant 0 : i32
    %dma_wait3A_357 = arith.constant 0 : i32
    %dma_wait3A_358 = tpu.memref_slice %arg2[%dma_wait3A_356, %dma_wait3A_357] : memref<10000x64xf32, #tpu.memory_space<hbm>> -> memref<10000x64xf32, #tpu.memory_space<hbm>>
    tpu.wait_indirect_dma semaphore(%arg14 : memref<!tpu.dma_semaphore, #tpu.memory_space<semaphore_mem>>) src(%dma_wait3A_358 : memref<10000x64xf32, #tpu.memory_space<hbm>>) dst(%arg11 : memref<200x64xf32, #tpu.memory_space<vmem>>)
    %dma_start3A_359 = arith.constant 2800 : i32
    %dma_start3A_360 = tpu.memref_slice %arg6[%dma_start3A_359] : memref<10000xi32, #tpu.memory_space<vmem>> -> memref<200xi32, #tpu.memory_space<vmem>>
    %dma_start3A_361 = arith.constant 0 : i32
    %dma_start3A_362 = arith.constant 0 : i32
    %dma_start3A_363 = tpu.memref_slice %arg13[%dma_start3A_361, %dma_start3A_362] : memref<10240x64xf32, #tpu.memory_space<vmem_shared>> -> memref<10240x64xf32, #tpu.memory_space<vmem_shared>>
    tpu.enqueue_indirect_dma source(%arg11 : memref<200x64xf32, #tpu.memory_space<vmem>>) target(%dma_start3A_363 : memref<10240x64xf32, #tpu.memory_space<vmem_shared>>) offsets(%dma_start3A_360 : memref<200xi32, #tpu.memory_space<vmem>>) semaphore(%arg15 : memref<!tpu.dma_semaphore, #tpu.memory_space<semaphore_mem>>) {add = true}
    %dma_wait3A_364 = arith.constant 2800 : i32
    %dma_wait3A_365 = tpu.memref_slice %arg6[%dma_wait3A_364] : memref<10000xi32, #tpu.memory_space<vmem>> -> memref<200xi32, #tpu.memory_space<vmem>>
    %dma_wait3A_366 = arith.constant 0 : i32
    %dma_wait3A_367 = arith.constant 0 : i32
    %dma_wait3A_368 = tpu.memref_slice %arg13[%dma_wait3A_366, %dma_wait3A_367] : memref<10240x64xf32, #tpu.memory_space<vmem_shared>> -> memref<10240x64xf32, #tpu.memory_space<vmem_shared>>
    tpu.wait_indirect_dma semaphore(%arg15 : memref<!tpu.dma_semaphore, #tpu.memory_space<semaphore_mem>>) src(%arg11 : memref<200x64xf32, #tpu.memory_space<vmem>>) dst(%dma_wait3A_368 : memref<10240x64xf32, #tpu.memory_space<vmem_shared>>)
    %dma_start3A_369 = arith.constant 3800 : i32
    %dma_start3A_370 = tpu.memref_slice %arg5[%dma_start3A_369] : memref<10000xi32, #tpu.memory_space<vmem>> -> memref<200xi32, #tpu.memory_space<vmem>>
    %dma_start3A_371 = arith.constant 0 : i32
    %dma_start3A_372 = arith.constant 0 : i32
    %dma_start3A_373 = tpu.memref_slice %arg2[%dma_start3A_371, %dma_start3A_372] : memref<10000x64xf32, #tpu.memory_space<hbm>> -> memref<10000x64xf32, #tpu.memory_space<hbm>>
    tpu.enqueue_indirect_dma source(%dma_start3A_373 : memref<10000x64xf32, #tpu.memory_space<hbm>>) target(%arg11 : memref<200x64xf32, #tpu.memory_space<vmem>>) offsets(%dma_start3A_370 : memref<200xi32, #tpu.memory_space<vmem>>) semaphore(%arg14 : memref<!tpu.dma_semaphore, #tpu.memory_space<semaphore_mem>>)
    %dma_wait3A_374 = arith.constant 3000 : i32
    %dma_wait3A_375 = tpu.memref_slice %arg5[%dma_wait3A_374] : memref<10000xi32, #tpu.memory_space<vmem>> -> memref<200xi32, #tpu.memory_space<vmem>>
    %dma_wait3A_376 = arith.constant 0 : i32
    %dma_wait3A_377 = arith.constant 0 : i32
    %dma_wait3A_378 = tpu.memref_slice %arg2[%dma_wait3A_376, %dma_wait3A_377] : memref<10000x64xf32, #tpu.memory_space<hbm>> -> memref<10000x64xf32, #tpu.memory_space<hbm>>
    tpu.wait_indirect_dma semaphore(%arg14 : memref<!tpu.dma_semaphore, #tpu.memory_space<semaphore_mem>>) src(%dma_wait3A_378 : memref<10000x64xf32, #tpu.memory_space<hbm>>) dst(%arg7 : memref<200x64xf32, #tpu.memory_space<vmem>>)
    %dma_start3A_379 = arith.constant 3000 : i32
    %dma_start3A_380 = tpu.memref_slice %arg6[%dma_start3A_379] : memref<10000xi32, #tpu.memory_space<vmem>> -> memref<200xi32, #tpu.memory_space<vmem>>
    %dma_start3A_381 = arith.constant 0 : i32
    %dma_start3A_382 = arith.constant 0 : i32
    %dma_start3A_383 = tpu.memref_slice %arg13[%dma_start3A_381, %dma_start3A_382] : memref<10240x64xf32, #tpu.memory_space<vmem_shared>> -> memref<10240x64xf32, #tpu.memory_space<vmem_shared>>
    tpu.enqueue_indirect_dma source(%arg7 : memref<200x64xf32, #tpu.memory_space<vmem>>) target(%dma_start3A_383 : memref<10240x64xf32, #tpu.memory_space<vmem_shared>>) offsets(%dma_start3A_380 : memref<200xi32, #tpu.memory_space<vmem>>) semaphore(%arg15 : memref<!tpu.dma_semaphore, #tpu.memory_space<semaphore_mem>>) {add = true}
    %dma_wait3A_384 = arith.constant 3000 : i32
    %dma_wait3A_385 = tpu.memref_slice %arg6[%dma_wait3A_384] : memref<10000xi32, #tpu.memory_space<vmem>> -> memref<200xi32, #tpu.memory_space<vmem>>
    %dma_wait3A_386 = arith.constant 0 : i32
    %dma_wait3A_387 = arith.constant 0 : i32
    %dma_wait3A_388 = tpu.memref_slice %arg13[%dma_wait3A_386, %dma_wait3A_387] : memref<10240x64xf32, #tpu.memory_space<vmem_shared>> -> memref<10240x64xf32, #tpu.memory_space<vmem_shared>>
    tpu.wait_indirect_dma semaphore(%arg15 : memref<!tpu.dma_semaphore, #tpu.memory_space<semaphore_mem>>) src(%arg7 : memref<200x64xf32, #tpu.memory_space<vmem>>) dst(%dma_wait3A_388 : memref<10240x64xf32, #tpu.memory_space<vmem_shared>>)
    %dma_start3A_389 = arith.constant 4000 : i32
    %dma_start3A_390 = tpu.memref_slice %arg5[%dma_start3A_389] : memref<10000xi32, #tpu.memory_space<vmem>> -> memref<200xi32, #tpu.memory_space<vmem>>
    %dma_start3A_391 = arith.constant 0 : i32
    %dma_start3A_392 = arith.constant 0 : i32
    %dma_start3A_393 = tpu.memref_slice %arg2[%dma_start3A_391, %dma_start3A_392] : memref<10000x64xf32, #tpu.memory_space<hbm>> -> memref<10000x64xf32, #tpu.memory_space<hbm>>
    tpu.enqueue_indirect_dma source(%dma_start3A_393 : memref<10000x64xf32, #tpu.memory_space<hbm>>) target(%arg7 : memref<200x64xf32, #tpu.memory_space<vmem>>) offsets(%dma_start3A_390 : memref<200xi32, #tpu.memory_space<vmem>>) semaphore(%arg14 : memref<!tpu.dma_semaphore, #tpu.memory_space<semaphore_mem>>)
    %dma_wait3A_394 = arith.constant 3200 : i32
    %dma_wait3A_395 = tpu.memref_slice %arg5[%dma_wait3A_394] : memref<10000xi32, #tpu.memory_space<vmem>> -> memref<200xi32, #tpu.memory_space<vmem>>
    %dma_wait3A_396 = arith.constant 0 : i32
    %dma_wait3A_397 = arith.constant 0 : i32
    %dma_wait3A_398 = tpu.memref_slice %arg2[%dma_wait3A_396, %dma_wait3A_397] : memref<10000x64xf32, #tpu.memory_space<hbm>> -> memref<10000x64xf32, #tpu.memory_space<hbm>>
    tpu.wait_indirect_dma semaphore(%arg14 : memref<!tpu.dma_semaphore, #tpu.memory_space<semaphore_mem>>) src(%dma_wait3A_398 : memref<10000x64xf32, #tpu.memory_space<hbm>>) dst(%arg8 : memref<200x64xf32, #tpu.memory_space<vmem>>)
    %dma_start3A_399 = arith.constant 3200 : i32
    %dma_start3A_400 = tpu.memref_slice %arg6[%dma_start3A_399] : memref<10000xi32, #tpu.memory_space<vmem>> -> memref<200xi32, #tpu.memory_space<vmem>>
    %dma_start3A_401 = arith.constant 0 : i32
    %dma_start3A_402 = arith.constant 0 : i32
    %dma_start3A_403 = tpu.memref_slice %arg13[%dma_start3A_401, %dma_start3A_402] : memref<10240x64xf32, #tpu.memory_space<vmem_shared>> -> memref<10240x64xf32, #tpu.memory_space<vmem_shared>>
    tpu.enqueue_indirect_dma source(%arg8 : memref<200x64xf32, #tpu.memory_space<vmem>>) target(%dma_start3A_403 : memref<10240x64xf32, #tpu.memory_space<vmem_shared>>) offsets(%dma_start3A_400 : memref<200xi32, #tpu.memory_space<vmem>>) semaphore(%arg15 : memref<!tpu.dma_semaphore, #tpu.memory_space<semaphore_mem>>) {add = true}
    %dma_wait3A_404 = arith.constant 3200 : i32
    %dma_wait3A_405 = tpu.memref_slice %arg6[%dma_wait3A_404] : memref<10000xi32, #tpu.memory_space<vmem>> -> memref<200xi32, #tpu.memory_space<vmem>>
    %dma_wait3A_406 = arith.constant 0 : i32
    %dma_wait3A_407 = arith.constant 0 : i32
    %dma_wait3A_408 = tpu.memref_slice %arg13[%dma_wait3A_406, %dma_wait3A_407] : memref<10240x64xf32, #tpu.memory_space<vmem_shared>> -> memref<10240x64xf32, #tpu.memory_space<vmem_shared>>
    tpu.wait_indirect_dma semaphore(%arg15 : memref<!tpu.dma_semaphore, #tpu.memory_space<semaphore_mem>>) src(%arg8 : memref<200x64xf32, #tpu.memory_space<vmem>>) dst(%dma_wait3A_408 : memref<10240x64xf32, #tpu.memory_space<vmem_shared>>)
    %dma_start3A_409 = arith.constant 4200 : i32
    %dma_start3A_410 = tpu.memref_slice %arg5[%dma_start3A_409] : memref<10000xi32, #tpu.memory_space<vmem>> -> memref<200xi32, #tpu.memory_space<vmem>>
    %dma_start3A_411 = arith.constant 0 : i32
    %dma_start3A_412 = arith.constant 0 : i32
    %dma_start3A_413 = tpu.memref_slice %arg2[%dma_start3A_411, %dma_start3A_412] : memref<10000x64xf32, #tpu.memory_space<hbm>> -> memref<10000x64xf32, #tpu.memory_space<hbm>>
    tpu.enqueue_indirect_dma source(%dma_start3A_413 : memref<10000x64xf32, #tpu.memory_space<hbm>>) target(%arg8 : memref<200x64xf32, #tpu.memory_space<vmem>>) offsets(%dma_start3A_410 : memref<200xi32, #tpu.memory_space<vmem>>) semaphore(%arg14 : memref<!tpu.dma_semaphore, #tpu.memory_space<semaphore_mem>>)
    %dma_wait3A_414 = arith.constant 3400 : i32
    %dma_wait3A_415 = tpu.memref_slice %arg5[%dma_wait3A_414] : memref<10000xi32, #tpu.memory_space<vmem>> -> memref<200xi32, #tpu.memory_space<vmem>>
    %dma_wait3A_416 = arith.constant 0 : i32
    %dma_wait3A_417 = arith.constant 0 : i32
    %dma_wait3A_418 = tpu.memref_slice %arg2[%dma_wait3A_416, %dma_wait3A_417] : memref<10000x64xf32, #tpu.memory_space<hbm>> -> memref<10000x64xf32, #tpu.memory_space<hbm>>
    tpu.wait_indirect_dma semaphore(%arg14 : memref<!tpu.dma_semaphore, #tpu.memory_space<semaphore_mem>>) src(%dma_wait3A_418 : memref<10000x64xf32, #tpu.memory_space<hbm>>) dst(%arg9 : memref<200x64xf32, #tpu.memory_space<vmem>>)
    %dma_start3A_419 = arith.constant 3400 : i32
    %dma_start3A_420 = tpu.memref_slice %arg6[%dma_start3A_419] : memref<10000xi32, #tpu.memory_space<vmem>> -> memref<200xi32, #tpu.memory_space<vmem>>
    %dma_start3A_421 = arith.constant 0 : i32
    %dma_start3A_422 = arith.constant 0 : i32
    %dma_start3A_423 = tpu.memref_slice %arg13[%dma_start3A_421, %dma_start3A_422] : memref<10240x64xf32, #tpu.memory_space<vmem_shared>> -> memref<10240x64xf32, #tpu.memory_space<vmem_shared>>
    tpu.enqueue_indirect_dma source(%arg9 : memref<200x64xf32, #tpu.memory_space<vmem>>) target(%dma_start3A_423 : memref<10240x64xf32, #tpu.memory_space<vmem_shared>>) offsets(%dma_start3A_420 : memref<200xi32, #tpu.memory_space<vmem>>) semaphore(%arg15 : memref<!tpu.dma_semaphore, #tpu.memory_space<semaphore_mem>>) {add = true}
    %dma_wait3A_424 = arith.constant 3400 : i32
    %dma_wait3A_425 = tpu.memref_slice %arg6[%dma_wait3A_424] : memref<10000xi32, #tpu.memory_space<vmem>> -> memref<200xi32, #tpu.memory_space<vmem>>
    %dma_wait3A_426 = arith.constant 0 : i32
    %dma_wait3A_427 = arith.constant 0 : i32
    %dma_wait3A_428 = tpu.memref_slice %arg13[%dma_wait3A_426, %dma_wait3A_427] : memref<10240x64xf32, #tpu.memory_space<vmem_shared>> -> memref<10240x64xf32, #tpu.memory_space<vmem_shared>>
    tpu.wait_indirect_dma semaphore(%arg15 : memref<!tpu.dma_semaphore, #tpu.memory_space<semaphore_mem>>) src(%arg9 : memref<200x64xf32, #tpu.memory_space<vmem>>) dst(%dma_wait3A_428 : memref<10240x64xf32, #tpu.memory_space<vmem_shared>>)
    %dma_start3A_429 = arith.constant 4400 : i32
    %dma_start3A_430 = tpu.memref_slice %arg5[%dma_start3A_429] : memref<10000xi32, #tpu.memory_space<vmem>> -> memref<200xi32, #tpu.memory_space<vmem>>
    %dma_start3A_431 = arith.constant 0 : i32
    %dma_start3A_432 = arith.constant 0 : i32
    %dma_start3A_433 = tpu.memref_slice %arg2[%dma_start3A_431, %dma_start3A_432] : memref<10000x64xf32, #tpu.memory_space<hbm>> -> memref<10000x64xf32, #tpu.memory_space<hbm>>
    tpu.enqueue_indirect_dma source(%dma_start3A_433 : memref<10000x64xf32, #tpu.memory_space<hbm>>) target(%arg9 : memref<200x64xf32, #tpu.memory_space<vmem>>) offsets(%dma_start3A_430 : memref<200xi32, #tpu.memory_space<vmem>>) semaphore(%arg14 : memref<!tpu.dma_semaphore, #tpu.memory_space<semaphore_mem>>)
    %dma_wait3A_434 = arith.constant 3600 : i32
    %dma_wait3A_435 = tpu.memref_slice %arg5[%dma_wait3A_434] : memref<10000xi32, #tpu.memory_space<vmem>> -> memref<200xi32, #tpu.memory_space<vmem>>
    %dma_wait3A_436 = arith.constant 0 : i32
    %dma_wait3A_437 = arith.constant 0 : i32
    %dma_wait3A_438 = tpu.memref_slice %arg2[%dma_wait3A_436, %dma_wait3A_437] : memref<10000x64xf32, #tpu.memory_space<hbm>> -> memref<10000x64xf32, #tpu.memory_space<hbm>>
    tpu.wait_indirect_dma semaphore(%arg14 : memref<!tpu.dma_semaphore, #tpu.memory_space<semaphore_mem>>) src(%dma_wait3A_438 : memref<10000x64xf32, #tpu.memory_space<hbm>>) dst(%arg10 : memref<200x64xf32, #tpu.memory_space<vmem>>)
    %dma_start3A_439 = arith.constant 3600 : i32
    %dma_start3A_440 = tpu.memref_slice %arg6[%dma_start3A_439] : memref<10000xi32, #tpu.memory_space<vmem>> -> memref<200xi32, #tpu.memory_space<vmem>>
    %dma_start3A_441 = arith.constant 0 : i32
    %dma_start3A_442 = arith.constant 0 : i32
    %dma_start3A_443 = tpu.memref_slice %arg13[%dma_start3A_441, %dma_start3A_442] : memref<10240x64xf32, #tpu.memory_space<vmem_shared>> -> memref<10240x64xf32, #tpu.memory_space<vmem_shared>>
    tpu.enqueue_indirect_dma source(%arg10 : memref<200x64xf32, #tpu.memory_space<vmem>>) target(%dma_start3A_443 : memref<10240x64xf32, #tpu.memory_space<vmem_shared>>) offsets(%dma_start3A_440 : memref<200xi32, #tpu.memory_space<vmem>>) semaphore(%arg15 : memref<!tpu.dma_semaphore, #tpu.memory_space<semaphore_mem>>) {add = true}
    %dma_wait3A_444 = arith.constant 3600 : i32
    %dma_wait3A_445 = tpu.memref_slice %arg6[%dma_wait3A_444] : memref<10000xi32, #tpu.memory_space<vmem>> -> memref<200xi32, #tpu.memory_space<vmem>>
    %dma_wait3A_446 = arith.constant 0 : i32
    %dma_wait3A_447 = arith.constant 0 : i32
    %dma_wait3A_448 = tpu.memref_slice %arg13[%dma_wait3A_446, %dma_wait3A_447] : memref<10240x64xf32, #tpu.memory_space<vmem_shared>> -> memref<10240x64xf32, #tpu.memory_space<vmem_shared>>
    tpu.wait_indirect_dma semaphore(%arg15 : memref<!tpu.dma_semaphore, #tpu.memory_space<semaphore_mem>>) src(%arg10 : memref<200x64xf32, #tpu.memory_space<vmem>>) dst(%dma_wait3A_448 : memref<10240x64xf32, #tpu.memory_space<vmem_shared>>)
    %dma_start3A_449 = arith.constant 4600 : i32
    %dma_start3A_450 = tpu.memref_slice %arg5[%dma_start3A_449] : memref<10000xi32, #tpu.memory_space<vmem>> -> memref<200xi32, #tpu.memory_space<vmem>>
    %dma_start3A_451 = arith.constant 0 : i32
    %dma_start3A_452 = arith.constant 0 : i32
    %dma_start3A_453 = tpu.memref_slice %arg2[%dma_start3A_451, %dma_start3A_452] : memref<10000x64xf32, #tpu.memory_space<hbm>> -> memref<10000x64xf32, #tpu.memory_space<hbm>>
    tpu.enqueue_indirect_dma source(%dma_start3A_453 : memref<10000x64xf32, #tpu.memory_space<hbm>>) target(%arg10 : memref<200x64xf32, #tpu.memory_space<vmem>>) offsets(%dma_start3A_450 : memref<200xi32, #tpu.memory_space<vmem>>) semaphore(%arg14 : memref<!tpu.dma_semaphore, #tpu.memory_space<semaphore_mem>>)
    %dma_wait3A_454 = arith.constant 3800 : i32
    %dma_wait3A_455 = tpu.memref_slice %arg5[%dma_wait3A_454] : memref<10000xi32, #tpu.memory_space<vmem>> -> memref<200xi32, #tpu.memory_space<vmem>>
    %dma_wait3A_456 = arith.constant 0 : i32
    %dma_wait3A_457 = arith.constant 0 : i32
    %dma_wait3A_458 = tpu.memref_slice %arg2[%dma_wait3A_456, %dma_wait3A_457] : memref<10000x64xf32, #tpu.memory_space<hbm>> -> memref<10000x64xf32, #tpu.memory_space<hbm>>
    tpu.wait_indirect_dma semaphore(%arg14 : memref<!tpu.dma_semaphore, #tpu.memory_space<semaphore_mem>>) src(%dma_wait3A_458 : memref<10000x64xf32, #tpu.memory_space<hbm>>) dst(%arg11 : memref<200x64xf32, #tpu.memory_space<vmem>>)
    %dma_start3A_459 = arith.constant 3800 : i32
    %dma_start3A_460 = tpu.memref_slice %arg6[%dma_start3A_459] : memref<10000xi32, #tpu.memory_space<vmem>> -> memref<200xi32, #tpu.memory_space<vmem>>
    %dma_start3A_461 = arith.constant 0 : i32
    %dma_start3A_462 = arith.constant 0 : i32
    %dma_start3A_463 = tpu.memref_slice %arg13[%dma_start3A_461, %dma_start3A_462] : memref<10240x64xf32, #tpu.memory_space<vmem_shared>> -> memref<10240x64xf32, #tpu.memory_space<vmem_shared>>
    tpu.enqueue_indirect_dma source(%arg11 : memref<200x64xf32, #tpu.memory_space<vmem>>) target(%dma_start3A_463 : memref<10240x64xf32, #tpu.memory_space<vmem_shared>>) offsets(%dma_start3A_460 : memref<200xi32, #tpu.memory_space<vmem>>) semaphore(%arg15 : memref<!tpu.dma_semaphore, #tpu.memory_space<semaphore_mem>>) {add = true}
    %dma_wait3A_464 = arith.constant 3800 : i32
    %dma_wait3A_465 = tpu.memref_slice %arg6[%dma_wait3A_464] : memref<10000xi32, #tpu.memory_space<vmem>> -> memref<200xi32, #tpu.memory_space<vmem>>
    %dma_wait3A_466 = arith.constant 0 : i32
    %dma_wait3A_467 = arith.constant 0 : i32
    %dma_wait3A_468 = tpu.memref_slice %arg13[%dma_wait3A_466, %dma_wait3A_467] : memref<10240x64xf32, #tpu.memory_space<vmem_shared>> -> memref<10240x64xf32, #tpu.memory_space<vmem_shared>>
    tpu.wait_indirect_dma semaphore(%arg15 : memref<!tpu.dma_semaphore, #tpu.memory_space<semaphore_mem>>) src(%arg11 : memref<200x64xf32, #tpu.memory_space<vmem>>) dst(%dma_wait3A_468 : memref<10240x64xf32, #tpu.memory_space<vmem_shared>>)
    %dma_start3A_469 = arith.constant 4800 : i32
    %dma_start3A_470 = tpu.memref_slice %arg5[%dma_start3A_469] : memref<10000xi32, #tpu.memory_space<vmem>> -> memref<200xi32, #tpu.memory_space<vmem>>
    %dma_start3A_471 = arith.constant 0 : i32
    %dma_start3A_472 = arith.constant 0 : i32
    %dma_start3A_473 = tpu.memref_slice %arg2[%dma_start3A_471, %dma_start3A_472] : memref<10000x64xf32, #tpu.memory_space<hbm>> -> memref<10000x64xf32, #tpu.memory_space<hbm>>
    tpu.enqueue_indirect_dma source(%dma_start3A_473 : memref<10000x64xf32, #tpu.memory_space<hbm>>) target(%arg11 : memref<200x64xf32, #tpu.memory_space<vmem>>) offsets(%dma_start3A_470 : memref<200xi32, #tpu.memory_space<vmem>>) semaphore(%arg14 : memref<!tpu.dma_semaphore, #tpu.memory_space<semaphore_mem>>)
    %dma_wait3A_474 = arith.constant 4000 : i32
    %dma_wait3A_475 = tpu.memref_slice %arg5[%dma_wait3A_474] : memref<10000xi32, #tpu.memory_space<vmem>> -> memref<200xi32, #tpu.memory_space<vmem>>
    %dma_wait3A_476 = arith.constant 0 : i32
    %dma_wait3A_477 = arith.constant 0 : i32
    %dma_wait3A_478 = tpu.memref_slice %arg2[%dma_wait3A_476, %dma_wait3A_477] : memref<10000x64xf32, #tpu.memory_space<hbm>> -> memref<10000x64xf32, #tpu.memory_space<hbm>>
    tpu.wait_indirect_dma semaphore(%arg14 : memref<!tpu.dma_semaphore, #tpu.memory_space<semaphore_mem>>) src(%dma_wait3A_478 : memref<10000x64xf32, #tpu.memory_space<hbm>>) dst(%arg7 : memref<200x64xf32, #tpu.memory_space<vmem>>)
    %dma_start3A_479 = arith.constant 4000 : i32
    %dma_start3A_480 = tpu.memref_slice %arg6[%dma_start3A_479] : memref<10000xi32, #tpu.memory_space<vmem>> -> memref<200xi32, #tpu.memory_space<vmem>>
    %dma_start3A_481 = arith.constant 0 : i32
    %dma_start3A_482 = arith.constant 0 : i32
    %dma_start3A_483 = tpu.memref_slice %arg13[%dma_start3A_481, %dma_start3A_482] : memref<10240x64xf32, #tpu.memory_space<vmem_shared>> -> memref<10240x64xf32, #tpu.memory_space<vmem_shared>>
    tpu.enqueue_indirect_dma source(%arg7 : memref<200x64xf32, #tpu.memory_space<vmem>>) target(%dma_start3A_483 : memref<10240x64xf32, #tpu.memory_space<vmem_shared>>) offsets(%dma_start3A_480 : memref<200xi32, #tpu.memory_space<vmem>>) semaphore(%arg15 : memref<!tpu.dma_semaphore, #tpu.memory_space<semaphore_mem>>) {add = true}
    %dma_wait3A_484 = arith.constant 4000 : i32
    %dma_wait3A_485 = tpu.memref_slice %arg6[%dma_wait3A_484] : memref<10000xi32, #tpu.memory_space<vmem>> -> memref<200xi32, #tpu.memory_space<vmem>>
    %dma_wait3A_486 = arith.constant 0 : i32
    %dma_wait3A_487 = arith.constant 0 : i32
    %dma_wait3A_488 = tpu.memref_slice %arg13[%dma_wait3A_486, %dma_wait3A_487] : memref<10240x64xf32, #tpu.memory_space<vmem_shared>> -> memref<10240x64xf32, #tpu.memory_space<vmem_shared>>
    tpu.wait_indirect_dma semaphore(%arg15 : memref<!tpu.dma_semaphore, #tpu.memory_space<semaphore_mem>>) src(%arg7 : memref<200x64xf32, #tpu.memory_space<vmem>>) dst(%dma_wait3A_488 : memref<10240x64xf32, #tpu.memory_space<vmem_shared>>)
    %dma_start3A_489 = arith.constant 5000 : i32
    %dma_start3A_490 = tpu.memref_slice %arg5[%dma_start3A_489] : memref<10000xi32, #tpu.memory_space<vmem>> -> memref<200xi32, #tpu.memory_space<vmem>>
    %dma_start3A_491 = arith.constant 0 : i32
    %dma_start3A_492 = arith.constant 0 : i32
    %dma_start3A_493 = tpu.memref_slice %arg2[%dma_start3A_491, %dma_start3A_492] : memref<10000x64xf32, #tpu.memory_space<hbm>> -> memref<10000x64xf32, #tpu.memory_space<hbm>>
    tpu.enqueue_indirect_dma source(%dma_start3A_493 : memref<10000x64xf32, #tpu.memory_space<hbm>>) target(%arg7 : memref<200x64xf32, #tpu.memory_space<vmem>>) offsets(%dma_start3A_490 : memref<200xi32, #tpu.memory_space<vmem>>) semaphore(%arg14 : memref<!tpu.dma_semaphore, #tpu.memory_space<semaphore_mem>>)
    %dma_wait3A_494 = arith.constant 4200 : i32
    %dma_wait3A_495 = tpu.memref_slice %arg5[%dma_wait3A_494] : memref<10000xi32, #tpu.memory_space<vmem>> -> memref<200xi32, #tpu.memory_space<vmem>>
    %dma_wait3A_496 = arith.constant 0 : i32
    %dma_wait3A_497 = arith.constant 0 : i32
    %dma_wait3A_498 = tpu.memref_slice %arg2[%dma_wait3A_496, %dma_wait3A_497] : memref<10000x64xf32, #tpu.memory_space<hbm>> -> memref<10000x64xf32, #tpu.memory_space<hbm>>
    tpu.wait_indirect_dma semaphore(%arg14 : memref<!tpu.dma_semaphore, #tpu.memory_space<semaphore_mem>>) src(%dma_wait3A_498 : memref<10000x64xf32, #tpu.memory_space<hbm>>) dst(%arg8 : memref<200x64xf32, #tpu.memory_space<vmem>>)
    %dma_start3A_499 = arith.constant 4200 : i32
    %dma_start3A_500 = tpu.memref_slice %arg6[%dma_start3A_499] : memref<10000xi32, #tpu.memory_space<vmem>> -> memref<200xi32, #tpu.memory_space<vmem>>
    %dma_start3A_501 = arith.constant 0 : i32
    %dma_start3A_502 = arith.constant 0 : i32
    %dma_start3A_503 = tpu.memref_slice %arg13[%dma_start3A_501, %dma_start3A_502] : memref<10240x64xf32, #tpu.memory_space<vmem_shared>> -> memref<10240x64xf32, #tpu.memory_space<vmem_shared>>
    tpu.enqueue_indirect_dma source(%arg8 : memref<200x64xf32, #tpu.memory_space<vmem>>) target(%dma_start3A_503 : memref<10240x64xf32, #tpu.memory_space<vmem_shared>>) offsets(%dma_start3A_500 : memref<200xi32, #tpu.memory_space<vmem>>) semaphore(%arg15 : memref<!tpu.dma_semaphore, #tpu.memory_space<semaphore_mem>>) {add = true}
    %dma_wait3A_504 = arith.constant 4200 : i32
    %dma_wait3A_505 = tpu.memref_slice %arg6[%dma_wait3A_504] : memref<10000xi32, #tpu.memory_space<vmem>> -> memref<200xi32, #tpu.memory_space<vmem>>
    %dma_wait3A_506 = arith.constant 0 : i32
    %dma_wait3A_507 = arith.constant 0 : i32
    %dma_wait3A_508 = tpu.memref_slice %arg13[%dma_wait3A_506, %dma_wait3A_507] : memref<10240x64xf32, #tpu.memory_space<vmem_shared>> -> memref<10240x64xf32, #tpu.memory_space<vmem_shared>>
    tpu.wait_indirect_dma semaphore(%arg15 : memref<!tpu.dma_semaphore, #tpu.memory_space<semaphore_mem>>) src(%arg8 : memref<200x64xf32, #tpu.memory_space<vmem>>) dst(%dma_wait3A_508 : memref<10240x64xf32, #tpu.memory_space<vmem_shared>>)
    %dma_start3A_509 = arith.constant 5200 : i32
    %dma_start3A_510 = tpu.memref_slice %arg5[%dma_start3A_509] : memref<10000xi32, #tpu.memory_space<vmem>> -> memref<200xi32, #tpu.memory_space<vmem>>
    %dma_start3A_511 = arith.constant 0 : i32
    %dma_start3A_512 = arith.constant 0 : i32
    %dma_start3A_513 = tpu.memref_slice %arg2[%dma_start3A_511, %dma_start3A_512] : memref<10000x64xf32, #tpu.memory_space<hbm>> -> memref<10000x64xf32, #tpu.memory_space<hbm>>
    tpu.enqueue_indirect_dma source(%dma_start3A_513 : memref<10000x64xf32, #tpu.memory_space<hbm>>) target(%arg8 : memref<200x64xf32, #tpu.memory_space<vmem>>) offsets(%dma_start3A_510 : memref<200xi32, #tpu.memory_space<vmem>>) semaphore(%arg14 : memref<!tpu.dma_semaphore, #tpu.memory_space<semaphore_mem>>)
    %dma_wait3A_514 = arith.constant 4400 : i32
    %dma_wait3A_515 = tpu.memref_slice %arg5[%dma_wait3A_514] : memref<10000xi32, #tpu.memory_space<vmem>> -> memref<200xi32, #tpu.memory_space<vmem>>
    %dma_wait3A_516 = arith.constant 0 : i32
    %dma_wait3A_517 = arith.constant 0 : i32
    %dma_wait3A_518 = tpu.memref_slice %arg2[%dma_wait3A_516, %dma_wait3A_517] : memref<10000x64xf32, #tpu.memory_space<hbm>> -> memref<10000x64xf32, #tpu.memory_space<hbm>>
    tpu.wait_indirect_dma semaphore(%arg14 : memref<!tpu.dma_semaphore, #tpu.memory_space<semaphore_mem>>) src(%dma_wait3A_518 : memref<10000x64xf32, #tpu.memory_space<hbm>>) dst(%arg9 : memref<200x64xf32, #tpu.memory_space<vmem>>)
    %dma_start3A_519 = arith.constant 4400 : i32
    %dma_start3A_520 = tpu.memref_slice %arg6[%dma_start3A_519] : memref<10000xi32, #tpu.memory_space<vmem>> -> memref<200xi32, #tpu.memory_space<vmem>>
    %dma_start3A_521 = arith.constant 0 : i32
    %dma_start3A_522 = arith.constant 0 : i32
    %dma_start3A_523 = tpu.memref_slice %arg13[%dma_start3A_521, %dma_start3A_522] : memref<10240x64xf32, #tpu.memory_space<vmem_shared>> -> memref<10240x64xf32, #tpu.memory_space<vmem_shared>>
    tpu.enqueue_indirect_dma source(%arg9 : memref<200x64xf32, #tpu.memory_space<vmem>>) target(%dma_start3A_523 : memref<10240x64xf32, #tpu.memory_space<vmem_shared>>) offsets(%dma_start3A_520 : memref<200xi32, #tpu.memory_space<vmem>>) semaphore(%arg15 : memref<!tpu.dma_semaphore, #tpu.memory_space<semaphore_mem>>) {add = true}
    %dma_wait3A_524 = arith.constant 4400 : i32
    %dma_wait3A_525 = tpu.memref_slice %arg6[%dma_wait3A_524] : memref<10000xi32, #tpu.memory_space<vmem>> -> memref<200xi32, #tpu.memory_space<vmem>>
    %dma_wait3A_526 = arith.constant 0 : i32
    %dma_wait3A_527 = arith.constant 0 : i32
    %dma_wait3A_528 = tpu.memref_slice %arg13[%dma_wait3A_526, %dma_wait3A_527] : memref<10240x64xf32, #tpu.memory_space<vmem_shared>> -> memref<10240x64xf32, #tpu.memory_space<vmem_shared>>
    tpu.wait_indirect_dma semaphore(%arg15 : memref<!tpu.dma_semaphore, #tpu.memory_space<semaphore_mem>>) src(%arg9 : memref<200x64xf32, #tpu.memory_space<vmem>>) dst(%dma_wait3A_528 : memref<10240x64xf32, #tpu.memory_space<vmem_shared>>)
    %dma_start3A_529 = arith.constant 5400 : i32
    %dma_start3A_530 = tpu.memref_slice %arg5[%dma_start3A_529] : memref<10000xi32, #tpu.memory_space<vmem>> -> memref<200xi32, #tpu.memory_space<vmem>>
    %dma_start3A_531 = arith.constant 0 : i32
    %dma_start3A_532 = arith.constant 0 : i32
    %dma_start3A_533 = tpu.memref_slice %arg2[%dma_start3A_531, %dma_start3A_532] : memref<10000x64xf32, #tpu.memory_space<hbm>> -> memref<10000x64xf32, #tpu.memory_space<hbm>>
    tpu.enqueue_indirect_dma source(%dma_start3A_533 : memref<10000x64xf32, #tpu.memory_space<hbm>>) target(%arg9 : memref<200x64xf32, #tpu.memory_space<vmem>>) offsets(%dma_start3A_530 : memref<200xi32, #tpu.memory_space<vmem>>) semaphore(%arg14 : memref<!tpu.dma_semaphore, #tpu.memory_space<semaphore_mem>>)
    %dma_wait3A_534 = arith.constant 4600 : i32
    %dma_wait3A_535 = tpu.memref_slice %arg5[%dma_wait3A_534] : memref<10000xi32, #tpu.memory_space<vmem>> -> memref<200xi32, #tpu.memory_space<vmem>>
    %dma_wait3A_536 = arith.constant 0 : i32
    %dma_wait3A_537 = arith.constant 0 : i32
    %dma_wait3A_538 = tpu.memref_slice %arg2[%dma_wait3A_536, %dma_wait3A_537] : memref<10000x64xf32, #tpu.memory_space<hbm>> -> memref<10000x64xf32, #tpu.memory_space<hbm>>
    tpu.wait_indirect_dma semaphore(%arg14 : memref<!tpu.dma_semaphore, #tpu.memory_space<semaphore_mem>>) src(%dma_wait3A_538 : memref<10000x64xf32, #tpu.memory_space<hbm>>) dst(%arg10 : memref<200x64xf32, #tpu.memory_space<vmem>>)
    %dma_start3A_539 = arith.constant 4600 : i32
    %dma_start3A_540 = tpu.memref_slice %arg6[%dma_start3A_539] : memref<10000xi32, #tpu.memory_space<vmem>> -> memref<200xi32, #tpu.memory_space<vmem>>
    %dma_start3A_541 = arith.constant 0 : i32
    %dma_start3A_542 = arith.constant 0 : i32
    %dma_start3A_543 = tpu.memref_slice %arg13[%dma_start3A_541, %dma_start3A_542] : memref<10240x64xf32, #tpu.memory_space<vmem_shared>> -> memref<10240x64xf32, #tpu.memory_space<vmem_shared>>
    tpu.enqueue_indirect_dma source(%arg10 : memref<200x64xf32, #tpu.memory_space<vmem>>) target(%dma_start3A_543 : memref<10240x64xf32, #tpu.memory_space<vmem_shared>>) offsets(%dma_start3A_540 : memref<200xi32, #tpu.memory_space<vmem>>) semaphore(%arg15 : memref<!tpu.dma_semaphore, #tpu.memory_space<semaphore_mem>>) {add = true}
    %dma_wait3A_544 = arith.constant 4600 : i32
    %dma_wait3A_545 = tpu.memref_slice %arg6[%dma_wait3A_544] : memref<10000xi32, #tpu.memory_space<vmem>> -> memref<200xi32, #tpu.memory_space<vmem>>
    %dma_wait3A_546 = arith.constant 0 : i32
    %dma_wait3A_547 = arith.constant 0 : i32
    %dma_wait3A_548 = tpu.memref_slice %arg13[%dma_wait3A_546, %dma_wait3A_547] : memref<10240x64xf32, #tpu.memory_space<vmem_shared>> -> memref<10240x64xf32, #tpu.memory_space<vmem_shared>>
    tpu.wait_indirect_dma semaphore(%arg15 : memref<!tpu.dma_semaphore, #tpu.memory_space<semaphore_mem>>) src(%arg10 : memref<200x64xf32, #tpu.memory_space<vmem>>) dst(%dma_wait3A_548 : memref<10240x64xf32, #tpu.memory_space<vmem_shared>>)
    %dma_start3A_549 = arith.constant 5600 : i32
    %dma_start3A_550 = tpu.memref_slice %arg5[%dma_start3A_549] : memref<10000xi32, #tpu.memory_space<vmem>> -> memref<200xi32, #tpu.memory_space<vmem>>
    %dma_start3A_551 = arith.constant 0 : i32
    %dma_start3A_552 = arith.constant 0 : i32
    %dma_start3A_553 = tpu.memref_slice %arg2[%dma_start3A_551, %dma_start3A_552] : memref<10000x64xf32, #tpu.memory_space<hbm>> -> memref<10000x64xf32, #tpu.memory_space<hbm>>
    tpu.enqueue_indirect_dma source(%dma_start3A_553 : memref<10000x64xf32, #tpu.memory_space<hbm>>) target(%arg10 : memref<200x64xf32, #tpu.memory_space<vmem>>) offsets(%dma_start3A_550 : memref<200xi32, #tpu.memory_space<vmem>>) semaphore(%arg14 : memref<!tpu.dma_semaphore, #tpu.memory_space<semaphore_mem>>)
    %dma_wait3A_554 = arith.constant 4800 : i32
    %dma_wait3A_555 = tpu.memref_slice %arg5[%dma_wait3A_554] : memref<10000xi32, #tpu.memory_space<vmem>> -> memref<200xi32, #tpu.memory_space<vmem>>
    %dma_wait3A_556 = arith.constant 0 : i32
    %dma_wait3A_557 = arith.constant 0 : i32
    %dma_wait3A_558 = tpu.memref_slice %arg2[%dma_wait3A_556, %dma_wait3A_557] : memref<10000x64xf32, #tpu.memory_space<hbm>> -> memref<10000x64xf32, #tpu.memory_space<hbm>>
    tpu.wait_indirect_dma semaphore(%arg14 : memref<!tpu.dma_semaphore, #tpu.memory_space<semaphore_mem>>) src(%dma_wait3A_558 : memref<10000x64xf32, #tpu.memory_space<hbm>>) dst(%arg11 : memref<200x64xf32, #tpu.memory_space<vmem>>)
    %dma_start3A_559 = arith.constant 4800 : i32
    %dma_start3A_560 = tpu.memref_slice %arg6[%dma_start3A_559] : memref<10000xi32, #tpu.memory_space<vmem>> -> memref<200xi32, #tpu.memory_space<vmem>>
    %dma_start3A_561 = arith.constant 0 : i32
    %dma_start3A_562 = arith.constant 0 : i32
    %dma_start3A_563 = tpu.memref_slice %arg13[%dma_start3A_561, %dma_start3A_562] : memref<10240x64xf32, #tpu.memory_space<vmem_shared>> -> memref<10240x64xf32, #tpu.memory_space<vmem_shared>>
    tpu.enqueue_indirect_dma source(%arg11 : memref<200x64xf32, #tpu.memory_space<vmem>>) target(%dma_start3A_563 : memref<10240x64xf32, #tpu.memory_space<vmem_shared>>) offsets(%dma_start3A_560 : memref<200xi32, #tpu.memory_space<vmem>>) semaphore(%arg15 : memref<!tpu.dma_semaphore, #tpu.memory_space<semaphore_mem>>) {add = true}
    %dma_wait3A_564 = arith.constant 4800 : i32
    %dma_wait3A_565 = tpu.memref_slice %arg6[%dma_wait3A_564] : memref<10000xi32, #tpu.memory_space<vmem>> -> memref<200xi32, #tpu.memory_space<vmem>>
    %dma_wait3A_566 = arith.constant 0 : i32
    %dma_wait3A_567 = arith.constant 0 : i32
    %dma_wait3A_568 = tpu.memref_slice %arg13[%dma_wait3A_566, %dma_wait3A_567] : memref<10240x64xf32, #tpu.memory_space<vmem_shared>> -> memref<10240x64xf32, #tpu.memory_space<vmem_shared>>
    tpu.wait_indirect_dma semaphore(%arg15 : memref<!tpu.dma_semaphore, #tpu.memory_space<semaphore_mem>>) src(%arg11 : memref<200x64xf32, #tpu.memory_space<vmem>>) dst(%dma_wait3A_568 : memref<10240x64xf32, #tpu.memory_space<vmem_shared>>)
    %dma_start3A_569 = arith.constant 5800 : i32
    %dma_start3A_570 = tpu.memref_slice %arg5[%dma_start3A_569] : memref<10000xi32, #tpu.memory_space<vmem>> -> memref<200xi32, #tpu.memory_space<vmem>>
    %dma_start3A_571 = arith.constant 0 : i32
    %dma_start3A_572 = arith.constant 0 : i32
    %dma_start3A_573 = tpu.memref_slice %arg2[%dma_start3A_571, %dma_start3A_572] : memref<10000x64xf32, #tpu.memory_space<hbm>> -> memref<10000x64xf32, #tpu.memory_space<hbm>>
    tpu.enqueue_indirect_dma source(%dma_start3A_573 : memref<10000x64xf32, #tpu.memory_space<hbm>>) target(%arg11 : memref<200x64xf32, #tpu.memory_space<vmem>>) offsets(%dma_start3A_570 : memref<200xi32, #tpu.memory_space<vmem>>) semaphore(%arg14 : memref<!tpu.dma_semaphore, #tpu.memory_space<semaphore_mem>>)
    %dma_wait3A_574 = arith.constant 5000 : i32
    %dma_wait3A_575 = tpu.memref_slice %arg5[%dma_wait3A_574] : memref<10000xi32, #tpu.memory_space<vmem>> -> memref<200xi32, #tpu.memory_space<vmem>>
    %dma_wait3A_576 = arith.constant 0 : i32
    %dma_wait3A_577 = arith.constant 0 : i32
    %dma_wait3A_578 = tpu.memref_slice %arg2[%dma_wait3A_576, %dma_wait3A_577] : memref<10000x64xf32, #tpu.memory_space<hbm>> -> memref<10000x64xf32, #tpu.memory_space<hbm>>
    tpu.wait_indirect_dma semaphore(%arg14 : memref<!tpu.dma_semaphore, #tpu.memory_space<semaphore_mem>>) src(%dma_wait3A_578 : memref<10000x64xf32, #tpu.memory_space<hbm>>) dst(%arg7 : memref<200x64xf32, #tpu.memory_space<vmem>>)
    %dma_start3A_579 = arith.constant 5000 : i32
    %dma_start3A_580 = tpu.memref_slice %arg6[%dma_start3A_579] : memref<10000xi32, #tpu.memory_space<vmem>> -> memref<200xi32, #tpu.memory_space<vmem>>
    %dma_start3A_581 = arith.constant 0 : i32
    %dma_start3A_582 = arith.constant 0 : i32
    %dma_start3A_583 = tpu.memref_slice %arg13[%dma_start3A_581, %dma_start3A_582] : memref<10240x64xf32, #tpu.memory_space<vmem_shared>> -> memref<10240x64xf32, #tpu.memory_space<vmem_shared>>
    tpu.enqueue_indirect_dma source(%arg7 : memref<200x64xf32, #tpu.memory_space<vmem>>) target(%dma_start3A_583 : memref<10240x64xf32, #tpu.memory_space<vmem_shared>>) offsets(%dma_start3A_580 : memref<200xi32, #tpu.memory_space<vmem>>) semaphore(%arg15 : memref<!tpu.dma_semaphore, #tpu.memory_space<semaphore_mem>>) {add = true}
    %dma_wait3A_584 = arith.constant 5000 : i32
    %dma_wait3A_585 = tpu.memref_slice %arg6[%dma_wait3A_584] : memref<10000xi32, #tpu.memory_space<vmem>> -> memref<200xi32, #tpu.memory_space<vmem>>
    %dma_wait3A_586 = arith.constant 0 : i32
    %dma_wait3A_587 = arith.constant 0 : i32
    %dma_wait3A_588 = tpu.memref_slice %arg13[%dma_wait3A_586, %dma_wait3A_587] : memref<10240x64xf32, #tpu.memory_space<vmem_shared>> -> memref<10240x64xf32, #tpu.memory_space<vmem_shared>>
    tpu.wait_indirect_dma semaphore(%arg15 : memref<!tpu.dma_semaphore, #tpu.memory_space<semaphore_mem>>) src(%arg7 : memref<200x64xf32, #tpu.memory_space<vmem>>) dst(%dma_wait3A_588 : memref<10240x64xf32, #tpu.memory_space<vmem_shared>>)
    %dma_start3A_589 = arith.constant 6000 : i32
    %dma_start3A_590 = tpu.memref_slice %arg5[%dma_start3A_589] : memref<10000xi32, #tpu.memory_space<vmem>> -> memref<200xi32, #tpu.memory_space<vmem>>
    %dma_start3A_591 = arith.constant 0 : i32
    %dma_start3A_592 = arith.constant 0 : i32
    %dma_start3A_593 = tpu.memref_slice %arg2[%dma_start3A_591, %dma_start3A_592] : memref<10000x64xf32, #tpu.memory_space<hbm>> -> memref<10000x64xf32, #tpu.memory_space<hbm>>
    tpu.enqueue_indirect_dma source(%dma_start3A_593 : memref<10000x64xf32, #tpu.memory_space<hbm>>) target(%arg7 : memref<200x64xf32, #tpu.memory_space<vmem>>) offsets(%dma_start3A_590 : memref<200xi32, #tpu.memory_space<vmem>>) semaphore(%arg14 : memref<!tpu.dma_semaphore, #tpu.memory_space<semaphore_mem>>)
    %dma_wait3A_594 = arith.constant 5200 : i32
    %dma_wait3A_595 = tpu.memref_slice %arg5[%dma_wait3A_594] : memref<10000xi32, #tpu.memory_space<vmem>> -> memref<200xi32, #tpu.memory_space<vmem>>
    %dma_wait3A_596 = arith.constant 0 : i32
    %dma_wait3A_597 = arith.constant 0 : i32
    %dma_wait3A_598 = tpu.memref_slice %arg2[%dma_wait3A_596, %dma_wait3A_597] : memref<10000x64xf32, #tpu.memory_space<hbm>> -> memref<10000x64xf32, #tpu.memory_space<hbm>>
    tpu.wait_indirect_dma semaphore(%arg14 : memref<!tpu.dma_semaphore, #tpu.memory_space<semaphore_mem>>) src(%dma_wait3A_598 : memref<10000x64xf32, #tpu.memory_space<hbm>>) dst(%arg8 : memref<200x64xf32, #tpu.memory_space<vmem>>)
    %dma_start3A_599 = arith.constant 5200 : i32
    %dma_start3A_600 = tpu.memref_slice %arg6[%dma_start3A_599] : memref<10000xi32, #tpu.memory_space<vmem>> -> memref<200xi32, #tpu.memory_space<vmem>>
    %dma_start3A_601 = arith.constant 0 : i32
    %dma_start3A_602 = arith.constant 0 : i32
    %dma_start3A_603 = tpu.memref_slice %arg13[%dma_start3A_601, %dma_start3A_602] : memref<10240x64xf32, #tpu.memory_space<vmem_shared>> -> memref<10240x64xf32, #tpu.memory_space<vmem_shared>>
    tpu.enqueue_indirect_dma source(%arg8 : memref<200x64xf32, #tpu.memory_space<vmem>>) target(%dma_start3A_603 : memref<10240x64xf32, #tpu.memory_space<vmem_shared>>) offsets(%dma_start3A_600 : memref<200xi32, #tpu.memory_space<vmem>>) semaphore(%arg15 : memref<!tpu.dma_semaphore, #tpu.memory_space<semaphore_mem>>) {add = true}
    %dma_wait3A_604 = arith.constant 5200 : i32
    %dma_wait3A_605 = tpu.memref_slice %arg6[%dma_wait3A_604] : memref<10000xi32, #tpu.memory_space<vmem>> -> memref<200xi32, #tpu.memory_space<vmem>>
    %dma_wait3A_606 = arith.constant 0 : i32
    %dma_wait3A_607 = arith.constant 0 : i32
    %dma_wait3A_608 = tpu.memref_slice %arg13[%dma_wait3A_606, %dma_wait3A_607] : memref<10240x64xf32, #tpu.memory_space<vmem_shared>> -> memref<10240x64xf32, #tpu.memory_space<vmem_shared>>
    tpu.wait_indirect_dma semaphore(%arg15 : memref<!tpu.dma_semaphore, #tpu.memory_space<semaphore_mem>>) src(%arg8 : memref<200x64xf32, #tpu.memory_space<vmem>>) dst(%dma_wait3A_608 : memref<10240x64xf32, #tpu.memory_space<vmem_shared>>)
    %dma_start3A_609 = arith.constant 6200 : i32
    %dma_start3A_610 = tpu.memref_slice %arg5[%dma_start3A_609] : memref<10000xi32, #tpu.memory_space<vmem>> -> memref<200xi32, #tpu.memory_space<vmem>>
    %dma_start3A_611 = arith.constant 0 : i32
    %dma_start3A_612 = arith.constant 0 : i32
    %dma_start3A_613 = tpu.memref_slice %arg2[%dma_start3A_611, %dma_start3A_612] : memref<10000x64xf32, #tpu.memory_space<hbm>> -> memref<10000x64xf32, #tpu.memory_space<hbm>>
    tpu.enqueue_indirect_dma source(%dma_start3A_613 : memref<10000x64xf32, #tpu.memory_space<hbm>>) target(%arg8 : memref<200x64xf32, #tpu.memory_space<vmem>>) offsets(%dma_start3A_610 : memref<200xi32, #tpu.memory_space<vmem>>) semaphore(%arg14 : memref<!tpu.dma_semaphore, #tpu.memory_space<semaphore_mem>>)
    %dma_wait3A_614 = arith.constant 5400 : i32
    %dma_wait3A_615 = tpu.memref_slice %arg5[%dma_wait3A_614] : memref<10000xi32, #tpu.memory_space<vmem>> -> memref<200xi32, #tpu.memory_space<vmem>>
    %dma_wait3A_616 = arith.constant 0 : i32
    %dma_wait3A_617 = arith.constant 0 : i32
    %dma_wait3A_618 = tpu.memref_slice %arg2[%dma_wait3A_616, %dma_wait3A_617] : memref<10000x64xf32, #tpu.memory_space<hbm>> -> memref<10000x64xf32, #tpu.memory_space<hbm>>
    tpu.wait_indirect_dma semaphore(%arg14 : memref<!tpu.dma_semaphore, #tpu.memory_space<semaphore_mem>>) src(%dma_wait3A_618 : memref<10000x64xf32, #tpu.memory_space<hbm>>) dst(%arg9 : memref<200x64xf32, #tpu.memory_space<vmem>>)
    %dma_start3A_619 = arith.constant 5400 : i32
    %dma_start3A_620 = tpu.memref_slice %arg6[%dma_start3A_619] : memref<10000xi32, #tpu.memory_space<vmem>> -> memref<200xi32, #tpu.memory_space<vmem>>
    %dma_start3A_621 = arith.constant 0 : i32
    %dma_start3A_622 = arith.constant 0 : i32
    %dma_start3A_623 = tpu.memref_slice %arg13[%dma_start3A_621, %dma_start3A_622] : memref<10240x64xf32, #tpu.memory_space<vmem_shared>> -> memref<10240x64xf32, #tpu.memory_space<vmem_shared>>
    tpu.enqueue_indirect_dma source(%arg9 : memref<200x64xf32, #tpu.memory_space<vmem>>) target(%dma_start3A_623 : memref<10240x64xf32, #tpu.memory_space<vmem_shared>>) offsets(%dma_start3A_620 : memref<200xi32, #tpu.memory_space<vmem>>) semaphore(%arg15 : memref<!tpu.dma_semaphore, #tpu.memory_space<semaphore_mem>>) {add = true}
    %dma_wait3A_624 = arith.constant 5400 : i32
    %dma_wait3A_625 = tpu.memref_slice %arg6[%dma_wait3A_624] : memref<10000xi32, #tpu.memory_space<vmem>> -> memref<200xi32, #tpu.memory_space<vmem>>
    %dma_wait3A_626 = arith.constant 0 : i32
    %dma_wait3A_627 = arith.constant 0 : i32
    %dma_wait3A_628 = tpu.memref_slice %arg13[%dma_wait3A_626, %dma_wait3A_627] : memref<10240x64xf32, #tpu.memory_space<vmem_shared>> -> memref<10240x64xf32, #tpu.memory_space<vmem_shared>>
    tpu.wait_indirect_dma semaphore(%arg15 : memref<!tpu.dma_semaphore, #tpu.memory_space<semaphore_mem>>) src(%arg9 : memref<200x64xf32, #tpu.memory_space<vmem>>) dst(%dma_wait3A_628 : memref<10240x64xf32, #tpu.memory_space<vmem_shared>>)
    %dma_start3A_629 = arith.constant 6400 : i32
    %dma_start3A_630 = tpu.memref_slice %arg5[%dma_start3A_629] : memref<10000xi32, #tpu.memory_space<vmem>> -> memref<200xi32, #tpu.memory_space<vmem>>
    %dma_start3A_631 = arith.constant 0 : i32
    %dma_start3A_632 = arith.constant 0 : i32
    %dma_start3A_633 = tpu.memref_slice %arg2[%dma_start3A_631, %dma_start3A_632] : memref<10000x64xf32, #tpu.memory_space<hbm>> -> memref<10000x64xf32, #tpu.memory_space<hbm>>
    tpu.enqueue_indirect_dma source(%dma_start3A_633 : memref<10000x64xf32, #tpu.memory_space<hbm>>) target(%arg9 : memref<200x64xf32, #tpu.memory_space<vmem>>) offsets(%dma_start3A_630 : memref<200xi32, #tpu.memory_space<vmem>>) semaphore(%arg14 : memref<!tpu.dma_semaphore, #tpu.memory_space<semaphore_mem>>)
    %dma_wait3A_634 = arith.constant 5600 : i32
    %dma_wait3A_635 = tpu.memref_slice %arg5[%dma_wait3A_634] : memref<10000xi32, #tpu.memory_space<vmem>> -> memref<200xi32, #tpu.memory_space<vmem>>
    %dma_wait3A_636 = arith.constant 0 : i32
    %dma_wait3A_637 = arith.constant 0 : i32
    %dma_wait3A_638 = tpu.memref_slice %arg2[%dma_wait3A_636, %dma_wait3A_637] : memref<10000x64xf32, #tpu.memory_space<hbm>> -> memref<10000x64xf32, #tpu.memory_space<hbm>>
    tpu.wait_indirect_dma semaphore(%arg14 : memref<!tpu.dma_semaphore, #tpu.memory_space<semaphore_mem>>) src(%dma_wait3A_638 : memref<10000x64xf32, #tpu.memory_space<hbm>>) dst(%arg10 : memref<200x64xf32, #tpu.memory_space<vmem>>)
    %dma_start3A_639 = arith.constant 5600 : i32
    %dma_start3A_640 = tpu.memref_slice %arg6[%dma_start3A_639] : memref<10000xi32, #tpu.memory_space<vmem>> -> memref<200xi32, #tpu.memory_space<vmem>>
    %dma_start3A_641 = arith.constant 0 : i32
    %dma_start3A_642 = arith.constant 0 : i32
    %dma_start3A_643 = tpu.memref_slice %arg13[%dma_start3A_641, %dma_start3A_642] : memref<10240x64xf32, #tpu.memory_space<vmem_shared>> -> memref<10240x64xf32, #tpu.memory_space<vmem_shared>>
    tpu.enqueue_indirect_dma source(%arg10 : memref<200x64xf32, #tpu.memory_space<vmem>>) target(%dma_start3A_643 : memref<10240x64xf32, #tpu.memory_space<vmem_shared>>) offsets(%dma_start3A_640 : memref<200xi32, #tpu.memory_space<vmem>>) semaphore(%arg15 : memref<!tpu.dma_semaphore, #tpu.memory_space<semaphore_mem>>) {add = true}
    %dma_wait3A_644 = arith.constant 5600 : i32
    %dma_wait3A_645 = tpu.memref_slice %arg6[%dma_wait3A_644] : memref<10000xi32, #tpu.memory_space<vmem>> -> memref<200xi32, #tpu.memory_space<vmem>>
    %dma_wait3A_646 = arith.constant 0 : i32
    %dma_wait3A_647 = arith.constant 0 : i32
    %dma_wait3A_648 = tpu.memref_slice %arg13[%dma_wait3A_646, %dma_wait3A_647] : memref<10240x64xf32, #tpu.memory_space<vmem_shared>> -> memref<10240x64xf32, #tpu.memory_space<vmem_shared>>
    tpu.wait_indirect_dma semaphore(%arg15 : memref<!tpu.dma_semaphore, #tpu.memory_space<semaphore_mem>>) src(%arg10 : memref<200x64xf32, #tpu.memory_space<vmem>>) dst(%dma_wait3A_648 : memref<10240x64xf32, #tpu.memory_space<vmem_shared>>)
    %dma_start3A_649 = arith.constant 6600 : i32
    %dma_start3A_650 = tpu.memref_slice %arg5[%dma_start3A_649] : memref<10000xi32, #tpu.memory_space<vmem>> -> memref<200xi32, #tpu.memory_space<vmem>>
    %dma_start3A_651 = arith.constant 0 : i32
    %dma_start3A_652 = arith.constant 0 : i32
    %dma_start3A_653 = tpu.memref_slice %arg2[%dma_start3A_651, %dma_start3A_652] : memref<10000x64xf32, #tpu.memory_space<hbm>> -> memref<10000x64xf32, #tpu.memory_space<hbm>>
    tpu.enqueue_indirect_dma source(%dma_start3A_653 : memref<10000x64xf32, #tpu.memory_space<hbm>>) target(%arg10 : memref<200x64xf32, #tpu.memory_space<vmem>>) offsets(%dma_start3A_650 : memref<200xi32, #tpu.memory_space<vmem>>) semaphore(%arg14 : memref<!tpu.dma_semaphore, #tpu.memory_space<semaphore_mem>>)
    %dma_wait3A_654 = arith.constant 5800 : i32
    %dma_wait3A_655 = tpu.memref_slice %arg5[%dma_wait3A_654] : memref<10000xi32, #tpu.memory_space<vmem>> -> memref<200xi32, #tpu.memory_space<vmem>>
    %dma_wait3A_656 = arith.constant 0 : i32
    %dma_wait3A_657 = arith.constant 0 : i32
    %dma_wait3A_658 = tpu.memref_slice %arg2[%dma_wait3A_656, %dma_wait3A_657] : memref<10000x64xf32, #tpu.memory_space<hbm>> -> memref<10000x64xf32, #tpu.memory_space<hbm>>
    tpu.wait_indirect_dma semaphore(%arg14 : memref<!tpu.dma_semaphore, #tpu.memory_space<semaphore_mem>>) src(%dma_wait3A_658 : memref<10000x64xf32, #tpu.memory_space<hbm>>) dst(%arg11 : memref<200x64xf32, #tpu.memory_space<vmem>>)
    %dma_start3A_659 = arith.constant 5800 : i32
    %dma_start3A_660 = tpu.memref_slice %arg6[%dma_start3A_659] : memref<10000xi32, #tpu.memory_space<vmem>> -> memref<200xi32, #tpu.memory_space<vmem>>
    %dma_start3A_661 = arith.constant 0 : i32
    %dma_start3A_662 = arith.constant 0 : i32
    %dma_start3A_663 = tpu.memref_slice %arg13[%dma_start3A_661, %dma_start3A_662] : memref<10240x64xf32, #tpu.memory_space<vmem_shared>> -> memref<10240x64xf32, #tpu.memory_space<vmem_shared>>
    tpu.enqueue_indirect_dma source(%arg11 : memref<200x64xf32, #tpu.memory_space<vmem>>) target(%dma_start3A_663 : memref<10240x64xf32, #tpu.memory_space<vmem_shared>>) offsets(%dma_start3A_660 : memref<200xi32, #tpu.memory_space<vmem>>) semaphore(%arg15 : memref<!tpu.dma_semaphore, #tpu.memory_space<semaphore_mem>>) {add = true}
    %dma_wait3A_664 = arith.constant 5800 : i32
    %dma_wait3A_665 = tpu.memref_slice %arg6[%dma_wait3A_664] : memref<10000xi32, #tpu.memory_space<vmem>> -> memref<200xi32, #tpu.memory_space<vmem>>
    %dma_wait3A_666 = arith.constant 0 : i32
    %dma_wait3A_667 = arith.constant 0 : i32
    %dma_wait3A_668 = tpu.memref_slice %arg13[%dma_wait3A_666, %dma_wait3A_667] : memref<10240x64xf32, #tpu.memory_space<vmem_shared>> -> memref<10240x64xf32, #tpu.memory_space<vmem_shared>>
    tpu.wait_indirect_dma semaphore(%arg15 : memref<!tpu.dma_semaphore, #tpu.memory_space<semaphore_mem>>) src(%arg11 : memref<200x64xf32, #tpu.memory_space<vmem>>) dst(%dma_wait3A_668 : memref<10240x64xf32, #tpu.memory_space<vmem_shared>>)
    %dma_start3A_669 = arith.constant 6800 : i32
    %dma_start3A_670 = tpu.memref_slice %arg5[%dma_start3A_669] : memref<10000xi32, #tpu.memory_space<vmem>> -> memref<200xi32, #tpu.memory_space<vmem>>
    %dma_start3A_671 = arith.constant 0 : i32
    %dma_start3A_672 = arith.constant 0 : i32
    %dma_start3A_673 = tpu.memref_slice %arg2[%dma_start3A_671, %dma_start3A_672] : memref<10000x64xf32, #tpu.memory_space<hbm>> -> memref<10000x64xf32, #tpu.memory_space<hbm>>
    tpu.enqueue_indirect_dma source(%dma_start3A_673 : memref<10000x64xf32, #tpu.memory_space<hbm>>) target(%arg11 : memref<200x64xf32, #tpu.memory_space<vmem>>) offsets(%dma_start3A_670 : memref<200xi32, #tpu.memory_space<vmem>>) semaphore(%arg14 : memref<!tpu.dma_semaphore, #tpu.memory_space<semaphore_mem>>)
    %dma_wait3A_674 = arith.constant 6000 : i32
    %dma_wait3A_675 = tpu.memref_slice %arg5[%dma_wait3A_674] : memref<10000xi32, #tpu.memory_space<vmem>> -> memref<200xi32, #tpu.memory_space<vmem>>
    %dma_wait3A_676 = arith.constant 0 : i32
    %dma_wait3A_677 = arith.constant 0 : i32
    %dma_wait3A_678 = tpu.memref_slice %arg2[%dma_wait3A_676, %dma_wait3A_677] : memref<10000x64xf32, #tpu.memory_space<hbm>> -> memref<10000x64xf32, #tpu.memory_space<hbm>>
    tpu.wait_indirect_dma semaphore(%arg14 : memref<!tpu.dma_semaphore, #tpu.memory_space<semaphore_mem>>) src(%dma_wait3A_678 : memref<10000x64xf32, #tpu.memory_space<hbm>>) dst(%arg7 : memref<200x64xf32, #tpu.memory_space<vmem>>)
    %dma_start3A_679 = arith.constant 6000 : i32
    %dma_start3A_680 = tpu.memref_slice %arg6[%dma_start3A_679] : memref<10000xi32, #tpu.memory_space<vmem>> -> memref<200xi32, #tpu.memory_space<vmem>>
    %dma_start3A_681 = arith.constant 0 : i32
    %dma_start3A_682 = arith.constant 0 : i32
    %dma_start3A_683 = tpu.memref_slice %arg13[%dma_start3A_681, %dma_start3A_682] : memref<10240x64xf32, #tpu.memory_space<vmem_shared>> -> memref<10240x64xf32, #tpu.memory_space<vmem_shared>>
    tpu.enqueue_indirect_dma source(%arg7 : memref<200x64xf32, #tpu.memory_space<vmem>>) target(%dma_start3A_683 : memref<10240x64xf32, #tpu.memory_space<vmem_shared>>) offsets(%dma_start3A_680 : memref<200xi32, #tpu.memory_space<vmem>>) semaphore(%arg15 : memref<!tpu.dma_semaphore, #tpu.memory_space<semaphore_mem>>) {add = true}
    %dma_wait3A_684 = arith.constant 6000 : i32
    %dma_wait3A_685 = tpu.memref_slice %arg6[%dma_wait3A_684] : memref<10000xi32, #tpu.memory_space<vmem>> -> memref<200xi32, #tpu.memory_space<vmem>>
    %dma_wait3A_686 = arith.constant 0 : i32
    %dma_wait3A_687 = arith.constant 0 : i32
    %dma_wait3A_688 = tpu.memref_slice %arg13[%dma_wait3A_686, %dma_wait3A_687] : memref<10240x64xf32, #tpu.memory_space<vmem_shared>> -> memref<10240x64xf32, #tpu.memory_space<vmem_shared>>
    tpu.wait_indirect_dma semaphore(%arg15 : memref<!tpu.dma_semaphore, #tpu.memory_space<semaphore_mem>>) src(%arg7 : memref<200x64xf32, #tpu.memory_space<vmem>>) dst(%dma_wait3A_688 : memref<10240x64xf32, #tpu.memory_space<vmem_shared>>)
    %dma_start3A_689 = arith.constant 7000 : i32
    %dma_start3A_690 = tpu.memref_slice %arg5[%dma_start3A_689] : memref<10000xi32, #tpu.memory_space<vmem>> -> memref<200xi32, #tpu.memory_space<vmem>>
    %dma_start3A_691 = arith.constant 0 : i32
    %dma_start3A_692 = arith.constant 0 : i32
    %dma_start3A_693 = tpu.memref_slice %arg2[%dma_start3A_691, %dma_start3A_692] : memref<10000x64xf32, #tpu.memory_space<hbm>> -> memref<10000x64xf32, #tpu.memory_space<hbm>>
    tpu.enqueue_indirect_dma source(%dma_start3A_693 : memref<10000x64xf32, #tpu.memory_space<hbm>>) target(%arg7 : memref<200x64xf32, #tpu.memory_space<vmem>>) offsets(%dma_start3A_690 : memref<200xi32, #tpu.memory_space<vmem>>) semaphore(%arg14 : memref<!tpu.dma_semaphore, #tpu.memory_space<semaphore_mem>>)
    %dma_wait3A_694 = arith.constant 6200 : i32
    %dma_wait3A_695 = tpu.memref_slice %arg5[%dma_wait3A_694] : memref<10000xi32, #tpu.memory_space<vmem>> -> memref<200xi32, #tpu.memory_space<vmem>>
    %dma_wait3A_696 = arith.constant 0 : i32
    %dma_wait3A_697 = arith.constant 0 : i32
    %dma_wait3A_698 = tpu.memref_slice %arg2[%dma_wait3A_696, %dma_wait3A_697] : memref<10000x64xf32, #tpu.memory_space<hbm>> -> memref<10000x64xf32, #tpu.memory_space<hbm>>
    tpu.wait_indirect_dma semaphore(%arg14 : memref<!tpu.dma_semaphore, #tpu.memory_space<semaphore_mem>>) src(%dma_wait3A_698 : memref<10000x64xf32, #tpu.memory_space<hbm>>) dst(%arg8 : memref<200x64xf32, #tpu.memory_space<vmem>>)
    %dma_start3A_699 = arith.constant 6200 : i32
    %dma_start3A_700 = tpu.memref_slice %arg6[%dma_start3A_699] : memref<10000xi32, #tpu.memory_space<vmem>> -> memref<200xi32, #tpu.memory_space<vmem>>
    %dma_start3A_701 = arith.constant 0 : i32
    %dma_start3A_702 = arith.constant 0 : i32
    %dma_start3A_703 = tpu.memref_slice %arg13[%dma_start3A_701, %dma_start3A_702] : memref<10240x64xf32, #tpu.memory_space<vmem_shared>> -> memref<10240x64xf32, #tpu.memory_space<vmem_shared>>
    tpu.enqueue_indirect_dma source(%arg8 : memref<200x64xf32, #tpu.memory_space<vmem>>) target(%dma_start3A_703 : memref<10240x64xf32, #tpu.memory_space<vmem_shared>>) offsets(%dma_start3A_700 : memref<200xi32, #tpu.memory_space<vmem>>) semaphore(%arg15 : memref<!tpu.dma_semaphore, #tpu.memory_space<semaphore_mem>>) {add = true}
    %dma_wait3A_704 = arith.constant 6200 : i32
    %dma_wait3A_705 = tpu.memref_slice %arg6[%dma_wait3A_704] : memref<10000xi32, #tpu.memory_space<vmem>> -> memref<200xi32, #tpu.memory_space<vmem>>
    %dma_wait3A_706 = arith.constant 0 : i32
    %dma_wait3A_707 = arith.constant 0 : i32
    %dma_wait3A_708 = tpu.memref_slice %arg13[%dma_wait3A_706, %dma_wait3A_707] : memref<10240x64xf32, #tpu.memory_space<vmem_shared>> -> memref<10240x64xf32, #tpu.memory_space<vmem_shared>>
    tpu.wait_indirect_dma semaphore(%arg15 : memref<!tpu.dma_semaphore, #tpu.memory_space<semaphore_mem>>) src(%arg8 : memref<200x64xf32, #tpu.memory_space<vmem>>) dst(%dma_wait3A_708 : memref<10240x64xf32, #tpu.memory_space<vmem_shared>>)
    %dma_start3A_709 = arith.constant 7200 : i32
    %dma_start3A_710 = tpu.memref_slice %arg5[%dma_start3A_709] : memref<10000xi32, #tpu.memory_space<vmem>> -> memref<200xi32, #tpu.memory_space<vmem>>
    %dma_start3A_711 = arith.constant 0 : i32
    %dma_start3A_712 = arith.constant 0 : i32
    %dma_start3A_713 = tpu.memref_slice %arg2[%dma_start3A_711, %dma_start3A_712] : memref<10000x64xf32, #tpu.memory_space<hbm>> -> memref<10000x64xf32, #tpu.memory_space<hbm>>
    tpu.enqueue_indirect_dma source(%dma_start3A_713 : memref<10000x64xf32, #tpu.memory_space<hbm>>) target(%arg8 : memref<200x64xf32, #tpu.memory_space<vmem>>) offsets(%dma_start3A_710 : memref<200xi32, #tpu.memory_space<vmem>>) semaphore(%arg14 : memref<!tpu.dma_semaphore, #tpu.memory_space<semaphore_mem>>)
    %dma_wait3A_714 = arith.constant 6400 : i32
    %dma_wait3A_715 = tpu.memref_slice %arg5[%dma_wait3A_714] : memref<10000xi32, #tpu.memory_space<vmem>> -> memref<200xi32, #tpu.memory_space<vmem>>
    %dma_wait3A_716 = arith.constant 0 : i32
    %dma_wait3A_717 = arith.constant 0 : i32
    %dma_wait3A_718 = tpu.memref_slice %arg2[%dma_wait3A_716, %dma_wait3A_717] : memref<10000x64xf32, #tpu.memory_space<hbm>> -> memref<10000x64xf32, #tpu.memory_space<hbm>>
    tpu.wait_indirect_dma semaphore(%arg14 : memref<!tpu.dma_semaphore, #tpu.memory_space<semaphore_mem>>) src(%dma_wait3A_718 : memref<10000x64xf32, #tpu.memory_space<hbm>>) dst(%arg9 : memref<200x64xf32, #tpu.memory_space<vmem>>)
    %dma_start3A_719 = arith.constant 6400 : i32
    %dma_start3A_720 = tpu.memref_slice %arg6[%dma_start3A_719] : memref<10000xi32, #tpu.memory_space<vmem>> -> memref<200xi32, #tpu.memory_space<vmem>>
    %dma_start3A_721 = arith.constant 0 : i32
    %dma_start3A_722 = arith.constant 0 : i32
    %dma_start3A_723 = tpu.memref_slice %arg13[%dma_start3A_721, %dma_start3A_722] : memref<10240x64xf32, #tpu.memory_space<vmem_shared>> -> memref<10240x64xf32, #tpu.memory_space<vmem_shared>>
    tpu.enqueue_indirect_dma source(%arg9 : memref<200x64xf32, #tpu.memory_space<vmem>>) target(%dma_start3A_723 : memref<10240x64xf32, #tpu.memory_space<vmem_shared>>) offsets(%dma_start3A_720 : memref<200xi32, #tpu.memory_space<vmem>>) semaphore(%arg15 : memref<!tpu.dma_semaphore, #tpu.memory_space<semaphore_mem>>) {add = true}
    %dma_wait3A_724 = arith.constant 6400 : i32
    %dma_wait3A_725 = tpu.memref_slice %arg6[%dma_wait3A_724] : memref<10000xi32, #tpu.memory_space<vmem>> -> memref<200xi32, #tpu.memory_space<vmem>>
    %dma_wait3A_726 = arith.constant 0 : i32
    %dma_wait3A_727 = arith.constant 0 : i32
    %dma_wait3A_728 = tpu.memref_slice %arg13[%dma_wait3A_726, %dma_wait3A_727] : memref<10240x64xf32, #tpu.memory_space<vmem_shared>> -> memref<10240x64xf32, #tpu.memory_space<vmem_shared>>
    tpu.wait_indirect_dma semaphore(%arg15 : memref<!tpu.dma_semaphore, #tpu.memory_space<semaphore_mem>>) src(%arg9 : memref<200x64xf32, #tpu.memory_space<vmem>>) dst(%dma_wait3A_728 : memref<10240x64xf32, #tpu.memory_space<vmem_shared>>)
    %dma_start3A_729 = arith.constant 7400 : i32
    %dma_start3A_730 = tpu.memref_slice %arg5[%dma_start3A_729] : memref<10000xi32, #tpu.memory_space<vmem>> -> memref<200xi32, #tpu.memory_space<vmem>>
    %dma_start3A_731 = arith.constant 0 : i32
    %dma_start3A_732 = arith.constant 0 : i32
    %dma_start3A_733 = tpu.memref_slice %arg2[%dma_start3A_731, %dma_start3A_732] : memref<10000x64xf32, #tpu.memory_space<hbm>> -> memref<10000x64xf32, #tpu.memory_space<hbm>>
    tpu.enqueue_indirect_dma source(%dma_start3A_733 : memref<10000x64xf32, #tpu.memory_space<hbm>>) target(%arg9 : memref<200x64xf32, #tpu.memory_space<vmem>>) offsets(%dma_start3A_730 : memref<200xi32, #tpu.memory_space<vmem>>) semaphore(%arg14 : memref<!tpu.dma_semaphore, #tpu.memory_space<semaphore_mem>>)
    %dma_wait3A_734 = arith.constant 6600 : i32
    %dma_wait3A_735 = tpu.memref_slice %arg5[%dma_wait3A_734] : memref<10000xi32, #tpu.memory_space<vmem>> -> memref<200xi32, #tpu.memory_space<vmem>>
    %dma_wait3A_736 = arith.constant 0 : i32
    %dma_wait3A_737 = arith.constant 0 : i32
    %dma_wait3A_738 = tpu.memref_slice %arg2[%dma_wait3A_736, %dma_wait3A_737] : memref<10000x64xf32, #tpu.memory_space<hbm>> -> memref<10000x64xf32, #tpu.memory_space<hbm>>
    tpu.wait_indirect_dma semaphore(%arg14 : memref<!tpu.dma_semaphore, #tpu.memory_space<semaphore_mem>>) src(%dma_wait3A_738 : memref<10000x64xf32, #tpu.memory_space<hbm>>) dst(%arg10 : memref<200x64xf32, #tpu.memory_space<vmem>>)
    %dma_start3A_739 = arith.constant 6600 : i32
    %dma_start3A_740 = tpu.memref_slice %arg6[%dma_start3A_739] : memref<10000xi32, #tpu.memory_space<vmem>> -> memref<200xi32, #tpu.memory_space<vmem>>
    %dma_start3A_741 = arith.constant 0 : i32
    %dma_start3A_742 = arith.constant 0 : i32
    %dma_start3A_743 = tpu.memref_slice %arg13[%dma_start3A_741, %dma_start3A_742] : memref<10240x64xf32, #tpu.memory_space<vmem_shared>> -> memref<10240x64xf32, #tpu.memory_space<vmem_shared>>
    tpu.enqueue_indirect_dma source(%arg10 : memref<200x64xf32, #tpu.memory_space<vmem>>) target(%dma_start3A_743 : memref<10240x64xf32, #tpu.memory_space<vmem_shared>>) offsets(%dma_start3A_740 : memref<200xi32, #tpu.memory_space<vmem>>) semaphore(%arg15 : memref<!tpu.dma_semaphore, #tpu.memory_space<semaphore_mem>>) {add = true}
    %dma_wait3A_744 = arith.constant 6600 : i32
    %dma_wait3A_745 = tpu.memref_slice %arg6[%dma_wait3A_744] : memref<10000xi32, #tpu.memory_space<vmem>> -> memref<200xi32, #tpu.memory_space<vmem>>
    %dma_wait3A_746 = arith.constant 0 : i32
    %dma_wait3A_747 = arith.constant 0 : i32
    %dma_wait3A_748 = tpu.memref_slice %arg13[%dma_wait3A_746, %dma_wait3A_747] : memref<10240x64xf32, #tpu.memory_space<vmem_shared>> -> memref<10240x64xf32, #tpu.memory_space<vmem_shared>>
    tpu.wait_indirect_dma semaphore(%arg15 : memref<!tpu.dma_semaphore, #tpu.memory_space<semaphore_mem>>) src(%arg10 : memref<200x64xf32, #tpu.memory_space<vmem>>) dst(%dma_wait3A_748 : memref<10240x64xf32, #tpu.memory_space<vmem_shared>>)
    %dma_start3A_749 = arith.constant 7600 : i32
    %dma_start3A_750 = tpu.memref_slice %arg5[%dma_start3A_749] : memref<10000xi32, #tpu.memory_space<vmem>> -> memref<200xi32, #tpu.memory_space<vmem>>
    %dma_start3A_751 = arith.constant 0 : i32
    %dma_start3A_752 = arith.constant 0 : i32
    %dma_start3A_753 = tpu.memref_slice %arg2[%dma_start3A_751, %dma_start3A_752] : memref<10000x64xf32, #tpu.memory_space<hbm>> -> memref<10000x64xf32, #tpu.memory_space<hbm>>
    tpu.enqueue_indirect_dma source(%dma_start3A_753 : memref<10000x64xf32, #tpu.memory_space<hbm>>) target(%arg10 : memref<200x64xf32, #tpu.memory_space<vmem>>) offsets(%dma_start3A_750 : memref<200xi32, #tpu.memory_space<vmem>>) semaphore(%arg14 : memref<!tpu.dma_semaphore, #tpu.memory_space<semaphore_mem>>)
    %dma_wait3A_754 = arith.constant 6800 : i32
    %dma_wait3A_755 = tpu.memref_slice %arg5[%dma_wait3A_754] : memref<10000xi32, #tpu.memory_space<vmem>> -> memref<200xi32, #tpu.memory_space<vmem>>
    %dma_wait3A_756 = arith.constant 0 : i32
    %dma_wait3A_757 = arith.constant 0 : i32
    %dma_wait3A_758 = tpu.memref_slice %arg2[%dma_wait3A_756, %dma_wait3A_757] : memref<10000x64xf32, #tpu.memory_space<hbm>> -> memref<10000x64xf32, #tpu.memory_space<hbm>>
    tpu.wait_indirect_dma semaphore(%arg14 : memref<!tpu.dma_semaphore, #tpu.memory_space<semaphore_mem>>) src(%dma_wait3A_758 : memref<10000x64xf32, #tpu.memory_space<hbm>>) dst(%arg11 : memref<200x64xf32, #tpu.memory_space<vmem>>)
    %dma_start3A_759 = arith.constant 6800 : i32
    %dma_start3A_760 = tpu.memref_slice %arg6[%dma_start3A_759] : memref<10000xi32, #tpu.memory_space<vmem>> -> memref<200xi32, #tpu.memory_space<vmem>>
    %dma_start3A_761 = arith.constant 0 : i32
    %dma_start3A_762 = arith.constant 0 : i32
    %dma_start3A_763 = tpu.memref_slice %arg13[%dma_start3A_761, %dma_start3A_762] : memref<10240x64xf32, #tpu.memory_space<vmem_shared>> -> memref<10240x64xf32, #tpu.memory_space<vmem_shared>>
    tpu.enqueue_indirect_dma source(%arg11 : memref<200x64xf32, #tpu.memory_space<vmem>>) target(%dma_start3A_763 : memref<10240x64xf32, #tpu.memory_space<vmem_shared>>) offsets(%dma_start3A_760 : memref<200xi32, #tpu.memory_space<vmem>>) semaphore(%arg15 : memref<!tpu.dma_semaphore, #tpu.memory_space<semaphore_mem>>) {add = true}
    %dma_wait3A_764 = arith.constant 6800 : i32
    %dma_wait3A_765 = tpu.memref_slice %arg6[%dma_wait3A_764] : memref<10000xi32, #tpu.memory_space<vmem>> -> memref<200xi32, #tpu.memory_space<vmem>>
    %dma_wait3A_766 = arith.constant 0 : i32
    %dma_wait3A_767 = arith.constant 0 : i32
    %dma_wait3A_768 = tpu.memref_slice %arg13[%dma_wait3A_766, %dma_wait3A_767] : memref<10240x64xf32, #tpu.memory_space<vmem_shared>> -> memref<10240x64xf32, #tpu.memory_space<vmem_shared>>
    tpu.wait_indirect_dma semaphore(%arg15 : memref<!tpu.dma_semaphore, #tpu.memory_space<semaphore_mem>>) src(%arg11 : memref<200x64xf32, #tpu.memory_space<vmem>>) dst(%dma_wait3A_768 : memref<10240x64xf32, #tpu.memory_space<vmem_shared>>)
    %dma_start3A_769 = arith.constant 7800 : i32
    %dma_start3A_770 = tpu.memref_slice %arg5[%dma_start3A_769] : memref<10000xi32, #tpu.memory_space<vmem>> -> memref<200xi32, #tpu.memory_space<vmem>>
    %dma_start3A_771 = arith.constant 0 : i32
    %dma_start3A_772 = arith.constant 0 : i32
    %dma_start3A_773 = tpu.memref_slice %arg2[%dma_start3A_771, %dma_start3A_772] : memref<10000x64xf32, #tpu.memory_space<hbm>> -> memref<10000x64xf32, #tpu.memory_space<hbm>>
    tpu.enqueue_indirect_dma source(%dma_start3A_773 : memref<10000x64xf32, #tpu.memory_space<hbm>>) target(%arg11 : memref<200x64xf32, #tpu.memory_space<vmem>>) offsets(%dma_start3A_770 : memref<200xi32, #tpu.memory_space<vmem>>) semaphore(%arg14 : memref<!tpu.dma_semaphore, #tpu.memory_space<semaphore_mem>>)
    %dma_wait3A_774 = arith.constant 7000 : i32
    %dma_wait3A_775 = tpu.memref_slice %arg5[%dma_wait3A_774] : memref<10000xi32, #tpu.memory_space<vmem>> -> memref<200xi32, #tpu.memory_space<vmem>>
    %dma_wait3A_776 = arith.constant 0 : i32
    %dma_wait3A_777 = arith.constant 0 : i32
    %dma_wait3A_778 = tpu.memref_slice %arg2[%dma_wait3A_776, %dma_wait3A_777] : memref<10000x64xf32, #tpu.memory_space<hbm>> -> memref<10000x64xf32, #tpu.memory_space<hbm>>
    tpu.wait_indirect_dma semaphore(%arg14 : memref<!tpu.dma_semaphore, #tpu.memory_space<semaphore_mem>>) src(%dma_wait3A_778 : memref<10000x64xf32, #tpu.memory_space<hbm>>) dst(%arg7 : memref<200x64xf32, #tpu.memory_space<vmem>>)
    %dma_start3A_779 = arith.constant 7000 : i32
    %dma_start3A_780 = tpu.memref_slice %arg6[%dma_start3A_779] : memref<10000xi32, #tpu.memory_space<vmem>> -> memref<200xi32, #tpu.memory_space<vmem>>
    %dma_start3A_781 = arith.constant 0 : i32
    %dma_start3A_782 = arith.constant 0 : i32
    %dma_start3A_783 = tpu.memref_slice %arg13[%dma_start3A_781, %dma_start3A_782] : memref<10240x64xf32, #tpu.memory_space<vmem_shared>> -> memref<10240x64xf32, #tpu.memory_space<vmem_shared>>
    tpu.enqueue_indirect_dma source(%arg7 : memref<200x64xf32, #tpu.memory_space<vmem>>) target(%dma_start3A_783 : memref<10240x64xf32, #tpu.memory_space<vmem_shared>>) offsets(%dma_start3A_780 : memref<200xi32, #tpu.memory_space<vmem>>) semaphore(%arg15 : memref<!tpu.dma_semaphore, #tpu.memory_space<semaphore_mem>>) {add = true}
    %dma_wait3A_784 = arith.constant 7000 : i32
    %dma_wait3A_785 = tpu.memref_slice %arg6[%dma_wait3A_784] : memref<10000xi32, #tpu.memory_space<vmem>> -> memref<200xi32, #tpu.memory_space<vmem>>
    %dma_wait3A_786 = arith.constant 0 : i32
    %dma_wait3A_787 = arith.constant 0 : i32
    %dma_wait3A_788 = tpu.memref_slice %arg13[%dma_wait3A_786, %dma_wait3A_787] : memref<10240x64xf32, #tpu.memory_space<vmem_shared>> -> memref<10240x64xf32, #tpu.memory_space<vmem_shared>>
    tpu.wait_indirect_dma semaphore(%arg15 : memref<!tpu.dma_semaphore, #tpu.memory_space<semaphore_mem>>) src(%arg7 : memref<200x64xf32, #tpu.memory_space<vmem>>) dst(%dma_wait3A_788 : memref<10240x64xf32, #tpu.memory_space<vmem_shared>>)
    %dma_start3A_789 = arith.constant 8000 : i32
    %dma_start3A_790 = tpu.memref_slice %arg5[%dma_start3A_789] : memref<10000xi32, #tpu.memory_space<vmem>> -> memref<200xi32, #tpu.memory_space<vmem>>
    %dma_start3A_791 = arith.constant 0 : i32
    %dma_start3A_792 = arith.constant 0 : i32
    %dma_start3A_793 = tpu.memref_slice %arg2[%dma_start3A_791, %dma_start3A_792] : memref<10000x64xf32, #tpu.memory_space<hbm>> -> memref<10000x64xf32, #tpu.memory_space<hbm>>
    tpu.enqueue_indirect_dma source(%dma_start3A_793 : memref<10000x64xf32, #tpu.memory_space<hbm>>) target(%arg7 : memref<200x64xf32, #tpu.memory_space<vmem>>) offsets(%dma_start3A_790 : memref<200xi32, #tpu.memory_space<vmem>>) semaphore(%arg14 : memref<!tpu.dma_semaphore, #tpu.memory_space<semaphore_mem>>)
    %dma_wait3A_794 = arith.constant 7200 : i32
    %dma_wait3A_795 = tpu.memref_slice %arg5[%dma_wait3A_794] : memref<10000xi32, #tpu.memory_space<vmem>> -> memref<200xi32, #tpu.memory_space<vmem>>
    %dma_wait3A_796 = arith.constant 0 : i32
    %dma_wait3A_797 = arith.constant 0 : i32
    %dma_wait3A_798 = tpu.memref_slice %arg2[%dma_wait3A_796, %dma_wait3A_797] : memref<10000x64xf32, #tpu.memory_space<hbm>> -> memref<10000x64xf32, #tpu.memory_space<hbm>>
    tpu.wait_indirect_dma semaphore(%arg14 : memref<!tpu.dma_semaphore, #tpu.memory_space<semaphore_mem>>) src(%dma_wait3A_798 : memref<10000x64xf32, #tpu.memory_space<hbm>>) dst(%arg8 : memref<200x64xf32, #tpu.memory_space<vmem>>)
    %dma_start3A_799 = arith.constant 7200 : i32
    %dma_start3A_800 = tpu.memref_slice %arg6[%dma_start3A_799] : memref<10000xi32, #tpu.memory_space<vmem>> -> memref<200xi32, #tpu.memory_space<vmem>>
    %dma_start3A_801 = arith.constant 0 : i32
    %dma_start3A_802 = arith.constant 0 : i32
    %dma_start3A_803 = tpu.memref_slice %arg13[%dma_start3A_801, %dma_start3A_802] : memref<10240x64xf32, #tpu.memory_space<vmem_shared>> -> memref<10240x64xf32, #tpu.memory_space<vmem_shared>>
    tpu.enqueue_indirect_dma source(%arg8 : memref<200x64xf32, #tpu.memory_space<vmem>>) target(%dma_start3A_803 : memref<10240x64xf32, #tpu.memory_space<vmem_shared>>) offsets(%dma_start3A_800 : memref<200xi32, #tpu.memory_space<vmem>>) semaphore(%arg15 : memref<!tpu.dma_semaphore, #tpu.memory_space<semaphore_mem>>) {add = true}
    %dma_wait3A_804 = arith.constant 7200 : i32
    %dma_wait3A_805 = tpu.memref_slice %arg6[%dma_wait3A_804] : memref<10000xi32, #tpu.memory_space<vmem>> -> memref<200xi32, #tpu.memory_space<vmem>>
    %dma_wait3A_806 = arith.constant 0 : i32
    %dma_wait3A_807 = arith.constant 0 : i32
    %dma_wait3A_808 = tpu.memref_slice %arg13[%dma_wait3A_806, %dma_wait3A_807] : memref<10240x64xf32, #tpu.memory_space<vmem_shared>> -> memref<10240x64xf32, #tpu.memory_space<vmem_shared>>
    tpu.wait_indirect_dma semaphore(%arg15 : memref<!tpu.dma_semaphore, #tpu.memory_space<semaphore_mem>>) src(%arg8 : memref<200x64xf32, #tpu.memory_space<vmem>>) dst(%dma_wait3A_808 : memref<10240x64xf32, #tpu.memory_space<vmem_shared>>)
    %dma_start3A_809 = arith.constant 8200 : i32
    %dma_start3A_810 = tpu.memref_slice %arg5[%dma_start3A_809] : memref<10000xi32, #tpu.memory_space<vmem>> -> memref<200xi32, #tpu.memory_space<vmem>>
    %dma_start3A_811 = arith.constant 0 : i32
    %dma_start3A_812 = arith.constant 0 : i32
    %dma_start3A_813 = tpu.memref_slice %arg2[%dma_start3A_811, %dma_start3A_812] : memref<10000x64xf32, #tpu.memory_space<hbm>> -> memref<10000x64xf32, #tpu.memory_space<hbm>>
    tpu.enqueue_indirect_dma source(%dma_start3A_813 : memref<10000x64xf32, #tpu.memory_space<hbm>>) target(%arg8 : memref<200x64xf32, #tpu.memory_space<vmem>>) offsets(%dma_start3A_810 : memref<200xi32, #tpu.memory_space<vmem>>) semaphore(%arg14 : memref<!tpu.dma_semaphore, #tpu.memory_space<semaphore_mem>>)
    %dma_wait3A_814 = arith.constant 7400 : i32
    %dma_wait3A_815 = tpu.memref_slice %arg5[%dma_wait3A_814] : memref<10000xi32, #tpu.memory_space<vmem>> -> memref<200xi32, #tpu.memory_space<vmem>>
    %dma_wait3A_816 = arith.constant 0 : i32
    %dma_wait3A_817 = arith.constant 0 : i32
    %dma_wait3A_818 = tpu.memref_slice %arg2[%dma_wait3A_816, %dma_wait3A_817] : memref<10000x64xf32, #tpu.memory_space<hbm>> -> memref<10000x64xf32, #tpu.memory_space<hbm>>
    tpu.wait_indirect_dma semaphore(%arg14 : memref<!tpu.dma_semaphore, #tpu.memory_space<semaphore_mem>>) src(%dma_wait3A_818 : memref<10000x64xf32, #tpu.memory_space<hbm>>) dst(%arg9 : memref<200x64xf32, #tpu.memory_space<vmem>>)
    %dma_start3A_819 = arith.constant 7400 : i32
    %dma_start3A_820 = tpu.memref_slice %arg6[%dma_start3A_819] : memref<10000xi32, #tpu.memory_space<vmem>> -> memref<200xi32, #tpu.memory_space<vmem>>
    %dma_start3A_821 = arith.constant 0 : i32
    %dma_start3A_822 = arith.constant 0 : i32
    %dma_start3A_823 = tpu.memref_slice %arg13[%dma_start3A_821, %dma_start3A_822] : memref<10240x64xf32, #tpu.memory_space<vmem_shared>> -> memref<10240x64xf32, #tpu.memory_space<vmem_shared>>
    tpu.enqueue_indirect_dma source(%arg9 : memref<200x64xf32, #tpu.memory_space<vmem>>) target(%dma_start3A_823 : memref<10240x64xf32, #tpu.memory_space<vmem_shared>>) offsets(%dma_start3A_820 : memref<200xi32, #tpu.memory_space<vmem>>) semaphore(%arg15 : memref<!tpu.dma_semaphore, #tpu.memory_space<semaphore_mem>>) {add = true}
    %dma_wait3A_824 = arith.constant 7400 : i32
    %dma_wait3A_825 = tpu.memref_slice %arg6[%dma_wait3A_824] : memref<10000xi32, #tpu.memory_space<vmem>> -> memref<200xi32, #tpu.memory_space<vmem>>
    %dma_wait3A_826 = arith.constant 0 : i32
    %dma_wait3A_827 = arith.constant 0 : i32
    %dma_wait3A_828 = tpu.memref_slice %arg13[%dma_wait3A_826, %dma_wait3A_827] : memref<10240x64xf32, #tpu.memory_space<vmem_shared>> -> memref<10240x64xf32, #tpu.memory_space<vmem_shared>>
    tpu.wait_indirect_dma semaphore(%arg15 : memref<!tpu.dma_semaphore, #tpu.memory_space<semaphore_mem>>) src(%arg9 : memref<200x64xf32, #tpu.memory_space<vmem>>) dst(%dma_wait3A_828 : memref<10240x64xf32, #tpu.memory_space<vmem_shared>>)
    %dma_start3A_829 = arith.constant 8400 : i32
    %dma_start3A_830 = tpu.memref_slice %arg5[%dma_start3A_829] : memref<10000xi32, #tpu.memory_space<vmem>> -> memref<200xi32, #tpu.memory_space<vmem>>
    %dma_start3A_831 = arith.constant 0 : i32
    %dma_start3A_832 = arith.constant 0 : i32
    %dma_start3A_833 = tpu.memref_slice %arg2[%dma_start3A_831, %dma_start3A_832] : memref<10000x64xf32, #tpu.memory_space<hbm>> -> memref<10000x64xf32, #tpu.memory_space<hbm>>
    tpu.enqueue_indirect_dma source(%dma_start3A_833 : memref<10000x64xf32, #tpu.memory_space<hbm>>) target(%arg9 : memref<200x64xf32, #tpu.memory_space<vmem>>) offsets(%dma_start3A_830 : memref<200xi32, #tpu.memory_space<vmem>>) semaphore(%arg14 : memref<!tpu.dma_semaphore, #tpu.memory_space<semaphore_mem>>)
    %dma_wait3A_834 = arith.constant 7600 : i32
    %dma_wait3A_835 = tpu.memref_slice %arg5[%dma_wait3A_834] : memref<10000xi32, #tpu.memory_space<vmem>> -> memref<200xi32, #tpu.memory_space<vmem>>
    %dma_wait3A_836 = arith.constant 0 : i32
    %dma_wait3A_837 = arith.constant 0 : i32
    %dma_wait3A_838 = tpu.memref_slice %arg2[%dma_wait3A_836, %dma_wait3A_837] : memref<10000x64xf32, #tpu.memory_space<hbm>> -> memref<10000x64xf32, #tpu.memory_space<hbm>>
    tpu.wait_indirect_dma semaphore(%arg14 : memref<!tpu.dma_semaphore, #tpu.memory_space<semaphore_mem>>) src(%dma_wait3A_838 : memref<10000x64xf32, #tpu.memory_space<hbm>>) dst(%arg10 : memref<200x64xf32, #tpu.memory_space<vmem>>)
    %dma_start3A_839 = arith.constant 7600 : i32
    %dma_start3A_840 = tpu.memref_slice %arg6[%dma_start3A_839] : memref<10000xi32, #tpu.memory_space<vmem>> -> memref<200xi32, #tpu.memory_space<vmem>>
    %dma_start3A_841 = arith.constant 0 : i32
    %dma_start3A_842 = arith.constant 0 : i32
    %dma_start3A_843 = tpu.memref_slice %arg13[%dma_start3A_841, %dma_start3A_842] : memref<10240x64xf32, #tpu.memory_space<vmem_shared>> -> memref<10240x64xf32, #tpu.memory_space<vmem_shared>>
    tpu.enqueue_indirect_dma source(%arg10 : memref<200x64xf32, #tpu.memory_space<vmem>>) target(%dma_start3A_843 : memref<10240x64xf32, #tpu.memory_space<vmem_shared>>) offsets(%dma_start3A_840 : memref<200xi32, #tpu.memory_space<vmem>>) semaphore(%arg15 : memref<!tpu.dma_semaphore, #tpu.memory_space<semaphore_mem>>) {add = true}
    %dma_wait3A_844 = arith.constant 7600 : i32
    %dma_wait3A_845 = tpu.memref_slice %arg6[%dma_wait3A_844] : memref<10000xi32, #tpu.memory_space<vmem>> -> memref<200xi32, #tpu.memory_space<vmem>>
    %dma_wait3A_846 = arith.constant 0 : i32
    %dma_wait3A_847 = arith.constant 0 : i32
    %dma_wait3A_848 = tpu.memref_slice %arg13[%dma_wait3A_846, %dma_wait3A_847] : memref<10240x64xf32, #tpu.memory_space<vmem_shared>> -> memref<10240x64xf32, #tpu.memory_space<vmem_shared>>
    tpu.wait_indirect_dma semaphore(%arg15 : memref<!tpu.dma_semaphore, #tpu.memory_space<semaphore_mem>>) src(%arg10 : memref<200x64xf32, #tpu.memory_space<vmem>>) dst(%dma_wait3A_848 : memref<10240x64xf32, #tpu.memory_space<vmem_shared>>)
    %dma_start3A_849 = arith.constant 8600 : i32
    %dma_start3A_850 = tpu.memref_slice %arg5[%dma_start3A_849] : memref<10000xi32, #tpu.memory_space<vmem>> -> memref<200xi32, #tpu.memory_space<vmem>>
    %dma_start3A_851 = arith.constant 0 : i32
    %dma_start3A_852 = arith.constant 0 : i32
    %dma_start3A_853 = tpu.memref_slice %arg2[%dma_start3A_851, %dma_start3A_852] : memref<10000x64xf32, #tpu.memory_space<hbm>> -> memref<10000x64xf32, #tpu.memory_space<hbm>>
    tpu.enqueue_indirect_dma source(%dma_start3A_853 : memref<10000x64xf32, #tpu.memory_space<hbm>>) target(%arg10 : memref<200x64xf32, #tpu.memory_space<vmem>>) offsets(%dma_start3A_850 : memref<200xi32, #tpu.memory_space<vmem>>) semaphore(%arg14 : memref<!tpu.dma_semaphore, #tpu.memory_space<semaphore_mem>>)
    %dma_wait3A_854 = arith.constant 7800 : i32
    %dma_wait3A_855 = tpu.memref_slice %arg5[%dma_wait3A_854] : memref<10000xi32, #tpu.memory_space<vmem>> -> memref<200xi32, #tpu.memory_space<vmem>>
    %dma_wait3A_856 = arith.constant 0 : i32
    %dma_wait3A_857 = arith.constant 0 : i32
    %dma_wait3A_858 = tpu.memref_slice %arg2[%dma_wait3A_856, %dma_wait3A_857] : memref<10000x64xf32, #tpu.memory_space<hbm>> -> memref<10000x64xf32, #tpu.memory_space<hbm>>
    tpu.wait_indirect_dma semaphore(%arg14 : memref<!tpu.dma_semaphore, #tpu.memory_space<semaphore_mem>>) src(%dma_wait3A_858 : memref<10000x64xf32, #tpu.memory_space<hbm>>) dst(%arg11 : memref<200x64xf32, #tpu.memory_space<vmem>>)
    %dma_start3A_859 = arith.constant 7800 : i32
    %dma_start3A_860 = tpu.memref_slice %arg6[%dma_start3A_859] : memref<10000xi32, #tpu.memory_space<vmem>> -> memref<200xi32, #tpu.memory_space<vmem>>
    %dma_start3A_861 = arith.constant 0 : i32
    %dma_start3A_862 = arith.constant 0 : i32
    %dma_start3A_863 = tpu.memref_slice %arg13[%dma_start3A_861, %dma_start3A_862] : memref<10240x64xf32, #tpu.memory_space<vmem_shared>> -> memref<10240x64xf32, #tpu.memory_space<vmem_shared>>
    tpu.enqueue_indirect_dma source(%arg11 : memref<200x64xf32, #tpu.memory_space<vmem>>) target(%dma_start3A_863 : memref<10240x64xf32, #tpu.memory_space<vmem_shared>>) offsets(%dma_start3A_860 : memref<200xi32, #tpu.memory_space<vmem>>) semaphore(%arg15 : memref<!tpu.dma_semaphore, #tpu.memory_space<semaphore_mem>>) {add = true}
    %dma_wait3A_864 = arith.constant 7800 : i32
    %dma_wait3A_865 = tpu.memref_slice %arg6[%dma_wait3A_864] : memref<10000xi32, #tpu.memory_space<vmem>> -> memref<200xi32, #tpu.memory_space<vmem>>
    %dma_wait3A_866 = arith.constant 0 : i32
    %dma_wait3A_867 = arith.constant 0 : i32
    %dma_wait3A_868 = tpu.memref_slice %arg13[%dma_wait3A_866, %dma_wait3A_867] : memref<10240x64xf32, #tpu.memory_space<vmem_shared>> -> memref<10240x64xf32, #tpu.memory_space<vmem_shared>>
    tpu.wait_indirect_dma semaphore(%arg15 : memref<!tpu.dma_semaphore, #tpu.memory_space<semaphore_mem>>) src(%arg11 : memref<200x64xf32, #tpu.memory_space<vmem>>) dst(%dma_wait3A_868 : memref<10240x64xf32, #tpu.memory_space<vmem_shared>>)
    %dma_start3A_869 = arith.constant 8800 : i32
    %dma_start3A_870 = tpu.memref_slice %arg5[%dma_start3A_869] : memref<10000xi32, #tpu.memory_space<vmem>> -> memref<200xi32, #tpu.memory_space<vmem>>
    %dma_start3A_871 = arith.constant 0 : i32
    %dma_start3A_872 = arith.constant 0 : i32
    %dma_start3A_873 = tpu.memref_slice %arg2[%dma_start3A_871, %dma_start3A_872] : memref<10000x64xf32, #tpu.memory_space<hbm>> -> memref<10000x64xf32, #tpu.memory_space<hbm>>
    tpu.enqueue_indirect_dma source(%dma_start3A_873 : memref<10000x64xf32, #tpu.memory_space<hbm>>) target(%arg11 : memref<200x64xf32, #tpu.memory_space<vmem>>) offsets(%dma_start3A_870 : memref<200xi32, #tpu.memory_space<vmem>>) semaphore(%arg14 : memref<!tpu.dma_semaphore, #tpu.memory_space<semaphore_mem>>)
    %dma_wait3A_874 = arith.constant 8000 : i32
    %dma_wait3A_875 = tpu.memref_slice %arg5[%dma_wait3A_874] : memref<10000xi32, #tpu.memory_space<vmem>> -> memref<200xi32, #tpu.memory_space<vmem>>
    %dma_wait3A_876 = arith.constant 0 : i32
    %dma_wait3A_877 = arith.constant 0 : i32
    %dma_wait3A_878 = tpu.memref_slice %arg2[%dma_wait3A_876, %dma_wait3A_877] : memref<10000x64xf32, #tpu.memory_space<hbm>> -> memref<10000x64xf32, #tpu.memory_space<hbm>>
    tpu.wait_indirect_dma semaphore(%arg14 : memref<!tpu.dma_semaphore, #tpu.memory_space<semaphore_mem>>) src(%dma_wait3A_878 : memref<10000x64xf32, #tpu.memory_space<hbm>>) dst(%arg7 : memref<200x64xf32, #tpu.memory_space<vmem>>)
    %dma_start3A_879 = arith.constant 8000 : i32
    %dma_start3A_880 = tpu.memref_slice %arg6[%dma_start3A_879] : memref<10000xi32, #tpu.memory_space<vmem>> -> memref<200xi32, #tpu.memory_space<vmem>>
    %dma_start3A_881 = arith.constant 0 : i32
    %dma_start3A_882 = arith.constant 0 : i32
    %dma_start3A_883 = tpu.memref_slice %arg13[%dma_start3A_881, %dma_start3A_882] : memref<10240x64xf32, #tpu.memory_space<vmem_shared>> -> memref<10240x64xf32, #tpu.memory_space<vmem_shared>>
    tpu.enqueue_indirect_dma source(%arg7 : memref<200x64xf32, #tpu.memory_space<vmem>>) target(%dma_start3A_883 : memref<10240x64xf32, #tpu.memory_space<vmem_shared>>) offsets(%dma_start3A_880 : memref<200xi32, #tpu.memory_space<vmem>>) semaphore(%arg15 : memref<!tpu.dma_semaphore, #tpu.memory_space<semaphore_mem>>) {add = true}
    %dma_wait3A_884 = arith.constant 8000 : i32
    %dma_wait3A_885 = tpu.memref_slice %arg6[%dma_wait3A_884] : memref<10000xi32, #tpu.memory_space<vmem>> -> memref<200xi32, #tpu.memory_space<vmem>>
    %dma_wait3A_886 = arith.constant 0 : i32
    %dma_wait3A_887 = arith.constant 0 : i32
    %dma_wait3A_888 = tpu.memref_slice %arg13[%dma_wait3A_886, %dma_wait3A_887] : memref<10240x64xf32, #tpu.memory_space<vmem_shared>> -> memref<10240x64xf32, #tpu.memory_space<vmem_shared>>
    tpu.wait_indirect_dma semaphore(%arg15 : memref<!tpu.dma_semaphore, #tpu.memory_space<semaphore_mem>>) src(%arg7 : memref<200x64xf32, #tpu.memory_space<vmem>>) dst(%dma_wait3A_888 : memref<10240x64xf32, #tpu.memory_space<vmem_shared>>)
    %dma_start3A_889 = arith.constant 9000 : i32
    %dma_start3A_890 = tpu.memref_slice %arg5[%dma_start3A_889] : memref<10000xi32, #tpu.memory_space<vmem>> -> memref<200xi32, #tpu.memory_space<vmem>>
    %dma_start3A_891 = arith.constant 0 : i32
    %dma_start3A_892 = arith.constant 0 : i32
    %dma_start3A_893 = tpu.memref_slice %arg2[%dma_start3A_891, %dma_start3A_892] : memref<10000x64xf32, #tpu.memory_space<hbm>> -> memref<10000x64xf32, #tpu.memory_space<hbm>>
    tpu.enqueue_indirect_dma source(%dma_start3A_893 : memref<10000x64xf32, #tpu.memory_space<hbm>>) target(%arg7 : memref<200x64xf32, #tpu.memory_space<vmem>>) offsets(%dma_start3A_890 : memref<200xi32, #tpu.memory_space<vmem>>) semaphore(%arg14 : memref<!tpu.dma_semaphore, #tpu.memory_space<semaphore_mem>>)
    %dma_wait3A_894 = arith.constant 8200 : i32
    %dma_wait3A_895 = tpu.memref_slice %arg5[%dma_wait3A_894] : memref<10000xi32, #tpu.memory_space<vmem>> -> memref<200xi32, #tpu.memory_space<vmem>>
    %dma_wait3A_896 = arith.constant 0 : i32
    %dma_wait3A_897 = arith.constant 0 : i32
    %dma_wait3A_898 = tpu.memref_slice %arg2[%dma_wait3A_896, %dma_wait3A_897] : memref<10000x64xf32, #tpu.memory_space<hbm>> -> memref<10000x64xf32, #tpu.memory_space<hbm>>
    tpu.wait_indirect_dma semaphore(%arg14 : memref<!tpu.dma_semaphore, #tpu.memory_space<semaphore_mem>>) src(%dma_wait3A_898 : memref<10000x64xf32, #tpu.memory_space<hbm>>) dst(%arg8 : memref<200x64xf32, #tpu.memory_space<vmem>>)
    %dma_start3A_899 = arith.constant 8200 : i32
    %dma_start3A_900 = tpu.memref_slice %arg6[%dma_start3A_899] : memref<10000xi32, #tpu.memory_space<vmem>> -> memref<200xi32, #tpu.memory_space<vmem>>
    %dma_start3A_901 = arith.constant 0 : i32
    %dma_start3A_902 = arith.constant 0 : i32
    %dma_start3A_903 = tpu.memref_slice %arg13[%dma_start3A_901, %dma_start3A_902] : memref<10240x64xf32, #tpu.memory_space<vmem_shared>> -> memref<10240x64xf32, #tpu.memory_space<vmem_shared>>
    tpu.enqueue_indirect_dma source(%arg8 : memref<200x64xf32, #tpu.memory_space<vmem>>) target(%dma_start3A_903 : memref<10240x64xf32, #tpu.memory_space<vmem_shared>>) offsets(%dma_start3A_900 : memref<200xi32, #tpu.memory_space<vmem>>) semaphore(%arg15 : memref<!tpu.dma_semaphore, #tpu.memory_space<semaphore_mem>>) {add = true}
    %dma_wait3A_904 = arith.constant 8200 : i32
    %dma_wait3A_905 = tpu.memref_slice %arg6[%dma_wait3A_904] : memref<10000xi32, #tpu.memory_space<vmem>> -> memref<200xi32, #tpu.memory_space<vmem>>
    %dma_wait3A_906 = arith.constant 0 : i32
    %dma_wait3A_907 = arith.constant 0 : i32
    %dma_wait3A_908 = tpu.memref_slice %arg13[%dma_wait3A_906, %dma_wait3A_907] : memref<10240x64xf32, #tpu.memory_space<vmem_shared>> -> memref<10240x64xf32, #tpu.memory_space<vmem_shared>>
    tpu.wait_indirect_dma semaphore(%arg15 : memref<!tpu.dma_semaphore, #tpu.memory_space<semaphore_mem>>) src(%arg8 : memref<200x64xf32, #tpu.memory_space<vmem>>) dst(%dma_wait3A_908 : memref<10240x64xf32, #tpu.memory_space<vmem_shared>>)
    %dma_start3A_909 = arith.constant 9200 : i32
    %dma_start3A_910 = tpu.memref_slice %arg5[%dma_start3A_909] : memref<10000xi32, #tpu.memory_space<vmem>> -> memref<200xi32, #tpu.memory_space<vmem>>
    %dma_start3A_911 = arith.constant 0 : i32
    %dma_start3A_912 = arith.constant 0 : i32
    %dma_start3A_913 = tpu.memref_slice %arg2[%dma_start3A_911, %dma_start3A_912] : memref<10000x64xf32, #tpu.memory_space<hbm>> -> memref<10000x64xf32, #tpu.memory_space<hbm>>
    tpu.enqueue_indirect_dma source(%dma_start3A_913 : memref<10000x64xf32, #tpu.memory_space<hbm>>) target(%arg8 : memref<200x64xf32, #tpu.memory_space<vmem>>) offsets(%dma_start3A_910 : memref<200xi32, #tpu.memory_space<vmem>>) semaphore(%arg14 : memref<!tpu.dma_semaphore, #tpu.memory_space<semaphore_mem>>)
    %dma_wait3A_914 = arith.constant 8400 : i32
    %dma_wait3A_915 = tpu.memref_slice %arg5[%dma_wait3A_914] : memref<10000xi32, #tpu.memory_space<vmem>> -> memref<200xi32, #tpu.memory_space<vmem>>
    %dma_wait3A_916 = arith.constant 0 : i32
    %dma_wait3A_917 = arith.constant 0 : i32
    %dma_wait3A_918 = tpu.memref_slice %arg2[%dma_wait3A_916, %dma_wait3A_917] : memref<10000x64xf32, #tpu.memory_space<hbm>> -> memref<10000x64xf32, #tpu.memory_space<hbm>>
    tpu.wait_indirect_dma semaphore(%arg14 : memref<!tpu.dma_semaphore, #tpu.memory_space<semaphore_mem>>) src(%dma_wait3A_918 : memref<10000x64xf32, #tpu.memory_space<hbm>>) dst(%arg9 : memref<200x64xf32, #tpu.memory_space<vmem>>)
    %dma_start3A_919 = arith.constant 8400 : i32
    %dma_start3A_920 = tpu.memref_slice %arg6[%dma_start3A_919] : memref<10000xi32, #tpu.memory_space<vmem>> -> memref<200xi32, #tpu.memory_space<vmem>>
    %dma_start3A_921 = arith.constant 0 : i32
    %dma_start3A_922 = arith.constant 0 : i32
    %dma_start3A_923 = tpu.memref_slice %arg13[%dma_start3A_921, %dma_start3A_922] : memref<10240x64xf32, #tpu.memory_space<vmem_shared>> -> memref<10240x64xf32, #tpu.memory_space<vmem_shared>>
    tpu.enqueue_indirect_dma source(%arg9 : memref<200x64xf32, #tpu.memory_space<vmem>>) target(%dma_start3A_923 : memref<10240x64xf32, #tpu.memory_space<vmem_shared>>) offsets(%dma_start3A_920 : memref<200xi32, #tpu.memory_space<vmem>>) semaphore(%arg15 : memref<!tpu.dma_semaphore, #tpu.memory_space<semaphore_mem>>) {add = true}
    %dma_wait3A_924 = arith.constant 8400 : i32
    %dma_wait3A_925 = tpu.memref_slice %arg6[%dma_wait3A_924] : memref<10000xi32, #tpu.memory_space<vmem>> -> memref<200xi32, #tpu.memory_space<vmem>>
    %dma_wait3A_926 = arith.constant 0 : i32
    %dma_wait3A_927 = arith.constant 0 : i32
    %dma_wait3A_928 = tpu.memref_slice %arg13[%dma_wait3A_926, %dma_wait3A_927] : memref<10240x64xf32, #tpu.memory_space<vmem_shared>> -> memref<10240x64xf32, #tpu.memory_space<vmem_shared>>
    tpu.wait_indirect_dma semaphore(%arg15 : memref<!tpu.dma_semaphore, #tpu.memory_space<semaphore_mem>>) src(%arg9 : memref<200x64xf32, #tpu.memory_space<vmem>>) dst(%dma_wait3A_928 : memref<10240x64xf32, #tpu.memory_space<vmem_shared>>)
    %dma_start3A_929 = arith.constant 9400 : i32
    %dma_start3A_930 = tpu.memref_slice %arg5[%dma_start3A_929] : memref<10000xi32, #tpu.memory_space<vmem>> -> memref<200xi32, #tpu.memory_space<vmem>>
    %dma_start3A_931 = arith.constant 0 : i32
    %dma_start3A_932 = arith.constant 0 : i32
    %dma_start3A_933 = tpu.memref_slice %arg2[%dma_start3A_931, %dma_start3A_932] : memref<10000x64xf32, #tpu.memory_space<hbm>> -> memref<10000x64xf32, #tpu.memory_space<hbm>>
    tpu.enqueue_indirect_dma source(%dma_start3A_933 : memref<10000x64xf32, #tpu.memory_space<hbm>>) target(%arg9 : memref<200x64xf32, #tpu.memory_space<vmem>>) offsets(%dma_start3A_930 : memref<200xi32, #tpu.memory_space<vmem>>) semaphore(%arg14 : memref<!tpu.dma_semaphore, #tpu.memory_space<semaphore_mem>>)
    %dma_wait3A_934 = arith.constant 8600 : i32
    %dma_wait3A_935 = tpu.memref_slice %arg5[%dma_wait3A_934] : memref<10000xi32, #tpu.memory_space<vmem>> -> memref<200xi32, #tpu.memory_space<vmem>>
    %dma_wait3A_936 = arith.constant 0 : i32
    %dma_wait3A_937 = arith.constant 0 : i32
    %dma_wait3A_938 = tpu.memref_slice %arg2[%dma_wait3A_936, %dma_wait3A_937] : memref<10000x64xf32, #tpu.memory_space<hbm>> -> memref<10000x64xf32, #tpu.memory_space<hbm>>
    tpu.wait_indirect_dma semaphore(%arg14 : memref<!tpu.dma_semaphore, #tpu.memory_space<semaphore_mem>>) src(%dma_wait3A_938 : memref<10000x64xf32, #tpu.memory_space<hbm>>) dst(%arg10 : memref<200x64xf32, #tpu.memory_space<vmem>>)
    %dma_start3A_939 = arith.constant 8600 : i32
    %dma_start3A_940 = tpu.memref_slice %arg6[%dma_start3A_939] : memref<10000xi32, #tpu.memory_space<vmem>> -> memref<200xi32, #tpu.memory_space<vmem>>
    %dma_start3A_941 = arith.constant 0 : i32
    %dma_start3A_942 = arith.constant 0 : i32
    %dma_start3A_943 = tpu.memref_slice %arg13[%dma_start3A_941, %dma_start3A_942] : memref<10240x64xf32, #tpu.memory_space<vmem_shared>> -> memref<10240x64xf32, #tpu.memory_space<vmem_shared>>
    tpu.enqueue_indirect_dma source(%arg10 : memref<200x64xf32, #tpu.memory_space<vmem>>) target(%dma_start3A_943 : memref<10240x64xf32, #tpu.memory_space<vmem_shared>>) offsets(%dma_start3A_940 : memref<200xi32, #tpu.memory_space<vmem>>) semaphore(%arg15 : memref<!tpu.dma_semaphore, #tpu.memory_space<semaphore_mem>>) {add = true}
    %dma_wait3A_944 = arith.constant 8600 : i32
    %dma_wait3A_945 = tpu.memref_slice %arg6[%dma_wait3A_944] : memref<10000xi32, #tpu.memory_space<vmem>> -> memref<200xi32, #tpu.memory_space<vmem>>
    %dma_wait3A_946 = arith.constant 0 : i32
    %dma_wait3A_947 = arith.constant 0 : i32
    %dma_wait3A_948 = tpu.memref_slice %arg13[%dma_wait3A_946, %dma_wait3A_947] : memref<10240x64xf32, #tpu.memory_space<vmem_shared>> -> memref<10240x64xf32, #tpu.memory_space<vmem_shared>>
    tpu.wait_indirect_dma semaphore(%arg15 : memref<!tpu.dma_semaphore, #tpu.memory_space<semaphore_mem>>) src(%arg10 : memref<200x64xf32, #tpu.memory_space<vmem>>) dst(%dma_wait3A_948 : memref<10240x64xf32, #tpu.memory_space<vmem_shared>>)
    %dma_start3A_949 = arith.constant 9600 : i32
    %dma_start3A_950 = tpu.memref_slice %arg5[%dma_start3A_949] : memref<10000xi32, #tpu.memory_space<vmem>> -> memref<200xi32, #tpu.memory_space<vmem>>
    %dma_start3A_951 = arith.constant 0 : i32
    %dma_start3A_952 = arith.constant 0 : i32
    %dma_start3A_953 = tpu.memref_slice %arg2[%dma_start3A_951, %dma_start3A_952] : memref<10000x64xf32, #tpu.memory_space<hbm>> -> memref<10000x64xf32, #tpu.memory_space<hbm>>
    tpu.enqueue_indirect_dma source(%dma_start3A_953 : memref<10000x64xf32, #tpu.memory_space<hbm>>) target(%arg10 : memref<200x64xf32, #tpu.memory_space<vmem>>) offsets(%dma_start3A_950 : memref<200xi32, #tpu.memory_space<vmem>>) semaphore(%arg14 : memref<!tpu.dma_semaphore, #tpu.memory_space<semaphore_mem>>)
    %dma_wait3A_954 = arith.constant 8800 : i32
    %dma_wait3A_955 = tpu.memref_slice %arg5[%dma_wait3A_954] : memref<10000xi32, #tpu.memory_space<vmem>> -> memref<200xi32, #tpu.memory_space<vmem>>
    %dma_wait3A_956 = arith.constant 0 : i32
    %dma_wait3A_957 = arith.constant 0 : i32
    %dma_wait3A_958 = tpu.memref_slice %arg2[%dma_wait3A_956, %dma_wait3A_957] : memref<10000x64xf32, #tpu.memory_space<hbm>> -> memref<10000x64xf32, #tpu.memory_space<hbm>>
    tpu.wait_indirect_dma semaphore(%arg14 : memref<!tpu.dma_semaphore, #tpu.memory_space<semaphore_mem>>) src(%dma_wait3A_958 : memref<10000x64xf32, #tpu.memory_space<hbm>>) dst(%arg11 : memref<200x64xf32, #tpu.memory_space<vmem>>)
    %dma_start3A_959 = arith.constant 8800 : i32
    %dma_start3A_960 = tpu.memref_slice %arg6[%dma_start3A_959] : memref<10000xi32, #tpu.memory_space<vmem>> -> memref<200xi32, #tpu.memory_space<vmem>>
    %dma_start3A_961 = arith.constant 0 : i32
    %dma_start3A_962 = arith.constant 0 : i32
    %dma_start3A_963 = tpu.memref_slice %arg13[%dma_start3A_961, %dma_start3A_962] : memref<10240x64xf32, #tpu.memory_space<vmem_shared>> -> memref<10240x64xf32, #tpu.memory_space<vmem_shared>>
    tpu.enqueue_indirect_dma source(%arg11 : memref<200x64xf32, #tpu.memory_space<vmem>>) target(%dma_start3A_963 : memref<10240x64xf32, #tpu.memory_space<vmem_shared>>) offsets(%dma_start3A_960 : memref<200xi32, #tpu.memory_space<vmem>>) semaphore(%arg15 : memref<!tpu.dma_semaphore, #tpu.memory_space<semaphore_mem>>) {add = true}
    %dma_wait3A_964 = arith.constant 8800 : i32
    %dma_wait3A_965 = tpu.memref_slice %arg6[%dma_wait3A_964] : memref<10000xi32, #tpu.memory_space<vmem>> -> memref<200xi32, #tpu.memory_space<vmem>>
    %dma_wait3A_966 = arith.constant 0 : i32
    %dma_wait3A_967 = arith.constant 0 : i32
    %dma_wait3A_968 = tpu.memref_slice %arg13[%dma_wait3A_966, %dma_wait3A_967] : memref<10240x64xf32, #tpu.memory_space<vmem_shared>> -> memref<10240x64xf32, #tpu.memory_space<vmem_shared>>
    tpu.wait_indirect_dma semaphore(%arg15 : memref<!tpu.dma_semaphore, #tpu.memory_space<semaphore_mem>>) src(%arg11 : memref<200x64xf32, #tpu.memory_space<vmem>>) dst(%dma_wait3A_968 : memref<10240x64xf32, #tpu.memory_space<vmem_shared>>)
    %dma_start3A_969 = arith.constant 9800 : i32
    %dma_start3A_970 = tpu.memref_slice %arg5[%dma_start3A_969] : memref<10000xi32, #tpu.memory_space<vmem>> -> memref<200xi32, #tpu.memory_space<vmem>>
    %dma_start3A_971 = arith.constant 0 : i32
    %dma_start3A_972 = arith.constant 0 : i32
    %dma_start3A_973 = tpu.memref_slice %arg2[%dma_start3A_971, %dma_start3A_972] : memref<10000x64xf32, #tpu.memory_space<hbm>> -> memref<10000x64xf32, #tpu.memory_space<hbm>>
    tpu.enqueue_indirect_dma source(%dma_start3A_973 : memref<10000x64xf32, #tpu.memory_space<hbm>>) target(%arg11 : memref<200x64xf32, #tpu.memory_space<vmem>>) offsets(%dma_start3A_970 : memref<200xi32, #tpu.memory_space<vmem>>) semaphore(%arg14 : memref<!tpu.dma_semaphore, #tpu.memory_space<semaphore_mem>>)
    %dma_wait3A_974 = arith.constant 9000 : i32
    %dma_wait3A_975 = tpu.memref_slice %arg5[%dma_wait3A_974] : memref<10000xi32, #tpu.memory_space<vmem>> -> memref<200xi32, #tpu.memory_space<vmem>>
    %dma_wait3A_976 = arith.constant 0 : i32
    %dma_wait3A_977 = arith.constant 0 : i32
    %dma_wait3A_978 = tpu.memref_slice %arg2[%dma_wait3A_976, %dma_wait3A_977] : memref<10000x64xf32, #tpu.memory_space<hbm>> -> memref<10000x64xf32, #tpu.memory_space<hbm>>
    tpu.wait_indirect_dma semaphore(%arg14 : memref<!tpu.dma_semaphore, #tpu.memory_space<semaphore_mem>>) src(%dma_wait3A_978 : memref<10000x64xf32, #tpu.memory_space<hbm>>) dst(%arg7 : memref<200x64xf32, #tpu.memory_space<vmem>>)
    %dma_start3A_979 = arith.constant 9000 : i32
    %dma_start3A_980 = tpu.memref_slice %arg6[%dma_start3A_979] : memref<10000xi32, #tpu.memory_space<vmem>> -> memref<200xi32, #tpu.memory_space<vmem>>
    %dma_start3A_981 = arith.constant 0 : i32
    %dma_start3A_982 = arith.constant 0 : i32
    %dma_start3A_983 = tpu.memref_slice %arg13[%dma_start3A_981, %dma_start3A_982] : memref<10240x64xf32, #tpu.memory_space<vmem_shared>> -> memref<10240x64xf32, #tpu.memory_space<vmem_shared>>
    tpu.enqueue_indirect_dma source(%arg7 : memref<200x64xf32, #tpu.memory_space<vmem>>) target(%dma_start3A_983 : memref<10240x64xf32, #tpu.memory_space<vmem_shared>>) offsets(%dma_start3A_980 : memref<200xi32, #tpu.memory_space<vmem>>) semaphore(%arg15 : memref<!tpu.dma_semaphore, #tpu.memory_space<semaphore_mem>>) {add = true}
    %dma_wait3A_984 = arith.constant 9200 : i32
    %dma_wait3A_985 = tpu.memref_slice %arg5[%dma_wait3A_984] : memref<10000xi32, #tpu.memory_space<vmem>> -> memref<200xi32, #tpu.memory_space<vmem>>
    %dma_wait3A_986 = arith.constant 0 : i32
    %dma_wait3A_987 = arith.constant 0 : i32
    %dma_wait3A_988 = tpu.memref_slice %arg2[%dma_wait3A_986, %dma_wait3A_987] : memref<10000x64xf32, #tpu.memory_space<hbm>> -> memref<10000x64xf32, #tpu.memory_space<hbm>>
    tpu.wait_indirect_dma semaphore(%arg14 : memref<!tpu.dma_semaphore, #tpu.memory_space<semaphore_mem>>) src(%dma_wait3A_988 : memref<10000x64xf32, #tpu.memory_space<hbm>>) dst(%arg8 : memref<200x64xf32, #tpu.memory_space<vmem>>)
    %dma_start3A_989 = arith.constant 9200 : i32
    %dma_start3A_990 = tpu.memref_slice %arg6[%dma_start3A_989] : memref<10000xi32, #tpu.memory_space<vmem>> -> memref<200xi32, #tpu.memory_space<vmem>>
    %dma_start3A_991 = arith.constant 0 : i32
    %dma_start3A_992 = arith.constant 0 : i32
    %dma_start3A_993 = tpu.memref_slice %arg13[%dma_start3A_991, %dma_start3A_992] : memref<10240x64xf32, #tpu.memory_space<vmem_shared>> -> memref<10240x64xf32, #tpu.memory_space<vmem_shared>>
    tpu.enqueue_indirect_dma source(%arg8 : memref<200x64xf32, #tpu.memory_space<vmem>>) target(%dma_start3A_993 : memref<10240x64xf32, #tpu.memory_space<vmem_shared>>) offsets(%dma_start3A_990 : memref<200xi32, #tpu.memory_space<vmem>>) semaphore(%arg15 : memref<!tpu.dma_semaphore, #tpu.memory_space<semaphore_mem>>) {add = true}
    %dma_wait3A_994 = arith.constant 9400 : i32
    %dma_wait3A_995 = tpu.memref_slice %arg5[%dma_wait3A_994] : memref<10000xi32, #tpu.memory_space<vmem>> -> memref<200xi32, #tpu.memory_space<vmem>>
    %dma_wait3A_996 = arith.constant 0 : i32
    %dma_wait3A_997 = arith.constant 0 : i32
    %dma_wait3A_998 = tpu.memref_slice %arg2[%dma_wait3A_996, %dma_wait3A_997] : memref<10000x64xf32, #tpu.memory_space<hbm>> -> memref<10000x64xf32, #tpu.memory_space<hbm>>
    tpu.wait_indirect_dma semaphore(%arg14 : memref<!tpu.dma_semaphore, #tpu.memory_space<semaphore_mem>>) src(%dma_wait3A_998 : memref<10000x64xf32, #tpu.memory_space<hbm>>) dst(%arg9 : memref<200x64xf32, #tpu.memory_space<vmem>>)
    %dma_start3A_999 = arith.constant 9400 : i32
    %dma_start3A_1000 = tpu.memref_slice %arg6[%dma_start3A_999] : memref<10000xi32, #tpu.memory_space<vmem>> -> memref<200xi32, #tpu.memory_space<vmem>>
    %dma_start3A_1001 = arith.constant 0 : i32
    %dma_start3A_1002 = arith.constant 0 : i32
    %dma_start3A_1003 = tpu.memref_slice %arg13[%dma_start3A_1001, %dma_start3A_1002] : memref<10240x64xf32, #tpu.memory_space<vmem_shared>> -> memref<10240x64xf32, #tpu.memory_space<vmem_shared>>
    tpu.enqueue_indirect_dma source(%arg9 : memref<200x64xf32, #tpu.memory_space<vmem>>) target(%dma_start3A_1003 : memref<10240x64xf32, #tpu.memory_space<vmem_shared>>) offsets(%dma_start3A_1000 : memref<200xi32, #tpu.memory_space<vmem>>) semaphore(%arg15 : memref<!tpu.dma_semaphore, #tpu.memory_space<semaphore_mem>>) {add = true}
    %dma_wait3A_1004 = arith.constant 9600 : i32
    %dma_wait3A_1005 = tpu.memref_slice %arg5[%dma_wait3A_1004] : memref<10000xi32, #tpu.memory_space<vmem>> -> memref<200xi32, #tpu.memory_space<vmem>>
    %dma_wait3A_1006 = arith.constant 0 : i32
    %dma_wait3A_1007 = arith.constant 0 : i32
    %dma_wait3A_1008 = tpu.memref_slice %arg2[%dma_wait3A_1006, %dma_wait3A_1007] : memref<10000x64xf32, #tpu.memory_space<hbm>> -> memref<10000x64xf32, #tpu.memory_space<hbm>>
    tpu.wait_indirect_dma semaphore(%arg14 : memref<!tpu.dma_semaphore, #tpu.memory_space<semaphore_mem>>) src(%dma_wait3A_1008 : memref<10000x64xf32, #tpu.memory_space<hbm>>) dst(%arg10 : memref<200x64xf32, #tpu.memory_space<vmem>>)
    %dma_start3A_1009 = arith.constant 9600 : i32
    %dma_start3A_1010 = tpu.memref_slice %arg6[%dma_start3A_1009] : memref<10000xi32, #tpu.memory_space<vmem>> -> memref<200xi32, #tpu.memory_space<vmem>>
    %dma_start3A_1011 = arith.constant 0 : i32
    %dma_start3A_1012 = arith.constant 0 : i32
    %dma_start3A_1013 = tpu.memref_slice %arg13[%dma_start3A_1011, %dma_start3A_1012] : memref<10240x64xf32, #tpu.memory_space<vmem_shared>> -> memref<10240x64xf32, #tpu.memory_space<vmem_shared>>
    tpu.enqueue_indirect_dma source(%arg10 : memref<200x64xf32, #tpu.memory_space<vmem>>) target(%dma_start3A_1013 : memref<10240x64xf32, #tpu.memory_space<vmem_shared>>) offsets(%dma_start3A_1010 : memref<200xi32, #tpu.memory_space<vmem>>) semaphore(%arg15 : memref<!tpu.dma_semaphore, #tpu.memory_space<semaphore_mem>>) {add = true}
    %dma_wait3A_1014 = arith.constant 9800 : i32
    %dma_wait3A_1015 = tpu.memref_slice %arg5[%dma_wait3A_1014] : memref<10000xi32, #tpu.memory_space<vmem>> -> memref<200xi32, #tpu.memory_space<vmem>>
    %dma_wait3A_1016 = arith.constant 0 : i32
    %dma_wait3A_1017 = arith.constant 0 : i32
    %dma_wait3A_1018 = tpu.memref_slice %arg2[%dma_wait3A_1016, %dma_wait3A_1017] : memref<10000x64xf32, #tpu.memory_space<hbm>> -> memref<10000x64xf32, #tpu.memory_space<hbm>>
    tpu.wait_indirect_dma semaphore(%arg14 : memref<!tpu.dma_semaphore, #tpu.memory_space<semaphore_mem>>) src(%dma_wait3A_1018 : memref<10000x64xf32, #tpu.memory_space<hbm>>) dst(%arg11 : memref<200x64xf32, #tpu.memory_space<vmem>>)
    %dma_start3A_1019 = arith.constant 9800 : i32
    %dma_start3A_1020 = tpu.memref_slice %arg6[%dma_start3A_1019] : memref<10000xi32, #tpu.memory_space<vmem>> -> memref<200xi32, #tpu.memory_space<vmem>>
    %dma_start3A_1021 = arith.constant 0 : i32
    %dma_start3A_1022 = arith.constant 0 : i32
    %dma_start3A_1023 = tpu.memref_slice %arg13[%dma_start3A_1021, %dma_start3A_1022] : memref<10240x64xf32, #tpu.memory_space<vmem_shared>> -> memref<10240x64xf32, #tpu.memory_space<vmem_shared>>
    tpu.enqueue_indirect_dma source(%arg11 : memref<200x64xf32, #tpu.memory_space<vmem>>) target(%dma_start3A_1023 : memref<10240x64xf32, #tpu.memory_space<vmem_shared>>) offsets(%dma_start3A_1020 : memref<200xi32, #tpu.memory_space<vmem>>) semaphore(%arg15 : memref<!tpu.dma_semaphore, #tpu.memory_space<semaphore_mem>>) {add = true}
    %dma_wait3A_1024 = arith.constant 9000 : i32
    %dma_wait3A_1025 = tpu.memref_slice %arg6[%dma_wait3A_1024] : memref<10000xi32, #tpu.memory_space<vmem>> -> memref<200xi32, #tpu.memory_space<vmem>>
    %dma_wait3A_1026 = arith.constant 0 : i32
    %dma_wait3A_1027 = arith.constant 0 : i32
    %dma_wait3A_1028 = tpu.memref_slice %arg13[%dma_wait3A_1026, %dma_wait3A_1027] : memref<10240x64xf32, #tpu.memory_space<vmem_shared>> -> memref<10240x64xf32, #tpu.memory_space<vmem_shared>>
    tpu.wait_indirect_dma semaphore(%arg15 : memref<!tpu.dma_semaphore, #tpu.memory_space<semaphore_mem>>) src(%arg7 : memref<200x64xf32, #tpu.memory_space<vmem>>) dst(%dma_wait3A_1028 : memref<10240x64xf32, #tpu.memory_space<vmem_shared>>)
    %dma_wait3A_1029 = arith.constant 9200 : i32
    %dma_wait3A_1030 = tpu.memref_slice %arg6[%dma_wait3A_1029] : memref<10000xi32, #tpu.memory_space<vmem>> -> memref<200xi32, #tpu.memory_space<vmem>>
    %dma_wait3A_1031 = arith.constant 0 : i32
    %dma_wait3A_1032 = arith.constant 0 : i32
    %dma_wait3A_1033 = tpu.memref_slice %arg13[%dma_wait3A_1031, %dma_wait3A_1032] : memref<10240x64xf32, #tpu.memory_space<vmem_shared>> -> memref<10240x64xf32, #tpu.memory_space<vmem_shared>>
    tpu.wait_indirect_dma semaphore(%arg15 : memref<!tpu.dma_semaphore, #tpu.memory_space<semaphore_mem>>) src(%arg8 : memref<200x64xf32, #tpu.memory_space<vmem>>) dst(%dma_wait3A_1033 : memref<10240x64xf32, #tpu.memory_space<vmem_shared>>)
    %dma_wait3A_1034 = arith.constant 9400 : i32
    %dma_wait3A_1035 = tpu.memref_slice %arg6[%dma_wait3A_1034] : memref<10000xi32, #tpu.memory_space<vmem>> -> memref<200xi32, #tpu.memory_space<vmem>>
    %dma_wait3A_1036 = arith.constant 0 : i32
    %dma_wait3A_1037 = arith.constant 0 : i32
    %dma_wait3A_1038 = tpu.memref_slice %arg13[%dma_wait3A_1036, %dma_wait3A_1037] : memref<10240x64xf32, #tpu.memory_space<vmem_shared>> -> memref<10240x64xf32, #tpu.memory_space<vmem_shared>>
    tpu.wait_indirect_dma semaphore(%arg15 : memref<!tpu.dma_semaphore, #tpu.memory_space<semaphore_mem>>) src(%arg9 : memref<200x64xf32, #tpu.memory_space<vmem>>) dst(%dma_wait3A_1038 : memref<10240x64xf32, #tpu.memory_space<vmem_shared>>)
    %dma_wait3A_1039 = arith.constant 9600 : i32
    %dma_wait3A_1040 = tpu.memref_slice %arg6[%dma_wait3A_1039] : memref<10000xi32, #tpu.memory_space<vmem>> -> memref<200xi32, #tpu.memory_space<vmem>>
    %dma_wait3A_1041 = arith.constant 0 : i32
    %dma_wait3A_1042 = arith.constant 0 : i32
    %dma_wait3A_1043 = tpu.memref_slice %arg13[%dma_wait3A_1041, %dma_wait3A_1042] : memref<10240x64xf32, #tpu.memory_space<vmem_shared>> -> memref<10240x64xf32, #tpu.memory_space<vmem_shared>>
    tpu.wait_indirect_dma semaphore(%arg15 : memref<!tpu.dma_semaphore, #tpu.memory_space<semaphore_mem>>) src(%arg10 : memref<200x64xf32, #tpu.memory_space<vmem>>) dst(%dma_wait3A_1043 : memref<10240x64xf32, #tpu.memory_space<vmem_shared>>)
    %dma_wait3A_1044 = arith.constant 9800 : i32
    %dma_wait3A_1045 = tpu.memref_slice %arg6[%dma_wait3A_1044] : memref<10000xi32, #tpu.memory_space<vmem>> -> memref<200xi32, #tpu.memory_space<vmem>>
    %dma_wait3A_1046 = arith.constant 0 : i32
    %dma_wait3A_1047 = arith.constant 0 : i32
    %dma_wait3A_1048 = tpu.memref_slice %arg13[%dma_wait3A_1046, %dma_wait3A_1047] : memref<10240x64xf32, #tpu.memory_space<vmem_shared>> -> memref<10240x64xf32, #tpu.memory_space<vmem_shared>>
    tpu.wait_indirect_dma semaphore(%arg15 : memref<!tpu.dma_semaphore, #tpu.memory_space<semaphore_mem>>) src(%arg11 : memref<200x64xf32, #tpu.memory_space<vmem>>) dst(%dma_wait3A_1048 : memref<10240x64xf32, #tpu.memory_space<vmem_shared>>)
    %barrier3A_1049 = arith.constant 0 : index
    tpu.barrier barrier_id(%barrier3A_1049)
    %mul3A_1050 = arith.constant 640 : i32
    %mul3A_1051 = arith.muli %arg1, %mul3A_1050 : i32
    %mul3A_1052 = arith.constant 640 : i32
    %mul3A_1053 = arith.muli %arg1, %mul3A_1052 : i32
    "tpu.region"() ({
      %run_scoped3A_1054 = tpu.sem_alloc : memref<!tpu.dma_semaphore, #tpu.memory_space<semaphore_mem>>
      %dma_start3A_1055 = arith.constant 0 : i32
      %dma_start3A_1056 = tpu.memref_slice %arg4[%arg0, %mul3A_1053, %dma_start3A_1055] : memref<2x10240x64xf32, #tpu.memory_space<hbm>> -> memref<1x640x64xf32, #tpu.memory_space<hbm>>
      %dma_start3A_1057 = tpu.memref_squeeze %dma_start3A_1056 : memref<1x640x64xf32, #tpu.memory_space<hbm>> -> memref<640x64xf32, #tpu.memory_space<hbm>>
      %dma_start3A_1058 = arith.constant 0 : i32
      %dma_start3A_1059 = tpu.memref_slice %arg13[%mul3A_1051, %dma_start3A_1058] : memref<10240x64xf32, #tpu.memory_space<vmem_shared>> -> memref<640x64xf32, #tpu.memory_space<vmem_shared>>
      tpu.enqueue_dma source(%dma_start3A_1059 : memref<640x64xf32, #tpu.memory_space<vmem_shared>>) target(%dma_start3A_1057 : memref<640x64xf32, #tpu.memory_space<hbm>>) target_semaphore(%run_scoped3A_1054 : memref<!tpu.dma_semaphore, #tpu.memory_space<semaphore_mem>>)
      %dma_wait3A_1060 = arith.constant 0 : i32
      %dma_wait3A_1061 = tpu.memref_slice %arg4[%arg0, %mul3A_1053, %dma_wait3A_1060] : memref<2x10240x64xf32, #tpu.memory_space<hbm>> -> memref<1x640x64xf32, #tpu.memory_space<hbm>>
      %dma_wait3A_1062 = tpu.memref_squeeze %dma_wait3A_1061 : memref<1x640x64xf32, #tpu.memory_space<hbm>> -> memref<640x64xf32, #tpu.memory_space<hbm>>
      %dma_wait3A_1063 = arith.constant 0 : i32
      %dma_wait3A_1064 = tpu.memref_slice %arg13[%mul3A_1051, %dma_wait3A_1063] : memref<10240x64xf32, #tpu.memory_space<vmem_shared>> -> memref<640x64xf32, #tpu.memory_space<vmem_shared>>
      tpu.wait_dma2 semaphore(%run_scoped3A_1054 : memref<!tpu.dma_semaphore, #tpu.memory_space<semaphore_mem>>) src(%dma_wait3A_1064 : memref<640x64xf32, #tpu.memory_space<vmem_shared>>) dst(%dma_wait3A_1062 : memref<640x64xf32, #tpu.memory_space<hbm>>)
      tpu.yield
    }) : () -> ()
    return
  }
}

module attributes {stable_mosaic.version = 14 : i64} {
  func.func @_tc_a_body(%arg0: memref<2x32x10240xf32, #tpu.memory_space<vmem>>, %arg1: memref<10000x128xf32, #tpu.memory_space<vmem>>, %arg2: memref<128x64xf32, #tpu.memory_space<vmem>>, %arg3: memref<10000x64xf32, #tpu.memory_space<vmem>>, %arg4: memref<10000x1xf32, #tpu.memory_space<vmem>>, %arg5: memref<10000x1xf32, #tpu.memory_space<vmem>>) attributes {dimension_semantics = [], scalar_prefetch = 0 : i64, scratch_operands = 0 : i64, tpu.core_type = #tpu.core_type<tc>} {
    %get3A = arith.constant 0 : index
    %get3A_0 = arith.constant 0 : index
    %get3A_1 = arith.constant 0 : index
    %get3A_2 = vector.load %arg0[%get3A, %get3A_0, %get3A_1] : memref<2x32x10240xf32, #tpu.memory_space<vmem>>, vector<2x32x10240xf32>
    %reduce_sum3A = arith.constant dense<0.000000e+00> : vector<2x10240xf32>
    %reduce_sum3A_3 = vector.multi_reduction <add>, %get3A_2, %reduce_sum3A [1] : vector<2x32x10240xf32> to vector<2x10240xf32>
    %max3A = arith.constant 1.000000e+00 : f32
    %max3A_4 = vector.broadcast %max3A : f32 to vector<2x10240xf32>
    %max3A_5 = arith.maximumf %reduce_sum3A_3, %max3A_4 : vector<2x10240xf32>
    %rsqrt3A = math.rsqrt %max3A_5 : vector<2x10240xf32>
    %slice3A = vector.extract_strided_slice %rsqrt3A {offsets = [0, 0], sizes = [1, 10000], strides = [1, 1]} : vector<2x10240xf32> to vector<1x10000xf32>
    %squeeze3A = vector.shape_cast %slice3A : vector<1x10000xf32> to vector<10000xf32>
    %reshape3A = vector.shape_cast %squeeze3A : vector<10000xf32> to vector<10000x1xf32>
    %slice3A_6 = vector.extract_strided_slice %rsqrt3A {offsets = [1, 0], sizes = [1, 10000], strides = [1, 1]} : vector<2x10240xf32> to vector<1x10000xf32>
    %squeeze3A_7 = vector.shape_cast %slice3A_6 : vector<1x10000xf32> to vector<10000xf32>
    %reshape3A_8 = vector.shape_cast %squeeze3A_7 : vector<10000xf32> to vector<10000x1xf32>
    %swap3A = arith.constant 0 : index
    %swap3A_9 = arith.constant 0 : index
    %swap3A_10 = vector.load %arg4[%swap3A, %swap3A_9] : memref<10000x1xf32, #tpu.memory_space<vmem>>, vector<10000x1xf32>
    tpu.vector_store %arg4[%swap3A, %swap3A_9], %reshape3A {strides = array<i32>} : memref<10000x1xf32, #tpu.memory_space<vmem>>, vector<10000x1xf32>,
    %swap3A_11 = arith.constant 0 : index
    %swap3A_12 = arith.constant 0 : index
    %swap3A_13 = vector.load %arg5[%swap3A_11, %swap3A_12] : memref<10000x1xf32, #tpu.memory_space<vmem>>, vector<10000x1xf32>
    tpu.vector_store %arg5[%swap3A_11, %swap3A_12], %reshape3A_8 {strides = array<i32>} : memref<10000x1xf32, #tpu.memory_space<vmem>>, vector<10000x1xf32>,
    %get3A_14 = arith.constant 0 : index
    %get3A_15 = arith.constant 0 : index
    %get3A_16 = vector.load %arg1[%get3A_14, %get3A_15] : memref<10000x128xf32, #tpu.memory_space<vmem>>, vector<10000x128xf32>
    %mul3A = vector.broadcast %reshape3A : vector<10000x1xf32> to vector<10000x128xf32>
    %mul3A_17 = arith.mulf %get3A_16, %mul3A : vector<10000x128xf32>
    %get3A_18 = arith.constant 0 : index
    %get3A_19 = arith.constant 0 : index
    %get3A_20 = vector.load %arg2[%get3A_18, %get3A_19] : memref<128x64xf32, #tpu.memory_space<vmem>>, vector<128x64xf32>
    %dot_general3A = arith.constant dense<0.000000e+00> : vector<10000x64xf32>
    %dot_general3A_21 = tpu.matmul %mul3A_17, %get3A_20, %dot_general3A {dimension_numbers = #tpu.dot_dimension_numbers<[1], [0], [0], [1], [0, 0, 1, 1], [], []>, transpose_lhs_hint = false} : vector<10000x128xf32>, vector<128x64xf32>, vector<10000x64xf32> -> vector<10000x64xf32>
    %swap3A_22 = arith.constant 0 : index
    %swap3A_23 = arith.constant 0 : index
    %swap3A_24 = vector.load %arg3[%swap3A_22, %swap3A_23] : memref<10000x64xf32, #tpu.memory_space<vmem>>, vector<10000x64xf32>
    tpu.vector_store %arg3[%swap3A_22, %swap3A_23], %dot_general3A_21 {strides = array<i32>} : memref<10000x64xf32, #tpu.memory_space<vmem>>, vector<10000x64xf32>,
    return
  }
}

module attributes {stable_mosaic.version = 14 : i64} {
  func.func @_tc_b_body(%arg0: memref<2x10240x64xf32, #tpu.memory_space<vmem>>, %arg1: memref<10000x1xf32, #tpu.memory_space<vmem>>, %arg2: memref<10000x1xf32, #tpu.memory_space<vmem>>, %arg3: memref<1x64xf32, #tpu.memory_space<vmem>>, %arg4: memref<64x64xf32, #tpu.memory_space<vmem>>, %arg5: memref<10000x64xf32, #tpu.memory_space<vmem>>) attributes {dimension_semantics = [], scalar_prefetch = 0 : i64, scratch_operands = 0 : i64, tpu.core_type = #tpu.core_type<tc>} {
    %get3A = arith.constant 0 : index
    %get3A_0 = arith.constant 0 : index
    %get3A_1 = arith.constant 0 : index
    %get3A_2 = vector.load %arg0[%get3A, %get3A_0, %get3A_1] : memref<2x10240x64xf32, #tpu.memory_space<vmem>>, vector<1x10000x64xf32>
    %get3A_3 = vector.shape_cast %get3A_2 : vector<1x10000x64xf32> to vector<10000x64xf32>
    %get3A_4 = arith.constant 1 : index
    %get3A_5 = arith.constant 0 : index
    %get3A_6 = arith.constant 0 : index
    %get3A_7 = vector.load %arg0[%get3A_4, %get3A_5, %get3A_6] : memref<2x10240x64xf32, #tpu.memory_space<vmem>>, vector<1x10000x64xf32>
    %get3A_8 = vector.shape_cast %get3A_7 : vector<1x10000x64xf32> to vector<10000x64xf32>
    %add3A = arith.addf %get3A_3, %get3A_8 : vector<10000x64xf32>
    %get3A_9 = arith.constant 0 : index
    %get3A_10 = arith.constant 0 : index
    %get3A_11 = vector.load %arg1[%get3A_9, %get3A_10] : memref<10000x1xf32, #tpu.memory_space<vmem>>, vector<10000x1xf32>
    %mul3A = vector.broadcast %get3A_11 : vector<10000x1xf32> to vector<10000x64xf32>
    %mul3A_12 = arith.mulf %add3A, %mul3A : vector<10000x64xf32>
    %get3A_13 = arith.constant 0 : index
    %get3A_14 = arith.constant 0 : index
    %get3A_15 = vector.load %arg3[%get3A_13, %get3A_14] : memref<1x64xf32, #tpu.memory_space<vmem>>, vector<1x64xf32>
    %add3A_16 = vector.broadcast %get3A_15 : vector<1x64xf32> to vector<10000x64xf32>
    %add3A_17 = arith.addf %mul3A_12, %add3A_16 : vector<10000x64xf32>
    %max3A = arith.constant 0.000000e+00 : f32
    %max3A_18 = vector.broadcast %max3A : f32 to vector<10000x64xf32>
    %max3A_19 = arith.maximumf %add3A_17, %max3A_18 : vector<10000x64xf32>
    %get3A_20 = arith.constant 0 : index
    %get3A_21 = arith.constant 0 : index
    %get3A_22 = vector.load %arg2[%get3A_20, %get3A_21] : memref<10000x1xf32, #tpu.memory_space<vmem>>, vector<10000x1xf32>
    %mul3A_23 = vector.broadcast %get3A_22 : vector<10000x1xf32> to vector<10000x64xf32>
    %mul3A_24 = arith.mulf %max3A_19, %mul3A_23 : vector<10000x64xf32>
    %get3A_25 = arith.constant 0 : index
    %get3A_26 = arith.constant 0 : index
    %get3A_27 = vector.load %arg4[%get3A_25, %get3A_26] : memref<64x64xf32, #tpu.memory_space<vmem>>, vector<64x64xf32>
    %dot_general3A = arith.constant dense<0.000000e+00> : vector<10000x64xf32>
    %dot_general3A_28 = tpu.matmul %mul3A_24, %get3A_27, %dot_general3A {dimension_numbers = #tpu.dot_dimension_numbers<[1], [0], [0], [1], [0, 0, 1, 1], [], []>, transpose_lhs_hint = false} : vector<10000x64xf32>, vector<64x64xf32>, vector<10000x64xf32> -> vector<10000x64xf32>
    %swap3A = arith.constant 0 : index
    %swap3A_29 = arith.constant 0 : index
    %swap3A_30 = vector.load %arg5[%swap3A, %swap3A_29] : memref<10000x64xf32, #tpu.memory_space<vmem>>, vector<10000x64xf32>
    tpu.vector_store %arg5[%swap3A, %swap3A_29], %dot_general3A_28 {strides = array<i32>} : memref<10000x64xf32, #tpu.memory_space<vmem>>, vector<10000x64xf32>,
    return
  }
}

module attributes {stable_mosaic.version = 14 : i64} {
  func.func @_tc_c_body(%arg0: memref<2x10240x64xf32, #tpu.memory_space<vmem>>, %arg1: memref<10000x1xf32, #tpu.memory_space<vmem>>, %arg2: memref<1x32xf32, #tpu.memory_space<vmem>>, %arg3: memref<1x32xf32, #tpu.memory_space<vmem>>, %arg4: memref<10000x32xf32, #tpu.memory_space<vmem>>, %arg5: memref<10000x32xf32, #tpu.memory_space<vmem>>) attributes {dimension_semantics = [], scalar_prefetch = 0 : i64, scratch_operands = 0 : i64, tpu.core_type = #tpu.core_type<tc>} {
    %get3A = arith.constant 0 : index
    %get3A_0 = arith.constant 0 : index
    %get3A_1 = arith.constant 0 : index
    %get3A_2 = vector.load %arg0[%get3A, %get3A_0, %get3A_1] : memref<2x10240x64xf32, #tpu.memory_space<vmem>>, vector<1x10000x64xf32>
    %get3A_3 = vector.shape_cast %get3A_2 : vector<1x10000x64xf32> to vector<10000x64xf32>
    %get3A_4 = arith.constant 1 : index
    %get3A_5 = arith.constant 0 : index
    %get3A_6 = arith.constant 0 : index
    %get3A_7 = vector.load %arg0[%get3A_4, %get3A_5, %get3A_6] : memref<2x10240x64xf32, #tpu.memory_space<vmem>>, vector<1x10000x64xf32>
    %get3A_8 = vector.shape_cast %get3A_7 : vector<1x10000x64xf32> to vector<10000x64xf32>
    %add3A = arith.addf %get3A_3, %get3A_8 : vector<10000x64xf32>
    %get3A_9 = arith.constant 0 : index
    %get3A_10 = arith.constant 0 : index
    %get3A_11 = vector.load %arg1[%get3A_9, %get3A_10] : memref<10000x1xf32, #tpu.memory_space<vmem>>, vector<10000x1xf32>
    %mul3A = vector.broadcast %get3A_11 : vector<10000x1xf32> to vector<10000x64xf32>
    %mul3A_12 = arith.mulf %add3A, %mul3A : vector<10000x64xf32>
    %slice3A = vector.extract_strided_slice %mul3A_12 {offsets = [0, 0], sizes = [10000, 32], strides = [1, 1]} : vector<10000x64xf32> to vector<10000x32xf32>
    %get3A_13 = arith.constant 0 : index
    %get3A_14 = arith.constant 0 : index
    %get3A_15 = vector.load %arg2[%get3A_13, %get3A_14] : memref<1x32xf32, #tpu.memory_space<vmem>>, vector<1x32xf32>
    %add3A_16 = vector.broadcast %get3A_15 : vector<1x32xf32> to vector<10000x32xf32>
    %add3A_17 = arith.addf %slice3A, %add3A_16 : vector<10000x32xf32>
    %slice3A_18 = vector.extract_strided_slice %mul3A_12 {offsets = [0, 32], sizes = [10000, 32], strides = [1, 1]} : vector<10000x64xf32> to vector<10000x32xf32>
    %get3A_19 = arith.constant 0 : index
    %get3A_20 = arith.constant 0 : index
    %get3A_21 = vector.load %arg3[%get3A_19, %get3A_20] : memref<1x32xf32, #tpu.memory_space<vmem>>, vector<1x32xf32>
    %add3A_22 = vector.broadcast %get3A_21 : vector<1x32xf32> to vector<10000x32xf32>
    %add3A_23 = arith.addf %slice3A_18, %add3A_22 : vector<10000x32xf32>
    %get3A_24 = arith.constant 0 : index
    %get3A_25 = arith.constant 0 : index
    %get3A_26 = vector.load %arg4[%get3A_24, %get3A_25] : memref<10000x32xf32, #tpu.memory_space<vmem>>, vector<10000x32xf32>
    %exp3A = math.exp %add3A_23 : vector<10000x32xf32>
    %mul3A_27 = arith.mulf %get3A_26, %exp3A : vector<10000x32xf32>
    %add3A_28 = arith.addf %add3A_17, %mul3A_27 : vector<10000x32xf32>
    %swap3A = arith.constant 0 : index
    %swap3A_29 = arith.constant 0 : index
    %swap3A_30 = vector.load %arg5[%swap3A, %swap3A_29] : memref<10000x32xf32, #tpu.memory_space<vmem>>, vector<10000x32xf32>
    tpu.vector_store %arg5[%swap3A, %swap3A_29], %add3A_28 {strides = array<i32>} : memref<10000x32xf32, #tpu.memory_space<vmem>>, vector<10000x32xf32>,
    return
  }
}

module attributes {stable_mosaic.version = 14 : i64} {
  func.func @_decoder_body(%arg0: i32, %arg1: i32, %arg2: memref<2048x32xf32, #tpu.memory_space<vmem>>, %arg3: memref<2048x32xf32, #tpu.memory_space<vmem>>, %arg4: memref<2048x2048xf32, #tpu.memory_space<vmem>>) attributes {dimension_semantics = [#tpu.dimension_semantics<arbitrary>, #tpu.dimension_semantics<arbitrary>], iteration_bounds = array<i64: 5, 5>, scalar_prefetch = 0 : i64, scratch_operands = 0 : i64, tpu.core_type = #tpu.core_type<tc>, window_params = [{transform_indices = @transform_0, window_bounds = array<i64: 2048, 32>}, {transform_indices = @transform_1, window_bounds = array<i64: 2048, 32>}, {transform_indices = @transform_2, window_bounds = array<i64: 2048, 2048>}]} {
    %get3A = arith.constant 0 : index
    %get3A_0 = arith.constant 0 : index
    %get3A_1 = vector.load %arg2[%get3A, %get3A_0] : memref<2048x32xf32, #tpu.memory_space<vmem>>, vector<2048x32xf32>
    %get3A_2 = arith.constant 0 : index
    %get3A_3 = arith.constant 0 : index
    %get3A_4 = vector.load %arg3[%get3A_2, %get3A_3] : memref<2048x32xf32, #tpu.memory_space<vmem>>, vector<2048x32xf32>
    %dot_general3A = arith.constant dense<0.000000e+00> : vector<2048x2048xf32>
    %dot_general3A_5 = tpu.matmul %get3A_1, %get3A_4, %dot_general3A {dimension_numbers = #tpu.dot_dimension_numbers<[1], [1], [0], [0], [0, 0, 1, 0], [], []>, transpose_lhs_hint = false} : vector<2048x32xf32>, vector<2048x32xf32>, vector<2048x2048xf32> -> vector<2048x2048xf32>
    %mul3A = arith.constant 5.000000e-01 : f32
    %mul3A_6 = vector.broadcast %mul3A : f32 to vector<2048x2048xf32>
    %mul3A_7 = arith.mulf %dot_general3A_5, %mul3A_6 : vector<2048x2048xf32>
    %tanh3A = math.tanh %mul3A_7 : vector<2048x2048xf32>
    %add3A = arith.constant 1.000000e+00 : f32
    %add3A_8 = vector.broadcast %add3A : f32 to vector<2048x2048xf32>
    %add3A_9 = arith.addf %tanh3A, %add3A_8 : vector<2048x2048xf32>
    %mul3A_10 = arith.constant 5.000000e-01 : f32
    %mul3A_11 = vector.broadcast %mul3A_10 : f32 to vector<2048x2048xf32>
    %mul3A_12 = arith.mulf %mul3A_11, %add3A_9 : vector<2048x2048xf32>
    %swap3A = arith.constant 0 : index
    %swap3A_13 = arith.constant 0 : index
    %swap3A_14 = vector.load %arg4[%swap3A, %swap3A_13] : memref<2048x2048xf32, #tpu.memory_space<vmem>>, vector<2048x2048xf32>
    tpu.vector_store %arg4[%swap3A, %swap3A_13], %mul3A_12 {strides = array<i32>} : memref<2048x2048xf32, #tpu.memory_space<vmem>>, vector<2048x2048xf32>,
    return
  }
  func.func @transform_0(%arg0: i32, %arg1: i32) -> (i32, i32) {
    %c0_i32 = arith.constant 0 : i32
    %c0_i32_0 = arith.constant 0 : i32
    return %arg0, %c0_i32 : i32, i32
  }
  func.func @transform_1(%arg0: i32, %arg1: i32) -> (i32, i32) {
    %c0_i32 = arith.constant 0 : i32
    %c0_i32_0 = arith.constant 0 : i32
    return %arg1, %c0_i32 : i32, i32
  }
  func.func @transform_2(%arg0: i32, %arg1: i32) -> (i32, i32) {
    %c0_i32 = arith.constant 0 : i32
    return %arg0, %arg1 : i32, i32
  }
}

</mosaic_0001>

<sc_bundles>
// kernel: kernel.12.cloned.1.call-start
scs
__scs_entry_jumppad:
0x0: {  	(pc) =	sbr.rel $0x88, $3  }
0x1: {  	(tag) =	ssettag $0x0;
	lr =	simm.s32 $0x1  }
0x2: {  	[smem:$0x3F99] =	sst lr;
	_ =	strace $0xD0000000  }
0x3: {  	_ = 	snop  }
0x4: {  	_ = 	snop  }
0x5: {  	_ = 	snop  }
0x6: {  	_ = 	snop  }
0x7: {  	_ = 	snop  }
__scs_overlays_trampoline_lowered:
0x8: {  	[smem:$0x3FA8] =	sst s0  }
0x9: {  	[smem:$0x3FA9] =	sst s1  }
0xa: {  	[smem:$0x3FAA] =	sst s2  }
0xb: {  	[smem:$0x3FAB] =	sst s3  }
0xc: {  	[smem:$0x3FAC] =	sst s4  }
0xd: {  	[smem:$0x3FAD] =	sst s5  }
0xe: {  	[smem:$0x3FAE] =	sst s6  }
0xf: {  	[smem:$0x3FAF] =	sst s7  }
0x10: {  	[smem:$0x3FB0] =	sst s8  }
0x11: {  	[smem:$0x3FB1] =	sst s9;
	s0 =	simm.s32 @!p0 $0x0  }
0x12: {  	s1 =	sld [smem:$0x3F97];
	s0 =	simm.s32 @p0 $0x1  }
0x13: {  	[smem:$0x3FB2] =	sst s0;
	s0 =	simm.s32 @!p1 $0x0  }
0x14: {  	s2 =	sld [smem:$0x3F96];
	s0 =	simm.s32 @p1 $0x1  }
0x15: {  	[smem:$0x3FB3] =	sst s0;
	s0 =	simm.s32 @!p2 $0x0  }
0x16: {  	s3 =	sld [smem:$0x3FDB];
	s0 =	simm.s32 @p2 $0x1  }
0x17: {  	s4 =	simm.s32 $0x1BF5;
	[smem:$0x3FB5] =	sst s0  }
0x18: {  	s0 =	sld [smem:$0x3F98];
	_ =	swait.ge [sflag:s4], $0x0  }
0x19: {  	s7 =	sld [smem:$0x3F99]  }
0x1a: {  	s8 =	sadd.s32 $0xFFFFE003, lr  }
0x1b: {  	s9 =	sadd.s32 $0xFFFFFEF7, lr;
	s5 =	simm.s32 $0xFFFFFFFF;
	p2 =	slt.u32 s8, $0xFFFFF086  }
0x1c: {  	p1 =	slt.u32 s9, $0xF7A;
	s5 =	simm.s32 @!p2 $0x0  }
0x1d: {  	s5 =	simm.s32 @p1 $0x1;
	p0 =	seq.s32 s7, s2  }
0x1e: {  	s7 =	smul.u32 @!p0 $0xF7A, s2;
	p2 =	seq.s32 @!p0 s5, $0x0  }
0x1f: {  	s9 =	smul.u32 $0xF7A, s1;
	s8 =	simm.s32 @!p0 $0x1BF5;
	p2 =	por !p2, p0  }
0x20: {  	[sflag:s8] =	ssyncset.s32 @!p0 $0xFFFFF086;
	s6 =	sadd.s32 @!p0 s3, s7;
	s7 =	simm.s32 @!p0 $0x108  }
0x21: {  	s3 =	sadd.s32 s3, s9;
	s6 =	sadd.s32 @!p0 $0x88, s6;
	s7 =	simm.s32 @p2 $0x1082  }
0x22: {  	[simem:s7], [sflag:s8] =	dma.local @!p0 [hbm:s6], $0xF7A  }
0x23: {  	s9 =	sor.u32 $0xD0000000, s2;
	s6 =	simm.s32 $0x108;
	_ =	swait.ge @!p0 [sflag:s8], $0x0  }
0x24: {  	s3 =	sadd.s32 $0x88, s3;
	s6 =	simm.s32 @!p1 $0x1082;
	[sflag:s4] =	ssyncset.s32 $0xFFFFF086  }
0x25: {  	[simem:s6], [sflag:s4] =	dma.local [hbm:s3], $0xF7A  }
0x26: {  	[smem:$0x3F99] =	sst s1;
	(tag) =	ssettag s2;
	_ =	strace s9  }
0x27: {  	s1 =	sld [smem:$0x3FA9]  }
0x28: {  	s2 =	sld [smem:$0x3FAA]  }
0x29: {  	s4 =	sld [smem:$0x3FAC]  }
0x2a: {  	p0 =	seq.s32 s5, $0x0;
	s5 =	sld [smem:$0x3FAD]  }
0x2b: {  	s6 =	sld [smem:$0x3FAE]  }
0x2c: {  	s7 =	sld [smem:$0x3FAF]  }
0x2d: {  	s3 =	simm.s32 $0x108;
	s8 =	sld [smem:$0x3FB0]  }
0x2e: {  	s3 =	simm.s32 @!p0 $0x1082;
	s9 =	sld [smem:$0x3FB1]  }
0x2f: {  	lr =	sadd.s32 s0, s3;
	s0 =	sld [smem:$0x3FA8]  }
0x30: {  	s3 =	sld [smem:$0x3FAB]  }
0x31: {  	[smem:$0x3FB4] =	sst s10  }
0x32: {  	s10 =	sld [smem:$0x3FB2];
	_ =	sdelay $0x3  }
0x33: {  	p0 =	seq.s32 s10, $0x1;
	s10 =	sld [smem:$0x3FB4];
	_ =	sdelay $0x3  }
0x34: {  	[smem:$0x3FB4] =	sst s10  }
0x35: {  	s10 =	sld [smem:$0x3FB3];
	_ =	sdelay $0x3  }
0x36: {  	p1 =	seq.s32 s10, $0x1;
	s10 =	sld [smem:$0x3FB4];
	_ =	sdelay $0x3  }
0x37: {  	[smem:$0x3FB4] =	sst s10  }
0x38: {  	s10 =	sld [smem:$0x3FB5]  }
0x39: {  	_ = 	snop;
	(pc) =	sbr.ind lr, $3  }
0x3a: {  	_ = 	snop  }
0x3b: {  	_ = 	snop  }
0x3c: {  	p2 =	seq.s32 s10, $0x1;
	s10 =	sld [smem:$0x3FB4]  }
0x3d: {  	_ =	shalt  }
0x3e: {  	_ =	shalt  }
0x3f: {  	_ =	shalt  }
0x40: {  	_ =	shalt  }
0x41: {  	_ =	shalt  }
0x42: {  	_ =	shalt  }
0x43: {  	_ =	shalt  }
0x44: {  	_ =	shalt  }
0x45: {  	_ =	shalt  }
0x46: {  	_ =	shalt  }
0x47: {  	_ =	shalt  }
0x48: {  	_ =	shalt  }
0x49: {  	_ =	shalt  }
0x4a: {  	_ =	shalt  }
0x4b: {  	_ =	shalt  }
0x4c: {  	_ =	shalt  }
0x4d: {  	_ =	shalt  }
0x4e: {  	_ =	shalt  }
0x4f: {  	_ =	shalt  }
0x50: {  	_ =	shalt  }
0x51: {  	_ =	shalt  }
0x52: {  	_ =	shalt  }
0x53: {  	_ =	shalt  }
0x54: {  	_ =	shalt  }
0x55: {  	_ =	shalt  }
0x56: {  	_ =	shalt  }
0x57: {  	_ =	shalt  }
0x58: {  	_ =	shalt  }
0x59: {  	_ =	shalt  }
0x5a: {  	_ =	shalt  }
0x5b: {  	_ =	shalt  }
0x5c: {  	_ =	shalt  }
0x5d: {  	_ =	shalt  }
0x5e: {  	_ =	shalt  }
0x5f: {  	_ =	shalt  }
0x60: {  	_ =	shalt  }
0x61: {  	_ =	shalt  }
0x62: {  	_ =	shalt  }
0x63: {  	_ =	shalt  }
0x64: {  	_ =	shalt  }
0x65: {  	_ =	shalt  }
0x66: {  	_ =	shalt  }
0x67: {  	_ =	shalt  }
0x68: {  	_ =	shalt  }
0x69: {  	_ =	shalt  }
0x6a: {  	_ =	shalt  }
0x6b: {  	_ =	shalt  }
0x6c: {  	_ =	shalt  }
0x6d: {  	_ =	shalt  }
0x6e: {  	_ =	shalt  }
0x6f: {  	_ =	shalt  }
0x70: {  	_ =	shalt  }
0x71: {  	_ =	shalt  }
0x72: {  	_ =	shalt  }
0x73: {  	_ =	shalt  }
0x74: {  	_ =	shalt  }
0x75: {  	_ =	shalt  }
0x76: {  	_ =	shalt  }
0x77: {  	_ =	shalt  }
0x78: {  	_ =	shalt  }
0x79: {  	_ =	shalt  }
0x7a: {  	_ =	shalt  }
0x7b: {  	_ =	shalt  }
0x7c: {  	_ =	shalt  }
0x7d: {  	_ =	shalt  }
0x7e: {  	_ =	shalt  }
0x7f: {  	_ =	shalt  }
0x80: {  	_ =	shalt  }
0x81: {  	_ =	shalt  }
0x82: {  	_ =	shalt  }
0x83: {  	_ =	shalt  }
0x84: {  	_ =	shalt  }
0x85: {  	_ =	shalt  }
0x86: {  	_ =	shalt  }
0x87: {  	_ =	shalt  }
.Lfunc_end0:
.L_simem_size_0:
called_computation.1_lowered:
.L_overlay_start_0:
0x88: {  	s2 =	sld [smem:$0x3FD9]  }
0x89: {  	s3 =	sld [smem:$0x3FFE];
	_ =	sdelay $0x1  }
0x8a: {  	s1 =	srdreg.scid  }
0x8b: {  	s0 =	sand.u32 $0x1, s1  }
0x8c: {  	s17 =	sshll.u32 s0, $0xA;
	s2 =	sadd.s32 s3, s2  }
0x8d: {  	s2 =	sadd.s32 s2, s17  }
0x8e: {  	[smem:$0x3FC0] =	sst s2  }
0x8f: {  	_ = 	snop  }
0x90: {  	s2 =	sld [smem:$0x3FD0];
	(tm) =	ssettm $0x1  }
0x91: {  	s18 =	sld [smem:$0x3FFB];
	_ =	sdelay $0x3  }
0x92: {  	_ =	strace s18  }
0x93: {  	s3 =	sld [smem:$0x3FFC];
	_ =	sdelay $0x3  }
0x94: {  	_ =	strace s3  }
0x95: {  	s3 =	sld [smem:$0x3FFD];
	_ =	sdelay $0x3  }
0x96: {  	_ =	strace s3  }
0x97: {  	_ =	strace $0x8FFFFFFF  }
0x98: {  	s19 =	sld [smem:$0x3FDB];
	_ =	sdelay $0x1  }
0x99: {  	s4 =	simm.s32 $_scs_section_size  }
0x9a: {  	s5 =	simm.s32 $_size__tile_overlayer_lowered;
	s6 =	simm.s32 $_tile_overlayer_lowered  }
0x9b: {  	s22 =	simm.s32 $0x1BFF;
	s21 =	sshll.u32 s6, $0x1;
	s3 =	sadd.s32 s4, s19  }
0x9c: {  	s7 =	simm.s32 $0x0;
	s20 =	sshll.u32 s5, $0x1;
	s5 =	sadd.s32 s21, s3  }
0x9d: {  	[timem:s7], [sflag:s22] =	dma.local [hbm:s5], s20  }
0x9e: {  	_ =	swait.ge [sflag:s22], s20  }
0x9f: {  	s4 =	ssub.s32 $0x0, s20;
	[sflag:s22] =	ssyncset.done $0x0  }
0xa0: {  	[sflag:s22] =	ssyncadd.s32 s4;
	_ =	sdelay $0x1  }
0xa1: {  	s23 =	simm.s32 $0x1B8B  }
0xa2: {  	_ =	swait.ge [sflag:s23], $0x1  }
0xa3: {  	[sflag:s23] =	ssyncset.done $0x0  }
0xa4: {  	s25 =	simm.s32 $0x1B8E;
	s24 =	sld [smem:$0x3FFE];
	[sflag:s23] =	ssyncadd.s32 $0xFFFFFFFF  }
0xa5: {  	s26 =	simm.s32 $execute0_lowered;
	[smem:$0x3FD2] =	sst s25  }
0xa6: {  	s5 =	sshll.u32 s26, $0x1;
	_ =	strace $0x80000049;
	[dreg:$0x1] =	wrdreg $0xFFFFFFFF  }
0xa7: {  	s28 =	simm.s32 $_size_execute0_lowered;
	s3 =	sadd.s32 s3, s5;
	[dreg:$0x0] =	wrdreg $0x0  }
0xa8: {  	s5 =	sshll.u32 s28, $0x1;
	[dreg:$0x2] =	wrdreg s3  }
0xa9: {  	[dreg:$0x3] =	wrdreg s5  }
0xaa: {  	[dreg:$0x4] =	wrdreg $0xC0  }
0xab: {  	_ =	task [dreg:s7], $0x5FFFF  }
0xac: {  	[dreg:$0x1] =	wrdreg $0xFFFFFFFF  }
0xad: {  	[dreg:$0x0] =	wrdreg $0x60  }
0xae: {  	[dreg:$0x2] =	wrdreg s2  }
0xaf: {  	[dreg:$0x3] =	wrdreg s24  }
0xb0: {  	[dreg:$0x4] =	wrdreg $0x158200  }
0xb1: {  	[dreg:$0x5] =	wrdreg $0x9  }
0xb2: {  	_ =	task.clear_ibuf [dreg:s7], $0x6FFFF;
	_ =	strace $0x90000049  }
0xb3: {  	s29 =	simm.s32 $0x9;
	_ =	strace $0x8000004B  }
0xb4: {  	_ =	swait.ge [sflag:s29], $0x1  }
0xb5: {  	[sflag:s29] =	ssyncadd.s32 $0xFFFFFFFF  }
0xb6: {  	_ =	strace $0x9000004B  }
0xb7: {  	_ =	sfence  }
0xb8: {  	s30 =	sld [smem:$0x0];
	_ =	sdelay $0x2  }
0xb9: {  	s31 =	sshll.u32 s1, $0xD;
	s1 =	sshrl.u32 s1, $0x2  }
0xba: {  	s3 =	sand.u32 $0x4000, s31;
	s1 =	sadd.s32 s1, s30  }
0xbb: {  	s0 =	sor.u32 s3, s0;
	s1 =	sshll.u32 s1, $0x11  }
0xbc: {  	s0 =	sor.u32 s1, s0  }
0xbd: {  	s0 =	sadd.s32 $0x8F2B, s0  }
0xbe: {  	[sflag:s0] =	ssyncadd.remote.s32 $0x1  }
0xbf: {  	_ =	sfence.sel $0xFFFF  }
0xc0: {  	[dreg:$0x0] =	wrdreg $0xFFFFFFFF;
	(pc) =	sbr.abs _section_cstart, $3  }
0xc1: {  	[dreg:$0x1] =	wrdreg $0xFFFFFFFF  }
0xc2: {  	_ =	task.clear_ibuf [dreg:s7], $0x2FFFF;
	_ =	strace $0x9FFFFFFF  }
0xc3: {  	(tm) =	ssettm $0x7FFFFFFF  }
tec
execute0_lowered:
.L_overlay_start_1:
0x0: {  	(tag) =	ssettag $0x1  }
0x1: {  	s0 =	srdreg.scid;
	s2 =	rddreg [dreg:$0x0]  }
0x2: {  	s8 =	stileid.u32;
	s5 =	rddreg [dreg:$0x1]  }
0x3: {  	s3 =	rddreg [dreg:$0x2];
	s4 =	simm.s32 $0x0;
	s19 =	simm.s32 $0x3  }
0x4: {  	s20 =	simm.s32 $0x2710;
	s21 =	simm.s32 $0xC8;
	s22 =	simm.s32 $0x4E20  }
0x5: {  	s23 =	simm.s32 $0x8020;
	s28 =	simm.s32 $0xE420;
	s29 =	simm.s32 $0x14820  }
0x6: {  	s31 =	simm.s32 $0x11620;
	s24 =	simm.s32 $0x2;
	s7 =	smul.u32 $0xA000, s8  }
0x7: {  	s0 =	sand.u32 $0x1, s0;
	s1 =	sshll.u32 s8, $0x1;
	s8 =	smul.u32 $0x28000, s8  }
0x8: {  	[smem:$0x7FF] =	sst s4;
	s1 =	sor.u32 s0, s1;
	s6 =	smul.u32 $0xA0000, s0  }
0x9: {  	_ =	strace $0x8000004A;
	s0 =	ssub.s32 $0x2, s0;
	s1 =	smul.u32 $0x2710, s1  }
0xa: {  	s25 =	sshrl.u32 s0, $0x1;
	s8 =	sshrl.u32 s8, $0x2;
	s6 =	sadd.s32 s7, s6  }
0xb: {  	s0 =	ssub.s32 s0, s25;
	s7 =	sadd.s32 s7, s3;
	s30 =	sadd.s32 s8, s3  }
0xc: {  	s25 =	simm.s32 $0xB220;
	s1 =	sshrl.u32 s1, $0x3;
	s6 =	sshrl.u32 s6, $0x3  }
0xd: {  	s8 =	sadd.s32 $0x1000, s30;
	s9 =	sadd.s32 $0x2000, s30;
	s10 =	sadd.s32 $0x3000, s30  }
0xe: {  	s11 =	sadd.s32 $0x4000, s30;
	s12 =	sadd.s32 $0x5000, s30;
	s13 =	sadd.s32 $0x6000, s30  }
0xf: {  	s14 =	sadd.s32 $0x7000, s30;
	s15 =	sadd.s32 $0x8000, s30;
	s16 =	sadd.s32 $0x9000, s30  }
0x10: {  	s18 =	smax.u32 s0, $0x1;
	s1 =	sadd.s32 s1, s5;
	s17 =	sadd.s32 s6, s5  }
0x11: {  	s26 =	sadd.s32 $0x1C00, s1;
	s6 =	sadd.s32 $0xB840, s1;
	s17 =	sadd.s32 $0x15600, s17  }
0x12: {  	v0 =	vimm.f32 $0.0e+00;
	s1 =	simm.s32 $0x1;
	[dreg:$0x4] =	wrdreg s26;
	s26 =	simm.s32 $0x0  }
.LBB2_1:
0x13: {  	s0 =	rddreg [dreg:$0x4]  }
0x14: {  	[tilespmem:s4], [sflag:$0x3] =	stream.linear.gather [hbm4b:s0+s4], $0x2710, $0x38;
	[tilespmem:$0x1F820] =	vst v63  }
0x15: {  	_ =	swait.ge [sflag:s19], $0x2710  }
0x16: {  	[sflag:s19] =	ssyncset.done $0x0  }
0x17: {  	[sflag:s19] =	ssyncadd.s32 $0xFFFFD8F0  }
0x18: {  	[tilespmem:s20], [sflag:$0x3] =	stream.linear.gather [hbm4b:s6+s4], $0x2710, $0x38;
	[tilespmem:$0x1F820] =	vst v63  }
0x19: {  	_ =	swait.ge [sflag:s19], $0x2710  }
0x1a: {  	[sflag:s19] =	ssyncset.done $0x0  }
0x1b: {  	[sflag:s19] =	ssyncadd.s32 $0xFFFFD8F0  }
0x1c: {  	[tilespmem:s22], [sflag:$0x1] =	stream.indirect.gather [hbm4b:s2+s21], $0x40, s4, s21, $0xb8;
	[tilespmem:$0x1F820] =	vst v63  }
0x1d: {  	_ = 	snop  }
0x1e: {  	[tilespmem:s23], [sflag:$0x1] =	stream.indirect.gather [hbm4b:s2+s21], $0x40, s21, s21, $0xb8;
	[tilespmem:$0x1F820] =	vst v63  }
0x1f: {  	s5 =	simm.s32 $0x190  }
0x20: {  	[tilespmem:s25], [sflag:$0x1] =	stream.indirect.gather [hbm4b:s2+s21], $0x40, s5, s21, $0xb8;
	[tilespmem:$0x1F820] =	vst v63  }
0x21: {  	s30 =	simm.s32 $0x100;
	s0 =	simm.s32 $0x0;
	s5 =	simm.s32 $0x258  }
0x22: {  	[tilespmem:s28], [sflag:$0x1] =	stream.indirect.gather [hbm4b:s2+s21], $0x40, s5, s21, $0xb8;
	[tilespmem:$0x1F820] =	vst v63  }
.LBB2_2:
0x23: {  	p0 =	sne.s32 s30, $0x3F00;
	[tilespmem:s0+$0x14850] =	vst v0;
	s5 =	smov.u32 s30;
	s30 =	sadd.s32 $0x100, s30  }
.Ltmp0:
0x24: {  	[tilespmem:s0+$0x14840] =	vst v0;
	(pc) =	sbr.rel @p0 .LBB2_2-.Ltmp0, $3  }
0x25: {  	[tilespmem:s0+$0x14820] =	vst v0  }
0x26: {  	[tilespmem:s0+$0x14830] =	vst v0;
	_ =	sdelay $0x1  }
0x27: {  	s0 =	sshra.s32 s5, $0x2  }
0x28: {  	[tilespmem:s0+$0x14850] =	vst v0  }
0x29: {  	[tilespmem:s0+$0x14840] =	vst v0  }
0x2a: {  	[tilespmem:s0+$0x14820] =	vst v0  }
0x2b: {  	[tilespmem:s0+$0x14830] =	vst v0  }
0x2c: {  	[spmem:s7] =	stream.linear.scatter [tilespmem:s29], [sflag:$0x3], $0x1000, $0x38;
	[tilespmem:$0x1F820] =	vst v63  }
0x2d: {  	_ =	swait.ge [sflag:s19], $0x1000  }
0x2e: {  	[sflag:s19] =	ssyncset.done $0x0  }
0x2f: {  	[sflag:s19] =	ssyncadd.s32 $0xFFFFF000  }
0x30: {  	[spmem:s8] =	stream.linear.scatter [tilespmem:s29], [sflag:$0x3], $0x1000, $0x38;
	[tilespmem:$0x1F820] =	vst v63  }
0x31: {  	_ =	swait.ge [sflag:s19], $0x1000  }
0x32: {  	[sflag:s19] =	ssyncset.done $0x0  }
0x33: {  	[sflag:s19] =	ssyncadd.s32 $0xFFFFF000  }
0x34: {  	[spmem:s9] =	stream.linear.scatter [tilespmem:s29], [sflag:$0x3], $0x1000, $0x38;
	[tilespmem:$0x1F820] =	vst v63  }
0x35: {  	_ =	swait.ge [sflag:s19], $0x1000  }
0x36: {  	[sflag:s19] =	ssyncset.done $0x0  }
0x37: {  	[sflag:s19] =	ssyncadd.s32 $0xFFFFF000  }
0x38: {  	[spmem:s10] =	stream.linear.scatter [tilespmem:s29], [sflag:$0x3], $0x1000, $0x38;
	[tilespmem:$0x1F820] =	vst v63  }
0x39: {  	_ =	swait.ge [sflag:s19], $0x1000  }
0x3a: {  	[sflag:s19] =	ssyncset.done $0x0  }
0x3b: {  	[sflag:s19] =	ssyncadd.s32 $0xFFFFF000  }
0x3c: {  	[spmem:s11] =	stream.linear.scatter [tilespmem:s29], [sflag:$0x3], $0x1000, $0x38;
	[tilespmem:$0x1F820] =	vst v63  }
0x3d: {  	_ =	swait.ge [sflag:s19], $0x1000  }
0x3e: {  	[sflag:s19] =	ssyncset.done $0x0  }
0x3f: {  	[sflag:s19] =	ssyncadd.s32 $0xFFFFF000  }
0x40: {  	[spmem:s12] =	stream.linear.scatter [tilespmem:s29], [sflag:$0x3], $0x1000, $0x38;
	[tilespmem:$0x1F820] =	vst v63  }
0x41: {  	_ =	swait.ge [sflag:s19], $0x1000  }
0x42: {  	[sflag:s19] =	ssyncset.done $0x0  }
0x43: {  	[sflag:s19] =	ssyncadd.s32 $0xFFFFF000  }
0x44: {  	[spmem:s13] =	stream.linear.scatter [tilespmem:s29], [sflag:$0x3], $0x1000, $0x38;
	[tilespmem:$0x1F820] =	vst v63  }
0x45: {  	_ =	swait.ge [sflag:s19], $0x1000  }
0x46: {  	[sflag:s19] =	ssyncset.done $0x0  }
0x47: {  	[sflag:s19] =	ssyncadd.s32 $0xFFFFF000  }
0x48: {  	[spmem:s14] =	stream.linear.scatter [tilespmem:s29], [sflag:$0x3], $0x1000, $0x38;
	[tilespmem:$0x1F820] =	vst v63  }
0x49: {  	_ =	swait.ge [sflag:s19], $0x1000  }
0x4a: {  	[sflag:s19] =	ssyncset.done $0x0  }
0x4b: {  	[sflag:s19] =	ssyncadd.s32 $0xFFFFF000  }
0x4c: {  	[spmem:s15] =	stream.linear.scatter [tilespmem:s29], [sflag:$0x3], $0x1000, $0x38;
	[tilespmem:$0x1F820] =	vst v63  }
0x4d: {  	_ =	swait.ge [sflag:s19], $0x1000  }
0x4e: {  	[sflag:s19] =	ssyncset.done $0x0  }
0x4f: {  	[sflag:s19] =	ssyncadd.s32 $0xFFFFF000  }
0x50: {  	[spmem:s16] =	stream.linear.scatter [tilespmem:s29], [sflag:$0x3], $0x1000, $0x38;
	[tilespmem:$0x1F820] =	vst v63  }
0x51: {  	_ =	swait.ge [sflag:s19], $0x1000  }
0x52: {  	[sflag:s19] =	ssyncset.done $0x0  }
0x53: {  	[sflag:s19] =	ssyncadd.s32 $0xFFFFF000  }
0x54: {  	s5 =	simm.s32 $0x320;
	[bflag:$0x0] =	sbarrier.arrive $0xFFFF  }
0x55: {  	[tilespmem:s31], [sflag:$0x1] =	stream.indirect.gather [hbm4b:s2+s21], $0x40, s5, s21, $0xb8;
	[tilespmem:$0x1F820] =	vst v63  }
0x56: {  	_ =	swait.ge [sflag:s1], $0x3200  }
0x57: {  	[sflag:s1] =	ssyncset.done $0x0  }
0x58: {  	[sflag:s1] =	ssyncadd.s32 $0xFFFFCE00  }
0x59: {  	[spmem:s3] =	stream.indirect.scatter.add.f32 [tilespmem:s22], [sflag:$0x2], $0x40, s20, s21, $0xb8;
	[tilespmem:$0x1F820] =	vst v63  }
0x5a: {  	_ =	swait.ge [sflag:s24], $0x3200  }
0x5b: {  	[sflag:s24] =	ssyncset.done $0x0  }
0x5c: {  	s30 =	simm.s32 $0x3E8;
	[sflag:s24] =	ssyncadd.s32 $0xFFFFCE00  }
0x5d: {  	[tilespmem:s22], [sflag:$0x1] =	stream.indirect.gather [hbm4b:s2+s21], $0x40, s30, s21, $0xb8;
	[tilespmem:$0x1F820] =	vst v63  }
0x5e: {  	_ =	swait.ge [sflag:s1], $0x3200  }
0x5f: {  	[sflag:s1] =	ssyncset.done $0x0  }
0x60: {  	s5 =	simm.s32 $0x27D8;
	[sflag:s1] =	ssyncadd.s32 $0xFFFFCE00  }
0x61: {  	[spmem:s3] =	stream.indirect.scatter.add.f32 [tilespmem:s23], [sflag:$0x2], $0x40, s5, s21, $0xb8;
	[tilespmem:$0x1F820] =	vst v63  }
0x62: {  	_ =	swait.ge [sflag:s24], $0x3200  }
0x63: {  	[sflag:s24] =	ssyncset.done $0x0  }
0x64: {  	s30 =	simm.s32 $0x4B0;
	[sflag:s24] =	ssyncadd.s32 $0xFFFFCE00  }
0x65: {  	[tilespmem:s23], [sflag:$0x1] =	stream.indirect.gather [hbm4b:s2+s21], $0x40, s30, s21, $0xb8;
	[tilespmem:$0x1F820] =	vst v63  }
0x66: {  	_ =	swait.ge [sflag:s1], $0x3200  }
0x67: {  	[sflag:s1] =	ssyncset.done $0x0  }
0x68: {  	s5 =	simm.s32 $0x28A0;
	[sflag:s1] =	ssyncadd.s32 $0xFFFFCE00  }
0x69: {  	[spmem:s3] =	stream.indirect.scatter.add.f32 [tilespmem:s25], [sflag:$0x2], $0x40, s5, s21, $0xb8;
	[tilespmem:$0x1F820] =	vst v63  }
0x6a: {  	_ =	swait.ge [sflag:s24], $0x3200  }
0x6b: {  	[sflag:s24] =	ssyncset.done $0x0  }
0x6c: {  	s30 =	simm.s32 $0x578;
	[sflag:s24] =	ssyncadd.s32 $0xFFFFCE00  }
0x6d: {  	[tilespmem:s25], [sflag:$0x1] =	stream.indirect.gather [hbm4b:s2+s21], $0x40, s30, s21, $0xb8;
	[tilespmem:$0x1F820] =	vst v63  }
0x6e: {  	_ =	swait.ge [sflag:s1], $0x3200  }
0x6f: {  	[sflag:s1] =	ssyncset.done $0x0  }
0x70: {  	s5 =	simm.s32 $0x2968;
	[sflag:s1] =	ssyncadd.s32 $0xFFFFCE00  }
0x71: {  	[spmem:s3] =	stream.indirect.scatter.add.f32 [tilespmem:s28], [sflag:$0x2], $0x40, s5, s21, $0xb8;
	[tilespmem:$0x1F820] =	vst v63  }
0x72: {  	_ =	swait.ge [sflag:s24], $0x3200  }
0x73: {  	[sflag:s24] =	ssyncset.done $0x0  }
0x74: {  	s30 =	simm.s32 $0x640;
	[sflag:s24] =	ssyncadd.s32 $0xFFFFCE00  }
0x75: {  	[tilespmem:s28], [sflag:$0x1] =	stream.indirect.gather [hbm4b:s2+s21], $0x40, s30, s21, $0xb8;
	[tilespmem:$0x1F820] =	vst v63  }
0x76: {  	_ =	swait.ge [sflag:s1], $0x3200  }
0x77: {  	[sflag:s1] =	ssyncset.done $0x0  }
0x78: {  	s5 =	simm.s32 $0x2A30;
	[sflag:s1] =	ssyncadd.s32 $0xFFFFCE00  }
0x79: {  	[spmem:s3] =	stream.indirect.scatter.add.f32 [tilespmem:s31], [sflag:$0x2], $0x40, s5, s21, $0xb8;
	[tilespmem:$0x1F820] =	vst v63  }
0x7a: {  	_ =	swait.ge [sflag:s24], $0x3200  }
0x7b: {  	[sflag:s24] =	ssyncset.done $0x0  }
0x7c: {  	s30 =	simm.s32 $0x708;
	[sflag:s24] =	ssyncadd.s32 $0xFFFFCE00  }
0x7d: {  	[tilespmem:s31], [sflag:$0x1] =	stream.indirect.gather [hbm4b:s2+s21], $0x40, s30, s21, $0xb8;
	[tilespmem:$0x1F820] =	vst v63  }
0x7e: {  	_ =	swait.ge [sflag:s1], $0x3200  }
0x7f: {  	[sflag:s1] =	ssyncset.done $0x0  }
0x80: {  	s5 =	simm.s32 $0x2AF8;
	[sflag:s1] =	ssyncadd.s32 $0xFFFFCE00  }
0x81: {  	[spmem:s3] =	stream.indirect.scatter.add.f32 [tilespmem:s22], [sflag:$0x2], $0x40, s5, s21, $0xb8;
	[tilespmem:$0x1F820] =	vst v63  }
0x82: {  	_ =	swait.ge [sflag:s24], $0x3200  }
0x83: {  	[sflag:s24] =	ssyncset.done $0x0  }
0x84: {  	s30 =	simm.s32 $0x7D0;
	[sflag:s24] =	ssyncadd.s32 $0xFFFFCE00  }
0x85: {  	[tilespmem:s22], [sflag:$0x1] =	stream.indirect.gather [hbm4b:s2+s21], $0x40, s30, s21, $0xb8;
	[tilespmem:$0x1F820] =	vst v63  }
0x86: {  	_ =	swait.ge [sflag:s1], $0x3200  }
0x87: {  	[sflag:s1] =	ssyncset.done $0x0  }
0x88: {  	s5 =	simm.s32 $0x2BC0;
	[sflag:s1] =	ssyncadd.s32 $0xFFFFCE00  }
0x89: {  	[spmem:s3] =	stream.indirect.scatter.add.f32 [tilespmem:s23], [sflag:$0x2], $0x40, s5, s21, $0xb8;
	[tilespmem:$0x1F820] =	vst v63  }
0x8a: {  	_ =	swait.ge [sflag:s24], $0x3200  }
0x8b: {  	[sflag:s24] =	ssyncset.done $0x0  }
0x8c: {  	s30 =	simm.s32 $0x898;
	[sflag:s24] =	ssyncadd.s32 $0xFFFFCE00  }
0x8d: {  	[tilespmem:s23], [sflag:$0x1] =	stream.indirect.gather [hbm4b:s2+s21], $0x40, s30, s21, $0xb8;
	[tilespmem:$0x1F820] =	vst v63  }
0x8e: {  	_ =	swait.ge [sflag:s1], $0x3200  }
0x8f: {  	[sflag:s1] =	ssyncset.done $0x0  }
0x90: {  	s5 =	simm.s32 $0x2C88;
	[sflag:s1] =	ssyncadd.s32 $0xFFFFCE00  }
0x91: {  	[spmem:s3] =	stream.indirect.scatter.add.f32 [tilespmem:s25], [sflag:$0x2], $0x40, s5, s21, $0xb8;
	[tilespmem:$0x1F820] =	vst v63  }
0x92: {  	_ =	swait.ge [sflag:s24], $0x3200  }
0x93: {  	[sflag:s24] =	ssyncset.done $0x0  }
0x94: {  	s30 =	simm.s32 $0x960;
	[sflag:s24] =	ssyncadd.s32 $0xFFFFCE00  }
0x95: {  	[tilespmem:s25], [sflag:$0x1] =	stream.indirect.gather [hbm4b:s2+s21], $0x40, s30, s21, $0xb8;
	[tilespmem:$0x1F820] =	vst v63  }
0x96: {  	_ =	swait.ge [sflag:s1], $0x3200  }
0x97: {  	[sflag:s1] =	ssyncset.done $0x0  }
0x98: {  	s5 =	simm.s32 $0x2D50;
	[sflag:s1] =	ssyncadd.s32 $0xFFFFCE00  }
0x99: {  	[spmem:s3] =	stream.indirect.scatter.add.f32 [tilespmem:s28], [sflag:$0x2], $0x40, s5, s21, $0xb8;
	[tilespmem:$0x1F820] =	vst v63  }
0x9a: {  	_ =	swait.ge [sflag:s24], $0x3200  }
0x9b: {  	[sflag:s24] =	ssyncset.done $0x0  }
0x9c: {  	s30 =	simm.s32 $0xA28;
	[sflag:s24] =	ssyncadd.s32 $0xFFFFCE00  }
0x9d: {  	[tilespmem:s28], [sflag:$0x1] =	stream.indirect.gather [hbm4b:s2+s21], $0x40, s30, s21, $0xb8;
	[tilespmem:$0x1F820] =	vst v63  }
0x9e: {  	_ =	swait.ge [sflag:s1], $0x3200  }
0x9f: {  	[sflag:s1] =	ssyncset.done $0x0  }
0xa0: {  	s5 =	simm.s32 $0x2E18;
	[sflag:s1] =	ssyncadd.s32 $0xFFFFCE00  }
0xa1: {  	[spmem:s3] =	stream.indirect.scatter.add.f32 [tilespmem:s31], [sflag:$0x2], $0x40, s5, s21, $0xb8;
	[tilespmem:$0x1F820] =	vst v63  }
0xa2: {  	_ =	swait.ge [sflag:s24], $0x3200  }
0xa3: {  	[sflag:s24] =	ssyncset.done $0x0  }
0xa4: {  	s30 =	simm.s32 $0xAF0;
	[sflag:s24] =	ssyncadd.s32 $0xFFFFCE00  }
0xa5: {  	[tilespmem:s31], [sflag:$0x1] =	stream.indirect.gather [hbm4b:s2+s21], $0x40, s30, s21, $0xb8;
	[tilespmem:$0x1F820] =	vst v63  }
0xa6: {  	_ =	swait.ge [sflag:s1], $0x3200  }
0xa7: {  	[sflag:s1] =	ssyncset.done $0x0  }
0xa8: {  	s5 =	simm.s32 $0x2EE0;
	[sflag:s1] =	ssyncadd.s32 $0xFFFFCE00  }
0xa9: {  	[spmem:s3] =	stream.indirect.scatter.add.f32 [tilespmem:s22], [sflag:$0x2], $0x40, s5, s21, $0xb8;
	[tilespmem:$0x1F820] =	vst v63  }
0xaa: {  	_ =	swait.ge [sflag:s24], $0x3200  }
0xab: {  	[sflag:s24] =	ssyncset.done $0x0  }
0xac: {  	s30 =	simm.s32 $0xBB8;
	[sflag:s24] =	ssyncadd.s32 $0xFFFFCE00  }
0xad: {  	[tilespmem:s22], [sflag:$0x1] =	stream.indirect.gather [hbm4b:s2+s21], $0x40, s30, s21, $0xb8;
	[tilespmem:$0x1F820] =	vst v63  }
0xae: {  	_ =	swait.ge [sflag:s1], $0x3200  }
0xaf: {  	[sflag:s1] =	ssyncset.done $0x0  }
0xb0: {  	s5 =	simm.s32 $0x2FA8;
	[sflag:s1] =	ssyncadd.s32 $0xFFFFCE00  }
0xb1: {  	[spmem:s3] =	stream.indirect.scatter.add.f32 [tilespmem:s23], [sflag:$0x2], $0x40, s5, s21, $0xb8;
	[tilespmem:$0x1F820] =	vst v63  }
0xb2: {  	_ =	swait.ge [sflag:s24], $0x3200  }
0xb3: {  	[sflag:s24] =	ssyncset.done $0x0  }
0xb4: {  	s30 =	simm.s32 $0xC80;
	[sflag:s24] =	ssyncadd.s32 $0xFFFFCE00  }
0xb5: {  	[tilespmem:s23], [sflag:$0x1] =	stream.indirect.gather [hbm4b:s2+s21], $0x40, s30, s21, $0xb8;
	[tilespmem:$0x1F820] =	vst v63  }
0xb6: {  	_ =	swait.ge [sflag:s1], $0x3200  }
0xb7: {  	[sflag:s1] =	ssyncset.done $0x0  }
0xb8: {  	s5 =	simm.s32 $0x3070;
	[sflag:s1] =	ssyncadd.s32 $0xFFFFCE00  }
0xb9: {  	[spmem:s3] =	stream.indirect.scatter.add.f32 [tilespmem:s25], [sflag:$0x2], $0x40, s5, s21, $0xb8;
	[tilespmem:$0x1F820] =	vst v63  }
0xba: {  	_ =	swait.ge [sflag:s24], $0x3200  }
0xbb: {  	[sflag:s24] =	ssyncset.done $0x0  }
0xbc: {  	s30 =	simm.s32 $0xD48;
	[sflag:s24] =	ssyncadd.s32 $0xFFFFCE00  }
0xbd: {  	[tilespmem:s25], [sflag:$0x1] =	stream.indirect.gather [hbm4b:s2+s21], $0x40, s30, s21, $0xb8;
	[tilespmem:$0x1F820] =	vst v63  }
0xbe: {  	_ =	swait.ge [sflag:s1], $0x3200  }
0xbf: {  	[sflag:s1] =	ssyncset.done $0x0  }
0xc0: {  	s5 =	simm.s32 $0x3138;
	[sflag:s1] =	ssyncadd.s32 $0xFFFFCE00  }
0xc1: {  	[spmem:s3] =	stream.indirect.scatter.add.f32 [tilespmem:s28], [sflag:$0x2], $0x40, s5, s21, $0xb8;
	[tilespmem:$0x1F820] =	vst v63  }
0xc2: {  	_ =	swait.ge [sflag:s24], $0x3200  }
0xc3: {  	[sflag:s24] =	ssyncset.done $0x0  }
0xc4: {  	s30 =	simm.s32 $0xE10;
	[sflag:s24] =	ssyncadd.s32 $0xFFFFCE00  }
0xc5: {  	[tilespmem:s28], [sflag:$0x1] =	stream.indirect.gather [hbm4b:s2+s21], $0x40, s30, s21, $0xb8;
	[tilespmem:$0x1F820] =	vst v63  }
0xc6: {  	_ =	swait.ge [sflag:s1], $0x3200  }
0xc7: {  	[sflag:s1] =	ssyncset.done $0x0  }
0xc8: {  	s5 =	simm.s32 $0x3200;
	[sflag:s1] =	ssyncadd.s32 $0xFFFFCE00  }
0xc9: {  	[spmem:s3] =	stream.indirect.scatter.add.f32 [tilespmem:s31], [sflag:$0x2], $0x40, s5, s21, $0xb8;
	[tilespmem:$0x1F820] =	vst v63  }
0xca: {  	_ =	swait.ge [sflag:s24], $0x3200  }
0xcb: {  	[sflag:s24] =	ssyncset.done $0x0  }
0xcc: {  	s30 =	simm.s32 $0xED8;
	[sflag:s24] =	ssyncadd.s32 $0xFFFFCE00  }
0xcd: {  	[tilespmem:s31], [sflag:$0x1] =	stream.indirect.gather [hbm4b:s2+s21], $0x40, s30, s21, $0xb8;
	[tilespmem:$0x1F820] =	vst v63  }
0xce: {  	_ =	swait.ge [sflag:s1], $0x3200  }
0xcf: {  	[sflag:s1] =	ssyncset.done $0x0  }
0xd0: {  	s5 =	simm.s32 $0x32C8;
	[sflag:s1] =	ssyncadd.s32 $0xFFFFCE00  }
0xd1: {  	[spmem:s3] =	stream.indirect.scatter.add.f32 [tilespmem:s22], [sflag:$0x2], $0x40, s5, s21, $0xb8;
	[tilespmem:$0x1F820] =	vst v63  }
0xd2: {  	_ =	swait.ge [sflag:s24], $0x3200  }
0xd3: {  	[sflag:s24] =	ssyncset.done $0x0  }
0xd4: {  	s30 =	simm.s32 $0xFA0;
	[sflag:s24] =	ssyncadd.s32 $0xFFFFCE00  }
0xd5: {  	[tilespmem:s22], [sflag:$0x1] =	stream.indirect.gather [hbm4b:s2+s21], $0x40, s30, s21, $0xb8;
	[tilespmem:$0x1F820] =	vst v63  }
0xd6: {  	_ =	swait.ge [sflag:s1], $0x3200  }
0xd7: {  	[sflag:s1] =	ssyncset.done $0x0  }
0xd8: {  	s5 =	simm.s32 $0x3390;
	[sflag:s1] =	ssyncadd.s32 $0xFFFFCE00  }
0xd9: {  	[spmem:s3] =	stream.indirect.scatter.add.f32 [tilespmem:s23], [sflag:$0x2], $0x40, s5, s21, $0xb8;
	[tilespmem:$0x1F820] =	vst v63  }
0xda: {  	_ =	swait.ge [sflag:s24], $0x3200  }
0xdb: {  	[sflag:s24] =	ssyncset.done $0x0  }
0xdc: {  	s30 =	simm.s32 $0x1068;
	[sflag:s24] =	ssyncadd.s32 $0xFFFFCE00  }
0xdd: {  	[tilespmem:s23], [sflag:$0x1] =	stream.indirect.gather [hbm4b:s2+s21], $0x40, s30, s21, $0xb8;
	[tilespmem:$0x1F820] =	vst v63  }
0xde: {  	_ =	swait.ge [sflag:s1], $0x3200  }
0xdf: {  	[sflag:s1] =	ssyncset.done $0x0  }
0xe0: {  	s5 =	simm.s32 $0x3458;
	[sflag:s1] =	ssyncadd.s32 $0xFFFFCE00  }
0xe1: {  	[spmem:s3] =	stream.indirect.scatter.add.f32 [tilespmem:s25], [sflag:$0x2], $0x40, s5, s21, $0xb8;
	[tilespmem:$0x1F820] =	vst v63  }
0xe2: {  	_ =	swait.ge [sflag:s24], $0x3200  }
0xe3: {  	[sflag:s24] =	ssyncset.done $0x0  }
0xe4: {  	s30 =	simm.s32 $0x1130;
	[sflag:s24] =	ssyncadd.s32 $0xFFFFCE00  }
0xe5: {  	[tilespmem:s25], [sflag:$0x1] =	stream.indirect.gather [hbm4b:s2+s21], $0x40, s30, s21, $0xb8;
	[tilespmem:$0x1F820] =	vst v63  }
0xe6: {  	_ =	swait.ge [sflag:s1], $0x3200  }
0xe7: {  	[sflag:s1] =	ssyncset.done $0x0  }
0xe8: {  	s5 =	simm.s32 $0x3520;
	[sflag:s1] =	ssyncadd.s32 $0xFFFFCE00  }
0xe9: {  	[spmem:s3] =	stream.indirect.scatter.add.f32 [tilespmem:s28], [sflag:$0x2], $0x40, s5, s21, $0xb8;
	[tilespmem:$0x1F820] =	vst v63  }
0xea: {  	_ =	swait.ge [sflag:s24], $0x3200  }
0xeb: {  	[sflag:s24] =	ssyncset.done $0x0  }
0xec: {  	s30 =	simm.s32 $0x11F8;
	[sflag:s24] =	ssyncadd.s32 $0xFFFFCE00  }
0xed: {  	[tilespmem:s28], [sflag:$0x1] =	stream.indirect.gather [hbm4b:s2+s21], $0x40, s30, s21, $0xb8;
	[tilespmem:$0x1F820] =	vst v63  }
0xee: {  	_ =	swait.ge [sflag:s1], $0x3200  }
0xef: {  	[sflag:s1] =	ssyncset.done $0x0  }
0xf0: {  	s5 =	simm.s32 $0x35E8;
	[sflag:s1] =	ssyncadd.s32 $0xFFFFCE00  }
0xf1: {  	[spmem:s3] =	stream.indirect.scatter.add.f32 [tilespmem:s31], [sflag:$0x2], $0x40, s5, s21, $0xb8;
	[tilespmem:$0x1F820] =	vst v63  }
0xf2: {  	_ =	swait.ge [sflag:s24], $0x3200  }
0xf3: {  	[sflag:s24] =	ssyncset.done $0x0  }
0xf4: {  	s30 =	simm.s32 $0x12C0;
	[sflag:s24] =	ssyncadd.s32 $0xFFFFCE00  }
0xf5: {  	[tilespmem:s31], [sflag:$0x1] =	stream.indirect.gather [hbm4b:s2+s21], $0x40, s30, s21, $0xb8;
	[tilespmem:$0x1F820] =	vst v63  }
0xf6: {  	_ =	swait.ge [sflag:s1], $0x3200  }
0xf7: {  	[sflag:s1] =	ssyncset.done $0x0  }
0xf8: {  	s5 =	simm.s32 $0x36B0;
	[sflag:s1] =	ssyncadd.s32 $0xFFFFCE00  }
0xf9: {  	[spmem:s3] =	stream.indirect.scatter.add.f32 [tilespmem:s22], [sflag:$0x2], $0x40, s5, s21, $0xb8;
	[tilespmem:$0x1F820] =	vst v63  }
0xfa: {  	_ =	swait.ge [sflag:s24], $0x3200  }
0xfb: {  	[sflag:s24] =	ssyncset.done $0x0  }
0xfc: {  	s30 =	simm.s32 $0x1388;
	[sflag:s24] =	ssyncadd.s32 $0xFFFFCE00  }
0xfd: {  	[tilespmem:s22], [sflag:$0x1] =	stream.indirect.gather [hbm4b:s2+s21], $0x40, s30, s21, $0xb8;
	[tilespmem:$0x1F820] =	vst v63  }
0xfe: {  	_ =	swait.ge [sflag:s1], $0x3200  }
0xff: {  	[sflag:s1] =	ssyncset.done $0x0  }
0x100: {  	s5 =	simm.s32 $0x3778;
	[sflag:s1] =	ssyncadd.s32 $0xFFFFCE00  }
0x101: {  	[spmem:s3] =	stream.indirect.scatter.add.f32 [tilespmem:s23], [sflag:$0x2], $0x40, s5, s21, $0xb8;
	[tilespmem:$0x1F820] =	vst v63  }
0x102: {  	_ =	swait.ge [sflag:s24], $0x3200  }
0x103: {  	[sflag:s24] =	ssyncset.done $0x0  }
0x104: {  	s30 =	simm.s32 $0x1450;
	[sflag:s24] =	ssyncadd.s32 $0xFFFFCE00  }
0x105: {  	[tilespmem:s23], [sflag:$0x1] =	stream.indirect.gather [hbm4b:s2+s21], $0x40, s30, s21, $0xb8;
	[tilespmem:$0x1F820] =	vst v63  }
0x106: {  	_ =	swait.ge [sflag:s1], $0x3200  }
0x107: {  	[sflag:s1] =	ssyncset.done $0x0  }
0x108: {  	s5 =	simm.s32 $0x3840;
	[sflag:s1] =	ssyncadd.s32 $0xFFFFCE00  }
0x109: {  	[spmem:s3] =	stream.indirect.scatter.add.f32 [tilespmem:s25], [sflag:$0x2], $0x40, s5, s21, $0xb8;
	[tilespmem:$0x1F820] =	vst v63  }
0x10a: {  	_ =	swait.ge [sflag:s24], $0x3200  }
0x10b: {  	[sflag:s24] =	ssyncset.done $0x0  }
0x10c: {  	s30 =	simm.s32 $0x1518;
	[sflag:s24] =	ssyncadd.s32 $0xFFFFCE00  }
0x10d: {  	[tilespmem:s25], [sflag:$0x1] =	stream.indirect.gather [hbm4b:s2+s21], $0x40, s30, s21, $0xb8;
	[tilespmem:$0x1F820] =	vst v63  }
0x10e: {  	_ =	swait.ge [sflag:s1], $0x3200  }
0x10f: {  	[sflag:s1] =	ssyncset.done $0x0  }
0x110: {  	s5 =	simm.s32 $0x3908;
	[sflag:s1] =	ssyncadd.s32 $0xFFFFCE00  }
0x111: {  	[spmem:s3] =	stream.indirect.scatter.add.f32 [tilespmem:s28], [sflag:$0x2], $0x40, s5, s21, $0xb8;
	[tilespmem:$0x1F820] =	vst v63  }
0x112: {  	_ =	swait.ge [sflag:s24], $0x3200  }
0x113: {  	[sflag:s24] =	ssyncset.done $0x0  }
0x114: {  	s30 =	simm.s32 $0x15E0;
	[sflag:s24] =	ssyncadd.s32 $0xFFFFCE00  }
0x115: {  	[tilespmem:s28], [sflag:$0x1] =	stream.indirect.gather [hbm4b:s2+s21], $0x40, s30, s21, $0xb8;
	[tilespmem:$0x1F820] =	vst v63  }
0x116: {  	_ =	swait.ge [sflag:s1], $0x3200  }
0x117: {  	[sflag:s1] =	ssyncset.done $0x0  }
0x118: {  	s5 =	simm.s32 $0x39D0;
	[sflag:s1] =	ssyncadd.s32 $0xFFFFCE00  }
0x119: {  	[spmem:s3] =	stream.indirect.scatter.add.f32 [tilespmem:s31], [sflag:$0x2], $0x40, s5, s21, $0xb8;
	[tilespmem:$0x1F820] =	vst v63  }
0x11a: {  	_ =	swait.ge [sflag:s24], $0x3200  }
0x11b: {  	[sflag:s24] =	ssyncset.done $0x0  }
0x11c: {  	s30 =	simm.s32 $0x16A8;
	[sflag:s24] =	ssyncadd.s32 $0xFFFFCE00  }
0x11d: {  	[tilespmem:s31], [sflag:$0x1] =	stream.indirect.gather [hbm4b:s2+s21], $0x40, s30, s21, $0xb8;
	[tilespmem:$0x1F820] =	vst v63  }
0x11e: {  	_ =	swait.ge [sflag:s1], $0x3200  }
0x11f: {  	[sflag:s1] =	ssyncset.done $0x0  }
0x120: {  	s5 =	simm.s32 $0x3A98;
	[sflag:s1] =	ssyncadd.s32 $0xFFFFCE00  }
0x121: {  	[spmem:s3] =	stream.indirect.scatter.add.f32 [tilespmem:s22], [sflag:$0x2], $0x40, s5, s21, $0xb8;
	[tilespmem:$0x1F820] =	vst v63  }
0x122: {  	_ =	swait.ge [sflag:s24], $0x3200  }
0x123: {  	[sflag:s24] =	ssyncset.done $0x0  }
0x124: {  	s30 =	simm.s32 $0x1770;
	[sflag:s24] =	ssyncadd.s32 $0xFFFFCE00  }
0x125: {  	[tilespmem:s22], [sflag:$0x1] =	stream.indirect.gather [hbm4b:s2+s21], $0x40, s30, s21, $0xb8;
	[tilespmem:$0x1F820] =	vst v63  }
0x126: {  	_ =	swait.ge [sflag:s1], $0x3200  }
0x127: {  	[sflag:s1] =	ssyncset.done $0x0  }
0x128: {  	s5 =	simm.s32 $0x3B60;
	[sflag:s1] =	ssyncadd.s32 $0xFFFFCE00  }
0x129: {  	[spmem:s3] =	stream.indirect.scatter.add.f32 [tilespmem:s23], [sflag:$0x2], $0x40, s5, s21, $0xb8;
	[tilespmem:$0x1F820] =	vst v63  }
0x12a: {  	_ =	swait.ge [sflag:s24], $0x3200  }
0x12b: {  	[sflag:s24] =	ssyncset.done $0x0  }
0x12c: {  	s30 =	simm.s32 $0x1838;
	[sflag:s24] =	ssyncadd.s32 $0xFFFFCE00  }
0x12d: {  	[tilespmem:s23], [sflag:$0x1] =	stream.indirect.gather [hbm4b:s2+s21], $0x40, s30, s21, $0xb8;
	[tilespmem:$0x1F820] =	vst v63  }
0x12e: {  	_ =	swait.ge [sflag:s1], $0x3200  }
0x12f: {  	[sflag:s1] =	ssyncset.done $0x0  }
0x130: {  	s5 =	simm.s32 $0x3C28;
	[sflag:s1] =	ssyncadd.s32 $0xFFFFCE00  }
0x131: {  	[spmem:s3] =	stream.indirect.scatter.add.f32 [tilespmem:s25], [sflag:$0x2], $0x40, s5, s21, $0xb8;
	[tilespmem:$0x1F820] =	vst v63  }
0x132: {  	_ =	swait.ge [sflag:s24], $0x3200  }
0x133: {  	[sflag:s24] =	ssyncset.done $0x0  }
0x134: {  	s30 =	simm.s32 $0x1900;
	[sflag:s24] =	ssyncadd.s32 $0xFFFFCE00  }
0x135: {  	[tilespmem:s25], [sflag:$0x1] =	stream.indirect.gather [hbm4b:s2+s21], $0x40, s30, s21, $0xb8;
	[tilespmem:$0x1F820] =	vst v63  }
0x136: {  	_ =	swait.ge [sflag:s1], $0x3200  }
0x137: {  	[sflag:s1] =	ssyncset.done $0x0  }
0x138: {  	s5 =	simm.s32 $0x3CF0;
	[sflag:s1] =	ssyncadd.s32 $0xFFFFCE00  }
0x139: {  	[spmem:s3] =	stream.indirect.scatter.add.f32 [tilespmem:s28], [sflag:$0x2], $0x40, s5, s21, $0xb8;
	[tilespmem:$0x1F820] =	vst v63  }
0x13a: {  	_ =	swait.ge [sflag:s24], $0x3200  }
0x13b: {  	[sflag:s24] =	ssyncset.done $0x0  }
0x13c: {  	s30 =	simm.s32 $0x19C8;
	[sflag:s24] =	ssyncadd.s32 $0xFFFFCE00  }
0x13d: {  	[tilespmem:s28], [sflag:$0x1] =	stream.indirect.gather [hbm4b:s2+s21], $0x40, s30, s21, $0xb8;
	[tilespmem:$0x1F820] =	vst v63  }
0x13e: {  	_ =	swait.ge [sflag:s1], $0x3200  }
0x13f: {  	[sflag:s1] =	ssyncset.done $0x0  }
0x140: {  	s5 =	simm.s32 $0x3DB8;
	[sflag:s1] =	ssyncadd.s32 $0xFFFFCE00  }
0x141: {  	[spmem:s3] =	stream.indirect.scatter.add.f32 [tilespmem:s31], [sflag:$0x2], $0x40, s5, s21, $0xb8;
	[tilespmem:$0x1F820] =	vst v63  }
0x142: {  	_ =	swait.ge [sflag:s24], $0x3200  }
0x143: {  	[sflag:s24] =	ssyncset.done $0x0  }
0x144: {  	s30 =	simm.s32 $0x1A90;
	[sflag:s24] =	ssyncadd.s32 $0xFFFFCE00  }
0x145: {  	[tilespmem:s31], [sflag:$0x1] =	stream.indirect.gather [hbm4b:s2+s21], $0x40, s30, s21, $0xb8;
	[tilespmem:$0x1F820] =	vst v63  }
0x146: {  	_ =	swait.ge [sflag:s1], $0x3200  }
0x147: {  	[sflag:s1] =	ssyncset.done $0x0  }
0x148: {  	s5 =	simm.s32 $0x3E80;
	[sflag:s1] =	ssyncadd.s32 $0xFFFFCE00  }
0x149: {  	[spmem:s3] =	stream.indirect.scatter.add.f32 [tilespmem:s22], [sflag:$0x2], $0x40, s5, s21, $0xb8;
	[tilespmem:$0x1F820] =	vst v63  }
0x14a: {  	_ =	swait.ge [sflag:s24], $0x3200  }
0x14b: {  	[sflag:s24] =	ssyncset.done $0x0  }
0x14c: {  	s30 =	simm.s32 $0x1B58;
	[sflag:s24] =	ssyncadd.s32 $0xFFFFCE00  }
0x14d: {  	[tilespmem:s22], [sflag:$0x1] =	stream.indirect.gather [hbm4b:s2+s21], $0x40, s30, s21, $0xb8;
	[tilespmem:$0x1F820] =	vst v63  }
0x14e: {  	_ =	swait.ge [sflag:s1], $0x3200  }
0x14f: {  	[sflag:s1] =	ssyncset.done $0x0  }
0x150: {  	s5 =	simm.s32 $0x3F48;
	[sflag:s1] =	ssyncadd.s32 $0xFFFFCE00  }
0x151: {  	[spmem:s3] =	stream.indirect.scatter.add.f32 [tilespmem:s23], [sflag:$0x2], $0x40, s5, s21, $0xb8;
	[tilespmem:$0x1F820] =	vst v63  }
0x152: {  	_ =	swait.ge [sflag:s24], $0x3200  }
0x153: {  	[sflag:s24] =	ssyncset.done $0x0  }
0x154: {  	s30 =	simm.s32 $0x1C20;
	[sflag:s24] =	ssyncadd.s32 $0xFFFFCE00  }
0x155: {  	[tilespmem:s23], [sflag:$0x1] =	stream.indirect.gather [hbm4b:s2+s21], $0x40, s30, s21, $0xb8;
	[tilespmem:$0x1F820] =	vst v63  }
0x156: {  	_ =	swait.ge [sflag:s1], $0x3200  }
0x157: {  	[sflag:s1] =	ssyncset.done $0x0  }
0x158: {  	s5 =	simm.s32 $0x4010;
	[sflag:s1] =	ssyncadd.s32 $0xFFFFCE00  }
0x159: {  	[spmem:s3] =	stream.indirect.scatter.add.f32 [tilespmem:s25], [sflag:$0x2], $0x40, s5, s21, $0xb8;
	[tilespmem:$0x1F820] =	vst v63  }
0x15a: {  	_ =	swait.ge [sflag:s24], $0x3200  }
0x15b: {  	[sflag:s24] =	ssyncset.done $0x0  }
0x15c: {  	s30 =	simm.s32 $0x1CE8;
	[sflag:s24] =	ssyncadd.s32 $0xFFFFCE00  }
0x15d: {  	[tilespmem:s25], [sflag:$0x1] =	stream.indirect.gather [hbm4b:s2+s21], $0x40, s30, s21, $0xb8;
	[tilespmem:$0x1F820] =	vst v63  }
0x15e: {  	_ =	swait.ge [sflag:s1], $0x3200  }
0x15f: {  	[sflag:s1] =	ssyncset.done $0x0  }
0x160: {  	s5 =	simm.s32 $0x40D8;
	[sflag:s1] =	ssyncadd.s32 $0xFFFFCE00  }
0x161: {  	[spmem:s3] =	stream.indirect.scatter.add.f32 [tilespmem:s28], [sflag:$0x2], $0x40, s5, s21, $0xb8;
	[tilespmem:$0x1F820] =	vst v63  }
0x162: {  	_ =	swait.ge [sflag:s24], $0x3200  }
0x163: {  	[sflag:s24] =	ssyncset.done $0x0  }
0x164: {  	s30 =	simm.s32 $0x1DB0;
	[sflag:s24] =	ssyncadd.s32 $0xFFFFCE00  }
0x165: {  	[tilespmem:s28], [sflag:$0x1] =	stream.indirect.gather [hbm4b:s2+s21], $0x40, s30, s21, $0xb8;
	[tilespmem:$0x1F820] =	vst v63  }
0x166: {  	_ =	swait.ge [sflag:s1], $0x3200  }
0x167: {  	[sflag:s1] =	ssyncset.done $0x0  }
0x168: {  	s5 =	simm.s32 $0x41A0;
	[sflag:s1] =	ssyncadd.s32 $0xFFFFCE00  }
0x169: {  	[spmem:s3] =	stream.indirect.scatter.add.f32 [tilespmem:s31], [sflag:$0x2], $0x40, s5, s21, $0xb8;
	[tilespmem:$0x1F820] =	vst v63  }
0x16a: {  	_ =	swait.ge [sflag:s24], $0x3200  }
0x16b: {  	[sflag:s24] =	ssyncset.done $0x0  }
0x16c: {  	s30 =	simm.s32 $0x1E78;
	[sflag:s24] =	ssyncadd.s32 $0xFFFFCE00  }
0x16d: {  	[tilespmem:s31], [sflag:$0x1] =	stream.indirect.gather [hbm4b:s2+s21], $0x40, s30, s21, $0xb8;
	[tilespmem:$0x1F820] =	vst v63  }
0x16e: {  	_ =	swait.ge [sflag:s1], $0x3200  }
0x16f: {  	[sflag:s1] =	ssyncset.done $0x0  }
0x170: {  	s5 =	simm.s32 $0x4268;
	[sflag:s1] =	ssyncadd.s32 $0xFFFFCE00  }
0x171: {  	[spmem:s3] =	stream.indirect.scatter.add.f32 [tilespmem:s22], [sflag:$0x2], $0x40, s5, s21, $0xb8;
	[tilespmem:$0x1F820] =	vst v63  }
0x172: {  	_ =	swait.ge [sflag:s24], $0x3200  }
0x173: {  	[sflag:s24] =	ssyncset.done $0x0  }
0x174: {  	s30 =	simm.s32 $0x1F40;
	[sflag:s24] =	ssyncadd.s32 $0xFFFFCE00  }
0x175: {  	[tilespmem:s22], [sflag:$0x1] =	stream.indirect.gather [hbm4b:s2+s21], $0x40, s30, s21, $0xb8;
	[tilespmem:$0x1F820] =	vst v63  }
0x176: {  	_ =	swait.ge [sflag:s1], $0x3200  }
0x177: {  	[sflag:s1] =	ssyncset.done $0x0  }
0x178: {  	s5 =	simm.s32 $0x4330;
	[sflag:s1] =	ssyncadd.s32 $0xFFFFCE00  }
0x179: {  	[spmem:s3] =	stream.indirect.scatter.add.f32 [tilespmem:s23], [sflag:$0x2], $0x40, s5, s21, $0xb8;
	[tilespmem:$0x1F820] =	vst v63  }
0x17a: {  	_ =	swait.ge [sflag:s24], $0x3200  }
0x17b: {  	[sflag:s24] =	ssyncset.done $0x0  }
0x17c: {  	s30 =	simm.s32 $0x2008;
	[sflag:s24] =	ssyncadd.s32 $0xFFFFCE00  }
0x17d: {  	[tilespmem:s23], [sflag:$0x1] =	stream.indirect.gather [hbm4b:s2+s21], $0x40, s30, s21, $0xb8;
	[tilespmem:$0x1F820] =	vst v63  }
0x17e: {  	_ =	swait.ge [sflag:s1], $0x3200  }
0x17f: {  	[sflag:s1] =	ssyncset.done $0x0  }
0x180: {  	s5 =	simm.s32 $0x43F8;
	[sflag:s1] =	ssyncadd.s32 $0xFFFFCE00  }
0x181: {  	[spmem:s3] =	stream.indirect.scatter.add.f32 [tilespmem:s25], [sflag:$0x2], $0x40, s5, s21, $0xb8;
	[tilespmem:$0x1F820] =	vst v63  }
0x182: {  	_ =	swait.ge [sflag:s24], $0x3200  }
0x183: {  	[sflag:s24] =	ssyncset.done $0x0  }
0x184: {  	s30 =	simm.s32 $0x20D0;
	[sflag:s24] =	ssyncadd.s32 $0xFFFFCE00  }
0x185: {  	[tilespmem:s25], [sflag:$0x1] =	stream.indirect.gather [hbm4b:s2+s21], $0x40, s30, s21, $0xb8;
	[tilespmem:$0x1F820] =	vst v63  }
0x186: {  	_ =	swait.ge [sflag:s1], $0x3200  }
0x187: {  	[sflag:s1] =	ssyncset.done $0x0  }
0x188: {  	s5 =	simm.s32 $0x44C0;
	[sflag:s1] =	ssyncadd.s32 $0xFFFFCE00  }
0x189: {  	[spmem:s3] =	stream.indirect.scatter.add.f32 [tilespmem:s28], [sflag:$0x2], $0x40, s5, s21, $0xb8;
	[tilespmem:$0x1F820] =	vst v63  }
0x18a: {  	_ =	swait.ge [sflag:s24], $0x3200  }
0x18b: {  	[sflag:s24] =	ssyncset.done $0x0  }
0x18c: {  	s30 =	simm.s32 $0x2198;
	[sflag:s24] =	ssyncadd.s32 $0xFFFFCE00  }
0x18d: {  	[tilespmem:s28], [sflag:$0x1] =	stream.indirect.gather [hbm4b:s2+s21], $0x40, s30, s21, $0xb8;
	[tilespmem:$0x1F820] =	vst v63  }
0x18e: {  	_ =	swait.ge [sflag:s1], $0x3200  }
0x18f: {  	[sflag:s1] =	ssyncset.done $0x0  }
0x190: {  	s5 =	simm.s32 $0x4588;
	[sflag:s1] =	ssyncadd.s32 $0xFFFFCE00  }
0x191: {  	[spmem:s3] =	stream.indirect.scatter.add.f32 [tilespmem:s31], [sflag:$0x2], $0x40, s5, s21, $0xb8;
	[tilespmem:$0x1F820] =	vst v63  }
0x192: {  	_ =	swait.ge [sflag:s24], $0x3200  }
0x193: {  	[sflag:s24] =	ssyncset.done $0x0  }
0x194: {  	s30 =	simm.s32 $0x2260;
	[sflag:s24] =	ssyncadd.s32 $0xFFFFCE00  }
0x195: {  	[tilespmem:s31], [sflag:$0x1] =	stream.indirect.gather [hbm4b:s2+s21], $0x40, s30, s21, $0xb8;
	[tilespmem:$0x1F820] =	vst v63  }
0x196: {  	_ =	swait.ge [sflag:s1], $0x3200  }
0x197: {  	[sflag:s1] =	ssyncset.done $0x0  }
0x198: {  	s5 =	simm.s32 $0x4650;
	[sflag:s1] =	ssyncadd.s32 $0xFFFFCE00  }
0x199: {  	[spmem:s3] =	stream.indirect.scatter.add.f32 [tilespmem:s22], [sflag:$0x2], $0x40, s5, s21, $0xb8;
	[tilespmem:$0x1F820] =	vst v63  }
0x19a: {  	_ =	swait.ge [sflag:s24], $0x3200  }
0x19b: {  	[sflag:s24] =	ssyncset.done $0x0  }
0x19c: {  	s30 =	simm.s32 $0x2328;
	[sflag:s24] =	ssyncadd.s32 $0xFFFFCE00  }
0x19d: {  	[tilespmem:s22], [sflag:$0x1] =	stream.indirect.gather [hbm4b:s2+s21], $0x40, s30, s21, $0xb8;
	[tilespmem:$0x1F820] =	vst v63  }
0x19e: {  	_ =	swait.ge [sflag:s1], $0x3200  }
0x19f: {  	[sflag:s1] =	ssyncset.done $0x0  }
0x1a0: {  	s5 =	simm.s32 $0x4718;
	[sflag:s1] =	ssyncadd.s32 $0xFFFFCE00  }
0x1a1: {  	[spmem:s3] =	stream.indirect.scatter.add.f32 [tilespmem:s23], [sflag:$0x2], $0x40, s5, s21, $0xb8;
	[tilespmem:$0x1F820] =	vst v63  }
0x1a2: {  	_ =	swait.ge [sflag:s24], $0x3200  }
0x1a3: {  	[sflag:s24] =	ssyncset.done $0x0  }
0x1a4: {  	s30 =	simm.s32 $0x23F0;
	[sflag:s24] =	ssyncadd.s32 $0xFFFFCE00  }
0x1a5: {  	[tilespmem:s23], [sflag:$0x1] =	stream.indirect.gather [hbm4b:s2+s21], $0x40, s30, s21, $0xb8;
	[tilespmem:$0x1F820] =	vst v63  }
0x1a6: {  	_ =	swait.ge [sflag:s1], $0x3200  }
0x1a7: {  	[sflag:s1] =	ssyncset.done $0x0  }
0x1a8: {  	s5 =	simm.s32 $0x47E0;
	[sflag:s1] =	ssyncadd.s32 $0xFFFFCE00  }
0x1a9: {  	[spmem:s3] =	stream.indirect.scatter.add.f32 [tilespmem:s25], [sflag:$0x2], $0x40, s5, s21, $0xb8;
	[tilespmem:$0x1F820] =	vst v63  }
0x1aa: {  	_ =	swait.ge [sflag:s24], $0x3200  }
0x1ab: {  	[sflag:s24] =	ssyncset.done $0x0  }
0x1ac: {  	s30 =	simm.s32 $0x24B8;
	[sflag:s24] =	ssyncadd.s32 $0xFFFFCE00  }
0x1ad: {  	[tilespmem:s25], [sflag:$0x1] =	stream.indirect.gather [hbm4b:s2+s21], $0x40, s30, s21, $0xb8;
	[tilespmem:$0x1F820] =	vst v63  }
0x1ae: {  	_ =	swait.ge [sflag:s1], $0x3200  }
0x1af: {  	[sflag:s1] =	ssyncset.done $0x0  }
0x1b0: {  	s5 =	simm.s32 $0x48A8;
	[sflag:s1] =	ssyncadd.s32 $0xFFFFCE00  }
0x1b1: {  	[spmem:s3] =	stream.indirect.scatter.add.f32 [tilespmem:s28], [sflag:$0x2], $0x40, s5, s21, $0xb8;
	[tilespmem:$0x1F820] =	vst v63  }
0x1b2: {  	_ =	swait.ge [sflag:s24], $0x3200  }
0x1b3: {  	[sflag:s24] =	ssyncset.done $0x0  }
0x1b4: {  	s30 =	simm.s32 $0x2580;
	[sflag:s24] =	ssyncadd.s32 $0xFFFFCE00  }
0x1b5: {  	[tilespmem:s28], [sflag:$0x1] =	stream.indirect.gather [hbm4b:s2+s21], $0x40, s30, s21, $0xb8;
	[tilespmem:$0x1F820] =	vst v63  }
0x1b6: {  	_ =	swait.ge [sflag:s1], $0x3200  }
0x1b7: {  	[sflag:s1] =	ssyncset.done $0x0  }
0x1b8: {  	s5 =	simm.s32 $0x4970;
	[sflag:s1] =	ssyncadd.s32 $0xFFFFCE00  }
0x1b9: {  	[spmem:s3] =	stream.indirect.scatter.add.f32 [tilespmem:s31], [sflag:$0x2], $0x40, s5, s21, $0xb8;
	[tilespmem:$0x1F820] =	vst v63  }
0x1ba: {  	_ =	swait.ge [sflag:s24], $0x3200  }
0x1bb: {  	[sflag:s24] =	ssyncset.done $0x0  }
0x1bc: {  	s30 =	simm.s32 $0x2648;
	[sflag:s24] =	ssyncadd.s32 $0xFFFFCE00  }
0x1bd: {  	[tilespmem:s31], [sflag:$0x1] =	stream.indirect.gather [hbm4b:s2+s21], $0x40, s30, s21, $0xb8;
	[tilespmem:$0x1F820] =	vst v63  }
0x1be: {  	_ =	swait.ge [sflag:s1], $0x3200  }
0x1bf: {  	[sflag:s1] =	ssyncset.done $0x0  }
0x1c0: {  	s5 =	simm.s32 $0x4A38;
	[sflag:s1] =	ssyncadd.s32 $0xFFFFCE00  }
0x1c1: {  	[spmem:s3] =	stream.indirect.scatter.add.f32 [tilespmem:s22], [sflag:$0x2], $0x40, s5, s21, $0xb8;
	[tilespmem:$0x1F820] =	vst v63  }
0x1c2: {  	_ =	swait.ge [sflag:s1], $0x3200  }
0x1c3: {  	[sflag:s1] =	ssyncset.done $0x0  }
0x1c4: {  	s30 =	simm.s32 $0x4B00;
	[sflag:s1] =	ssyncadd.s32 $0xFFFFCE00  }
0x1c5: {  	[spmem:s3] =	stream.indirect.scatter.add.f32 [tilespmem:s23], [sflag:$0x2], $0x40, s30, s21, $0xb8;
	[tilespmem:$0x1F820] =	vst v63  }
0x1c6: {  	_ =	swait.ge [sflag:s1], $0x3200  }
0x1c7: {  	[sflag:s1] =	ssyncset.done $0x0  }
0x1c8: {  	s5 =	simm.s32 $0x4BC8;
	[sflag:s1] =	ssyncadd.s32 $0xFFFFCE00  }
0x1c9: {  	[spmem:s3] =	stream.indirect.scatter.add.f32 [tilespmem:s25], [sflag:$0x2], $0x40, s5, s21, $0xb8;
	[tilespmem:$0x1F820] =	vst v63  }
0x1ca: {  	_ =	swait.ge [sflag:s1], $0x3200  }
0x1cb: {  	[sflag:s1] =	ssyncset.done $0x0  }
0x1cc: {  	s30 =	simm.s32 $0x4C90;
	[sflag:s1] =	ssyncadd.s32 $0xFFFFCE00  }
0x1cd: {  	[spmem:s3] =	stream.indirect.scatter.add.f32 [tilespmem:s28], [sflag:$0x2], $0x40, s30, s21, $0xb8;
	[tilespmem:$0x1F820] =	vst v63  }
0x1ce: {  	_ =	swait.ge [sflag:s1], $0x3200  }
0x1cf: {  	[sflag:s1] =	ssyncset.done $0x0  }
0x1d0: {  	s5 =	simm.s32 $0x4D58;
	[sflag:s1] =	ssyncadd.s32 $0xFFFFCE00  }
0x1d1: {  	[spmem:s3] =	stream.indirect.scatter.add.f32 [tilespmem:s31], [sflag:$0x2], $0x40, s5, s21, $0xb8;
	[tilespmem:$0x1F820] =	vst v63  }
0x1d2: {  	_ =	swait.ge [sflag:s24], $0x3200  }
0x1d3: {  	[sflag:s24] =	ssyncset.done $0x0  }
0x1d4: {  	[sflag:s24] =	ssyncadd.s32 $0xFFFFCE00  }
0x1d5: {  	_ =	swait.ge [sflag:s24], $0x3200  }
0x1d6: {  	[sflag:s24] =	ssyncset.done $0x0  }
0x1d7: {  	[sflag:s24] =	ssyncadd.s32 $0xFFFFCE00  }
0x1d8: {  	_ =	swait.ge [sflag:s24], $0x3200  }
0x1d9: {  	[sflag:s24] =	ssyncset.done $0x0  }
0x1da: {  	[sflag:s24] =	ssyncadd.s32 $0xFFFFCE00  }
0x1db: {  	_ =	swait.ge [sflag:s24], $0x3200  }
0x1dc: {  	[sflag:s24] =	ssyncset.done $0x0  }
0x1dd: {  	[sflag:s24] =	ssyncadd.s32 $0xFFFFCE00  }
0x1de: {  	s30 =	stileid.u32;
	_ =	swait.ge [sflag:s24], $0x3200  }
0x1df: {  	s26 =	sadd.s32 $0x1, s26;
	s0 =	sshll.u32 s30, $0x6;
	[sflag:s24] =	ssyncset.done $0x0  }
0x1e0: {  	p0 =	sne.s32 s26, s18;
	s0 =	sor.u32 $0x1C03, s0;
	[sflag:s24] =	ssyncadd.s32 $0xFFFFCE00  }
.Ltmp1:
0x1e1: {  	s5 =	sshrl.u32 s7, $0x3;
	[bflag:$0x0] =	sbarrier.arrive $0xFFFF;
	(pc) =	sbr.rel @p0 .LBB2_1-.Ltmp1, $4  }
0x1e2: {  	[hbm:s17], [sflag:s0] =	dma.local [spmem:s5], $0x1400  }
0x1e3: {  	_ =	swait.ge [sflag:s19], $0x1400  }
0x1e4: {  	[sflag:s19] =	ssyncset.done $0x0  }
0x1e5: {  	[sflag:s19] =	ssyncadd.s32 $0xFFFFEC00  }
0x1e6: {  	_ =	sfence.sel $0x180000  }
0x1e7: {  	[bflag:$0x0] =	sbarrier.arrive $0xFFFF  }
0x1e8: {  	_ =	strace $0x9000004A  }
0x1e9: {  	s0 =	stileid.u32;
	[bflag:$0x2] =	sbarrier.arrive $0xFFFF  }
0x1ea: {  	p0 =	sne.s32 s0, $0x0;
	s0 =	rddreg [dreg:$0x3]  }
0x1eb: {  	s0 =	sadd.s32 @!p0 $0x100000, s0  }
0x1ec: {  	[sflag:s0] =	ssyncadd.tile.s32 @!p0 $0x1;
	_ =	shalt  }
.Lfunc_end2:
_tile_overlayer_lowered:
.L_overlay_start_2:
0x1ed: {  	(tag) =	ssettag $0x2  }
0x1ee: {  	s0 =	rddreg [dreg:$0x0];
	s2 =	stileid.u32  }
0x1ef: {  	s1 =	rddreg [dreg:$0x1];
	p0 =	sne.s32 s2, $0x0  }
0x1f0: {  	s3 =	rddreg [dreg:$0x2];
	[bflag:$0x3] =	sbarrier.arrive $0xFFFF;
	s2 =	simm.s32 @!p0 $0x1C03  }
0x1f1: {  	[timem:s3], [sflag:s2] =	dma.local @!p0 [hbm:s0], s1  }
0x1f2: {  	s0 =	simm.s32 @!p0 $0x3  }
0x1f3: {  	_ =	swait.ge @!p0 [sflag:s0], s1  }
0x1f4: {  	s1 =	ssub.s32 @!p0 $0x0, s1;
	[sflag:s0] =	ssyncset.done @!p0 $0x0  }
0x1f5: {  	[sflag:s0] =	ssyncadd.s32 @!p0 s1  }
0x1f6: {  	[bflag:$0x3] =	sbarrier.arrive $0xFFFF  }
0x1f7: {  	_ =	shalt  }

// kernel: kernel.15.cloned.1.call-start
scs
__scs_entry_jumppad:
0x0: {  	(pc) =	sbr.rel $0x88, $3  }
0x1: {  	(tag) =	ssettag $0x0;
	lr =	simm.s32 $0x1  }
0x2: {  	[smem:$0x3F99] =	sst lr;
	_ =	strace $0xD0000000  }
0x3: {  	_ = 	snop  }
0x4: {  	_ = 	snop  }
0x5: {  	_ = 	snop  }
0x6: {  	_ = 	snop  }
0x7: {  	_ = 	snop  }
__scs_overlays_trampoline_lowered:
0x8: {  	[smem:$0x3FA8] =	sst s0  }
0x9: {  	[smem:$0x3FA9] =	sst s1  }
0xa: {  	[smem:$0x3FAA] =	sst s2  }
0xb: {  	[smem:$0x3FAB] =	sst s3  }
0xc: {  	[smem:$0x3FAC] =	sst s4  }
0xd: {  	[smem:$0x3FAD] =	sst s5  }
0xe: {  	[smem:$0x3FAE] =	sst s6  }
0xf: {  	[smem:$0x3FAF] =	sst s7  }
0x10: {  	[smem:$0x3FB0] =	sst s8  }
0x11: {  	[smem:$0x3FB1] =	sst s9;
	s0 =	simm.s32 @!p0 $0x0  }
0x12: {  	s1 =	sld [smem:$0x3F97];
	s0 =	simm.s32 @p0 $0x1  }
0x13: {  	[smem:$0x3FB2] =	sst s0;
	s0 =	simm.s32 @!p1 $0x0  }
0x14: {  	s2 =	sld [smem:$0x3F96];
	s0 =	simm.s32 @p1 $0x1  }
0x15: {  	[smem:$0x3FB3] =	sst s0;
	s0 =	simm.s32 @!p2 $0x0  }
0x16: {  	s3 =	sld [smem:$0x3FDB];
	s0 =	simm.s32 @p2 $0x1  }
0x17: {  	s4 =	simm.s32 $0x1BF5;
	[smem:$0x3FB5] =	sst s0  }
0x18: {  	s0 =	sld [smem:$0x3F98];
	_ =	swait.ge [sflag:s4], $0x0  }
0x19: {  	s7 =	sld [smem:$0x3F99]  }
0x1a: {  	s8 =	sadd.s32 $0xFFFFE003, lr  }
0x1b: {  	s9 =	sadd.s32 $0xFFFFFEF7, lr;
	s5 =	simm.s32 $0xFFFFFFFF;
	p2 =	slt.u32 s8, $0xFFFFF086  }
0x1c: {  	p1 =	slt.u32 s9, $0xF7A;
	s5 =	simm.s32 @!p2 $0x0  }
0x1d: {  	s5 =	simm.s32 @p1 $0x1;
	p0 =	seq.s32 s7, s2  }
0x1e: {  	s7 =	smul.u32 @!p0 $0xF7A, s2;
	p2 =	seq.s32 @!p0 s5, $0x0  }
0x1f: {  	s9 =	smul.u32 $0xF7A, s1;
	s8 =	simm.s32 @!p0 $0x1BF5;
	p2 =	por !p2, p0  }
0x20: {  	[sflag:s8] =	ssyncset.s32 @!p0 $0xFFFFF086;
	s6 =	sadd.s32 @!p0 s3, s7;
	s7 =	simm.s32 @!p0 $0x108  }
0x21: {  	s3 =	sadd.s32 s3, s9;
	s6 =	sadd.s32 @!p0 $0x88, s6;
	s7 =	simm.s32 @p2 $0x1082  }
0x22: {  	[simem:s7], [sflag:s8] =	dma.local @!p0 [hbm:s6], $0xF7A  }
0x23: {  	s9 =	sor.u32 $0xD0000000, s2;
	s6 =	simm.s32 $0x108;
	_ =	swait.ge @!p0 [sflag:s8], $0x0  }
0x24: {  	s3 =	sadd.s32 $0x88, s3;
	s6 =	simm.s32 @!p1 $0x1082;
	[sflag:s4] =	ssyncset.s32 $0xFFFFF086  }
0x25: {  	[simem:s6], [sflag:s4] =	dma.local [hbm:s3], $0xF7A  }
0x26: {  	[smem:$0x3F99] =	sst s1;
	(tag) =	ssettag s2;
	_ =	strace s9  }
0x27: {  	s1 =	sld [smem:$0x3FA9]  }
0x28: {  	s2 =	sld [smem:$0x3FAA]  }
0x29: {  	s4 =	sld [smem:$0x3FAC]  }
0x2a: {  	p0 =	seq.s32 s5, $0x0;
	s5 =	sld [smem:$0x3FAD]  }
0x2b: {  	s6 =	sld [smem:$0x3FAE]  }
0x2c: {  	s7 =	sld [smem:$0x3FAF]  }
0x2d: {  	s3 =	simm.s32 $0x108;
	s8 =	sld [smem:$0x3FB0]  }
0x2e: {  	s3 =	simm.s32 @!p0 $0x1082;
	s9 =	sld [smem:$0x3FB1]  }
0x2f: {  	lr =	sadd.s32 s0, s3;
	s0 =	sld [smem:$0x3FA8]  }
0x30: {  	s3 =	sld [smem:$0x3FAB]  }
0x31: {  	[smem:$0x3FB4] =	sst s10  }
0x32: {  	s10 =	sld [smem:$0x3FB2];
	_ =	sdelay $0x3  }
0x33: {  	p0 =	seq.s32 s10, $0x1;
	s10 =	sld [smem:$0x3FB4];
	_ =	sdelay $0x3  }
0x34: {  	[smem:$0x3FB4] =	sst s10  }
0x35: {  	s10 =	sld [smem:$0x3FB3];
	_ =	sdelay $0x3  }
0x36: {  	p1 =	seq.s32 s10, $0x1;
	s10 =	sld [smem:$0x3FB4];
	_ =	sdelay $0x3  }
0x37: {  	[smem:$0x3FB4] =	sst s10  }
0x38: {  	s10 =	sld [smem:$0x3FB5]  }
0x39: {  	_ = 	snop;
	(pc) =	sbr.ind lr, $3  }
0x3a: {  	_ = 	snop  }
0x3b: {  	_ = 	snop  }
0x3c: {  	p2 =	seq.s32 s10, $0x1;
	s10 =	sld [smem:$0x3FB4]  }
0x3d: {  	_ =	shalt  }
0x3e: {  	_ =	shalt  }
0x3f: {  	_ =	shalt  }
0x40: {  	_ =	shalt  }
0x41: {  	_ =	shalt  }
0x42: {  	_ =	shalt  }
0x43: {  	_ =	shalt  }
0x44: {  	_ =	shalt  }
0x45: {  	_ =	shalt  }
0x46: {  	_ =	shalt  }
0x47: {  	_ =	shalt  }
0x48: {  	_ =	shalt  }
0x49: {  	_ =	shalt  }
0x4a: {  	_ =	shalt  }
0x4b: {  	_ =	shalt  }
0x4c: {  	_ =	shalt  }
0x4d: {  	_ =	shalt  }
0x4e: {  	_ =	shalt  }
0x4f: {  	_ =	shalt  }
0x50: {  	_ =	shalt  }
0x51: {  	_ =	shalt  }
0x52: {  	_ =	shalt  }
0x53: {  	_ =	shalt  }
0x54: {  	_ =	shalt  }
0x55: {  	_ =	shalt  }
0x56: {  	_ =	shalt  }
0x57: {  	_ =	shalt  }
0x58: {  	_ =	shalt  }
0x59: {  	_ =	shalt  }
0x5a: {  	_ =	shalt  }
0x5b: {  	_ =	shalt  }
0x5c: {  	_ =	shalt  }
0x5d: {  	_ =	shalt  }
0x5e: {  	_ =	shalt  }
0x5f: {  	_ =	shalt  }
0x60: {  	_ =	shalt  }
0x61: {  	_ =	shalt  }
0x62: {  	_ =	shalt  }
0x63: {  	_ =	shalt  }
0x64: {  	_ =	shalt  }
0x65: {  	_ =	shalt  }
0x66: {  	_ =	shalt  }
0x67: {  	_ =	shalt  }
0x68: {  	_ =	shalt  }
0x69: {  	_ =	shalt  }
0x6a: {  	_ =	shalt  }
0x6b: {  	_ =	shalt  }
0x6c: {  	_ =	shalt  }
0x6d: {  	_ =	shalt  }
0x6e: {  	_ =	shalt  }
0x6f: {  	_ =	shalt  }
0x70: {  	_ =	shalt  }
0x71: {  	_ =	shalt  }
0x72: {  	_ =	shalt  }
0x73: {  	_ =	shalt  }
0x74: {  	_ =	shalt  }
0x75: {  	_ =	shalt  }
0x76: {  	_ =	shalt  }
0x77: {  	_ =	shalt  }
0x78: {  	_ =	shalt  }
0x79: {  	_ =	shalt  }
0x7a: {  	_ =	shalt  }
0x7b: {  	_ =	shalt  }
0x7c: {  	_ =	shalt  }
0x7d: {  	_ =	shalt  }
0x7e: {  	_ =	shalt  }
0x7f: {  	_ =	shalt  }
0x80: {  	_ =	shalt  }
0x81: {  	_ =	shalt  }
0x82: {  	_ =	shalt  }
0x83: {  	_ =	shalt  }
0x84: {  	_ =	shalt  }
0x85: {  	_ =	shalt  }
0x86: {  	_ =	shalt  }
0x87: {  	_ =	shalt  }
.Lfunc_end0:
.L_simem_size_0:
called_computation.2_lowered:
.L_overlay_start_0:
0x88: {  	s2 =	sld [smem:$0x3FD9]  }
0x89: {  	s3 =	sld [smem:$0x3FFE];
	_ =	sdelay $0x1  }
0x8a: {  	s1 =	srdreg.scid  }
0x8b: {  	s0 =	sand.u32 $0x1, s1  }
0x8c: {  	s17 =	sshll.u32 s0, $0xA;
	s2 =	sadd.s32 s3, s2  }
0x8d: {  	s2 =	sadd.s32 s2, s17  }
0x8e: {  	[smem:$0x3FC0] =	sst s2  }
0x8f: {  	_ = 	snop  }
0x90: {  	s2 =	sld [smem:$0x3FD0];
	(tm) =	ssettm $0x1  }
0x91: {  	s18 =	sld [smem:$0x3FFB];
	_ =	sdelay $0x3  }
0x92: {  	_ =	strace s18  }
0x93: {  	s3 =	sld [smem:$0x3FFC];
	_ =	sdelay $0x3  }
0x94: {  	_ =	strace s3  }
0x95: {  	s3 =	sld [smem:$0x3FFD];
	_ =	sdelay $0x3  }
0x96: {  	_ =	strace s3  }
0x97: {  	_ =	strace $0x8FFFFFFF  }
0x98: {  	s19 =	sld [smem:$0x3FDB];
	_ =	sdelay $0x1  }
0x99: {  	s4 =	simm.s32 $_scs_section_size  }
0x9a: {  	s5 =	simm.s32 $_size__tile_overlayer_lowered;
	s6 =	simm.s32 $_tile_overlayer_lowered  }
0x9b: {  	s22 =	simm.s32 $0x1BFF;
	s21 =	sshll.u32 s6, $0x1;
	s3 =	sadd.s32 s4, s19  }
0x9c: {  	s7 =	simm.s32 $0x0;
	s20 =	sshll.u32 s5, $0x1;
	s5 =	sadd.s32 s21, s3  }
0x9d: {  	[timem:s7], [sflag:s22] =	dma.local [hbm:s5], s20  }
0x9e: {  	_ =	swait.ge [sflag:s22], s20  }
0x9f: {  	s4 =	ssub.s32 $0x0, s20;
	[sflag:s22] =	ssyncset.done $0x0  }
0xa0: {  	[sflag:s22] =	ssyncadd.s32 s4;
	_ =	sdelay $0x1  }
0xa1: {  	s23 =	simm.s32 $0x1B8B  }
0xa2: {  	_ =	swait.ge [sflag:s23], $0x1  }
0xa3: {  	[sflag:s23] =	ssyncset.done $0x0  }
0xa4: {  	s25 =	simm.s32 $0x1B8E;
	s24 =	sld [smem:$0x3FFE];
	[sflag:s23] =	ssyncadd.s32 $0xFFFFFFFF  }
0xa5: {  	s26 =	simm.s32 $execute0_lowered;
	[smem:$0x3FD2] =	sst s25  }
0xa6: {  	s5 =	sshll.u32 s26, $0x1;
	_ =	strace $0x8000004C;
	[dreg:$0x1] =	wrdreg $0xFFFFFFFF  }
0xa7: {  	s28 =	simm.s32 $_size_execute0_lowered;
	s3 =	sadd.s32 s3, s5;
	[dreg:$0x0] =	wrdreg $0x0  }
0xa8: {  	s5 =	sshll.u32 s28, $0x1;
	[dreg:$0x2] =	wrdreg s3  }
0xa9: {  	[dreg:$0x3] =	wrdreg s5  }
0xaa: {  	[dreg:$0x4] =	wrdreg $0xC0  }
0xab: {  	_ =	task [dreg:s7], $0x5FFFF  }
0xac: {  	[dreg:$0x1] =	wrdreg $0xFFFFFFFF  }
0xad: {  	[dreg:$0x0] =	wrdreg $0x60  }
0xae: {  	[dreg:$0x2] =	wrdreg s2  }
0xaf: {  	[dreg:$0x3] =	wrdreg s24  }
0xb0: {  	[dreg:$0x4] =	wrdreg $0x158200  }
0xb1: {  	[dreg:$0x5] =	wrdreg $0x9  }
0xb2: {  	_ =	task.clear_ibuf [dreg:s7], $0x6FFFF;
	_ =	strace $0x9000004C  }
0xb3: {  	s29 =	simm.s32 $0x9;
	_ =	strace $0x8000004E  }
0xb4: {  	_ =	swait.ge [sflag:s29], $0x1  }
0xb5: {  	[sflag:s29] =	ssyncadd.s32 $0xFFFFFFFF  }
0xb6: {  	_ =	strace $0x9000004E  }
0xb7: {  	_ =	sfence  }
0xb8: {  	s30 =	sld [smem:$0x0];
	_ =	sdelay $0x2  }
0xb9: {  	s31 =	sshll.u32 s1, $0xD;
	s1 =	sshrl.u32 s1, $0x2  }
0xba: {  	s3 =	sand.u32 $0x4000, s31;
	s1 =	sadd.s32 s1, s30  }
0xbb: {  	s0 =	sor.u32 s3, s0;
	s1 =	sshll.u32 s1, $0x11  }
0xbc: {  	s0 =	sor.u32 s1, s0  }
0xbd: {  	s0 =	sadd.s32 $0x8F2B, s0  }
0xbe: {  	[sflag:s0] =	ssyncadd.remote.s32 $0x1  }
0xbf: {  	_ =	sfence.sel $0xFFFF  }
0xc0: {  	[dreg:$0x0] =	wrdreg $0xFFFFFFFF;
	(pc) =	sbr.abs _section_cstart, $3  }
0xc1: {  	[dreg:$0x1] =	wrdreg $0xFFFFFFFF  }
0xc2: {  	_ =	task.clear_ibuf [dreg:s7], $0x2FFFF;
	_ =	strace $0x9FFFFFFF  }
0xc3: {  	(tm) =	ssettm $0x7FFFFFFF  }
tec
execute0_lowered:
.L_overlay_start_1:
0x0: {  	(tag) =	ssettag $0x1  }
0x1: {  	s0 =	srdreg.scid;
	s2 =	rddreg [dreg:$0x0]  }
0x2: {  	s8 =	stileid.u32;
	s5 =	rddreg [dreg:$0x1]  }
0x3: {  	s3 =	rddreg [dreg:$0x2];
	s4 =	simm.s32 $0x0;
	s19 =	simm.s32 $0x3  }
0x4: {  	s20 =	simm.s32 $0x2710;
	s21 =	simm.s32 $0xC8;
	s22 =	simm.s32 $0x4E20  }
0x5: {  	s23 =	simm.s32 $0x8020;
	s28 =	simm.s32 $0xE420;
	s29 =	simm.s32 $0x14820  }
0x6: {  	s31 =	simm.s32 $0x11620;
	s24 =	simm.s32 $0x2;
	s7 =	smul.u32 $0xA000, s8  }
0x7: {  	s0 =	sand.u32 $0x1, s0;
	s1 =	sshll.u32 s8, $0x1;
	s8 =	smul.u32 $0x28000, s8  }
0x8: {  	[smem:$0x7FF] =	sst s4;
	s1 =	sor.u32 s0, s1;
	s6 =	smul.u32 $0xA0000, s0  }
0x9: {  	_ =	strace $0x8000004D;
	s0 =	ssub.s32 $0x2, s0;
	s1 =	smul.u32 $0x2710, s1  }
0xa: {  	s25 =	sshrl.u32 s0, $0x1;
	s8 =	sshrl.u32 s8, $0x2;
	s6 =	sadd.s32 s7, s6  }
0xb: {  	s0 =	ssub.s32 s0, s25;
	s7 =	sadd.s32 s7, s3;
	s30 =	sadd.s32 s8, s3  }
0xc: {  	s25 =	simm.s32 $0xB220;
	s1 =	sshrl.u32 s1, $0x3;
	s6 =	sshrl.u32 s6, $0x3  }
0xd: {  	s8 =	sadd.s32 $0x1000, s30;
	s9 =	sadd.s32 $0x2000, s30;
	s10 =	sadd.s32 $0x3000, s30  }
0xe: {  	s11 =	sadd.s32 $0x4000, s30;
	s12 =	sadd.s32 $0x5000, s30;
	s13 =	sadd.s32 $0x6000, s30  }
0xf: {  	s14 =	sadd.s32 $0x7000, s30;
	s15 =	sadd.s32 $0x8000, s30;
	s16 =	sadd.s32 $0x9000, s30  }
0x10: {  	s18 =	smax.u32 s0, $0x1;
	s1 =	sadd.s32 s1, s5;
	s17 =	sadd.s32 s6, s5  }
0x11: {  	s26 =	sadd.s32 $0x1C00, s1;
	s6 =	sadd.s32 $0xB840, s1;
	s17 =	sadd.s32 $0x15600, s17  }
0x12: {  	v0 =	vimm.f32 $0.0e+00;
	s1 =	simm.s32 $0x1;
	[dreg:$0x4] =	wrdreg s26;
	s26 =	simm.s32 $0x0  }
.LBB2_1:
0x13: {  	s0 =	rddreg [dreg:$0x4]  }
0x14: {  	[tilespmem:s4], [sflag:$0x3] =	stream.linear.gather [hbm4b:s0+s4], $0x2710, $0x38;
	[tilespmem:$0x1F820] =	vst v63  }
0x15: {  	_ =	swait.ge [sflag:s19], $0x2710  }
0x16: {  	[sflag:s19] =	ssyncset.done $0x0  }
0x17: {  	[sflag:s19] =	ssyncadd.s32 $0xFFFFD8F0  }
0x18: {  	[tilespmem:s20], [sflag:$0x3] =	stream.linear.gather [hbm4b:s6+s4], $0x2710, $0x38;
	[tilespmem:$0x1F820] =	vst v63  }
0x19: {  	_ =	swait.ge [sflag:s19], $0x2710  }
0x1a: {  	[sflag:s19] =	ssyncset.done $0x0  }
0x1b: {  	[sflag:s19] =	ssyncadd.s32 $0xFFFFD8F0  }
0x1c: {  	[tilespmem:s22], [sflag:$0x1] =	stream.indirect.gather [hbm4b:s2+s21], $0x40, s4, s21, $0xb8;
	[tilespmem:$0x1F820] =	vst v63  }
0x1d: {  	_ = 	snop  }
0x1e: {  	[tilespmem:s23], [sflag:$0x1] =	stream.indirect.gather [hbm4b:s2+s21], $0x40, s21, s21, $0xb8;
	[tilespmem:$0x1F820] =	vst v63  }
0x1f: {  	s5 =	simm.s32 $0x190  }
0x20: {  	[tilespmem:s25], [sflag:$0x1] =	stream.indirect.gather [hbm4b:s2+s21], $0x40, s5, s21, $0xb8;
	[tilespmem:$0x1F820] =	vst v63  }
0x21: {  	s30 =	simm.s32 $0x100;
	s0 =	simm.s32 $0x0;
	s5 =	simm.s32 $0x258  }
0x22: {  	[tilespmem:s28], [sflag:$0x1] =	stream.indirect.gather [hbm4b:s2+s21], $0x40, s5, s21, $0xb8;
	[tilespmem:$0x1F820] =	vst v63  }
.LBB2_2:
0x23: {  	p0 =	sne.s32 s30, $0x3F00;
	[tilespmem:s0+$0x14850] =	vst v0;
	s5 =	smov.u32 s30;
	s30 =	sadd.s32 $0x100, s30  }
.Ltmp0:
0x24: {  	[tilespmem:s0+$0x14840] =	vst v0;
	(pc) =	sbr.rel @p0 .LBB2_2-.Ltmp0, $3  }
0x25: {  	[tilespmem:s0+$0x14820] =	vst v0  }
0x26: {  	[tilespmem:s0+$0x14830] =	vst v0;
	_ =	sdelay $0x1  }
0x27: {  	s0 =	sshra.s32 s5, $0x2  }
0x28: {  	[tilespmem:s0+$0x14850] =	vst v0  }
0x29: {  	[tilespmem:s0+$0x14840] =	vst v0  }
0x2a: {  	[tilespmem:s0+$0x14820] =	vst v0  }
0x2b: {  	[tilespmem:s0+$0x14830] =	vst v0  }
0x2c: {  	[spmem:s7] =	stream.linear.scatter [tilespmem:s29], [sflag:$0x3], $0x1000, $0x38;
	[tilespmem:$0x1F820] =	vst v63  }
0x2d: {  	_ =	swait.ge [sflag:s19], $0x1000  }
0x2e: {  	[sflag:s19] =	ssyncset.done $0x0  }
0x2f: {  	[sflag:s19] =	ssyncadd.s32 $0xFFFFF000  }
0x30: {  	[spmem:s8] =	stream.linear.scatter [tilespmem:s29], [sflag:$0x3], $0x1000, $0x38;
	[tilespmem:$0x1F820] =	vst v63  }
0x31: {  	_ =	swait.ge [sflag:s19], $0x1000  }
0x32: {  	[sflag:s19] =	ssyncset.done $0x0  }
0x33: {  	[sflag:s19] =	ssyncadd.s32 $0xFFFFF000  }
0x34: {  	[spmem:s9] =	stream.linear.scatter [tilespmem:s29], [sflag:$0x3], $0x1000, $0x38;
	[tilespmem:$0x1F820] =	vst v63  }
0x35: {  	_ =	swait.ge [sflag:s19], $0x1000  }
0x36: {  	[sflag:s19] =	ssyncset.done $0x0  }
0x37: {  	[sflag:s19] =	ssyncadd.s32 $0xFFFFF000  }
0x38: {  	[spmem:s10] =	stream.linear.scatter [tilespmem:s29], [sflag:$0x3], $0x1000, $0x38;
	[tilespmem:$0x1F820] =	vst v63  }
0x39: {  	_ =	swait.ge [sflag:s19], $0x1000  }
0x3a: {  	[sflag:s19] =	ssyncset.done $0x0  }
0x3b: {  	[sflag:s19] =	ssyncadd.s32 $0xFFFFF000  }
0x3c: {  	[spmem:s11] =	stream.linear.scatter [tilespmem:s29], [sflag:$0x3], $0x1000, $0x38;
	[tilespmem:$0x1F820] =	vst v63  }
0x3d: {  	_ =	swait.ge [sflag:s19], $0x1000  }
0x3e: {  	[sflag:s19] =	ssyncset.done $0x0  }
0x3f: {  	[sflag:s19] =	ssyncadd.s32 $0xFFFFF000  }
0x40: {  	[spmem:s12] =	stream.linear.scatter [tilespmem:s29], [sflag:$0x3], $0x1000, $0x38;
	[tilespmem:$0x1F820] =	vst v63  }
0x41: {  	_ =	swait.ge [sflag:s19], $0x1000  }
0x42: {  	[sflag:s19] =	ssyncset.done $0x0  }
0x43: {  	[sflag:s19] =	ssyncadd.s32 $0xFFFFF000  }
0x44: {  	[spmem:s13] =	stream.linear.scatter [tilespmem:s29], [sflag:$0x3], $0x1000, $0x38;
	[tilespmem:$0x1F820] =	vst v63  }
0x45: {  	_ =	swait.ge [sflag:s19], $0x1000  }
0x46: {  	[sflag:s19] =	ssyncset.done $0x0  }
0x47: {  	[sflag:s19] =	ssyncadd.s32 $0xFFFFF000  }
0x48: {  	[spmem:s14] =	stream.linear.scatter [tilespmem:s29], [sflag:$0x3], $0x1000, $0x38;
	[tilespmem:$0x1F820] =	vst v63  }
0x49: {  	_ =	swait.ge [sflag:s19], $0x1000  }
0x4a: {  	[sflag:s19] =	ssyncset.done $0x0  }
0x4b: {  	[sflag:s19] =	ssyncadd.s32 $0xFFFFF000  }
0x4c: {  	[spmem:s15] =	stream.linear.scatter [tilespmem:s29], [sflag:$0x3], $0x1000, $0x38;
	[tilespmem:$0x1F820] =	vst v63  }
0x4d: {  	_ =	swait.ge [sflag:s19], $0x1000  }
0x4e: {  	[sflag:s19] =	ssyncset.done $0x0  }
0x4f: {  	[sflag:s19] =	ssyncadd.s32 $0xFFFFF000  }
0x50: {  	[spmem:s16] =	stream.linear.scatter [tilespmem:s29], [sflag:$0x3], $0x1000, $0x38;
	[tilespmem:$0x1F820] =	vst v63  }
0x51: {  	_ =	swait.ge [sflag:s19], $0x1000  }
0x52: {  	[sflag:s19] =	ssyncset.done $0x0  }
0x53: {  	[sflag:s19] =	ssyncadd.s32 $0xFFFFF000  }
0x54: {  	s5 =	simm.s32 $0x320;
	[bflag:$0x0] =	sbarrier.arrive $0xFFFF  }
0x55: {  	[tilespmem:s31], [sflag:$0x1] =	stream.indirect.gather [hbm4b:s2+s21], $0x40, s5, s21, $0xb8;
	[tilespmem:$0x1F820] =	vst v63  }
0x56: {  	_ =	swait.ge [sflag:s1], $0x3200  }
0x57: {  	[sflag:s1] =	ssyncset.done $0x0  }
0x58: {  	[sflag:s1] =	ssyncadd.s32 $0xFFFFCE00  }
0x59: {  	[spmem:s3] =	stream.indirect.scatter.add.f32 [tilespmem:s22], [sflag:$0x2], $0x40, s20, s21, $0xb8;
	[tilespmem:$0x1F820] =	vst v63  }
0x5a: {  	_ =	swait.ge [sflag:s24], $0x3200  }
0x5b: {  	[sflag:s24] =	ssyncset.done $0x0  }
0x5c: {  	s30 =	simm.s32 $0x3E8;
	[sflag:s24] =	ssyncadd.s32 $0xFFFFCE00  }
0x5d: {  	[tilespmem:s22], [sflag:$0x1] =	stream.indirect.gather [hbm4b:s2+s21], $0x40, s30, s21, $0xb8;
	[tilespmem:$0x1F820] =	vst v63  }
0x5e: {  	_ =	swait.ge [sflag:s1], $0x3200  }
0x5f: {  	[sflag:s1] =	ssyncset.done $0x0  }
0x60: {  	s5 =	simm.s32 $0x27D8;
	[sflag:s1] =	ssyncadd.s32 $0xFFFFCE00  }
0x61: {  	[spmem:s3] =	stream.indirect.scatter.add.f32 [tilespmem:s23], [sflag:$0x2], $0x40, s5, s21, $0xb8;
	[tilespmem:$0x1F820] =	vst v63  }
0x62: {  	_ =	swait.ge [sflag:s24], $0x3200  }
0x63: {  	[sflag:s24] =	ssyncset.done $0x0  }
0x64: {  	s30 =	simm.s32 $0x4B0;
	[sflag:s24] =	ssyncadd.s32 $0xFFFFCE00  }
0x65: {  	[tilespmem:s23], [sflag:$0x1] =	stream.indirect.gather [hbm4b:s2+s21], $0x40, s30, s21, $0xb8;
	[tilespmem:$0x1F820] =	vst v63  }
0x66: {  	_ =	swait.ge [sflag:s1], $0x3200  }
0x67: {  	[sflag:s1] =	ssyncset.done $0x0  }
0x68: {  	s5 =	simm.s32 $0x28A0;
	[sflag:s1] =	ssyncadd.s32 $0xFFFFCE00  }
0x69: {  	[spmem:s3] =	stream.indirect.scatter.add.f32 [tilespmem:s25], [sflag:$0x2], $0x40, s5, s21, $0xb8;
	[tilespmem:$0x1F820] =	vst v63  }
0x6a: {  	_ =	swait.ge [sflag:s24], $0x3200  }
0x6b: {  	[sflag:s24] =	ssyncset.done $0x0  }
0x6c: {  	s30 =	simm.s32 $0x578;
	[sflag:s24] =	ssyncadd.s32 $0xFFFFCE00  }
0x6d: {  	[tilespmem:s25], [sflag:$0x1] =	stream.indirect.gather [hbm4b:s2+s21], $0x40, s30, s21, $0xb8;
	[tilespmem:$0x1F820] =	vst v63  }
0x6e: {  	_ =	swait.ge [sflag:s1], $0x3200  }
0x6f: {  	[sflag:s1] =	ssyncset.done $0x0  }
0x70: {  	s5 =	simm.s32 $0x2968;
	[sflag:s1] =	ssyncadd.s32 $0xFFFFCE00  }
0x71: {  	[spmem:s3] =	stream.indirect.scatter.add.f32 [tilespmem:s28], [sflag:$0x2], $0x40, s5, s21, $0xb8;
	[tilespmem:$0x1F820] =	vst v63  }
0x72: {  	_ =	swait.ge [sflag:s24], $0x3200  }
0x73: {  	[sflag:s24] =	ssyncset.done $0x0  }
0x74: {  	s30 =	simm.s32 $0x640;
	[sflag:s24] =	ssyncadd.s32 $0xFFFFCE00  }
0x75: {  	[tilespmem:s28], [sflag:$0x1] =	stream.indirect.gather [hbm4b:s2+s21], $0x40, s30, s21, $0xb8;
	[tilespmem:$0x1F820] =	vst v63  }
0x76: {  	_ =	swait.ge [sflag:s1], $0x3200  }
0x77: {  	[sflag:s1] =	ssyncset.done $0x0  }
0x78: {  	s5 =	simm.s32 $0x2A30;
	[sflag:s1] =	ssyncadd.s32 $0xFFFFCE00  }
0x79: {  	[spmem:s3] =	stream.indirect.scatter.add.f32 [tilespmem:s31], [sflag:$0x2], $0x40, s5, s21, $0xb8;
	[tilespmem:$0x1F820] =	vst v63  }
0x7a: {  	_ =	swait.ge [sflag:s24], $0x3200  }
0x7b: {  	[sflag:s24] =	ssyncset.done $0x0  }
0x7c: {  	s30 =	simm.s32 $0x708;
	[sflag:s24] =	ssyncadd.s32 $0xFFFFCE00  }
0x7d: {  	[tilespmem:s31], [sflag:$0x1] =	stream.indirect.gather [hbm4b:s2+s21], $0x40, s30, s21, $0xb8;
	[tilespmem:$0x1F820] =	vst v63  }
0x7e: {  	_ =	swait.ge [sflag:s1], $0x3200  }
0x7f: {  	[sflag:s1] =	ssyncset.done $0x0  }
0x80: {  	s5 =	simm.s32 $0x2AF8;
	[sflag:s1] =	ssyncadd.s32 $0xFFFFCE00  }
0x81: {  	[spmem:s3] =	stream.indirect.scatter.add.f32 [tilespmem:s22], [sflag:$0x2], $0x40, s5, s21, $0xb8;
	[tilespmem:$0x1F820] =	vst v63  }
0x82: {  	_ =	swait.ge [sflag:s24], $0x3200  }
0x83: {  	[sflag:s24] =	ssyncset.done $0x0  }
0x84: {  	s30 =	simm.s32 $0x7D0;
	[sflag:s24] =	ssyncadd.s32 $0xFFFFCE00  }
0x85: {  	[tilespmem:s22], [sflag:$0x1] =	stream.indirect.gather [hbm4b:s2+s21], $0x40, s30, s21, $0xb8;
	[tilespmem:$0x1F820] =	vst v63  }
0x86: {  	_ =	swait.ge [sflag:s1], $0x3200  }
0x87: {  	[sflag:s1] =	ssyncset.done $0x0  }
0x88: {  	s5 =	simm.s32 $0x2BC0;
	[sflag:s1] =	ssyncadd.s32 $0xFFFFCE00  }
0x89: {  	[spmem:s3] =	stream.indirect.scatter.add.f32 [tilespmem:s23], [sflag:$0x2], $0x40, s5, s21, $0xb8;
	[tilespmem:$0x1F820] =	vst v63  }
0x8a: {  	_ =	swait.ge [sflag:s24], $0x3200  }
0x8b: {  	[sflag:s24] =	ssyncset.done $0x0  }
0x8c: {  	s30 =	simm.s32 $0x898;
	[sflag:s24] =	ssyncadd.s32 $0xFFFFCE00  }
0x8d: {  	[tilespmem:s23], [sflag:$0x1] =	stream.indirect.gather [hbm4b:s2+s21], $0x40, s30, s21, $0xb8;
	[tilespmem:$0x1F820] =	vst v63  }
0x8e: {  	_ =	swait.ge [sflag:s1], $0x3200  }
0x8f: {  	[sflag:s1] =	ssyncset.done $0x0  }
0x90: {  	s5 =	simm.s32 $0x2C88;
	[sflag:s1] =	ssyncadd.s32 $0xFFFFCE00  }
0x91: {  	[spmem:s3] =	stream.indirect.scatter.add.f32 [tilespmem:s25], [sflag:$0x2], $0x40, s5, s21, $0xb8;
	[tilespmem:$0x1F820] =	vst v63  }
0x92: {  	_ =	swait.ge [sflag:s24], $0x3200  }
0x93: {  	[sflag:s24] =	ssyncset.done $0x0  }
0x94: {  	s30 =	simm.s32 $0x960;
	[sflag:s24] =	ssyncadd.s32 $0xFFFFCE00  }
0x95: {  	[tilespmem:s25], [sflag:$0x1] =	stream.indirect.gather [hbm4b:s2+s21], $0x40, s30, s21, $0xb8;
	[tilespmem:$0x1F820] =	vst v63  }
0x96: {  	_ =	swait.ge [sflag:s1], $0x3200  }
0x97: {  	[sflag:s1] =	ssyncset.done $0x0  }
0x98: {  	s5 =	simm.s32 $0x2D50;
	[sflag:s1] =	ssyncadd.s32 $0xFFFFCE00  }
0x99: {  	[spmem:s3] =	stream.indirect.scatter.add.f32 [tilespmem:s28], [sflag:$0x2], $0x40, s5, s21, $0xb8;
	[tilespmem:$0x1F820] =	vst v63  }
0x9a: {  	_ =	swait.ge [sflag:s24], $0x3200  }
0x9b: {  	[sflag:s24] =	ssyncset.done $0x0  }
0x9c: {  	s30 =	simm.s32 $0xA28;
	[sflag:s24] =	ssyncadd.s32 $0xFFFFCE00  }
0x9d: {  	[tilespmem:s28], [sflag:$0x1] =	stream.indirect.gather [hbm4b:s2+s21], $0x40, s30, s21, $0xb8;
	[tilespmem:$0x1F820] =	vst v63  }
0x9e: {  	_ =	swait.ge [sflag:s1], $0x3200  }
0x9f: {  	[sflag:s1] =	ssyncset.done $0x0  }
0xa0: {  	s5 =	simm.s32 $0x2E18;
	[sflag:s1] =	ssyncadd.s32 $0xFFFFCE00  }
0xa1: {  	[spmem:s3] =	stream.indirect.scatter.add.f32 [tilespmem:s31], [sflag:$0x2], $0x40, s5, s21, $0xb8;
	[tilespmem:$0x1F820] =	vst v63  }
0xa2: {  	_ =	swait.ge [sflag:s24], $0x3200  }
0xa3: {  	[sflag:s24] =	ssyncset.done $0x0  }
0xa4: {  	s30 =	simm.s32 $0xAF0;
	[sflag:s24] =	ssyncadd.s32 $0xFFFFCE00  }
0xa5: {  	[tilespmem:s31], [sflag:$0x1] =	stream.indirect.gather [hbm4b:s2+s21], $0x40, s30, s21, $0xb8;
	[tilespmem:$0x1F820] =	vst v63  }
0xa6: {  	_ =	swait.ge [sflag:s1], $0x3200  }
0xa7: {  	[sflag:s1] =	ssyncset.done $0x0  }
0xa8: {  	s5 =	simm.s32 $0x2EE0;
	[sflag:s1] =	ssyncadd.s32 $0xFFFFCE00  }
0xa9: {  	[spmem:s3] =	stream.indirect.scatter.add.f32 [tilespmem:s22], [sflag:$0x2], $0x40, s5, s21, $0xb8;
	[tilespmem:$0x1F820] =	vst v63  }
0xaa: {  	_ =	swait.ge [sflag:s24], $0x3200  }
0xab: {  	[sflag:s24] =	ssyncset.done $0x0  }
0xac: {  	s30 =	simm.s32 $0xBB8;
	[sflag:s24] =	ssyncadd.s32 $0xFFFFCE00  }
0xad: {  	[tilespmem:s22], [sflag:$0x1] =	stream.indirect.gather [hbm4b:s2+s21], $0x40, s30, s21, $0xb8;
	[tilespmem:$0x1F820] =	vst v63  }
0xae: {  	_ =	swait.ge [sflag:s1], $0x3200  }
0xaf: {  	[sflag:s1] =	ssyncset.done $0x0  }
0xb0: {  	s5 =	simm.s32 $0x2FA8;
	[sflag:s1] =	ssyncadd.s32 $0xFFFFCE00  }
0xb1: {  	[spmem:s3] =	stream.indirect.scatter.add.f32 [tilespmem:s23], [sflag:$0x2], $0x40, s5, s21, $0xb8;
	[tilespmem:$0x1F820] =	vst v63  }
0xb2: {  	_ =	swait.ge [sflag:s24], $0x3200  }
0xb3: {  	[sflag:s24] =	ssyncset.done $0x0  }
0xb4: {  	s30 =	simm.s32 $0xC80;
	[sflag:s24] =	ssyncadd.s32 $0xFFFFCE00  }
0xb5: {  	[tilespmem:s23], [sflag:$0x1] =	stream.indirect.gather [hbm4b:s2+s21], $0x40, s30, s21, $0xb8;
	[tilespmem:$0x1F820] =	vst v63  }
0xb6: {  	_ =	swait.ge [sflag:s1], $0x3200  }
0xb7: {  	[sflag:s1] =	ssyncset.done $0x0  }
0xb8: {  	s5 =	simm.s32 $0x3070;
	[sflag:s1] =	ssyncadd.s32 $0xFFFFCE00  }
0xb9: {  	[spmem:s3] =	stream.indirect.scatter.add.f32 [tilespmem:s25], [sflag:$0x2], $0x40, s5, s21, $0xb8;
	[tilespmem:$0x1F820] =	vst v63  }
0xba: {  	_ =	swait.ge [sflag:s24], $0x3200  }
0xbb: {  	[sflag:s24] =	ssyncset.done $0x0  }
0xbc: {  	s30 =	simm.s32 $0xD48;
	[sflag:s24] =	ssyncadd.s32 $0xFFFFCE00  }
0xbd: {  	[tilespmem:s25], [sflag:$0x1] =	stream.indirect.gather [hbm4b:s2+s21], $0x40, s30, s21, $0xb8;
	[tilespmem:$0x1F820] =	vst v63  }
0xbe: {  	_ =	swait.ge [sflag:s1], $0x3200  }
0xbf: {  	[sflag:s1] =	ssyncset.done $0x0  }
0xc0: {  	s5 =	simm.s32 $0x3138;
	[sflag:s1] =	ssyncadd.s32 $0xFFFFCE00  }
0xc1: {  	[spmem:s3] =	stream.indirect.scatter.add.f32 [tilespmem:s28], [sflag:$0x2], $0x40, s5, s21, $0xb8;
	[tilespmem:$0x1F820] =	vst v63  }
0xc2: {  	_ =	swait.ge [sflag:s24], $0x3200  }
0xc3: {  	[sflag:s24] =	ssyncset.done $0x0  }
0xc4: {  	s30 =	simm.s32 $0xE10;
	[sflag:s24] =	ssyncadd.s32 $0xFFFFCE00  }
0xc5: {  	[tilespmem:s28], [sflag:$0x1] =	stream.indirect.gather [hbm4b:s2+s21], $0x40, s30, s21, $0xb8;
	[tilespmem:$0x1F820] =	vst v63  }
0xc6: {  	_ =	swait.ge [sflag:s1], $0x3200  }
0xc7: {  	[sflag:s1] =	ssyncset.done $0x0  }
0xc8: {  	s5 =	simm.s32 $0x3200;
	[sflag:s1] =	ssyncadd.s32 $0xFFFFCE00  }
0xc9: {  	[spmem:s3] =	stream.indirect.scatter.add.f32 [tilespmem:s31], [sflag:$0x2], $0x40, s5, s21, $0xb8;
	[tilespmem:$0x1F820] =	vst v63  }
0xca: {  	_ =	swait.ge [sflag:s24], $0x3200  }
0xcb: {  	[sflag:s24] =	ssyncset.done $0x0  }
0xcc: {  	s30 =	simm.s32 $0xED8;
	[sflag:s24] =	ssyncadd.s32 $0xFFFFCE00  }
0xcd: {  	[tilespmem:s31], [sflag:$0x1] =	stream.indirect.gather [hbm4b:s2+s21], $0x40, s30, s21, $0xb8;
	[tilespmem:$0x1F820] =	vst v63  }
0xce: {  	_ =	swait.ge [sflag:s1], $0x3200  }
0xcf: {  	[sflag:s1] =	ssyncset.done $0x0  }
0xd0: {  	s5 =	simm.s32 $0x32C8;
	[sflag:s1] =	ssyncadd.s32 $0xFFFFCE00  }
0xd1: {  	[spmem:s3] =	stream.indirect.scatter.add.f32 [tilespmem:s22], [sflag:$0x2], $0x40, s5, s21, $0xb8;
	[tilespmem:$0x1F820] =	vst v63  }
0xd2: {  	_ =	swait.ge [sflag:s24], $0x3200  }
0xd3: {  	[sflag:s24] =	ssyncset.done $0x0  }
0xd4: {  	s30 =	simm.s32 $0xFA0;
	[sflag:s24] =	ssyncadd.s32 $0xFFFFCE00  }
0xd5: {  	[tilespmem:s22], [sflag:$0x1] =	stream.indirect.gather [hbm4b:s2+s21], $0x40, s30, s21, $0xb8;
	[tilespmem:$0x1F820] =	vst v63  }
0xd6: {  	_ =	swait.ge [sflag:s1], $0x3200  }
0xd7: {  	[sflag:s1] =	ssyncset.done $0x0  }
0xd8: {  	s5 =	simm.s32 $0x3390;
	[sflag:s1] =	ssyncadd.s32 $0xFFFFCE00  }
0xd9: {  	[spmem:s3] =	stream.indirect.scatter.add.f32 [tilespmem:s23], [sflag:$0x2], $0x40, s5, s21, $0xb8;
	[tilespmem:$0x1F820] =	vst v63  }
0xda: {  	_ =	swait.ge [sflag:s24], $0x3200  }
0xdb: {  	[sflag:s24] =	ssyncset.done $0x0  }
0xdc: {  	s30 =	simm.s32 $0x1068;
	[sflag:s24] =	ssyncadd.s32 $0xFFFFCE00  }
0xdd: {  	[tilespmem:s23], [sflag:$0x1] =	stream.indirect.gather [hbm4b:s2+s21], $0x40, s30, s21, $0xb8;
	[tilespmem:$0x1F820] =	vst v63  }
0xde: {  	_ =	swait.ge [sflag:s1], $0x3200  }
0xdf: {  	[sflag:s1] =	ssyncset.done $0x0  }
0xe0: {  	s5 =	simm.s32 $0x3458;
	[sflag:s1] =	ssyncadd.s32 $0xFFFFCE00  }
0xe1: {  	[spmem:s3] =	stream.indirect.scatter.add.f32 [tilespmem:s25], [sflag:$0x2], $0x40, s5, s21, $0xb8;
	[tilespmem:$0x1F820] =	vst v63  }
0xe2: {  	_ =	swait.ge [sflag:s24], $0x3200  }
0xe3: {  	[sflag:s24] =	ssyncset.done $0x0  }
0xe4: {  	s30 =	simm.s32 $0x1130;
	[sflag:s24] =	ssyncadd.s32 $0xFFFFCE00  }
0xe5: {  	[tilespmem:s25], [sflag:$0x1] =	stream.indirect.gather [hbm4b:s2+s21], $0x40, s30, s21, $0xb8;
	[tilespmem:$0x1F820] =	vst v63  }
0xe6: {  	_ =	swait.ge [sflag:s1], $0x3200  }
0xe7: {  	[sflag:s1] =	ssyncset.done $0x0  }
0xe8: {  	s5 =	simm.s32 $0x3520;
	[sflag:s1] =	ssyncadd.s32 $0xFFFFCE00  }
0xe9: {  	[spmem:s3] =	stream.indirect.scatter.add.f32 [tilespmem:s28], [sflag:$0x2], $0x40, s5, s21, $0xb8;
	[tilespmem:$0x1F820] =	vst v63  }
0xea: {  	_ =	swait.ge [sflag:s24], $0x3200  }
0xeb: {  	[sflag:s24] =	ssyncset.done $0x0  }
0xec: {  	s30 =	simm.s32 $0x11F8;
	[sflag:s24] =	ssyncadd.s32 $0xFFFFCE00  }
0xed: {  	[tilespmem:s28], [sflag:$0x1] =	stream.indirect.gather [hbm4b:s2+s21], $0x40, s30, s21, $0xb8;
	[tilespmem:$0x1F820] =	vst v63  }
0xee: {  	_ =	swait.ge [sflag:s1], $0x3200  }
0xef: {  	[sflag:s1] =	ssyncset.done $0x0  }
0xf0: {  	s5 =	simm.s32 $0x35E8;
	[sflag:s1] =	ssyncadd.s32 $0xFFFFCE00  }
0xf1: {  	[spmem:s3] =	stream.indirect.scatter.add.f32 [tilespmem:s31], [sflag:$0x2], $0x40, s5, s21, $0xb8;
	[tilespmem:$0x1F820] =	vst v63  }
0xf2: {  	_ =	swait.ge [sflag:s24], $0x3200  }
0xf3: {  	[sflag:s24] =	ssyncset.done $0x0  }
0xf4: {  	s30 =	simm.s32 $0x12C0;
	[sflag:s24] =	ssyncadd.s32 $0xFFFFCE00  }
0xf5: {  	[tilespmem:s31], [sflag:$0x1] =	stream.indirect.gather [hbm4b:s2+s21], $0x40, s30, s21, $0xb8;
	[tilespmem:$0x1F820] =	vst v63  }
0xf6: {  	_ =	swait.ge [sflag:s1], $0x3200  }
0xf7: {  	[sflag:s1] =	ssyncset.done $0x0  }
0xf8: {  	s5 =	simm.s32 $0x36B0;
	[sflag:s1] =	ssyncadd.s32 $0xFFFFCE00  }
0xf9: {  	[spmem:s3] =	stream.indirect.scatter.add.f32 [tilespmem:s22], [sflag:$0x2], $0x40, s5, s21, $0xb8;
	[tilespmem:$0x1F820] =	vst v63  }
0xfa: {  	_ =	swait.ge [sflag:s24], $0x3200  }
0xfb: {  	[sflag:s24] =	ssyncset.done $0x0  }
0xfc: {  	s30 =	simm.s32 $0x1388;
	[sflag:s24] =	ssyncadd.s32 $0xFFFFCE00  }
0xfd: {  	[tilespmem:s22], [sflag:$0x1] =	stream.indirect.gather [hbm4b:s2+s21], $0x40, s30, s21, $0xb8;
	[tilespmem:$0x1F820] =	vst v63  }
0xfe: {  	_ =	swait.ge [sflag:s1], $0x3200  }
0xff: {  	[sflag:s1] =	ssyncset.done $0x0  }
0x100: {  	s5 =	simm.s32 $0x3778;
	[sflag:s1] =	ssyncadd.s32 $0xFFFFCE00  }
0x101: {  	[spmem:s3] =	stream.indirect.scatter.add.f32 [tilespmem:s23], [sflag:$0x2], $0x40, s5, s21, $0xb8;
	[tilespmem:$0x1F820] =	vst v63  }
0x102: {  	_ =	swait.ge [sflag:s24], $0x3200  }
0x103: {  	[sflag:s24] =	ssyncset.done $0x0  }
0x104: {  	s30 =	simm.s32 $0x1450;
	[sflag:s24] =	ssyncadd.s32 $0xFFFFCE00  }
0x105: {  	[tilespmem:s23], [sflag:$0x1] =	stream.indirect.gather [hbm4b:s2+s21], $0x40, s30, s21, $0xb8;
	[tilespmem:$0x1F820] =	vst v63  }
0x106: {  	_ =	swait.ge [sflag:s1], $0x3200  }
0x107: {  	[sflag:s1] =	ssyncset.done $0x0  }
0x108: {  	s5 =	simm.s32 $0x3840;
	[sflag:s1] =	ssyncadd.s32 $0xFFFFCE00  }
0x109: {  	[spmem:s3] =	stream.indirect.scatter.add.f32 [tilespmem:s25], [sflag:$0x2], $0x40, s5, s21, $0xb8;
	[tilespmem:$0x1F820] =	vst v63  }
0x10a: {  	_ =	swait.ge [sflag:s24], $0x3200  }
0x10b: {  	[sflag:s24] =	ssyncset.done $0x0  }
0x10c: {  	s30 =	simm.s32 $0x1518;
	[sflag:s24] =	ssyncadd.s32 $0xFFFFCE00  }
0x10d: {  	[tilespmem:s25], [sflag:$0x1] =	stream.indirect.gather [hbm4b:s2+s21], $0x40, s30, s21, $0xb8;
	[tilespmem:$0x1F820] =	vst v63  }
0x10e: {  	_ =	swait.ge [sflag:s1], $0x3200  }
0x10f: {  	[sflag:s1] =	ssyncset.done $0x0  }
0x110: {  	s5 =	simm.s32 $0x3908;
	[sflag:s1] =	ssyncadd.s32 $0xFFFFCE00  }
0x111: {  	[spmem:s3] =	stream.indirect.scatter.add.f32 [tilespmem:s28], [sflag:$0x2], $0x40, s5, s21, $0xb8;
	[tilespmem:$0x1F820] =	vst v63  }
0x112: {  	_ =	swait.ge [sflag:s24], $0x3200  }
0x113: {  	[sflag:s24] =	ssyncset.done $0x0  }
0x114: {  	s30 =	simm.s32 $0x15E0;
	[sflag:s24] =	ssyncadd.s32 $0xFFFFCE00  }
0x115: {  	[tilespmem:s28], [sflag:$0x1] =	stream.indirect.gather [hbm4b:s2+s21], $0x40, s30, s21, $0xb8;
	[tilespmem:$0x1F820] =	vst v63  }
0x116: {  	_ =	swait.ge [sflag:s1], $0x3200  }
0x117: {  	[sflag:s1] =	ssyncset.done $0x0  }
0x118: {  	s5 =	simm.s32 $0x39D0;
	[sflag:s1] =	ssyncadd.s32 $0xFFFFCE00  }
0x119: {  	[spmem:s3] =	stream.indirect.scatter.add.f32 [tilespmem:s31], [sflag:$0x2], $0x40, s5, s21, $0xb8;
	[tilespmem:$0x1F820] =	vst v63  }
0x11a: {  	_ =	swait.ge [sflag:s24], $0x3200  }
0x11b: {  	[sflag:s24] =	ssyncset.done $0x0  }
0x11c: {  	s30 =	simm.s32 $0x16A8;
	[sflag:s24] =	ssyncadd.s32 $0xFFFFCE00  }
0x11d: {  	[tilespmem:s31], [sflag:$0x1] =	stream.indirect.gather [hbm4b:s2+s21], $0x40, s30, s21, $0xb8;
	[tilespmem:$0x1F820] =	vst v63  }
0x11e: {  	_ =	swait.ge [sflag:s1], $0x3200  }
0x11f: {  	[sflag:s1] =	ssyncset.done $0x0  }
0x120: {  	s5 =	simm.s32 $0x3A98;
	[sflag:s1] =	ssyncadd.s32 $0xFFFFCE00  }
0x121: {  	[spmem:s3] =	stream.indirect.scatter.add.f32 [tilespmem:s22], [sflag:$0x2], $0x40, s5, s21, $0xb8;
	[tilespmem:$0x1F820] =	vst v63  }
0x122: {  	_ =	swait.ge [sflag:s24], $0x3200  }
0x123: {  	[sflag:s24] =	ssyncset.done $0x0  }
0x124: {  	s30 =	simm.s32 $0x1770;
	[sflag:s24] =	ssyncadd.s32 $0xFFFFCE00  }
0x125: {  	[tilespmem:s22], [sflag:$0x1] =	stream.indirect.gather [hbm4b:s2+s21], $0x40, s30, s21, $0xb8;
	[tilespmem:$0x1F820] =	vst v63  }
0x126: {  	_ =	swait.ge [sflag:s1], $0x3200  }
0x127: {  	[sflag:s1] =	ssyncset.done $0x0  }
0x128: {  	s5 =	simm.s32 $0x3B60;
	[sflag:s1] =	ssyncadd.s32 $0xFFFFCE00  }
0x129: {  	[spmem:s3] =	stream.indirect.scatter.add.f32 [tilespmem:s23], [sflag:$0x2], $0x40, s5, s21, $0xb8;
	[tilespmem:$0x1F820] =	vst v63  }
0x12a: {  	_ =	swait.ge [sflag:s24], $0x3200  }
0x12b: {  	[sflag:s24] =	ssyncset.done $0x0  }
0x12c: {  	s30 =	simm.s32 $0x1838;
	[sflag:s24] =	ssyncadd.s32 $0xFFFFCE00  }
0x12d: {  	[tilespmem:s23], [sflag:$0x1] =	stream.indirect.gather [hbm4b:s2+s21], $0x40, s30, s21, $0xb8;
	[tilespmem:$0x1F820] =	vst v63  }
0x12e: {  	_ =	swait.ge [sflag:s1], $0x3200  }
0x12f: {  	[sflag:s1] =	ssyncset.done $0x0  }
0x130: {  	s5 =	simm.s32 $0x3C28;
	[sflag:s1] =	ssyncadd.s32 $0xFFFFCE00  }
0x131: {  	[spmem:s3] =	stream.indirect.scatter.add.f32 [tilespmem:s25], [sflag:$0x2], $0x40, s5, s21, $0xb8;
	[tilespmem:$0x1F820] =	vst v63  }
0x132: {  	_ =	swait.ge [sflag:s24], $0x3200  }
0x133: {  	[sflag:s24] =	ssyncset.done $0x0  }
0x134: {  	s30 =	simm.s32 $0x1900;
	[sflag:s24] =	ssyncadd.s32 $0xFFFFCE00  }
0x135: {  	[tilespmem:s25], [sflag:$0x1] =	stream.indirect.gather [hbm4b:s2+s21], $0x40, s30, s21, $0xb8;
	[tilespmem:$0x1F820] =	vst v63  }
0x136: {  	_ =	swait.ge [sflag:s1], $0x3200  }
0x137: {  	[sflag:s1] =	ssyncset.done $0x0  }
0x138: {  	s5 =	simm.s32 $0x3CF0;
	[sflag:s1] =	ssyncadd.s32 $0xFFFFCE00  }
0x139: {  	[spmem:s3] =	stream.indirect.scatter.add.f32 [tilespmem:s28], [sflag:$0x2], $0x40, s5, s21, $0xb8;
	[tilespmem:$0x1F820] =	vst v63  }
0x13a: {  	_ =	swait.ge [sflag:s24], $0x3200  }
0x13b: {  	[sflag:s24] =	ssyncset.done $0x0  }
0x13c: {  	s30 =	simm.s32 $0x19C8;
	[sflag:s24] =	ssyncadd.s32 $0xFFFFCE00  }
0x13d: {  	[tilespmem:s28], [sflag:$0x1] =	stream.indirect.gather [hbm4b:s2+s21], $0x40, s30, s21, $0xb8;
	[tilespmem:$0x1F820] =	vst v63  }
0x13e: {  	_ =	swait.ge [sflag:s1], $0x3200  }
0x13f: {  	[sflag:s1] =	ssyncset.done $0x0  }
0x140: {  	s5 =	simm.s32 $0x3DB8;
	[sflag:s1] =	ssyncadd.s32 $0xFFFFCE00  }
0x141: {  	[spmem:s3] =	stream.indirect.scatter.add.f32 [tilespmem:s31], [sflag:$0x2], $0x40, s5, s21, $0xb8;
	[tilespmem:$0x1F820] =	vst v63  }
0x142: {  	_ =	swait.ge [sflag:s24], $0x3200  }
0x143: {  	[sflag:s24] =	ssyncset.done $0x0  }
0x144: {  	s30 =	simm.s32 $0x1A90;
	[sflag:s24] =	ssyncadd.s32 $0xFFFFCE00  }
0x145: {  	[tilespmem:s31], [sflag:$0x1] =	stream.indirect.gather [hbm4b:s2+s21], $0x40, s30, s21, $0xb8;
	[tilespmem:$0x1F820] =	vst v63  }
0x146: {  	_ =	swait.ge [sflag:s1], $0x3200  }
0x147: {  	[sflag:s1] =	ssyncset.done $0x0  }
0x148: {  	s5 =	simm.s32 $0x3E80;
	[sflag:s1] =	ssyncadd.s32 $0xFFFFCE00  }
0x149: {  	[spmem:s3] =	stream.indirect.scatter.add.f32 [tilespmem:s22], [sflag:$0x2], $0x40, s5, s21, $0xb8;
	[tilespmem:$0x1F820] =	vst v63  }
0x14a: {  	_ =	swait.ge [sflag:s24], $0x3200  }
0x14b: {  	[sflag:s24] =	ssyncset.done $0x0  }
0x14c: {  	s30 =	simm.s32 $0x1B58;
	[sflag:s24] =	ssyncadd.s32 $0xFFFFCE00  }
0x14d: {  	[tilespmem:s22], [sflag:$0x1] =	stream.indirect.gather [hbm4b:s2+s21], $0x40, s30, s21, $0xb8;
	[tilespmem:$0x1F820] =	vst v63  }
0x14e: {  	_ =	swait.ge [sflag:s1], $0x3200  }
0x14f: {  	[sflag:s1] =	ssyncset.done $0x0  }
0x150: {  	s5 =	simm.s32 $0x3F48;
	[sflag:s1] =	ssyncadd.s32 $0xFFFFCE00  }
0x151: {  	[spmem:s3] =	stream.indirect.scatter.add.f32 [tilespmem:s23], [sflag:$0x2], $0x40, s5, s21, $0xb8;
	[tilespmem:$0x1F820] =	vst v63  }
0x152: {  	_ =	swait.ge [sflag:s24], $0x3200  }
0x153: {  	[sflag:s24] =	ssyncset.done $0x0  }
0x154: {  	s30 =	simm.s32 $0x1C20;
	[sflag:s24] =	ssyncadd.s32 $0xFFFFCE00  }
0x155: {  	[tilespmem:s23], [sflag:$0x1] =	stream.indirect.gather [hbm4b:s2+s21], $0x40, s30, s21, $0xb8;
	[tilespmem:$0x1F820] =	vst v63  }
0x156: {  	_ =	swait.ge [sflag:s1], $0x3200  }
0x157: {  	[sflag:s1] =	ssyncset.done $0x0  }
0x158: {  	s5 =	simm.s32 $0x4010;
	[sflag:s1] =	ssyncadd.s32 $0xFFFFCE00  }
0x159: {  	[spmem:s3] =	stream.indirect.scatter.add.f32 [tilespmem:s25], [sflag:$0x2], $0x40, s5, s21, $0xb8;
	[tilespmem:$0x1F820] =	vst v63  }
0x15a: {  	_ =	swait.ge [sflag:s24], $0x3200  }
0x15b: {  	[sflag:s24] =	ssyncset.done $0x0  }
0x15c: {  	s30 =	simm.s32 $0x1CE8;
	[sflag:s24] =	ssyncadd.s32 $0xFFFFCE00  }
0x15d: {  	[tilespmem:s25], [sflag:$0x1] =	stream.indirect.gather [hbm4b:s2+s21], $0x40, s30, s21, $0xb8;
	[tilespmem:$0x1F820] =	vst v63  }
0x15e: {  	_ =	swait.ge [sflag:s1], $0x3200  }
0x15f: {  	[sflag:s1] =	ssyncset.done $0x0  }
0x160: {  	s5 =	simm.s32 $0x40D8;
	[sflag:s1] =	ssyncadd.s32 $0xFFFFCE00  }
0x161: {  	[spmem:s3] =	stream.indirect.scatter.add.f32 [tilespmem:s28], [sflag:$0x2], $0x40, s5, s21, $0xb8;
	[tilespmem:$0x1F820] =	vst v63  }
0x162: {  	_ =	swait.ge [sflag:s24], $0x3200  }
0x163: {  	[sflag:s24] =	ssyncset.done $0x0  }
0x164: {  	s30 =	simm.s32 $0x1DB0;
	[sflag:s24] =	ssyncadd.s32 $0xFFFFCE00  }
0x165: {  	[tilespmem:s28], [sflag:$0x1] =	stream.indirect.gather [hbm4b:s2+s21], $0x40, s30, s21, $0xb8;
	[tilespmem:$0x1F820] =	vst v63  }
0x166: {  	_ =	swait.ge [sflag:s1], $0x3200  }
0x167: {  	[sflag:s1] =	ssyncset.done $0x0  }
0x168: {  	s5 =	simm.s32 $0x41A0;
	[sflag:s1] =	ssyncadd.s32 $0xFFFFCE00  }
0x169: {  	[spmem:s3] =	stream.indirect.scatter.add.f32 [tilespmem:s31], [sflag:$0x2], $0x40, s5, s21, $0xb8;
	[tilespmem:$0x1F820] =	vst v63  }
0x16a: {  	_ =	swait.ge [sflag:s24], $0x3200  }
0x16b: {  	[sflag:s24] =	ssyncset.done $0x0  }
0x16c: {  	s30 =	simm.s32 $0x1E78;
	[sflag:s24] =	ssyncadd.s32 $0xFFFFCE00  }
0x16d: {  	[tilespmem:s31], [sflag:$0x1] =	stream.indirect.gather [hbm4b:s2+s21], $0x40, s30, s21, $0xb8;
	[tilespmem:$0x1F820] =	vst v63  }
0x16e: {  	_ =	swait.ge [sflag:s1], $0x3200  }
0x16f: {  	[sflag:s1] =	ssyncset.done $0x0  }
0x170: {  	s5 =	simm.s32 $0x4268;
	[sflag:s1] =	ssyncadd.s32 $0xFFFFCE00  }
0x171: {  	[spmem:s3] =	stream.indirect.scatter.add.f32 [tilespmem:s22], [sflag:$0x2], $0x40, s5, s21, $0xb8;
	[tilespmem:$0x1F820] =	vst v63  }
0x172: {  	_ =	swait.ge [sflag:s24], $0x3200  }
0x173: {  	[sflag:s24] =	ssyncset.done $0x0  }
0x174: {  	s30 =	simm.s32 $0x1F40;
	[sflag:s24] =	ssyncadd.s32 $0xFFFFCE00  }
0x175: {  	[tilespmem:s22], [sflag:$0x1] =	stream.indirect.gather [hbm4b:s2+s21], $0x40, s30, s21, $0xb8;
	[tilespmem:$0x1F820] =	vst v63  }
0x176: {  	_ =	swait.ge [sflag:s1], $0x3200  }
0x177: {  	[sflag:s1] =	ssyncset.done $0x0  }
0x178: {  	s5 =	simm.s32 $0x4330;
	[sflag:s1] =	ssyncadd.s32 $0xFFFFCE00  }
0x179: {  	[spmem:s3] =	stream.indirect.scatter.add.f32 [tilespmem:s23], [sflag:$0x2], $0x40, s5, s21, $0xb8;
	[tilespmem:$0x1F820] =	vst v63  }
0x17a: {  	_ =	swait.ge [sflag:s24], $0x3200  }
0x17b: {  	[sflag:s24] =	ssyncset.done $0x0  }
0x17c: {  	s30 =	simm.s32 $0x2008;
	[sflag:s24] =	ssyncadd.s32 $0xFFFFCE00  }
0x17d: {  	[tilespmem:s23], [sflag:$0x1] =	stream.indirect.gather [hbm4b:s2+s21], $0x40, s30, s21, $0xb8;
	[tilespmem:$0x1F820] =	vst v63  }
0x17e: {  	_ =	swait.ge [sflag:s1], $0x3200  }
0x17f: {  	[sflag:s1] =	ssyncset.done $0x0  }
0x180: {  	s5 =	simm.s32 $0x43F8;
	[sflag:s1] =	ssyncadd.s32 $0xFFFFCE00  }
0x181: {  	[spmem:s3] =	stream.indirect.scatter.add.f32 [tilespmem:s25], [sflag:$0x2], $0x40, s5, s21, $0xb8;
	[tilespmem:$0x1F820] =	vst v63  }
0x182: {  	_ =	swait.ge [sflag:s24], $0x3200  }
0x183: {  	[sflag:s24] =	ssyncset.done $0x0  }
0x184: {  	s30 =	simm.s32 $0x20D0;
	[sflag:s24] =	ssyncadd.s32 $0xFFFFCE00  }
0x185: {  	[tilespmem:s25], [sflag:$0x1] =	stream.indirect.gather [hbm4b:s2+s21], $0x40, s30, s21, $0xb8;
	[tilespmem:$0x1F820] =	vst v63  }
0x186: {  	_ =	swait.ge [sflag:s1], $0x3200  }
0x187: {  	[sflag:s1] =	ssyncset.done $0x0  }
0x188: {  	s5 =	simm.s32 $0x44C0;
	[sflag:s1] =	ssyncadd.s32 $0xFFFFCE00  }
0x189: {  	[spmem:s3] =	stream.indirect.scatter.add.f32 [tilespmem:s28], [sflag:$0x2], $0x40, s5, s21, $0xb8;
	[tilespmem:$0x1F820] =	vst v63  }
0x18a: {  	_ =	swait.ge [sflag:s24], $0x3200  }
0x18b: {  	[sflag:s24] =	ssyncset.done $0x0  }
0x18c: {  	s30 =	simm.s32 $0x2198;
	[sflag:s24] =	ssyncadd.s32 $0xFFFFCE00  }
0x18d: {  	[tilespmem:s28], [sflag:$0x1] =	stream.indirect.gather [hbm4b:s2+s21], $0x40, s30, s21, $0xb8;
	[tilespmem:$0x1F820] =	vst v63  }
0x18e: {  	_ =	swait.ge [sflag:s1], $0x3200  }
0x18f: {  	[sflag:s1] =	ssyncset.done $0x0  }
0x190: {  	s5 =	simm.s32 $0x4588;
	[sflag:s1] =	ssyncadd.s32 $0xFFFFCE00  }
0x191: {  	[spmem:s3] =	stream.indirect.scatter.add.f32 [tilespmem:s31], [sflag:$0x2], $0x40, s5, s21, $0xb8;
	[tilespmem:$0x1F820] =	vst v63  }
0x192: {  	_ =	swait.ge [sflag:s24], $0x3200  }
0x193: {  	[sflag:s24] =	ssyncset.done $0x0  }
0x194: {  	s30 =	simm.s32 $0x2260;
	[sflag:s24] =	ssyncadd.s32 $0xFFFFCE00  }
0x195: {  	[tilespmem:s31], [sflag:$0x1] =	stream.indirect.gather [hbm4b:s2+s21], $0x40, s30, s21, $0xb8;
	[tilespmem:$0x1F820] =	vst v63  }
0x196: {  	_ =	swait.ge [sflag:s1], $0x3200  }
0x197: {  	[sflag:s1] =	ssyncset.done $0x0  }
0x198: {  	s5 =	simm.s32 $0x4650;
	[sflag:s1] =	ssyncadd.s32 $0xFFFFCE00  }
0x199: {  	[spmem:s3] =	stream.indirect.scatter.add.f32 [tilespmem:s22], [sflag:$0x2], $0x40, s5, s21, $0xb8;
	[tilespmem:$0x1F820] =	vst v63  }
0x19a: {  	_ =	swait.ge [sflag:s24], $0x3200  }
0x19b: {  	[sflag:s24] =	ssyncset.done $0x0  }
0x19c: {  	s30 =	simm.s32 $0x2328;
	[sflag:s24] =	ssyncadd.s32 $0xFFFFCE00  }
0x19d: {  	[tilespmem:s22], [sflag:$0x1] =	stream.indirect.gather [hbm4b:s2+s21], $0x40, s30, s21, $0xb8;
	[tilespmem:$0x1F820] =	vst v63  }
0x19e: {  	_ =	swait.ge [sflag:s1], $0x3200  }
0x19f: {  	[sflag:s1] =	ssyncset.done $0x0  }
0x1a0: {  	s5 =	simm.s32 $0x4718;
	[sflag:s1] =	ssyncadd.s32 $0xFFFFCE00  }
0x1a1: {  	[spmem:s3] =	stream.indirect.scatter.add.f32 [tilespmem:s23], [sflag:$0x2], $0x40, s5, s21, $0xb8;
	[tilespmem:$0x1F820] =	vst v63  }
0x1a2: {  	_ =	swait.ge [sflag:s24], $0x3200  }
0x1a3: {  	[sflag:s24] =	ssyncset.done $0x0  }
0x1a4: {  	s30 =	simm.s32 $0x23F0;
	[sflag:s24] =	ssyncadd.s32 $0xFFFFCE00  }
0x1a5: {  	[tilespmem:s23], [sflag:$0x1] =	stream.indirect.gather [hbm4b:s2+s21], $0x40, s30, s21, $0xb8;
	[tilespmem:$0x1F820] =	vst v63  }
0x1a6: {  	_ =	swait.ge [sflag:s1], $0x3200  }
0x1a7: {  	[sflag:s1] =	ssyncset.done $0x0  }
0x1a8: {  	s5 =	simm.s32 $0x47E0;
	[sflag:s1] =	ssyncadd.s32 $0xFFFFCE00  }
0x1a9: {  	[spmem:s3] =	stream.indirect.scatter.add.f32 [tilespmem:s25], [sflag:$0x2], $0x40, s5, s21, $0xb8;
	[tilespmem:$0x1F820] =	vst v63  }
0x1aa: {  	_ =	swait.ge [sflag:s24], $0x3200  }
0x1ab: {  	[sflag:s24] =	ssyncset.done $0x0  }
0x1ac: {  	s30 =	simm.s32 $0x24B8;
	[sflag:s24] =	ssyncadd.s32 $0xFFFFCE00  }
0x1ad: {  	[tilespmem:s25], [sflag:$0x1] =	stream.indirect.gather [hbm4b:s2+s21], $0x40, s30, s21, $0xb8;
	[tilespmem:$0x1F820] =	vst v63  }
0x1ae: {  	_ =	swait.ge [sflag:s1], $0x3200  }
0x1af: {  	[sflag:s1] =	ssyncset.done $0x0  }
0x1b0: {  	s5 =	simm.s32 $0x48A8;
	[sflag:s1] =	ssyncadd.s32 $0xFFFFCE00  }
0x1b1: {  	[spmem:s3] =	stream.indirect.scatter.add.f32 [tilespmem:s28], [sflag:$0x2], $0x40, s5, s21, $0xb8;
	[tilespmem:$0x1F820] =	vst v63  }
0x1b2: {  	_ =	swait.ge [sflag:s24], $0x3200  }
0x1b3: {  	[sflag:s24] =	ssyncset.done $0x0  }
0x1b4: {  	s30 =	simm.s32 $0x2580;
	[sflag:s24] =	ssyncadd.s32 $0xFFFFCE00  }
0x1b5: {  	[tilespmem:s28], [sflag:$0x1] =	stream.indirect.gather [hbm4b:s2+s21], $0x40, s30, s21, $0xb8;
	[tilespmem:$0x1F820] =	vst v63  }
0x1b6: {  	_ =	swait.ge [sflag:s1], $0x3200  }
0x1b7: {  	[sflag:s1] =	ssyncset.done $0x0  }
0x1b8: {  	s5 =	simm.s32 $0x4970;
	[sflag:s1] =	ssyncadd.s32 $0xFFFFCE00  }
0x1b9: {  	[spmem:s3] =	stream.indirect.scatter.add.f32 [tilespmem:s31], [sflag:$0x2], $0x40, s5, s21, $0xb8;
	[tilespmem:$0x1F820] =	vst v63  }
0x1ba: {  	_ =	swait.ge [sflag:s24], $0x3200  }
0x1bb: {  	[sflag:s24] =	ssyncset.done $0x0  }
0x1bc: {  	s30 =	simm.s32 $0x2648;
	[sflag:s24] =	ssyncadd.s32 $0xFFFFCE00  }
0x1bd: {  	[tilespmem:s31], [sflag:$0x1] =	stream.indirect.gather [hbm4b:s2+s21], $0x40, s30, s21, $0xb8;
	[tilespmem:$0x1F820] =	vst v63  }
0x1be: {  	_ =	swait.ge [sflag:s1], $0x3200  }
0x1bf: {  	[sflag:s1] =	ssyncset.done $0x0  }
0x1c0: {  	s5 =	simm.s32 $0x4A38;
	[sflag:s1] =	ssyncadd.s32 $0xFFFFCE00  }
0x1c1: {  	[spmem:s3] =	stream.indirect.scatter.add.f32 [tilespmem:s22], [sflag:$0x2], $0x40, s5, s21, $0xb8;
	[tilespmem:$0x1F820] =	vst v63  }
0x1c2: {  	_ =	swait.ge [sflag:s1], $0x3200  }
0x1c3: {  	[sflag:s1] =	ssyncset.done $0x0  }
0x1c4: {  	s30 =	simm.s32 $0x4B00;
	[sflag:s1] =	ssyncadd.s32 $0xFFFFCE00  }
0x1c5: {  	[spmem:s3] =	stream.indirect.scatter.add.f32 [tilespmem:s23], [sflag:$0x2], $0x40, s30, s21, $0xb8;
	[tilespmem:$0x1F820] =	vst v63  }
0x1c6: {  	_ =	swait.ge [sflag:s1], $0x3200  }
0x1c7: {  	[sflag:s1] =	ssyncset.done $0x0  }
0x1c8: {  	s5 =	simm.s32 $0x4BC8;
	[sflag:s1] =	ssyncadd.s32 $0xFFFFCE00  }
0x1c9: {  	[spmem:s3] =	stream.indirect.scatter.add.f32 [tilespmem:s25], [sflag:$0x2], $0x40, s5, s21, $0xb8;
	[tilespmem:$0x1F820] =	vst v63  }
0x1ca: {  	_ =	swait.ge [sflag:s1], $0x3200  }
0x1cb: {  	[sflag:s1] =	ssyncset.done $0x0  }
0x1cc: {  	s30 =	simm.s32 $0x4C90;
	[sflag:s1] =	ssyncadd.s32 $0xFFFFCE00  }
0x1cd: {  	[spmem:s3] =	stream.indirect.scatter.add.f32 [tilespmem:s28], [sflag:$0x2], $0x40, s30, s21, $0xb8;
	[tilespmem:$0x1F820] =	vst v63  }
0x1ce: {  	_ =	swait.ge [sflag:s1], $0x3200  }
0x1cf: {  	[sflag:s1] =	ssyncset.done $0x0  }
0x1d0: {  	s5 =	simm.s32 $0x4D58;
	[sflag:s1] =	ssyncadd.s32 $0xFFFFCE00  }
0x1d1: {  	[spmem:s3] =	stream.indirect.scatter.add.f32 [tilespmem:s31], [sflag:$0x2], $0x40, s5, s21, $0xb8;
	[tilespmem:$0x1F820] =	vst v63  }
0x1d2: {  	_ =	swait.ge [sflag:s24], $0x3200  }
0x1d3: {  	[sflag:s24] =	ssyncset.done $0x0  }
0x1d4: {  	[sflag:s24] =	ssyncadd.s32 $0xFFFFCE00  }
0x1d5: {  	_ =	swait.ge [sflag:s24], $0x3200  }
0x1d6: {  	[sflag:s24] =	ssyncset.done $0x0  }
0x1d7: {  	[sflag:s24] =	ssyncadd.s32 $0xFFFFCE00  }
0x1d8: {  	_ =	swait.ge [sflag:s24], $0x3200  }
0x1d9: {  	[sflag:s24] =	ssyncset.done $0x0  }
0x1da: {  	[sflag:s24] =	ssyncadd.s32 $0xFFFFCE00  }
0x1db: {  	_ =	swait.ge [sflag:s24], $0x3200  }
0x1dc: {  	[sflag:s24] =	ssyncset.done $0x0  }
0x1dd: {  	[sflag:s24] =	ssyncadd.s32 $0xFFFFCE00  }
0x1de: {  	s30 =	stileid.u32;
	_ =	swait.ge [sflag:s24], $0x3200  }
0x1df: {  	s26 =	sadd.s32 $0x1, s26;
	s0 =	sshll.u32 s30, $0x6;
	[sflag:s24] =	ssyncset.done $0x0  }
0x1e0: {  	p0 =	sne.s32 s26, s18;
	s0 =	sor.u32 $0x1C03, s0;
	[sflag:s24] =	ssyncadd.s32 $0xFFFFCE00  }
.Ltmp1:
0x1e1: {  	s5 =	sshrl.u32 s7, $0x3;
	[bflag:$0x0] =	sbarrier.arrive $0xFFFF;
	(pc) =	sbr.rel @p0 .LBB2_1-.Ltmp1, $4  }
0x1e2: {  	[hbm:s17], [sflag:s0] =	dma.local [spmem:s5], $0x1400  }
0x1e3: {  	_ =	swait.ge [sflag:s19], $0x1400  }
0x1e4: {  	[sflag:s19] =	ssyncset.done $0x0  }
0x1e5: {  	[sflag:s19] =	ssyncadd.s32 $0xFFFFEC00  }
0x1e6: {  	_ =	sfence.sel $0x180000  }
0x1e7: {  	[bflag:$0x0] =	sbarrier.arrive $0xFFFF  }
0x1e8: {  	_ =	strace $0x9000004D  }
0x1e9: {  	s0 =	stileid.u32;
	[bflag:$0x2] =	sbarrier.arrive $0xFFFF  }
0x1ea: {  	p0 =	sne.s32 s0, $0x0;
	s0 =	rddreg [dreg:$0x3]  }
0x1eb: {  	s0 =	sadd.s32 @!p0 $0x100000, s0  }
0x1ec: {  	[sflag:s0] =	ssyncadd.tile.s32 @!p0 $0x1;
	_ =	shalt  }
.Lfunc_end2:
_tile_overlayer_lowered:
.L_overlay_start_2:
0x1ed: {  	(tag) =	ssettag $0x2  }
0x1ee: {  	s0 =	rddreg [dreg:$0x0];
	s2 =	stileid.u32  }
0x1ef: {  	s1 =	rddreg [dreg:$0x1];
	p0 =	sne.s32 s2, $0x0  }
0x1f0: {  	s3 =	rddreg [dreg:$0x2];
	[bflag:$0x3] =	sbarrier.arrive $0xFFFF;
	s2 =	simm.s32 @!p0 $0x1C03  }
0x1f1: {  	[timem:s3], [sflag:s2] =	dma.local @!p0 [hbm:s0], s1  }
0x1f2: {  	s0 =	simm.s32 @!p0 $0x3  }
0x1f3: {  	_ =	swait.ge @!p0 [sflag:s0], s1  }
0x1f4: {  	s1 =	ssub.s32 @!p0 $0x0, s1;
	[sflag:s0] =	ssyncset.done @!p0 $0x0  }
0x1f5: {  	[sflag:s0] =	ssyncadd.s32 @!p0 s1  }
0x1f6: {  	[bflag:$0x3] =	sbarrier.arrive $0xFFFF  }
0x1f7: {  	_ =	shalt  }

// kernel: kernel.9.cloned.1.call-start
scs
__scs_entry_jumppad:
0x0: {  	(pc) =	sbr.rel $0x88, $3  }
0x1: {  	(tag) =	ssettag $0x0;
	lr =	simm.s32 $0x1  }
0x2: {  	[smem:$0x3F99] =	sst lr;
	_ =	strace $0xD0000000  }
0x3: {  	_ = 	snop  }
0x4: {  	_ = 	snop  }
0x5: {  	_ = 	snop  }
0x6: {  	_ = 	snop  }
0x7: {  	_ = 	snop  }
__scs_overlays_trampoline_lowered:
0x8: {  	[smem:$0x3FA8] =	sst s0  }
0x9: {  	[smem:$0x3FA9] =	sst s1  }
0xa: {  	[smem:$0x3FAA] =	sst s2  }
0xb: {  	[smem:$0x3FAB] =	sst s3  }
0xc: {  	[smem:$0x3FAC] =	sst s4  }
0xd: {  	[smem:$0x3FAD] =	sst s5  }
0xe: {  	[smem:$0x3FAE] =	sst s6  }
0xf: {  	[smem:$0x3FAF] =	sst s7  }
0x10: {  	[smem:$0x3FB0] =	sst s8  }
0x11: {  	[smem:$0x3FB1] =	sst s9;
	s0 =	simm.s32 @!p0 $0x0  }
0x12: {  	s1 =	sld [smem:$0x3F97];
	s0 =	simm.s32 @p0 $0x1  }
0x13: {  	[smem:$0x3FB2] =	sst s0;
	s0 =	simm.s32 @!p1 $0x0  }
0x14: {  	s2 =	sld [smem:$0x3F96];
	s0 =	simm.s32 @p1 $0x1  }
0x15: {  	[smem:$0x3FB3] =	sst s0;
	s0 =	simm.s32 @!p2 $0x0  }
0x16: {  	s3 =	sld [smem:$0x3FDB];
	s0 =	simm.s32 @p2 $0x1  }
0x17: {  	s4 =	simm.s32 $0x1BF5;
	[smem:$0x3FB5] =	sst s0  }
0x18: {  	s0 =	sld [smem:$0x3F98];
	_ =	swait.ge [sflag:s4], $0x0  }
0x19: {  	s7 =	sld [smem:$0x3F99]  }
0x1a: {  	s8 =	sadd.s32 $0xFFFFE003, lr  }
0x1b: {  	s9 =	sadd.s32 $0xFFFFFEF7, lr;
	s5 =	simm.s32 $0xFFFFFFFF;
	p2 =	slt.u32 s8, $0xFFFFF086  }
0x1c: {  	p1 =	slt.u32 s9, $0xF7A;
	s5 =	simm.s32 @!p2 $0x0  }
0x1d: {  	s5 =	simm.s32 @p1 $0x1;
	p0 =	seq.s32 s7, s2  }
0x1e: {  	s7 =	smul.u32 @!p0 $0xF7A, s2;
	p2 =	seq.s32 @!p0 s5, $0x0  }
0x1f: {  	s9 =	smul.u32 $0xF7A, s1;
	s8 =	simm.s32 @!p0 $0x1BF5;
	p2 =	por !p2, p0  }
0x20: {  	[sflag:s8] =	ssyncset.s32 @!p0 $0xFFFFF086;
	s6 =	sadd.s32 @!p0 s3, s7;
	s7 =	simm.s32 @!p0 $0x108  }
0x21: {  	s3 =	sadd.s32 s3, s9;
	s6 =	sadd.s32 @!p0 $0x88, s6;
	s7 =	simm.s32 @p2 $0x1082  }
0x22: {  	[simem:s7], [sflag:s8] =	dma.local @!p0 [hbm:s6], $0xF7A  }
0x23: {  	s9 =	sor.u32 $0xD0000000, s2;
	s6 =	simm.s32 $0x108;
	_ =	swait.ge @!p0 [sflag:s8], $0x0  }
0x24: {  	s3 =	sadd.s32 $0x88, s3;
	s6 =	simm.s32 @!p1 $0x1082;
	[sflag:s4] =	ssyncset.s32 $0xFFFFF086  }
0x25: {  	[simem:s6], [sflag:s4] =	dma.local [hbm:s3], $0xF7A  }
0x26: {  	[smem:$0x3F99] =	sst s1;
	(tag) =	ssettag s2;
	_ =	strace s9  }
0x27: {  	s1 =	sld [smem:$0x3FA9]  }
0x28: {  	s2 =	sld [smem:$0x3FAA]  }
0x29: {  	s4 =	sld [smem:$0x3FAC]  }
0x2a: {  	p0 =	seq.s32 s5, $0x0;
	s5 =	sld [smem:$0x3FAD]  }
0x2b: {  	s6 =	sld [smem:$0x3FAE]  }
0x2c: {  	s7 =	sld [smem:$0x3FAF]  }
0x2d: {  	s3 =	simm.s32 $0x108;
	s8 =	sld [smem:$0x3FB0]  }
0x2e: {  	s3 =	simm.s32 @!p0 $0x1082;
	s9 =	sld [smem:$0x3FB1]  }
0x2f: {  	lr =	sadd.s32 s0, s3;
	s0 =	sld [smem:$0x3FA8]  }
0x30: {  	s3 =	sld [smem:$0x3FAB]  }
0x31: {  	[smem:$0x3FB4] =	sst s10  }
0x32: {  	s10 =	sld [smem:$0x3FB2];
	_ =	sdelay $0x3  }
0x33: {  	p0 =	seq.s32 s10, $0x1;
	s10 =	sld [smem:$0x3FB4];
	_ =	sdelay $0x3  }
0x34: {  	[smem:$0x3FB4] =	sst s10  }
0x35: {  	s10 =	sld [smem:$0x3FB3];
	_ =	sdelay $0x3  }
0x36: {  	p1 =	seq.s32 s10, $0x1;
	s10 =	sld [smem:$0x3FB4];
	_ =	sdelay $0x3  }
0x37: {  	[smem:$0x3FB4] =	sst s10  }
0x38: {  	s10 =	sld [smem:$0x3FB5]  }
0x39: {  	_ = 	snop;
	(pc) =	sbr.ind lr, $3  }
0x3a: {  	_ = 	snop  }
0x3b: {  	_ = 	snop  }
0x3c: {  	p2 =	seq.s32 s10, $0x1;
	s10 =	sld [smem:$0x3FB4]  }
0x3d: {  	_ =	shalt  }
0x3e: {  	_ =	shalt  }
0x3f: {  	_ =	shalt  }
0x40: {  	_ =	shalt  }
0x41: {  	_ =	shalt  }
0x42: {  	_ =	shalt  }
0x43: {  	_ =	shalt  }
0x44: {  	_ =	shalt  }
0x45: {  	_ =	shalt  }
0x46: {  	_ =	shalt  }
0x47: {  	_ =	shalt  }
0x48: {  	_ =	shalt  }
0x49: {  	_ =	shalt  }
0x4a: {  	_ =	shalt  }
0x4b: {  	_ =	shalt  }
0x4c: {  	_ =	shalt  }
0x4d: {  	_ =	shalt  }
0x4e: {  	_ =	shalt  }
0x4f: {  	_ =	shalt  }
0x50: {  	_ =	shalt  }
0x51: {  	_ =	shalt  }
0x52: {  	_ =	shalt  }
0x53: {  	_ =	shalt  }
0x54: {  	_ =	shalt  }
0x55: {  	_ =	shalt  }
0x56: {  	_ =	shalt  }
0x57: {  	_ =	shalt  }
0x58: {  	_ =	shalt  }
0x59: {  	_ =	shalt  }
0x5a: {  	_ =	shalt  }
0x5b: {  	_ =	shalt  }
0x5c: {  	_ =	shalt  }
0x5d: {  	_ =	shalt  }
0x5e: {  	_ =	shalt  }
0x5f: {  	_ =	shalt  }
0x60: {  	_ =	shalt  }
0x61: {  	_ =	shalt  }
0x62: {  	_ =	shalt  }
0x63: {  	_ =	shalt  }
0x64: {  	_ =	shalt  }
0x65: {  	_ =	shalt  }
0x66: {  	_ =	shalt  }
0x67: {  	_ =	shalt  }
0x68: {  	_ =	shalt  }
0x69: {  	_ =	shalt  }
0x6a: {  	_ =	shalt  }
0x6b: {  	_ =	shalt  }
0x6c: {  	_ =	shalt  }
0x6d: {  	_ =	shalt  }
0x6e: {  	_ =	shalt  }
0x6f: {  	_ =	shalt  }
0x70: {  	_ =	shalt  }
0x71: {  	_ =	shalt  }
0x72: {  	_ =	shalt  }
0x73: {  	_ =	shalt  }
0x74: {  	_ =	shalt  }
0x75: {  	_ =	shalt  }
0x76: {  	_ =	shalt  }
0x77: {  	_ =	shalt  }
0x78: {  	_ =	shalt  }
0x79: {  	_ =	shalt  }
0x7a: {  	_ =	shalt  }
0x7b: {  	_ =	shalt  }
0x7c: {  	_ =	shalt  }
0x7d: {  	_ =	shalt  }
0x7e: {  	_ =	shalt  }
0x7f: {  	_ =	shalt  }
0x80: {  	_ =	shalt  }
0x81: {  	_ =	shalt  }
0x82: {  	_ =	shalt  }
0x83: {  	_ =	shalt  }
0x84: {  	_ =	shalt  }
0x85: {  	_ =	shalt  }
0x86: {  	_ =	shalt  }
0x87: {  	_ =	shalt  }
.Lfunc_end0:
.L_simem_size_0:
called_computation_lowered:
.L_overlay_start_0:
0x88: {  	s2 =	sld [smem:$0x3FD9]  }
0x89: {  	s3 =	sld [smem:$0x3FFE];
	_ =	sdelay $0x1  }
0x8a: {  	s1 =	srdreg.scid  }
0x8b: {  	s0 =	sand.u32 $0x1, s1  }
0x8c: {  	s17 =	sshll.u32 s0, $0xA;
	s2 =	sadd.s32 s3, s2  }
0x8d: {  	s2 =	sadd.s32 s2, s17  }
0x8e: {  	[smem:$0x3FC0] =	sst s2  }
0x8f: {  	_ = 	snop  }
0x90: {  	s2 =	sld [smem:$0x3FD0];
	(tm) =	ssettm $0x1  }
0x91: {  	s18 =	sld [smem:$0x3FFB];
	_ =	sdelay $0x3  }
0x92: {  	_ =	strace s18  }
0x93: {  	s3 =	sld [smem:$0x3FFC];
	_ =	sdelay $0x3  }
0x94: {  	_ =	strace s3  }
0x95: {  	s3 =	sld [smem:$0x3FFD];
	_ =	sdelay $0x3  }
0x96: {  	_ =	strace s3  }
0x97: {  	_ =	strace $0x8FFFFFFF  }
0x98: {  	s19 =	sld [smem:$0x3FDB];
	_ =	sdelay $0x1  }
0x99: {  	s4 =	simm.s32 $_scs_section_size  }
0x9a: {  	s5 =	simm.s32 $_size__tile_overlayer_lowered;
	s6 =	simm.s32 $_tile_overlayer_lowered  }
0x9b: {  	s22 =	simm.s32 $0x1BFF;
	s21 =	sshll.u32 s6, $0x1;
	s3 =	sadd.s32 s4, s19  }
0x9c: {  	s7 =	simm.s32 $0x0;
	s20 =	sshll.u32 s5, $0x1;
	s5 =	sadd.s32 s21, s3  }
0x9d: {  	[timem:s7], [sflag:s22] =	dma.local [hbm:s5], s20  }
0x9e: {  	_ =	swait.ge [sflag:s22], s20  }
0x9f: {  	s4 =	ssub.s32 $0x0, s20;
	[sflag:s22] =	ssyncset.done $0x0  }
0xa0: {  	[sflag:s22] =	ssyncadd.s32 s4;
	_ =	sdelay $0x1  }
0xa1: {  	s23 =	simm.s32 $0x1B8B  }
0xa2: {  	_ =	swait.ge [sflag:s23], $0x1  }
0xa3: {  	[sflag:s23] =	ssyncset.done $0x0  }
0xa4: {  	s25 =	simm.s32 $0x1B8E;
	s24 =	sld [smem:$0x3FFE];
	[sflag:s23] =	ssyncadd.s32 $0xFFFFFFFF  }
0xa5: {  	s26 =	simm.s32 $execute0_lowered;
	[smem:$0x3FD2] =	sst s25  }
0xa6: {  	s5 =	sshll.u32 s26, $0x1;
	_ =	strace $0x80000046;
	[dreg:$0x1] =	wrdreg $0xFFFFFFFF  }
0xa7: {  	s28 =	simm.s32 $_size_execute0_lowered;
	s3 =	sadd.s32 s3, s5;
	[dreg:$0x0] =	wrdreg $0x0  }
0xa8: {  	s5 =	sshll.u32 s28, $0x1;
	[dreg:$0x2] =	wrdreg s3  }
0xa9: {  	[dreg:$0x3] =	wrdreg s5  }
0xaa: {  	[dreg:$0x4] =	wrdreg $0xC0  }
0xab: {  	_ =	task [dreg:s7], $0x5FFFF  }
0xac: {  	[dreg:$0x1] =	wrdreg $0xFFFFFFFF  }
0xad: {  	[dreg:$0x0] =	wrdreg $0x60  }
0xae: {  	[dreg:$0x2] =	wrdreg s24  }
0xaf: {  	[dreg:$0x3] =	wrdreg s2  }
0xb0: {  	[dreg:$0x4] =	wrdreg $0x9  }
0xb1: {  	_ =	task.clear_ibuf [dreg:s7], $0x5FFFF;
	_ =	strace $0x90000046  }
0xb2: {  	s29 =	simm.s32 $0x9;
	_ =	strace $0x80000048  }
0xb3: {  	_ =	swait.ge [sflag:s29], $0x1  }
0xb4: {  	[sflag:s29] =	ssyncadd.s32 $0xFFFFFFFF  }
0xb5: {  	_ =	strace $0x90000048  }
0xb6: {  	_ =	sfence  }
0xb7: {  	s30 =	sld [smem:$0x0];
	_ =	sdelay $0x2  }
0xb8: {  	s31 =	sshll.u32 s1, $0xD;
	s1 =	sshrl.u32 s1, $0x2  }
0xb9: {  	s3 =	sand.u32 $0x4000, s31;
	s1 =	sadd.s32 s1, s30  }
0xba: {  	s0 =	sor.u32 s3, s0;
	s1 =	sshll.u32 s1, $0x11  }
0xbb: {  	s0 =	sor.u32 s1, s0  }
0xbc: {  	s0 =	sadd.s32 $0x8F2B, s0  }
0xbd: {  	[sflag:s0] =	ssyncadd.remote.s32 $0x1  }
0xbe: {  	_ =	sfence.sel $0xFFFF  }
0xbf: {  	[dreg:$0x0] =	wrdreg $0xFFFFFFFF;
	(pc) =	sbr.abs _section_cstart, $3  }
0xc0: {  	[dreg:$0x1] =	wrdreg $0xFFFFFFFF  }
0xc1: {  	_ =	task.clear_ibuf [dreg:s7], $0x2FFFF;
	_ =	strace $0x9FFFFFFF  }
0xc2: {  	(tm) =	ssettm $0x7FFFFFFF  }
0xc3: {  	_ =	shalt  }
tec
execute0_lowered:
.L_overlay_start_1:
0x0: {  	(tag) =	ssettag $0x1  }
0x1: {  	s1 =	srdreg.scid;
	s3 =	rddreg [dreg:$0x0]  }
0x2: {  	s0 =	stileid.u32;
	s5 =	rddreg [dreg:$0x1]  }
0x3: {  	s2 =	simm.s32 $0x0;
	s9 =	simm.s32 $0x1;
	s10 =	simm.s32 $0x4E20  }
0x4: {  	s11 =	simm.s32 $0x3;
	s4 =	sand.u32 $0x1, s1;
	s31 =	sshll.u32 s0, $0x1  }
0x5: {  	s12 =	simm.s32 $0x2;
	s13 =	simm.s32 $0x7620;
	s6 =	sor.u32 s4, s31  }
0x6: {  	s14 =	simm.s32 $0x0;
	s1 =	rddreg [dreg:$0x2];
	s7 =	smul.u32 $0x2710, s6  }
0x7: {  	[smem:$0x7FF] =	sst s2;
	s4 =	ssub.s32 $0x2, s4;
	s6 =	smul.u32 $0x2800, s6  }
0x8: {  	_ =	strace $0x80000047;
	s8 =	sshrl.u32 s4, $0x1;
	s7 =	sshrl.u32 s7, $0x3  }
0x9: {  	s8 =	ssub.s32 s4, s8;
	s6 =	sshrl.u32 s6, $0x3;
	s7 =	sadd.s32 s7, s3  }
0xa: {  	s5 =	sadd.s32 s5, s6;
	s3 =	sadd.s32 $0x1C00, s7;
	s4 =	sadd.s32 $0xB840, s7  }
0xb: {  	v0 =	vimm.f32 $0.0e+00;
	v1 =	vimm.f32 $1.000000000e+00;
	s6 =	sadd.s32 $0xA000, s5;
	s7 =	smax.u32 s8, $0x1;
	s8 =	simm.s32 $0x2710  }
.LBB2_1:
0xc: {  	[tilespmem:s2], [sflag:$0x1] =	stream.linear.gather [hbm4b:s3+s2], $0x2710, $0x38;
	[tilespmem:$0x9E20] =	vst v63  }
0xd: {  	s16 =	simm.s32 $0x4E60  }
0xe: {  	[tilespmem:s8], [sflag:$0x2] =	stream.linear.gather [hbm4b:s4+s2], $0x2710, $0x38;
	[tilespmem:$0x9E20] =	vst v63  }
0xf: {  	s15 =	simm.s32 $0x7660;
	[tilespmem:s16+$0xFFFFFFC0] =	vst v0  }
0x10: {  	[tilespmem:s15+$0xFFFFFFC0] =	vst v0  }
0x11: {  	[tilespmem:s16+$0xFFFFFFD0] =	vst v0  }
0x12: {  	[tilespmem:s15+$0xFFFFFFD0] =	vst v0  }
0x13: {  	[tilespmem:s16+$0xFFFFFFE0] =	vst v0  }
0x14: {  	[tilespmem:s15+$0xFFFFFFE0] =	vst v0  }
0x15: {  	[tilespmem:s16+$0xFFFFFFF0] =	vst v0  }
0x16: {  	[tilespmem:s15+$0xFFFFFFF0] =	vst v0  }
0x17: {  	[tilespmem:s16+$0x0] =	vst v0  }
0x18: {  	[tilespmem:s15+$0x0] =	vst v0  }
0x19: {  	[tilespmem:s16+$0x10] =	vst v0  }
0x1a: {  	[tilespmem:s15+$0x10] =	vst v0  }
0x1b: {  	[tilespmem:s16+$0x20] =	vst v0  }
0x1c: {  	[tilespmem:s15+$0x20] =	vst v0  }
0x1d: {  	[tilespmem:s16+$0x30] =	vst v0  }
0x1e: {  	s17 =	simm.s32 $0x4EE0;
	s16 =	simm.s32 $0x0;
	[tilespmem:s15+$0x30] =	vst v0  }
.LBB2_2:
0x1f: {  	[tilespmem:s17+$0xFFFFFFC0] =	vst v0;
	s15 =	sadd.s32 $0x80, s15  }
0x20: {  	[tilespmem:s15+$0xFFFFFFC0] =	vst v0  }
0x21: {  	[tilespmem:s17+$0xFFFFFFD0] =	vst v0  }
0x22: {  	[tilespmem:s15+$0xFFFFFFD0] =	vst v0  }
0x23: {  	[tilespmem:s17+$0xFFFFFFE0] =	vst v0  }
0x24: {  	[tilespmem:s15+$0xFFFFFFE0] =	vst v0  }
0x25: {  	[tilespmem:s17+$0xFFFFFFF0] =	vst v0  }
0x26: {  	[tilespmem:s15+$0xFFFFFFF0] =	vst v0  }
0x27: {  	[tilespmem:s17+$0x0] =	vst v0  }
0x28: {  	s16 =	sadd.s32 $0x8, s16;
	[tilespmem:s15+$0x0] =	vst v0  }
0x29: {  	p0 =	slt.u32 s16, $0x278;
	[tilespmem:s17+$0x10] =	vst v0  }
.Ltmp0:
0x2a: {  	[tilespmem:s15+$0x10] =	vst v0;
	(pc) =	sbr.rel @p0 .LBB2_2-.Ltmp0, $4  }
0x2b: {  	[tilespmem:s17+$0x20] =	vst v0  }
0x2c: {  	[tilespmem:s15+$0x20] =	vst v0  }
0x2d: {  	[tilespmem:s17+$0x30] =	vst v0  }
0x2e: {  	s17 =	sadd.s32 $0x80, s17;
	[tilespmem:s15+$0x30] =	vst v0  }
0x2f: {  	_ =	swait.ge [sflag:s9], $0x2710  }
0x30: {  	[sflag:s9] =	ssyncset.done $0x0  }
0x31: {  	s15 =	simm.s32 $0xFFFFFFF8;
	s16 =	simm.s32 $0x40;
	[sflag:s9] =	ssyncadd.s32 $0xFFFFD8F0  }
.LBB2_4:
0x32: {  	v2 =	vld [tilespmem:s16+$0xFFFFFFC0];
	_ =	sdelay $0x7  }
0x33: {  	[tilespmem:v2+s10+$0x0] =	vst.idx.add.f32.msk $0xffff, v1  }
0x34: {  	v2 =	vld [tilespmem:s16+$0xFFFFFFD0];
	_ =	sdelay $0x7  }
0x35: {  	[tilespmem:v2+s10+$0x0] =	vst.idx.add.f32.msk $0xffff, v1  }
0x36: {  	v2 =	vld [tilespmem:s16+$0xFFFFFFE0];
	_ =	sdelay $0x7  }
0x37: {  	[tilespmem:v2+s10+$0x0] =	vst.idx.add.f32.msk $0xffff, v1  }
0x38: {  	v2 =	vld [tilespmem:s16+$0xFFFFFFF0];
	_ =	sdelay $0x7  }
0x39: {  	[tilespmem:v2+s10+$0x0] =	vst.idx.add.f32.msk $0xffff, v1  }
0x3a: {  	v2 =	vld [tilespmem:s16+$0x0];
	_ =	sdelay $0x7  }
0x3b: {  	[tilespmem:v2+s10+$0x0] =	vst.idx.add.f32.msk $0xffff, v1  }
0x3c: {  	v2 =	vld [tilespmem:s16+$0x10];
	_ =	sdelay $0x7  }
0x3d: {  	[tilespmem:v2+s10+$0x0] =	vst.idx.add.f32.msk $0xffff, v1  }
0x3e: {  	v2 =	vld [tilespmem:s16+$0x20];
	_ =	sdelay $0x7  }
0x3f: {  	[tilespmem:v2+s10+$0x0] =	vst.idx.add.f32.msk $0xffff, v1  }
0x40: {  	v2 =	vld [tilespmem:s16+$0x30];
	_ =	sdelay $0x1  }
0x41: {  	s15 =	sadd.s32 $0x8, s15  }
0x42: {  	p0 =	slt.u32 s15, $0x268  }
.Ltmp1:
0x43: {  	_ = 	snop;
	(pc) =	sbr.rel @p0 .LBB2_4-.Ltmp1, $2  }
0x44: {  	_ =	sdelay $0x2  }
0x45: {  	s16 =	sadd.s32 $0x80, s16;
	[tilespmem:v2+s10+$0x0] =	vst.idx.add.f32.msk $0xffff, v1  }
0x46: {  	v2 =	vld [tilespmem:$0x2700];
	_ =	sdelay $0x7  }
0x47: {  	[tilespmem:v2+s10+$0x0] =	vst.idx.add.f32.msk $0xffff, v1  }
0x48: {  	[hbm4b:s5+s2] =	stream.linear.scatter [tilespmem:s10], [sflag:$0x3], $0x2800, $0x38;
	[tilespmem:$0x9E20] =	vst v63  }
0x49: {  	_ =	swait.ge [sflag:s11], $0x2800  }
0x4a: {  	[sflag:s11] =	ssyncset.done $0x0  }
0x4b: {  	[sflag:s11] =	ssyncadd.s32 $0xFFFFD800  }
0x4c: {  	_ =	swait.ge [sflag:s12], $0x2710  }
0x4d: {  	[sflag:s12] =	ssyncset.done $0x0  }
0x4e: {  	s15 =	simm.s32 $0xFFFFFFF8;
	s16 =	simm.s32 $0x2750;
	[sflag:s12] =	ssyncadd.s32 $0xFFFFD8F0  }
.LBB2_6:
0x4f: {  	v2 =	vld [tilespmem:s16+$0xFFFFFFC0];
	_ =	sdelay $0x7  }
0x50: {  	[tilespmem:v2+s13+$0x0] =	vst.idx.add.f32.msk $0xffff, v1  }
0x51: {  	v2 =	vld [tilespmem:s16+$0xFFFFFFD0];
	_ =	sdelay $0x7  }
0x52: {  	[tilespmem:v2+s13+$0x0] =	vst.idx.add.f32.msk $0xffff, v1  }
0x53: {  	v2 =	vld [tilespmem:s16+$0xFFFFFFE0];
	_ =	sdelay $0x7  }
0x54: {  	[tilespmem:v2+s13+$0x0] =	vst.idx.add.f32.msk $0xffff, v1  }
0x55: {  	v2 =	vld [tilespmem:s16+$0xFFFFFFF0];
	_ =	sdelay $0x7  }
0x56: {  	[tilespmem:v2+s13+$0x0] =	vst.idx.add.f32.msk $0xffff, v1  }
0x57: {  	v2 =	vld [tilespmem:s16+$0x0];
	_ =	sdelay $0x7  }
0x58: {  	[tilespmem:v2+s13+$0x0] =	vst.idx.add.f32.msk $0xffff, v1  }
0x59: {  	v2 =	vld [tilespmem:s16+$0x10];
	_ =	sdelay $0x7  }
0x5a: {  	[tilespmem:v2+s13+$0x0] =	vst.idx.add.f32.msk $0xffff, v1  }
0x5b: {  	v2 =	vld [tilespmem:s16+$0x20];
	_ =	sdelay $0x7  }
0x5c: {  	[tilespmem:v2+s13+$0x0] =	vst.idx.add.f32.msk $0xffff, v1  }
0x5d: {  	v2 =	vld [tilespmem:s16+$0x30];
	_ =	sdelay $0x1  }
0x5e: {  	s15 =	sadd.s32 $0x8, s15  }
0x5f: {  	p0 =	slt.u32 s15, $0x268  }
.Ltmp2:
0x60: {  	_ = 	snop;
	(pc) =	sbr.rel @p0 .LBB2_6-.Ltmp2, $2  }
0x61: {  	_ =	sdelay $0x2  }
0x62: {  	s16 =	sadd.s32 $0x80, s16;
	[tilespmem:v2+s13+$0x0] =	vst.idx.add.f32.msk $0xffff, v1  }
0x63: {  	v2 =	vld [tilespmem:$0x4E10];
	_ =	sdelay $0x5  }
0x64: {  	s14 =	sadd.s32 $0x1, s14  }
0x65: {  	p0 =	sne.s32 s14, s7  }
.Ltmp3:
0x66: {  	[tilespmem:v2+s13+$0x0] =	vst.idx.add.f32.msk $0xffff, v1;
	(pc) =	sbr.rel @p0 .LBB2_1-.Ltmp3, $4  }
0x67: {  	[hbm4b:s6+s2] =	stream.linear.scatter [tilespmem:s13], [sflag:$0x3], $0x2800, $0x38;
	[tilespmem:$0x9E20] =	vst v63  }
0x68: {  	_ =	swait.ge [sflag:s11], $0x2800  }
0x69: {  	[sflag:s11] =	ssyncset.done $0x0  }
0x6a: {  	[sflag:s11] =	ssyncadd.s32 $0xFFFFD800  }
0x6b: {  	_ =	sfence.sel $0x180000  }
0x6c: {  	[bflag:$0x0] =	sbarrier.arrive $0xFFFF  }
0x6d: {  	p0 =	sne.s32 s0, $0x0;
	_ =	strace $0x90000047  }
0x6e: {  	s0 =	sadd.s32 @!p0 $0x100000, s1;
	[bflag:$0x2] =	sbarrier.arrive $0xFFFF  }
0x6f: {  	[sflag:s0] =	ssyncadd.tile.s32 @!p0 $0x1;
	_ =	shalt  }
.Lfunc_end2:
_tile_overlayer_lowered:
.L_overlay_start_2:
0x70: {  	(tag) =	ssettag $0x2  }
0x71: {  	s0 =	rddreg [dreg:$0x0];
	s2 =	stileid.u32  }
0x72: {  	s1 =	rddreg [dreg:$0x1];
	p0 =	sne.s32 s2, $0x0  }
0x73: {  	s3 =	rddreg [dreg:$0x2];
	[bflag:$0x3] =	sbarrier.arrive $0xFFFF;
	s2 =	simm.s32 @!p0 $0x1C03  }
0x74: {  	[timem:s3], [sflag:s2] =	dma.local @!p0 [hbm:s0], s1  }
0x75: {  	s0 =	simm.s32 @!p0 $0x3  }
0x76: {  	_ =	swait.ge @!p0 [sflag:s0], s1  }
0x77: {  	s1 =	ssub.s32 @!p0 $0x0, s1;
	[sflag:s0] =	ssyncset.done @!p0 $0x0  }
0x78: {  	[sflag:s0] =	ssyncadd.s32 @!p0 s1  }
0x79: {  	[bflag:$0x3] =	sbarrier.arrive $0xFFFF  }
0x7a: {  	_ =	shalt  }

</sc_bundles>
